<compile_context>
chip_gen: v7x
topology: tpu7x:2x2x1
jax: 0.10.2.dev20260603
libtpu: 0.0.44.dev20260713+nightly
codegen_flags: <defaults>
</compile_context>

<pallas_src>
import functools

import jax
import jax.numpy as jnp
from jax import lax
from jax.experimental import pallas as pl
from jax.experimental.pallas import tpu as pltpu
from jax.experimental.pallas import tpu_sc as plsc

_BINS = 10
_NW = 32
_ROWS_MAIN = 3128
_CHUNK = 184
_TAIL = 88

_SP_COEF = (
    0.6931471806874083, -0.5000000114525803, 0.1250002509859619,
    -2.327675999733397e-06, -0.00519710417569212, -3.087543114007119e-05,
    0.00039693630143537175, -4.513049959535683e-05, -7.231349271430002e-06,
)


def _sc_body(pred_hbm, target_hbm, out_hbm, x_v, t_v, acc_v, cnt_v, res_v):
    wid = lax.axis_index("s") * 2 + lax.axis_index("c")
    base = wid * _ROWS_MAIN

    zeros16 = jnp.zeros((16,), jnp.float32)
    ones16 = jnp.ones((16,), jnp.float32)
    lanes = lax.iota(jnp.int32, 16)
    for i in range(_BINS):
        acc_v[pl.ds(i * 16, 16)] = zeros16
        cnt_v[pl.ds(i * 16, 16)] = zeros16

    def process_chunk(row0, nrows):
        pltpu.sync_copy(pred_hbm.at[pl.ds(row0, nrows), :], x_v.at[pl.ds(0, nrows), :])
        pltpu.sync_copy(target_hbm.at[pl.ds(row0, nrows), :], t_v.at[pl.ds(0, nrows), :])

        c = _SP_COEF

        def row_body(r4, carry):
            for dr in range(4):
                r = r4 * 4 + dr
                for cidx in range(5):
                    x = x_v[r, pl.ds(cidx * 16, 16)]
                    t = t_v[r, pl.ds(cidx * 16, 16)]
                    p = 1.0 / (1.0 + jnp.exp(-x))
                    p2 = p * p
                    p4 = p2 * p2
                    q0 = (c[0] + c[1] * p) + p2 * (c[2] + c[3] * p)
                    q1 = (c[4] + c[5] * p) + p2 * (c[6] + c[7] * p)
                    sp = q0 + p4 * (q1 + p4 * c[8])
                    bce = p * (1.0 - t) + sp
                    g = jnp.abs(p - t)
                    b = jnp.minimum((g * jnp.float32(_BINS)).astype(jnp.int32), _BINS - 1)
                    idx = b * 16 + lanes
                    plsc.addupdate_scatter(acc_v, [idx], bce)
                    plsc.addupdate_scatter(cnt_v, [idx], ones16)
            return carry

        lax.fori_loop(0, nrows // 4, row_body, 0)

    def chunk_body(ci, carry):
        process_chunk(base + ci * _CHUNK, _CHUNK)
        return carry

    lax.fori_loop(0, 16, chunk_body, 0)

    @pl.when(wid < _NW - 1)
    def _last_main_chunk():
        process_chunk(base + 16 * _CHUNK, _CHUNK)

    @pl.when(wid == _NW - 1)
    def _tail_chunk():
        process_chunk(base + 16 * _CHUNK, _TAIL)

    for i in range(_BINS):
        res_v[i // 8, pl.ds((i % 8) * 16, 16)] = acc_v[pl.ds(i * 16, 16)]
        res_v[2 + i // 8, pl.ds((i % 8) * 16, 16)] = cnt_v[pl.ds(i * 16, 16)]
    pltpu.sync_copy(res_v, out_hbm.at[wid])


def _combine_kernel(parts_ref, out_ref):
    v = jnp.sum(parts_ref[...], axis=0)
    m = jnp.sum(v.reshape(8, 8, 16), axis=2)
    loss = jnp.float32(0.0)
    nbins = jnp.float32(0.0)
    for b in range(_BINS):
        s = m[b // 8, b % 8]
        cnt = m[2 + b // 8, b % 8]
        nonempty = cnt > 0.0
        loss += jnp.where(nonempty, s / jnp.maximum(cnt, 1.0), 0.0)
        nbins += nonempty.astype(jnp.float32)
    out_ref[0, 0] = loss / jnp.maximum(nbins, 1.0)


@jax.jit
def kernel(pred, target, label_weight):
    mesh = plsc.VectorSubcoreMesh(core_axis_name="c", subcore_axis_name="s")
    sc_hist = pl.kernel(
        _sc_body,
        out_type=jax.ShapeDtypeStruct((_NW, 8, 128), jnp.float32),
        mesh=mesh,
        scratch_types=[
            pltpu.VMEM((_CHUNK, 80), jnp.float32),
            pltpu.VMEM((_CHUNK, 80), jnp.float32),
            pltpu.VMEM((16 * _BINS,), jnp.float32),
            pltpu.VMEM((16 * _BINS,), jnp.float32),
            pltpu.VMEM((8, 128), jnp.float32),
        ],
        compiler_params=pltpu.CompilerParams(
            use_tc_tiling_on_sc=True, needs_layout_passes=False
        ),
    )
    parts = sc_hist(pred, target)
    out = pl.pallas_call(
        _combine_kernel,
        out_specs=pl.BlockSpec(memory_space=pltpu.SMEM),
        out_shape=jax.ShapeDtypeStruct((1, 1), jnp.float32),
    )(parts)
    return out[0, 0]

# --- scband reference (transcript-rebuilt; emitter-appended) ---
"""Pipeline reference for scband-ghmc-67929202754192 (READ-ONLY COPY).

The authoritative reference and input builder live on the scoring server;
editing this copy changes nothing except your own understanding.
"""

import jax, jax.numpy as jnp
import numpy as np

BINS = 10


def setup_inputs(seed: int = 0) -> dict:
    key = jax.random.key(seed)
    k1, k2 = jax.random.split(key, 2)
    N, C = 100000, 80
    pred = jax.random.normal(k1, (N, C), dtype=jnp.float32)
    target = jax.random.uniform(k2, (N, C), dtype=jnp.float32)
    label_weight = jnp.ones((N, C), dtype=jnp.float32)
    return {"pred": pred, "target": target, "label_weight": label_weight}


def _bce_with_logits_sum(x, t, w):
    # elementwise binary_cross_entropy_with_logits with per-element weights, reduction='sum'
    return jnp.sum(w * (jnp.maximum(x, 0.0) - x * t + jnp.log1p(jnp.exp(-jnp.abs(x)))))


def reference(pred, target, label_weight):
    bins = BINS
    edges = jnp.arange(bins + 1, dtype=jnp.float32) / bins
    edges = edges.at[-1].add(1e-06)
    num = target.shape[0]
    # NOTE: original code applies sigmoid, then feeds the sigmoided value into
    # BCE-with-logits (a quirk of the source module); we reproduce it faithfully.
    p = jax.nn.sigmoid(pred).reshape(num, -1)
    t = target.reshape(num, -1).astype(jnp.float32)
    # original forward overwrites label_weight with ones
    lw = jnp.ones((t.shape[0], t.shape[1]), dtype=jnp.float32)
    g = jnp.abs(jax.lax.stop_gradient(p) - t)
    valid = lw > 0
    tot = jnp.maximum(valid.sum().astype(jnp.float32), 1.0)
    weights = jnp.zeros_like(p)
    n = jnp.float32(0.0)
    for i in range(bins):
        inds = (g >= edges[i]) & (g < edges[i + 1]) & valid
        num_in_bin = inds.sum().astype(jnp.float32)
        w_i = jnp.where(num_in_bin > 0, tot / jnp.maximum(num_in_bin, 1.0), 0.0)
        weights = jnp.where(inds, w_i, weights)
        n = n + (num_in_bin > 0).astype(jnp.float32)
    weights = weights / jnp.maximum(n, 1.0)
    loss = _bce_with_logits_sum(p, t, weights) / tot
    return loss

if __name__ == "__main__":
    import jax
    _d = setup_inputs()
    print(jax.jit(kernel)(*tuple(_d.values())))

</pallas_src>

<mosaic_0001>
#map = affine_map<(d0, d1) -> (0, 0)>
#map1 = affine_map<(d0, d1) -> (0, 0, 0)>
module attributes {stable_mosaic.version = 14 : i64} {
  func.func @_sc_body(%arg0: i32, %arg1: i32, %arg2: memref<100000x80xf32, #tpu.memory_space<hbm>>, %arg3: memref<100000x80xf32, #tpu.memory_space<hbm>>, %arg4: memref<32x8x128xf32, #tpu.memory_space<hbm>>, %arg5: memref<184x80xf32, #tpu.memory_space<vmem>>, %arg6: memref<184x80xf32, #tpu.memory_space<vmem>>, %arg7: memref<160xf32, #tpu.memory_space<vmem>>, %arg8: memref<160xf32, #tpu.memory_space<vmem>>, %arg9: memref<8x128xf32, #tpu.memory_space<vmem>>) attributes {dimension_semantics = [#tpu.dimension_semantics<core_parallel>, #tpu.dimension_semantics<subcore_parallel>], iteration_bounds = array<i64: 2, 16>, scalar_prefetch = 0 : i64, scratch_operands = 5 : i64, tpu.core_type = #tpu.core_type<sc_vector_subcore>, window_params = [{transform_indices = #map}, {transform_indices = #map}, {transform_indices = #map1}]} {
    %mul3A = arith.constant 2 : i32
    %mul3A_0 = arith.muli %arg1, %mul3A : i32
    %add3A = arith.addi %mul3A_0, %arg0 : i32
    %mul3A_1 = arith.constant 3128 : i32
    %mul3A_2 = arith.muli %add3A, %mul3A_1 : i32
    %broadcast_in_dim3A = arith.constant 0.000000e+00 : f32
    %broadcast_in_dim3A_3 = vector.broadcast %broadcast_in_dim3A : f32 to vector<16xf32>
    %broadcast_in_dim3A_4 = arith.constant 1.000000e+00 : f32
    %broadcast_in_dim3A_5 = vector.broadcast %broadcast_in_dim3A_4 : f32 to vector<16xf32>
    %iota3A = tpu.iota {dimensions = array<i32: 0>} : vector<16xi32>
    %swap3A = arith.constant 0 : index
    %swap3A_6 = tpu.vector_load %arg7[%swap3A] {strides = array<i32>} : memref<160xf32, #tpu.memory_space<vmem>>, vector<16xf32>,
    tpu.vector_store %arg7[%swap3A], %broadcast_in_dim3A_3 {strides = array<i32>} : memref<160xf32, #tpu.memory_space<vmem>>, vector<16xf32>,
    %swap3A_7 = arith.constant 0 : index
    %swap3A_8 = tpu.vector_load %arg8[%swap3A_7] {strides = array<i32>} : memref<160xf32, #tpu.memory_space<vmem>>, vector<16xf32>,
    tpu.vector_store %arg8[%swap3A_7], %broadcast_in_dim3A_3 {strides = array<i32>} : memref<160xf32, #tpu.memory_space<vmem>>, vector<16xf32>,
    %swap3A_9 = arith.constant 16 : index
    %swap3A_10 = tpu.vector_load %arg7[%swap3A_9] {strides = array<i32>} : memref<160xf32, #tpu.memory_space<vmem>>, vector<16xf32>,
    tpu.vector_store %arg7[%swap3A_9], %broadcast_in_dim3A_3 {strides = array<i32>} : memref<160xf32, #tpu.memory_space<vmem>>, vector<16xf32>,
    %swap3A_11 = arith.constant 16 : index
    %swap3A_12 = tpu.vector_load %arg8[%swap3A_11] {strides = array<i32>} : memref<160xf32, #tpu.memory_space<vmem>>, vector<16xf32>,
    tpu.vector_store %arg8[%swap3A_11], %broadcast_in_dim3A_3 {strides = array<i32>} : memref<160xf32, #tpu.memory_space<vmem>>, vector<16xf32>,
    %swap3A_13 = arith.constant 32 : index
    %swap3A_14 = tpu.vector_load %arg7[%swap3A_13] {strides = array<i32>} : memref<160xf32, #tpu.memory_space<vmem>>, vector<16xf32>,
    tpu.vector_store %arg7[%swap3A_13], %broadcast_in_dim3A_3 {strides = array<i32>} : memref<160xf32, #tpu.memory_space<vmem>>, vector<16xf32>,
    %swap3A_15 = arith.constant 32 : index
    %swap3A_16 = tpu.vector_load %arg8[%swap3A_15] {strides = array<i32>} : memref<160xf32, #tpu.memory_space<vmem>>, vector<16xf32>,
    tpu.vector_store %arg8[%swap3A_15], %broadcast_in_dim3A_3 {strides = array<i32>} : memref<160xf32, #tpu.memory_space<vmem>>, vector<16xf32>,
    %swap3A_17 = arith.constant 48 : index
    %swap3A_18 = tpu.vector_load %arg7[%swap3A_17] {strides = array<i32>} : memref<160xf32, #tpu.memory_space<vmem>>, vector<16xf32>,
    tpu.vector_store %arg7[%swap3A_17], %broadcast_in_dim3A_3 {strides = array<i32>} : memref<160xf32, #tpu.memory_space<vmem>>, vector<16xf32>,
    %swap3A_19 = arith.constant 48 : index
    %swap3A_20 = tpu.vector_load %arg8[%swap3A_19] {strides = array<i32>} : memref<160xf32, #tpu.memory_space<vmem>>, vector<16xf32>,
    tpu.vector_store %arg8[%swap3A_19], %broadcast_in_dim3A_3 {strides = array<i32>} : memref<160xf32, #tpu.memory_space<vmem>>, vector<16xf32>,
    %swap3A_21 = arith.constant 64 : index
    %swap3A_22 = tpu.vector_load %arg7[%swap3A_21] {strides = array<i32>} : memref<160xf32, #tpu.memory_space<vmem>>, vector<16xf32>,
    tpu.vector_store %arg7[%swap3A_21], %broadcast_in_dim3A_3 {strides = array<i32>} : memref<160xf32, #tpu.memory_space<vmem>>, vector<16xf32>,
    %swap3A_23 = arith.constant 64 : index
    %swap3A_24 = tpu.vector_load %arg8[%swap3A_23] {strides = array<i32>} : memref<160xf32, #tpu.memory_space<vmem>>, vector<16xf32>,
    tpu.vector_store %arg8[%swap3A_23], %broadcast_in_dim3A_3 {strides = array<i32>} : memref<160xf32, #tpu.memory_space<vmem>>, vector<16xf32>,
    %swap3A_25 = arith.constant 80 : index
    %swap3A_26 = tpu.vector_load %arg7[%swap3A_25] {strides = array<i32>} : memref<160xf32, #tpu.memory_space<vmem>>, vector<16xf32>,
    tpu.vector_store %arg7[%swap3A_25], %broadcast_in_dim3A_3 {strides = array<i32>} : memref<160xf32, #tpu.memory_space<vmem>>, vector<16xf32>,
    %swap3A_27 = arith.constant 80 : index
    %swap3A_28 = tpu.vector_load %arg8[%swap3A_27] {strides = array<i32>} : memref<160xf32, #tpu.memory_space<vmem>>, vector<16xf32>,
    tpu.vector_store %arg8[%swap3A_27], %broadcast_in_dim3A_3 {strides = array<i32>} : memref<160xf32, #tpu.memory_space<vmem>>, vector<16xf32>,
    %swap3A_29 = arith.constant 96 : index
    %swap3A_30 = tpu.vector_load %arg7[%swap3A_29] {strides = array<i32>} : memref<160xf32, #tpu.memory_space<vmem>>, vector<16xf32>,
    tpu.vector_store %arg7[%swap3A_29], %broadcast_in_dim3A_3 {strides = array<i32>} : memref<160xf32, #tpu.memory_space<vmem>>, vector<16xf32>,
    %swap3A_31 = arith.constant 96 : index
    %swap3A_32 = tpu.vector_load %arg8[%swap3A_31] {strides = array<i32>} : memref<160xf32, #tpu.memory_space<vmem>>, vector<16xf32>,
    tpu.vector_store %arg8[%swap3A_31], %broadcast_in_dim3A_3 {strides = array<i32>} : memref<160xf32, #tpu.memory_space<vmem>>, vector<16xf32>,
    %swap3A_33 = arith.constant 112 : index
    %swap3A_34 = tpu.vector_load %arg7[%swap3A_33] {strides = array<i32>} : memref<160xf32, #tpu.memory_space<vmem>>, vector<16xf32>,
    tpu.vector_store %arg7[%swap3A_33], %broadcast_in_dim3A_3 {strides = array<i32>} : memref<160xf32, #tpu.memory_space<vmem>>, vector<16xf32>,
    %swap3A_35 = arith.constant 112 : index
    %swap3A_36 = tpu.vector_load %arg8[%swap3A_35] {strides = array<i32>} : memref<160xf32, #tpu.memory_space<vmem>>, vector<16xf32>,
    tpu.vector_store %arg8[%swap3A_35], %broadcast_in_dim3A_3 {strides = array<i32>} : memref<160xf32, #tpu.memory_space<vmem>>, vector<16xf32>,
    %swap3A_37 = arith.constant 128 : index
    %swap3A_38 = tpu.vector_load %arg7[%swap3A_37] {strides = array<i32>} : memref<160xf32, #tpu.memory_space<vmem>>, vector<16xf32>,
    tpu.vector_store %arg7[%swap3A_37], %broadcast_in_dim3A_3 {strides = array<i32>} : memref<160xf32, #tpu.memory_space<vmem>>, vector<16xf32>,
    %swap3A_39 = arith.constant 128 : index
    %swap3A_40 = tpu.vector_load %arg8[%swap3A_39] {strides = array<i32>} : memref<160xf32, #tpu.memory_space<vmem>>, vector<16xf32>,
    tpu.vector_store %arg8[%swap3A_39], %broadcast_in_dim3A_3 {strides = array<i32>} : memref<160xf32, #tpu.memory_space<vmem>>, vector<16xf32>,
    %swap3A_41 = arith.constant 144 : index
    %swap3A_42 = tpu.vector_load %arg7[%swap3A_41] {strides = array<i32>} : memref<160xf32, #tpu.memory_space<vmem>>, vector<16xf32>,
    tpu.vector_store %arg7[%swap3A_41], %broadcast_in_dim3A_3 {strides = array<i32>} : memref<160xf32, #tpu.memory_space<vmem>>, vector<16xf32>,
    %swap3A_43 = arith.constant 144 : index
    %swap3A_44 = tpu.vector_load %arg8[%swap3A_43] {strides = array<i32>} : memref<160xf32, #tpu.memory_space<vmem>>, vector<16xf32>,
    tpu.vector_store %arg8[%swap3A_43], %broadcast_in_dim3A_3 {strides = array<i32>} : memref<160xf32, #tpu.memory_space<vmem>>, vector<16xf32>,
    %scan3A = arith.constant 0 : i32
    %scan3A_45 = arith.constant 0 : i32
    %scan3A_46 = arith.constant 16 : i32
    %scan3A_47 = arith.addi %scan3A_45, %scan3A_46 : i32
    %scan3A_48 = arith.constant 1 : i32
    scf.for %scan3A_175 = %scan3A_45 to %scan3A_47 step %scan3A_48  : i32 {
      %mul3A_176 = arith.constant 184 : i32
      %mul3A_177 = arith.muli %scan3A_175, %mul3A_176 : i32
      %add3A_178 = arith.addi %mul3A_2, %mul3A_177 : i32
      "tpu.region"() ({
        %run_scoped3A = tpu.sem_alloc : memref<!tpu.dma_semaphore, #tpu.memory_space<semaphore_mem>>
        %dma_start3A = arith.constant 0 : i32
        %dma_start3A_185 = arith.constant 0 : i32
        %dma_start3A_186 = tpu.memref_slice %arg5[%dma_start3A, %dma_start3A_185] : memref<184x80xf32, #tpu.memory_space<vmem>> -> memref<184x80xf32, #tpu.memory_space<vmem>>
        %dma_start3A_187 = arith.constant 0 : i32
        %dma_start3A_188 = tpu.memref_slice %arg2[%add3A_178, %dma_start3A_187] : memref<100000x80xf32, #tpu.memory_space<hbm>> -> memref<184x80xf32, #tpu.memory_space<hbm>>
        %dma_start3A_189 = arith.constant 0 : i32
        %dma_start3A_190 = arith.constant 0 : i32
        %dma_start3A_191 = tpu.memref_slice %arg5[%dma_start3A_189, %dma_start3A_190] : memref<184x80xf32, #tpu.memory_space<vmem>> -> memref<184x80xf32, #tpu.memory_space<vmem>>
        %dma_start3A_192 = arith.constant 0 : i32
        %dma_start3A_193 = tpu.memref_slice %arg2[%add3A_178, %dma_start3A_192] : memref<100000x80xf32, #tpu.memory_space<hbm>> -> memref<184x80xf32, #tpu.memory_space<hbm>>
        tpu.enqueue_dma source(%dma_start3A_193 : memref<184x80xf32, #tpu.memory_space<hbm>>) target(%dma_start3A_191 : memref<184x80xf32, #tpu.memory_space<vmem>>) target_semaphore(%run_scoped3A : memref<!tpu.dma_semaphore, #tpu.memory_space<semaphore_mem>>)
        %dma_wait3A = arith.constant 0 : i32
        %dma_wait3A_194 = arith.constant 0 : i32
        %dma_wait3A_195 = tpu.memref_slice %arg5[%dma_wait3A, %dma_wait3A_194] : memref<184x80xf32, #tpu.memory_space<vmem>> -> memref<184x80xf32, #tpu.memory_space<vmem>>
        %dma_wait3A_196 = arith.constant 0 : i32
        %dma_wait3A_197 = tpu.memref_slice %arg2[%add3A_178, %dma_wait3A_196] : memref<100000x80xf32, #tpu.memory_space<hbm>> -> memref<184x80xf32, #tpu.memory_space<hbm>>
        %dma_wait3A_198 = arith.constant 0 : i32
        %dma_wait3A_199 = arith.constant 0 : i32
        %dma_wait3A_200 = tpu.memref_slice %arg5[%dma_wait3A_198, %dma_wait3A_199] : memref<184x80xf32, #tpu.memory_space<vmem>> -> memref<184x80xf32, #tpu.memory_space<vmem>>
        %dma_wait3A_201 = arith.constant 0 : i32
        %dma_wait3A_202 = tpu.memref_slice %arg2[%add3A_178, %dma_wait3A_201] : memref<100000x80xf32, #tpu.memory_space<hbm>> -> memref<184x80xf32, #tpu.memory_space<hbm>>
        tpu.wait_dma2 semaphore(%run_scoped3A : memref<!tpu.dma_semaphore, #tpu.memory_space<semaphore_mem>>) src(%dma_wait3A_202 : memref<184x80xf32, #tpu.memory_space<hbm>>) dst(%dma_wait3A_200 : memref<184x80xf32, #tpu.memory_space<vmem>>)
        tpu.yield
      }) : () -> ()
      "tpu.region"() ({
        %run_scoped3A = tpu.sem_alloc : memref<!tpu.dma_semaphore, #tpu.memory_space<semaphore_mem>>
        %dma_start3A = arith.constant 0 : i32
        %dma_start3A_185 = arith.constant 0 : i32
        %dma_start3A_186 = tpu.memref_slice %arg6[%dma_start3A, %dma_start3A_185] : memref<184x80xf32, #tpu.memory_space<vmem>> -> memref<184x80xf32, #tpu.memory_space<vmem>>
        %dma_start3A_187 = arith.constant 0 : i32
        %dma_start3A_188 = tpu.memref_slice %arg3[%add3A_178, %dma_start3A_187] : memref<100000x80xf32, #tpu.memory_space<hbm>> -> memref<184x80xf32, #tpu.memory_space<hbm>>
        %dma_start3A_189 = arith.constant 0 : i32
        %dma_start3A_190 = arith.constant 0 : i32
        %dma_start3A_191 = tpu.memref_slice %arg6[%dma_start3A_189, %dma_start3A_190] : memref<184x80xf32, #tpu.memory_space<vmem>> -> memref<184x80xf32, #tpu.memory_space<vmem>>
        %dma_start3A_192 = arith.constant 0 : i32
        %dma_start3A_193 = tpu.memref_slice %arg3[%add3A_178, %dma_start3A_192] : memref<100000x80xf32, #tpu.memory_space<hbm>> -> memref<184x80xf32, #tpu.memory_space<hbm>>
        tpu.enqueue_dma source(%dma_start3A_193 : memref<184x80xf32, #tpu.memory_space<hbm>>) target(%dma_start3A_191 : memref<184x80xf32, #tpu.memory_space<vmem>>) target_semaphore(%run_scoped3A : memref<!tpu.dma_semaphore, #tpu.memory_space<semaphore_mem>>)
        %dma_wait3A = arith.constant 0 : i32
        %dma_wait3A_194 = arith.constant 0 : i32
        %dma_wait3A_195 = tpu.memref_slice %arg6[%dma_wait3A, %dma_wait3A_194] : memref<184x80xf32, #tpu.memory_space<vmem>> -> memref<184x80xf32, #tpu.memory_space<vmem>>
        %dma_wait3A_196 = arith.constant 0 : i32
        %dma_wait3A_197 = tpu.memref_slice %arg3[%add3A_178, %dma_wait3A_196] : memref<100000x80xf32, #tpu.memory_space<hbm>> -> memref<184x80xf32, #tpu.memory_space<hbm>>
        %dma_wait3A_198 = arith.constant 0 : i32
        %dma_wait3A_199 = arith.constant 0 : i32
        %dma_wait3A_200 = tpu.memref_slice %arg6[%dma_wait3A_198, %dma_wait3A_199] : memref<184x80xf32, #tpu.memory_space<vmem>> -> memref<184x80xf32, #tpu.memory_space<vmem>>
        %dma_wait3A_201 = arith.constant 0 : i32
        %dma_wait3A_202 = tpu.memref_slice %arg3[%add3A_178, %dma_wait3A_201] : memref<100000x80xf32, #tpu.memory_space<hbm>> -> memref<184x80xf32, #tpu.memory_space<hbm>>
        tpu.wait_dma2 semaphore(%run_scoped3A : memref<!tpu.dma_semaphore, #tpu.memory_space<semaphore_mem>>) src(%dma_wait3A_202 : memref<184x80xf32, #tpu.memory_space<hbm>>) dst(%dma_wait3A_200 : memref<184x80xf32, #tpu.memory_space<vmem>>)
        tpu.yield
      }) : () -> ()
      %scan3A_179 = arith.constant 0 : i32
      %scan3A_180 = arith.constant 0 : i32
      %scan3A_181 = arith.constant 46 : i32
      %scan3A_182 = arith.addi %scan3A_180, %scan3A_181 : i32
      %scan3A_183 = arith.constant 1 : i32
      scf.for %scan3A_185 = %scan3A_180 to %scan3A_182 step %scan3A_183  : i32 {
        %mul3A_186 = arith.constant 4 : i32
        %mul3A_187 = arith.muli %scan3A_185, %mul3A_186 : i32
        %add3A_188 = arith.constant 0 : i32
        %add3A_189 = arith.addi %mul3A_187, %add3A_188 : i32
        %get3A_190 = arith.index_cast %add3A_189 : i32 to index
        %get3A_191 = arith.constant 0 : index
        %get3A_192 = tpu.vector_load %arg5[%get3A_190, %get3A_191] {strides = array<i32>} : memref<184x80xf32, #tpu.memory_space<vmem>>, vector<16xf32>,
        %get3A_193 = arith.index_cast %add3A_189 : i32 to index
        %get3A_194 = arith.constant 0 : index
        %get3A_195 = tpu.vector_load %arg6[%get3A_193, %get3A_194] {strides = array<i32>} : memref<184x80xf32, #tpu.memory_space<vmem>>, vector<16xf32>,
        %neg3A = arith.constant 0.000000e+00 : f32
        %neg3A_196 = vector.broadcast %neg3A : f32 to vector<16xf32>
        %neg3A_197 = arith.subf %neg3A_196, %get3A_192 : vector<16xf32>
        %exp3A = math.exp %neg3A_197 : vector<16xf32>
        %add3A_198 = arith.constant 1.000000e+00 : f32
        %add3A_199 = vector.broadcast %add3A_198 : f32 to vector<16xf32>
        %add3A_200 = arith.addf %add3A_199, %exp3A : vector<16xf32>
        %div3A = arith.constant 1.000000e+00 : f32
        %div3A_201 = vector.broadcast %div3A : f32 to vector<16xf32>
        %div3A_202 = arith.divf %div3A_201, %add3A_200 : vector<16xf32>
        %mul3A_203 = arith.mulf %div3A_202, %div3A_202 : vector<16xf32>
        %mul3A_204 = arith.mulf %mul3A_203, %mul3A_203 : vector<16xf32>
        %mul3A_205 = arith.constant -5.000000e-01 : f32
        %mul3A_206 = vector.broadcast %mul3A_205 : f32 to vector<16xf32>
        %mul3A_207 = arith.mulf %mul3A_206, %div3A_202 : vector<16xf32>
        %add3A_208 = arith.constant 0.693147182 : f32
        %add3A_209 = vector.broadcast %add3A_208 : f32 to vector<16xf32>
        %add3A_210 = arith.addf %add3A_209, %mul3A_207 : vector<16xf32>
        %mul3A_211 = arith.constant -2.32767593E-6 : f32
        %mul3A_212 = vector.broadcast %mul3A_211 : f32 to vector<16xf32>
        %mul3A_213 = arith.mulf %mul3A_212, %div3A_202 : vector<16xf32>
        %add3A_214 = arith.constant 0.125000253 : f32
        %add3A_215 = vector.broadcast %add3A_214 : f32 to vector<16xf32>
        %add3A_216 = arith.addf %add3A_215, %mul3A_213 : vector<16xf32>
        %mul3A_217 = arith.mulf %mul3A_203, %add3A_216 : vector<16xf32>
        %add3A_218 = arith.addf %add3A_210, %mul3A_217 : vector<16xf32>
        %mul3A_219 = arith.constant -3.08754315E-5 : f32
        %mul3A_220 = vector.broadcast %mul3A_219 : f32 to vector<16xf32>
        %mul3A_221 = arith.mulf %mul3A_220, %div3A_202 : vector<16xf32>
        %add3A_222 = arith.constant -0.00519710407 : f32
        %add3A_223 = vector.broadcast %add3A_222 : f32 to vector<16xf32>
        %add3A_224 = arith.addf %add3A_223, %mul3A_221 : vector<16xf32>
        %mul3A_225 = arith.constant -4.513050e-05 : f32
        %mul3A_226 = vector.broadcast %mul3A_225 : f32 to vector<16xf32>
        %mul3A_227 = arith.mulf %mul3A_226, %div3A_202 : vector<16xf32>
        %add3A_228 = arith.constant 3.96936288E-4 : f32
        %add3A_229 = vector.broadcast %add3A_228 : f32 to vector<16xf32>
        %add3A_230 = arith.addf %add3A_229, %mul3A_227 : vector<16xf32>
        %mul3A_231 = arith.mulf %mul3A_203, %add3A_230 : vector<16xf32>
        %add3A_232 = arith.addf %add3A_224, %mul3A_231 : vector<16xf32>
        %mul3A_233 = arith.constant -7.23134917E-6 : f32
        %mul3A_234 = vector.broadcast %mul3A_233 : f32 to vector<16xf32>
        %mul3A_235 = arith.mulf %mul3A_204, %mul3A_234 : vector<16xf32>
        %add3A_236 = arith.addf %add3A_232, %mul3A_235 : vector<16xf32>
        %mul3A_237 = arith.mulf %mul3A_204, %add3A_236 : vector<16xf32>
        %add3A_238 = arith.addf %add3A_218, %mul3A_237 : vector<16xf32>
        %sub3A = arith.constant 1.000000e+00 : f32
        %sub3A_239 = vector.broadcast %sub3A : f32 to vector<16xf32>
        %sub3A_240 = arith.subf %sub3A_239, %get3A_195 : vector<16xf32>
        %mul3A_241 = arith.mulf %div3A_202, %sub3A_240 : vector<16xf32>
        %add3A_242 = arith.addf %mul3A_241, %add3A_238 : vector<16xf32>
        %sub3A_243 = arith.subf %div3A_202, %get3A_195 : vector<16xf32>
        %abs3A = math.absf %sub3A_243 : vector<16xf32>
        %mul3A_244 = arith.constant 1.000000e+01 : f32
        %mul3A_245 = vector.broadcast %mul3A_244 : f32 to vector<16xf32>
        %mul3A_246 = arith.mulf %abs3A, %mul3A_245 : vector<16xf32>
        %convert_element_type3A_247 = arith.fptosi %mul3A_246 : vector<16xf32> to vector<16xi32>
        %min3A = arith.constant 9 : i32
        %min3A_248 = vector.broadcast %min3A : i32 to vector<16xi32>
        %min3A_249 = arith.minsi %convert_element_type3A_247, %min3A_248 : vector<16xi32>
        %mul3A_250 = arith.constant 16 : i32
        %mul3A_251 = vector.broadcast %mul3A_250 : i32 to vector<16xi32>
        %mul3A_252 = arith.muli %min3A_249, %mul3A_251 : vector<16xi32>
        %add3A_253 = arith.addi %mul3A_252, %iota3A : vector<16xi32>
        tpu.vector_store_idx %arg7[%add3A_253], %add3A_242 {add = true} : memref<160xf32, #tpu.memory_space<vmem>>[vector<16xi32>], vector<16xf32>,
        tpu.vector_store_idx %arg8[%add3A_253], %broadcast_in_dim3A_5 {add = true} : memref<160xf32, #tpu.memory_space<vmem>>[vector<16xi32>], vector<16xf32>,
        %get3A_254 = arith.index_cast %add3A_189 : i32 to index
        %get3A_255 = arith.constant 16 : index
        %get3A_256 = tpu.vector_load %arg5[%get3A_254, %get3A_255] {strides = array<i32>} : memref<184x80xf32, #tpu.memory_space<vmem>>, vector<16xf32>,
        %get3A_257 = arith.index_cast %add3A_189 : i32 to index
        %get3A_258 = arith.constant 16 : index
        %get3A_259 = tpu.vector_load %arg6[%get3A_257, %get3A_258] {strides = array<i32>} : memref<184x80xf32, #tpu.memory_space<vmem>>, vector<16xf32>,
        %neg3A_260 = arith.constant 0.000000e+00 : f32
        %neg3A_261 = vector.broadcast %neg3A_260 : f32 to vector<16xf32>
        %neg3A_262 = arith.subf %neg3A_261, %get3A_256 : vector<16xf32>
        %exp3A_263 = math.exp %neg3A_262 : vector<16xf32>
        %add3A_264 = arith.constant 1.000000e+00 : f32
        %add3A_265 = vector.broadcast %add3A_264 : f32 to vector<16xf32>
        %add3A_266 = arith.addf %add3A_265, %exp3A_263 : vector<16xf32>
        %div3A_267 = arith.constant 1.000000e+00 : f32
        %div3A_268 = vector.broadcast %div3A_267 : f32 to vector<16xf32>
        %div3A_269 = arith.divf %div3A_268, %add3A_266 : vector<16xf32>
        %mul3A_270 = arith.mulf %div3A_269, %div3A_269 : vector<16xf32>
        %mul3A_271 = arith.mulf %mul3A_270, %mul3A_270 : vector<16xf32>
        %mul3A_272 = arith.constant -5.000000e-01 : f32
        %mul3A_273 = vector.broadcast %mul3A_272 : f32 to vector<16xf32>
        %mul3A_274 = arith.mulf %mul3A_273, %div3A_269 : vector<16xf32>
        %add3A_275 = arith.constant 0.693147182 : f32
        %add3A_276 = vector.broadcast %add3A_275 : f32 to vector<16xf32>
        %add3A_277 = arith.addf %add3A_276, %mul3A_274 : vector<16xf32>
        %mul3A_278 = arith.constant -2.32767593E-6 : f32
        %mul3A_279 = vector.broadcast %mul3A_278 : f32 to vector<16xf32>
        %mul3A_280 = arith.mulf %mul3A_279, %div3A_269 : vector<16xf32>
        %add3A_281 = arith.constant 0.125000253 : f32
        %add3A_282 = vector.broadcast %add3A_281 : f32 to vector<16xf32>
        %add3A_283 = arith.addf %add3A_282, %mul3A_280 : vector<16xf32>
        %mul3A_284 = arith.mulf %mul3A_270, %add3A_283 : vector<16xf32>
        %add3A_285 = arith.addf %add3A_277, %mul3A_284 : vector<16xf32>
        %mul3A_286 = arith.constant -3.08754315E-5 : f32
        %mul3A_287 = vector.broadcast %mul3A_286 : f32 to vector<16xf32>
        %mul3A_288 = arith.mulf %mul3A_287, %div3A_269 : vector<16xf32>
        %add3A_289 = arith.constant -0.00519710407 : f32
        %add3A_290 = vector.broadcast %add3A_289 : f32 to vector<16xf32>
        %add3A_291 = arith.addf %add3A_290, %mul3A_288 : vector<16xf32>
        %mul3A_292 = arith.constant -4.513050e-05 : f32
        %mul3A_293 = vector.broadcast %mul3A_292 : f32 to vector<16xf32>
        %mul3A_294 = arith.mulf %mul3A_293, %div3A_269 : vector<16xf32>
        %add3A_295 = arith.constant 3.96936288E-4 : f32
        %add3A_296 = vector.broadcast %add3A_295 : f32 to vector<16xf32>
        %add3A_297 = arith.addf %add3A_296, %mul3A_294 : vector<16xf32>
        %mul3A_298 = arith.mulf %mul3A_270, %add3A_297 : vector<16xf32>
        %add3A_299 = arith.addf %add3A_291, %mul3A_298 : vector<16xf32>
        %mul3A_300 = arith.constant -7.23134917E-6 : f32
        %mul3A_301 = vector.broadcast %mul3A_300 : f32 to vector<16xf32>
        %mul3A_302 = arith.mulf %mul3A_271, %mul3A_301 : vector<16xf32>
        %add3A_303 = arith.addf %add3A_299, %mul3A_302 : vector<16xf32>
        %mul3A_304 = arith.mulf %mul3A_271, %add3A_303 : vector<16xf32>
        %add3A_305 = arith.addf %add3A_285, %mul3A_304 : vector<16xf32>
        %sub3A_306 = arith.constant 1.000000e+00 : f32
        %sub3A_307 = vector.broadcast %sub3A_306 : f32 to vector<16xf32>
        %sub3A_308 = arith.subf %sub3A_307, %get3A_259 : vector<16xf32>
        %mul3A_309 = arith.mulf %div3A_269, %sub3A_308 : vector<16xf32>
        %add3A_310 = arith.addf %mul3A_309, %add3A_305 : vector<16xf32>
        %sub3A_311 = arith.subf %div3A_269, %get3A_259 : vector<16xf32>
        %abs3A_312 = math.absf %sub3A_311 : vector<16xf32>
        %mul3A_313 = arith.constant 1.000000e+01 : f32
        %mul3A_314 = vector.broadcast %mul3A_313 : f32 to vector<16xf32>
        %mul3A_315 = arith.mulf %abs3A_312, %mul3A_314 : vector<16xf32>
        %convert_element_type3A_316 = arith.fptosi %mul3A_315 : vector<16xf32> to vector<16xi32>
        %min3A_317 = arith.constant 9 : i32
        %min3A_318 = vector.broadcast %min3A_317 : i32 to vector<16xi32>
        %min3A_319 = arith.minsi %convert_element_type3A_316, %min3A_318 : vector<16xi32>
        %mul3A_320 = arith.constant 16 : i32
        %mul3A_321 = vector.broadcast %mul3A_320 : i32 to vector<16xi32>
        %mul3A_322 = arith.muli %min3A_319, %mul3A_321 : vector<16xi32>
        %add3A_323 = arith.addi %mul3A_322, %iota3A : vector<16xi32>
        tpu.vector_store_idx %arg7[%add3A_323], %add3A_310 {add = true} : memref<160xf32, #tpu.memory_space<vmem>>[vector<16xi32>], vector<16xf32>,
        tpu.vector_store_idx %arg8[%add3A_323], %broadcast_in_dim3A_5 {add = true} : memref<160xf32, #tpu.memory_space<vmem>>[vector<16xi32>], vector<16xf32>,
        %get3A_324 = arith.index_cast %add3A_189 : i32 to index
        %get3A_325 = arith.constant 32 : index
        %get3A_326 = tpu.vector_load %arg5[%get3A_324, %get3A_325] {strides = array<i32>} : memref<184x80xf32, #tpu.memory_space<vmem>>, vector<16xf32>,
        %get3A_327 = arith.index_cast %add3A_189 : i32 to index
        %get3A_328 = arith.constant 32 : index
        %get3A_329 = tpu.vector_load %arg6[%get3A_327, %get3A_328] {strides = array<i32>} : memref<184x80xf32, #tpu.memory_space<vmem>>, vector<16xf32>,
        %neg3A_330 = arith.constant 0.000000e+00 : f32
        %neg3A_331 = vector.broadcast %neg3A_330 : f32 to vector<16xf32>
        %neg3A_332 = arith.subf %neg3A_331, %get3A_326 : vector<16xf32>
        %exp3A_333 = math.exp %neg3A_332 : vector<16xf32>
        %add3A_334 = arith.constant 1.000000e+00 : f32
        %add3A_335 = vector.broadcast %add3A_334 : f32 to vector<16xf32>
        %add3A_336 = arith.addf %add3A_335, %exp3A_333 : vector<16xf32>
        %div3A_337 = arith.constant 1.000000e+00 : f32
        %div3A_338 = vector.broadcast %div3A_337 : f32 to vector<16xf32>
        %div3A_339 = arith.divf %div3A_338, %add3A_336 : vector<16xf32>
        %mul3A_340 = arith.mulf %div3A_339, %div3A_339 : vector<16xf32>
        %mul3A_341 = arith.mulf %mul3A_340, %mul3A_340 : vector<16xf32>
        %mul3A_342 = arith.constant -5.000000e-01 : f32
        %mul3A_343 = vector.broadcast %mul3A_342 : f32 to vector<16xf32>
        %mul3A_344 = arith.mulf %mul3A_343, %div3A_339 : vector<16xf32>
        %add3A_345 = arith.constant 0.693147182 : f32
        %add3A_346 = vector.broadcast %add3A_345 : f32 to vector<16xf32>
        %add3A_347 = arith.addf %add3A_346, %mul3A_344 : vector<16xf32>
        %mul3A_348 = arith.constant -2.32767593E-6 : f32
        %mul3A_349 = vector.broadcast %mul3A_348 : f32 to vector<16xf32>
        %mul3A_350 = arith.mulf %mul3A_349, %div3A_339 : vector<16xf32>
        %add3A_351 = arith.constant 0.125000253 : f32
        %add3A_352 = vector.broadcast %add3A_351 : f32 to vector<16xf32>
        %add3A_353 = arith.addf %add3A_352, %mul3A_350 : vector<16xf32>
        %mul3A_354 = arith.mulf %mul3A_340, %add3A_353 : vector<16xf32>
        %add3A_355 = arith.addf %add3A_347, %mul3A_354 : vector<16xf32>
        %mul3A_356 = arith.constant -3.08754315E-5 : f32
        %mul3A_357 = vector.broadcast %mul3A_356 : f32 to vector<16xf32>
        %mul3A_358 = arith.mulf %mul3A_357, %div3A_339 : vector<16xf32>
        %add3A_359 = arith.constant -0.00519710407 : f32
        %add3A_360 = vector.broadcast %add3A_359 : f32 to vector<16xf32>
        %add3A_361 = arith.addf %add3A_360, %mul3A_358 : vector<16xf32>
        %mul3A_362 = arith.constant -4.513050e-05 : f32
        %mul3A_363 = vector.broadcast %mul3A_362 : f32 to vector<16xf32>
        %mul3A_364 = arith.mulf %mul3A_363, %div3A_339 : vector<16xf32>
        %add3A_365 = arith.constant 3.96936288E-4 : f32
        %add3A_366 = vector.broadcast %add3A_365 : f32 to vector<16xf32>
        %add3A_367 = arith.addf %add3A_366, %mul3A_364 : vector<16xf32>
        %mul3A_368 = arith.mulf %mul3A_340, %add3A_367 : vector<16xf32>
        %add3A_369 = arith.addf %add3A_361, %mul3A_368 : vector<16xf32>
        %mul3A_370 = arith.constant -7.23134917E-6 : f32
        %mul3A_371 = vector.broadcast %mul3A_370 : f32 to vector<16xf32>
        %mul3A_372 = arith.mulf %mul3A_341, %mul3A_371 : vector<16xf32>
        %add3A_373 = arith.addf %add3A_369, %mul3A_372 : vector<16xf32>
        %mul3A_374 = arith.mulf %mul3A_341, %add3A_373 : vector<16xf32>
        %add3A_375 = arith.addf %add3A_355, %mul3A_374 : vector<16xf32>
        %sub3A_376 = arith.constant 1.000000e+00 : f32
        %sub3A_377 = vector.broadcast %sub3A_376 : f32 to vector<16xf32>
        %sub3A_378 = arith.subf %sub3A_377, %get3A_329 : vector<16xf32>
        %mul3A_379 = arith.mulf %div3A_339, %sub3A_378 : vector<16xf32>
        %add3A_380 = arith.addf %mul3A_379, %add3A_375 : vector<16xf32>
        %sub3A_381 = arith.subf %div3A_339, %get3A_329 : vector<16xf32>
        %abs3A_382 = math.absf %sub3A_381 : vector<16xf32>
        %mul3A_383 = arith.constant 1.000000e+01 : f32
        %mul3A_384 = vector.broadcast %mul3A_383 : f32 to vector<16xf32>
        %mul3A_385 = arith.mulf %abs3A_382, %mul3A_384 : vector<16xf32>
        %convert_element_type3A_386 = arith.fptosi %mul3A_385 : vector<16xf32> to vector<16xi32>
        %min3A_387 = arith.constant 9 : i32
        %min3A_388 = vector.broadcast %min3A_387 : i32 to vector<16xi32>
        %min3A_389 = arith.minsi %convert_element_type3A_386, %min3A_388 : vector<16xi32>
        %mul3A_390 = arith.constant 16 : i32
        %mul3A_391 = vector.broadcast %mul3A_390 : i32 to vector<16xi32>
        %mul3A_392 = arith.muli %min3A_389, %mul3A_391 : vector<16xi32>
        %add3A_393 = arith.addi %mul3A_392, %iota3A : vector<16xi32>
        tpu.vector_store_idx %arg7[%add3A_393], %add3A_380 {add = true} : memref<160xf32, #tpu.memory_space<vmem>>[vector<16xi32>], vector<16xf32>,
        tpu.vector_store_idx %arg8[%add3A_393], %broadcast_in_dim3A_5 {add = true} : memref<160xf32, #tpu.memory_space<vmem>>[vector<16xi32>], vector<16xf32>,
        %get3A_394 = arith.index_cast %add3A_189 : i32 to index
        %get3A_395 = arith.constant 48 : index
        %get3A_396 = tpu.vector_load %arg5[%get3A_394, %get3A_395] {strides = array<i32>} : memref<184x80xf32, #tpu.memory_space<vmem>>, vector<16xf32>,
        %get3A_397 = arith.index_cast %add3A_189 : i32 to index
        %get3A_398 = arith.constant 48 : index
        %get3A_399 = tpu.vector_load %arg6[%get3A_397, %get3A_398] {strides = array<i32>} : memref<184x80xf32, #tpu.memory_space<vmem>>, vector<16xf32>,
        %neg3A_400 = arith.constant 0.000000e+00 : f32
        %neg3A_401 = vector.broadcast %neg3A_400 : f32 to vector<16xf32>
        %neg3A_402 = arith.subf %neg3A_401, %get3A_396 : vector<16xf32>
        %exp3A_403 = math.exp %neg3A_402 : vector<16xf32>
        %add3A_404 = arith.constant 1.000000e+00 : f32
        %add3A_405 = vector.broadcast %add3A_404 : f32 to vector<16xf32>
        %add3A_406 = arith.addf %add3A_405, %exp3A_403 : vector<16xf32>
        %div3A_407 = arith.constant 1.000000e+00 : f32
        %div3A_408 = vector.broadcast %div3A_407 : f32 to vector<16xf32>
        %div3A_409 = arith.divf %div3A_408, %add3A_406 : vector<16xf32>
        %mul3A_410 = arith.mulf %div3A_409, %div3A_409 : vector<16xf32>
        %mul3A_411 = arith.mulf %mul3A_410, %mul3A_410 : vector<16xf32>
        %mul3A_412 = arith.constant -5.000000e-01 : f32
        %mul3A_413 = vector.broadcast %mul3A_412 : f32 to vector<16xf32>
        %mul3A_414 = arith.mulf %mul3A_413, %div3A_409 : vector<16xf32>
        %add3A_415 = arith.constant 0.693147182 : f32
        %add3A_416 = vector.broadcast %add3A_415 : f32 to vector<16xf32>
        %add3A_417 = arith.addf %add3A_416, %mul3A_414 : vector<16xf32>
        %mul3A_418 = arith.constant -2.32767593E-6 : f32
        %mul3A_419 = vector.broadcast %mul3A_418 : f32 to vector<16xf32>
        %mul3A_420 = arith.mulf %mul3A_419, %div3A_409 : vector<16xf32>
        %add3A_421 = arith.constant 0.125000253 : f32
        %add3A_422 = vector.broadcast %add3A_421 : f32 to vector<16xf32>
        %add3A_423 = arith.addf %add3A_422, %mul3A_420 : vector<16xf32>
        %mul3A_424 = arith.mulf %mul3A_410, %add3A_423 : vector<16xf32>
        %add3A_425 = arith.addf %add3A_417, %mul3A_424 : vector<16xf32>
        %mul3A_426 = arith.constant -3.08754315E-5 : f32
        %mul3A_427 = vector.broadcast %mul3A_426 : f32 to vector<16xf32>
        %mul3A_428 = arith.mulf %mul3A_427, %div3A_409 : vector<16xf32>
        %add3A_429 = arith.constant -0.00519710407 : f32
        %add3A_430 = vector.broadcast %add3A_429 : f32 to vector<16xf32>
        %add3A_431 = arith.addf %add3A_430, %mul3A_428 : vector<16xf32>
        %mul3A_432 = arith.constant -4.513050e-05 : f32
        %mul3A_433 = vector.broadcast %mul3A_432 : f32 to vector<16xf32>
        %mul3A_434 = arith.mulf %mul3A_433, %div3A_409 : vector<16xf32>
        %add3A_435 = arith.constant 3.96936288E-4 : f32
        %add3A_436 = vector.broadcast %add3A_435 : f32 to vector<16xf32>
        %add3A_437 = arith.addf %add3A_436, %mul3A_434 : vector<16xf32>
        %mul3A_438 = arith.mulf %mul3A_410, %add3A_437 : vector<16xf32>
        %add3A_439 = arith.addf %add3A_431, %mul3A_438 : vector<16xf32>
        %mul3A_440 = arith.constant -7.23134917E-6 : f32
        %mul3A_441 = vector.broadcast %mul3A_440 : f32 to vector<16xf32>
        %mul3A_442 = arith.mulf %mul3A_411, %mul3A_441 : vector<16xf32>
        %add3A_443 = arith.addf %add3A_439, %mul3A_442 : vector<16xf32>
        %mul3A_444 = arith.mulf %mul3A_411, %add3A_443 : vector<16xf32>
        %add3A_445 = arith.addf %add3A_425, %mul3A_444 : vector<16xf32>
        %sub3A_446 = arith.constant 1.000000e+00 : f32
        %sub3A_447 = vector.broadcast %sub3A_446 : f32 to vector<16xf32>
        %sub3A_448 = arith.subf %sub3A_447, %get3A_399 : vector<16xf32>
        %mul3A_449 = arith.mulf %div3A_409, %sub3A_448 : vector<16xf32>
        %add3A_450 = arith.addf %mul3A_449, %add3A_445 : vector<16xf32>
        %sub3A_451 = arith.subf %div3A_409, %get3A_399 : vector<16xf32>
        %abs3A_452 = math.absf %sub3A_451 : vector<16xf32>
        %mul3A_453 = arith.constant 1.000000e+01 : f32
        %mul3A_454 = vector.broadcast %mul3A_453 : f32 to vector<16xf32>
        %mul3A_455 = arith.mulf %abs3A_452, %mul3A_454 : vector<16xf32>
        %convert_element_type3A_456 = arith.fptosi %mul3A_455 : vector<16xf32> to vector<16xi32>
        %min3A_457 = arith.constant 9 : i32
        %min3A_458 = vector.broadcast %min3A_457 : i32 to vector<16xi32>
        %min3A_459 = arith.minsi %convert_element_type3A_456, %min3A_458 : vector<16xi32>
        %mul3A_460 = arith.constant 16 : i32
        %mul3A_461 = vector.broadcast %mul3A_460 : i32 to vector<16xi32>
        %mul3A_462 = arith.muli %min3A_459, %mul3A_461 : vector<16xi32>
        %add3A_463 = arith.addi %mul3A_462, %iota3A : vector<16xi32>
        tpu.vector_store_idx %arg7[%add3A_463], %add3A_450 {add = true} : memref<160xf32, #tpu.memory_space<vmem>>[vector<16xi32>], vector<16xf32>,
        tpu.vector_store_idx %arg8[%add3A_463], %broadcast_in_dim3A_5 {add = true} : memref<160xf32, #tpu.memory_space<vmem>>[vector<16xi32>], vector<16xf32>,
        %get3A_464 = arith.index_cast %add3A_189 : i32 to index
        %get3A_465 = arith.constant 64 : index
        %get3A_466 = tpu.vector_load %arg5[%get3A_464, %get3A_465] {strides = array<i32>} : memref<184x80xf32, #tpu.memory_space<vmem>>, vector<16xf32>,
        %get3A_467 = arith.index_cast %add3A_189 : i32 to index
        %get3A_468 = arith.constant 64 : index
        %get3A_469 = tpu.vector_load %arg6[%get3A_467, %get3A_468] {strides = array<i32>} : memref<184x80xf32, #tpu.memory_space<vmem>>, vector<16xf32>,
        %neg3A_470 = arith.constant 0.000000e+00 : f32
        %neg3A_471 = vector.broadcast %neg3A_470 : f32 to vector<16xf32>
        %neg3A_472 = arith.subf %neg3A_471, %get3A_466 : vector<16xf32>
        %exp3A_473 = math.exp %neg3A_472 : vector<16xf32>
        %add3A_474 = arith.constant 1.000000e+00 : f32
        %add3A_475 = vector.broadcast %add3A_474 : f32 to vector<16xf32>
        %add3A_476 = arith.addf %add3A_475, %exp3A_473 : vector<16xf32>
        %div3A_477 = arith.constant 1.000000e+00 : f32
        %div3A_478 = vector.broadcast %div3A_477 : f32 to vector<16xf32>
        %div3A_479 = arith.divf %div3A_478, %add3A_476 : vector<16xf32>
        %mul3A_480 = arith.mulf %div3A_479, %div3A_479 : vector<16xf32>
        %mul3A_481 = arith.mulf %mul3A_480, %mul3A_480 : vector<16xf32>
        %mul3A_482 = arith.constant -5.000000e-01 : f32
        %mul3A_483 = vector.broadcast %mul3A_482 : f32 to vector<16xf32>
        %mul3A_484 = arith.mulf %mul3A_483, %div3A_479 : vector<16xf32>
        %add3A_485 = arith.constant 0.693147182 : f32
        %add3A_486 = vector.broadcast %add3A_485 : f32 to vector<16xf32>
        %add3A_487 = arith.addf %add3A_486, %mul3A_484 : vector<16xf32>
        %mul3A_488 = arith.constant -2.32767593E-6 : f32
        %mul3A_489 = vector.broadcast %mul3A_488 : f32 to vector<16xf32>
        %mul3A_490 = arith.mulf %mul3A_489, %div3A_479 : vector<16xf32>
        %add3A_491 = arith.constant 0.125000253 : f32
        %add3A_492 = vector.broadcast %add3A_491 : f32 to vector<16xf32>
        %add3A_493 = arith.addf %add3A_492, %mul3A_490 : vector<16xf32>
        %mul3A_494 = arith.mulf %mul3A_480, %add3A_493 : vector<16xf32>
        %add3A_495 = arith.addf %add3A_487, %mul3A_494 : vector<16xf32>
        %mul3A_496 = arith.constant -3.08754315E-5 : f32
        %mul3A_497 = vector.broadcast %mul3A_496 : f32 to vector<16xf32>
        %mul3A_498 = arith.mulf %mul3A_497, %div3A_479 : vector<16xf32>
        %add3A_499 = arith.constant -0.00519710407 : f32
        %add3A_500 = vector.broadcast %add3A_499 : f32 to vector<16xf32>
        %add3A_501 = arith.addf %add3A_500, %mul3A_498 : vector<16xf32>
        %mul3A_502 = arith.constant -4.513050e-05 : f32
        %mul3A_503 = vector.broadcast %mul3A_502 : f32 to vector<16xf32>
        %mul3A_504 = arith.mulf %mul3A_503, %div3A_479 : vector<16xf32>
        %add3A_505 = arith.constant 3.96936288E-4 : f32
        %add3A_506 = vector.broadcast %add3A_505 : f32 to vector<16xf32>
        %add3A_507 = arith.addf %add3A_506, %mul3A_504 : vector<16xf32>
        %mul3A_508 = arith.mulf %mul3A_480, %add3A_507 : vector<16xf32>
        %add3A_509 = arith.addf %add3A_501, %mul3A_508 : vector<16xf32>
        %mul3A_510 = arith.constant -7.23134917E-6 : f32
        %mul3A_511 = vector.broadcast %mul3A_510 : f32 to vector<16xf32>
        %mul3A_512 = arith.mulf %mul3A_481, %mul3A_511 : vector<16xf32>
        %add3A_513 = arith.addf %add3A_509, %mul3A_512 : vector<16xf32>
        %mul3A_514 = arith.mulf %mul3A_481, %add3A_513 : vector<16xf32>
        %add3A_515 = arith.addf %add3A_495, %mul3A_514 : vector<16xf32>
        %sub3A_516 = arith.constant 1.000000e+00 : f32
        %sub3A_517 = vector.broadcast %sub3A_516 : f32 to vector<16xf32>
        %sub3A_518 = arith.subf %sub3A_517, %get3A_469 : vector<16xf32>
        %mul3A_519 = arith.mulf %div3A_479, %sub3A_518 : vector<16xf32>
        %add3A_520 = arith.addf %mul3A_519, %add3A_515 : vector<16xf32>
        %sub3A_521 = arith.subf %div3A_479, %get3A_469 : vector<16xf32>
        %abs3A_522 = math.absf %sub3A_521 : vector<16xf32>
        %mul3A_523 = arith.constant 1.000000e+01 : f32
        %mul3A_524 = vector.broadcast %mul3A_523 : f32 to vector<16xf32>
        %mul3A_525 = arith.mulf %abs3A_522, %mul3A_524 : vector<16xf32>
        %convert_element_type3A_526 = arith.fptosi %mul3A_525 : vector<16xf32> to vector<16xi32>
        %min3A_527 = arith.constant 9 : i32
        %min3A_528 = vector.broadcast %min3A_527 : i32 to vector<16xi32>
        %min3A_529 = arith.minsi %convert_element_type3A_526, %min3A_528 : vector<16xi32>
        %mul3A_530 = arith.constant 16 : i32
        %mul3A_531 = vector.broadcast %mul3A_530 : i32 to vector<16xi32>
        %mul3A_532 = arith.muli %min3A_529, %mul3A_531 : vector<16xi32>
        %add3A_533 = arith.addi %mul3A_532, %iota3A : vector<16xi32>
        tpu.vector_store_idx %arg7[%add3A_533], %add3A_520 {add = true} : memref<160xf32, #tpu.memory_space<vmem>>[vector<16xi32>], vector<16xf32>,
        tpu.vector_store_idx %arg8[%add3A_533], %broadcast_in_dim3A_5 {add = true} : memref<160xf32, #tpu.memory_space<vmem>>[vector<16xi32>], vector<16xf32>,
        %mul3A_534 = arith.constant 4 : i32
        %mul3A_535 = arith.muli %scan3A_185, %mul3A_534 : i32
        %add3A_536 = arith.constant 1 : i32
        %add3A_537 = arith.addi %mul3A_535, %add3A_536 : i32
        %get3A_538 = arith.index_cast %add3A_537 : i32 to index
        %get3A_539 = arith.constant 0 : index
        %get3A_540 = tpu.vector_load %arg5[%get3A_538, %get3A_539] {strides = array<i32>} : memref<184x80xf32, #tpu.memory_space<vmem>>, vector<16xf32>,
        %get3A_541 = arith.index_cast %add3A_537 : i32 to index
        %get3A_542 = arith.constant 0 : index
        %get3A_543 = tpu.vector_load %arg6[%get3A_541, %get3A_542] {strides = array<i32>} : memref<184x80xf32, #tpu.memory_space<vmem>>, vector<16xf32>,
        %neg3A_544 = arith.constant 0.000000e+00 : f32
        %neg3A_545 = vector.broadcast %neg3A_544 : f32 to vector<16xf32>
        %neg3A_546 = arith.subf %neg3A_545, %get3A_540 : vector<16xf32>
        %exp3A_547 = math.exp %neg3A_546 : vector<16xf32>
        %add3A_548 = arith.constant 1.000000e+00 : f32
        %add3A_549 = vector.broadcast %add3A_548 : f32 to vector<16xf32>
        %add3A_550 = arith.addf %add3A_549, %exp3A_547 : vector<16xf32>
        %div3A_551 = arith.constant 1.000000e+00 : f32
        %div3A_552 = vector.broadcast %div3A_551 : f32 to vector<16xf32>
        %div3A_553 = arith.divf %div3A_552, %add3A_550 : vector<16xf32>
        %mul3A_554 = arith.mulf %div3A_553, %div3A_553 : vector<16xf32>
        %mul3A_555 = arith.mulf %mul3A_554, %mul3A_554 : vector<16xf32>
        %mul3A_556 = arith.constant -5.000000e-01 : f32
        %mul3A_557 = vector.broadcast %mul3A_556 : f32 to vector<16xf32>
        %mul3A_558 = arith.mulf %mul3A_557, %div3A_553 : vector<16xf32>
        %add3A_559 = arith.constant 0.693147182 : f32
        %add3A_560 = vector.broadcast %add3A_559 : f32 to vector<16xf32>
        %add3A_561 = arith.addf %add3A_560, %mul3A_558 : vector<16xf32>
        %mul3A_562 = arith.constant -2.32767593E-6 : f32
        %mul3A_563 = vector.broadcast %mul3A_562 : f32 to vector<16xf32>
        %mul3A_564 = arith.mulf %mul3A_563, %div3A_553 : vector<16xf32>
        %add3A_565 = arith.constant 0.125000253 : f32
        %add3A_566 = vector.broadcast %add3A_565 : f32 to vector<16xf32>
        %add3A_567 = arith.addf %add3A_566, %mul3A_564 : vector<16xf32>
        %mul3A_568 = arith.mulf %mul3A_554, %add3A_567 : vector<16xf32>
        %add3A_569 = arith.addf %add3A_561, %mul3A_568 : vector<16xf32>
        %mul3A_570 = arith.constant -3.08754315E-5 : f32
        %mul3A_571 = vector.broadcast %mul3A_570 : f32 to vector<16xf32>
        %mul3A_572 = arith.mulf %mul3A_571, %div3A_553 : vector<16xf32>
        %add3A_573 = arith.constant -0.00519710407 : f32
        %add3A_574 = vector.broadcast %add3A_573 : f32 to vector<16xf32>
        %add3A_575 = arith.addf %add3A_574, %mul3A_572 : vector<16xf32>
        %mul3A_576 = arith.constant -4.513050e-05 : f32
        %mul3A_577 = vector.broadcast %mul3A_576 : f32 to vector<16xf32>
        %mul3A_578 = arith.mulf %mul3A_577, %div3A_553 : vector<16xf32>
        %add3A_579 = arith.constant 3.96936288E-4 : f32
        %add3A_580 = vector.broadcast %add3A_579 : f32 to vector<16xf32>
        %add3A_581 = arith.addf %add3A_580, %mul3A_578 : vector<16xf32>
        %mul3A_582 = arith.mulf %mul3A_554, %add3A_581 : vector<16xf32>
        %add3A_583 = arith.addf %add3A_575, %mul3A_582 : vector<16xf32>
        %mul3A_584 = arith.constant -7.23134917E-6 : f32
        %mul3A_585 = vector.broadcast %mul3A_584 : f32 to vector<16xf32>
        %mul3A_586 = arith.mulf %mul3A_555, %mul3A_585 : vector<16xf32>
        %add3A_587 = arith.addf %add3A_583, %mul3A_586 : vector<16xf32>
        %mul3A_588 = arith.mulf %mul3A_555, %add3A_587 : vector<16xf32>
        %add3A_589 = arith.addf %add3A_569, %mul3A_588 : vector<16xf32>
        %sub3A_590 = arith.constant 1.000000e+00 : f32
        %sub3A_591 = vector.broadcast %sub3A_590 : f32 to vector<16xf32>
        %sub3A_592 = arith.subf %sub3A_591, %get3A_543 : vector<16xf32>
        %mul3A_593 = arith.mulf %div3A_553, %sub3A_592 : vector<16xf32>
        %add3A_594 = arith.addf %mul3A_593, %add3A_589 : vector<16xf32>
        %sub3A_595 = arith.subf %div3A_553, %get3A_543 : vector<16xf32>
        %abs3A_596 = math.absf %sub3A_595 : vector<16xf32>
        %mul3A_597 = arith.constant 1.000000e+01 : f32
        %mul3A_598 = vector.broadcast %mul3A_597 : f32 to vector<16xf32>
        %mul3A_599 = arith.mulf %abs3A_596, %mul3A_598 : vector<16xf32>
        %convert_element_type3A_600 = arith.fptosi %mul3A_599 : vector<16xf32> to vector<16xi32>
        %min3A_601 = arith.constant 9 : i32
        %min3A_602 = vector.broadcast %min3A_601 : i32 to vector<16xi32>
        %min3A_603 = arith.minsi %convert_element_type3A_600, %min3A_602 : vector<16xi32>
        %mul3A_604 = arith.constant 16 : i32
        %mul3A_605 = vector.broadcast %mul3A_604 : i32 to vector<16xi32>
        %mul3A_606 = arith.muli %min3A_603, %mul3A_605 : vector<16xi32>
        %add3A_607 = arith.addi %mul3A_606, %iota3A : vector<16xi32>
        tpu.vector_store_idx %arg7[%add3A_607], %add3A_594 {add = true} : memref<160xf32, #tpu.memory_space<vmem>>[vector<16xi32>], vector<16xf32>,
        tpu.vector_store_idx %arg8[%add3A_607], %broadcast_in_dim3A_5 {add = true} : memref<160xf32, #tpu.memory_space<vmem>>[vector<16xi32>], vector<16xf32>,
        %get3A_608 = arith.index_cast %add3A_537 : i32 to index
        %get3A_609 = arith.constant 16 : index
        %get3A_610 = tpu.vector_load %arg5[%get3A_608, %get3A_609] {strides = array<i32>} : memref<184x80xf32, #tpu.memory_space<vmem>>, vector<16xf32>,
        %get3A_611 = arith.index_cast %add3A_537 : i32 to index
        %get3A_612 = arith.constant 16 : index
        %get3A_613 = tpu.vector_load %arg6[%get3A_611, %get3A_612] {strides = array<i32>} : memref<184x80xf32, #tpu.memory_space<vmem>>, vector<16xf32>,
        %neg3A_614 = arith.constant 0.000000e+00 : f32
        %neg3A_615 = vector.broadcast %neg3A_614 : f32 to vector<16xf32>
        %neg3A_616 = arith.subf %neg3A_615, %get3A_610 : vector<16xf32>
        %exp3A_617 = math.exp %neg3A_616 : vector<16xf32>
        %add3A_618 = arith.constant 1.000000e+00 : f32
        %add3A_619 = vector.broadcast %add3A_618 : f32 to vector<16xf32>
        %add3A_620 = arith.addf %add3A_619, %exp3A_617 : vector<16xf32>
        %div3A_621 = arith.constant 1.000000e+00 : f32
        %div3A_622 = vector.broadcast %div3A_621 : f32 to vector<16xf32>
        %div3A_623 = arith.divf %div3A_622, %add3A_620 : vector<16xf32>
        %mul3A_624 = arith.mulf %div3A_623, %div3A_623 : vector<16xf32>
        %mul3A_625 = arith.mulf %mul3A_624, %mul3A_624 : vector<16xf32>
        %mul3A_626 = arith.constant -5.000000e-01 : f32
        %mul3A_627 = vector.broadcast %mul3A_626 : f32 to vector<16xf32>
        %mul3A_628 = arith.mulf %mul3A_627, %div3A_623 : vector<16xf32>
        %add3A_629 = arith.constant 0.693147182 : f32
        %add3A_630 = vector.broadcast %add3A_629 : f32 to vector<16xf32>
        %add3A_631 = arith.addf %add3A_630, %mul3A_628 : vector<16xf32>
        %mul3A_632 = arith.constant -2.32767593E-6 : f32
        %mul3A_633 = vector.broadcast %mul3A_632 : f32 to vector<16xf32>
        %mul3A_634 = arith.mulf %mul3A_633, %div3A_623 : vector<16xf32>
        %add3A_635 = arith.constant 0.125000253 : f32
        %add3A_636 = vector.broadcast %add3A_635 : f32 to vector<16xf32>
        %add3A_637 = arith.addf %add3A_636, %mul3A_634 : vector<16xf32>
        %mul3A_638 = arith.mulf %mul3A_624, %add3A_637 : vector<16xf32>
        %add3A_639 = arith.addf %add3A_631, %mul3A_638 : vector<16xf32>
        %mul3A_640 = arith.constant -3.08754315E-5 : f32
        %mul3A_641 = vector.broadcast %mul3A_640 : f32 to vector<16xf32>
        %mul3A_642 = arith.mulf %mul3A_641, %div3A_623 : vector<16xf32>
        %add3A_643 = arith.constant -0.00519710407 : f32
        %add3A_644 = vector.broadcast %add3A_643 : f32 to vector<16xf32>
        %add3A_645 = arith.addf %add3A_644, %mul3A_642 : vector<16xf32>
        %mul3A_646 = arith.constant -4.513050e-05 : f32
        %mul3A_647 = vector.broadcast %mul3A_646 : f32 to vector<16xf32>
        %mul3A_648 = arith.mulf %mul3A_647, %div3A_623 : vector<16xf32>
        %add3A_649 = arith.constant 3.96936288E-4 : f32
        %add3A_650 = vector.broadcast %add3A_649 : f32 to vector<16xf32>
        %add3A_651 = arith.addf %add3A_650, %mul3A_648 : vector<16xf32>
        %mul3A_652 = arith.mulf %mul3A_624, %add3A_651 : vector<16xf32>
        %add3A_653 = arith.addf %add3A_645, %mul3A_652 : vector<16xf32>
        %mul3A_654 = arith.constant -7.23134917E-6 : f32
        %mul3A_655 = vector.broadcast %mul3A_654 : f32 to vector<16xf32>
        %mul3A_656 = arith.mulf %mul3A_625, %mul3A_655 : vector<16xf32>
        %add3A_657 = arith.addf %add3A_653, %mul3A_656 : vector<16xf32>
        %mul3A_658 = arith.mulf %mul3A_625, %add3A_657 : vector<16xf32>
        %add3A_659 = arith.addf %add3A_639, %mul3A_658 : vector<16xf32>
        %sub3A_660 = arith.constant 1.000000e+00 : f32
        %sub3A_661 = vector.broadcast %sub3A_660 : f32 to vector<16xf32>
        %sub3A_662 = arith.subf %sub3A_661, %get3A_613 : vector<16xf32>
        %mul3A_663 = arith.mulf %div3A_623, %sub3A_662 : vector<16xf32>
        %add3A_664 = arith.addf %mul3A_663, %add3A_659 : vector<16xf32>
        %sub3A_665 = arith.subf %div3A_623, %get3A_613 : vector<16xf32>
        %abs3A_666 = math.absf %sub3A_665 : vector<16xf32>
        %mul3A_667 = arith.constant 1.000000e+01 : f32
        %mul3A_668 = vector.broadcast %mul3A_667 : f32 to vector<16xf32>
        %mul3A_669 = arith.mulf %abs3A_666, %mul3A_668 : vector<16xf32>
        %convert_element_type3A_670 = arith.fptosi %mul3A_669 : vector<16xf32> to vector<16xi32>
        %min3A_671 = arith.constant 9 : i32
        %min3A_672 = vector.broadcast %min3A_671 : i32 to vector<16xi32>
        %min3A_673 = arith.minsi %convert_element_type3A_670, %min3A_672 : vector<16xi32>
        %mul3A_674 = arith.constant 16 : i32
        %mul3A_675 = vector.broadcast %mul3A_674 : i32 to vector<16xi32>
        %mul3A_676 = arith.muli %min3A_673, %mul3A_675 : vector<16xi32>
        %add3A_677 = arith.addi %mul3A_676, %iota3A : vector<16xi32>
        tpu.vector_store_idx %arg7[%add3A_677], %add3A_664 {add = true} : memref<160xf32, #tpu.memory_space<vmem>>[vector<16xi32>], vector<16xf32>,
        tpu.vector_store_idx %arg8[%add3A_677], %broadcast_in_dim3A_5 {add = true} : memref<160xf32, #tpu.memory_space<vmem>>[vector<16xi32>], vector<16xf32>,
        %get3A_678 = arith.index_cast %add3A_537 : i32 to index
        %get3A_679 = arith.constant 32 : index
        %get3A_680 = tpu.vector_load %arg5[%get3A_678, %get3A_679] {strides = array<i32>} : memref<184x80xf32, #tpu.memory_space<vmem>>, vector<16xf32>,
        %get3A_681 = arith.index_cast %add3A_537 : i32 to index
        %get3A_682 = arith.constant 32 : index
        %get3A_683 = tpu.vector_load %arg6[%get3A_681, %get3A_682] {strides = array<i32>} : memref<184x80xf32, #tpu.memory_space<vmem>>, vector<16xf32>,
        %neg3A_684 = arith.constant 0.000000e+00 : f32
        %neg3A_685 = vector.broadcast %neg3A_684 : f32 to vector<16xf32>
        %neg3A_686 = arith.subf %neg3A_685, %get3A_680 : vector<16xf32>
        %exp3A_687 = math.exp %neg3A_686 : vector<16xf32>
        %add3A_688 = arith.constant 1.000000e+00 : f32
        %add3A_689 = vector.broadcast %add3A_688 : f32 to vector<16xf32>
        %add3A_690 = arith.addf %add3A_689, %exp3A_687 : vector<16xf32>
        %div3A_691 = arith.constant 1.000000e+00 : f32
        %div3A_692 = vector.broadcast %div3A_691 : f32 to vector<16xf32>
        %div3A_693 = arith.divf %div3A_692, %add3A_690 : vector<16xf32>
        %mul3A_694 = arith.mulf %div3A_693, %div3A_693 : vector<16xf32>
        %mul3A_695 = arith.mulf %mul3A_694, %mul3A_694 : vector<16xf32>
        %mul3A_696 = arith.constant -5.000000e-01 : f32
        %mul3A_697 = vector.broadcast %mul3A_696 : f32 to vector<16xf32>
        %mul3A_698 = arith.mulf %mul3A_697, %div3A_693 : vector<16xf32>
        %add3A_699 = arith.constant 0.693147182 : f32
        %add3A_700 = vector.broadcast %add3A_699 : f32 to vector<16xf32>
        %add3A_701 = arith.addf %add3A_700, %mul3A_698 : vector<16xf32>
        %mul3A_702 = arith.constant -2.32767593E-6 : f32
        %mul3A_703 = vector.broadcast %mul3A_702 : f32 to vector<16xf32>
        %mul3A_704 = arith.mulf %mul3A_703, %div3A_693 : vector<16xf32>
        %add3A_705 = arith.constant 0.125000253 : f32
        %add3A_706 = vector.broadcast %add3A_705 : f32 to vector<16xf32>
        %add3A_707 = arith.addf %add3A_706, %mul3A_704 : vector<16xf32>
        %mul3A_708 = arith.mulf %mul3A_694, %add3A_707 : vector<16xf32>
        %add3A_709 = arith.addf %add3A_701, %mul3A_708 : vector<16xf32>
        %mul3A_710 = arith.constant -3.08754315E-5 : f32
        %mul3A_711 = vector.broadcast %mul3A_710 : f32 to vector<16xf32>
        %mul3A_712 = arith.mulf %mul3A_711, %div3A_693 : vector<16xf32>
        %add3A_713 = arith.constant -0.00519710407 : f32
        %add3A_714 = vector.broadcast %add3A_713 : f32 to vector<16xf32>
        %add3A_715 = arith.addf %add3A_714, %mul3A_712 : vector<16xf32>
        %mul3A_716 = arith.constant -4.513050e-05 : f32
        %mul3A_717 = vector.broadcast %mul3A_716 : f32 to vector<16xf32>
        %mul3A_718 = arith.mulf %mul3A_717, %div3A_693 : vector<16xf32>
        %add3A_719 = arith.constant 3.96936288E-4 : f32
        %add3A_720 = vector.broadcast %add3A_719 : f32 to vector<16xf32>
        %add3A_721 = arith.addf %add3A_720, %mul3A_718 : vector<16xf32>
        %mul3A_722 = arith.mulf %mul3A_694, %add3A_721 : vector<16xf32>
        %add3A_723 = arith.addf %add3A_715, %mul3A_722 : vector<16xf32>
        %mul3A_724 = arith.constant -7.23134917E-6 : f32
        %mul3A_725 = vector.broadcast %mul3A_724 : f32 to vector<16xf32>
        %mul3A_726 = arith.mulf %mul3A_695, %mul3A_725 : vector<16xf32>
        %add3A_727 = arith.addf %add3A_723, %mul3A_726 : vector<16xf32>
        %mul3A_728 = arith.mulf %mul3A_695, %add3A_727 : vector<16xf32>
        %add3A_729 = arith.addf %add3A_709, %mul3A_728 : vector<16xf32>
        %sub3A_730 = arith.constant 1.000000e+00 : f32
        %sub3A_731 = vector.broadcast %sub3A_730 : f32 to vector<16xf32>
        %sub3A_732 = arith.subf %sub3A_731, %get3A_683 : vector<16xf32>
        %mul3A_733 = arith.mulf %div3A_693, %sub3A_732 : vector<16xf32>
        %add3A_734 = arith.addf %mul3A_733, %add3A_729 : vector<16xf32>
        %sub3A_735 = arith.subf %div3A_693, %get3A_683 : vector<16xf32>
        %abs3A_736 = math.absf %sub3A_735 : vector<16xf32>
        %mul3A_737 = arith.constant 1.000000e+01 : f32
        %mul3A_738 = vector.broadcast %mul3A_737 : f32 to vector<16xf32>
        %mul3A_739 = arith.mulf %abs3A_736, %mul3A_738 : vector<16xf32>
        %convert_element_type3A_740 = arith.fptosi %mul3A_739 : vector<16xf32> to vector<16xi32>
        %min3A_741 = arith.constant 9 : i32
        %min3A_742 = vector.broadcast %min3A_741 : i32 to vector<16xi32>
        %min3A_743 = arith.minsi %convert_element_type3A_740, %min3A_742 : vector<16xi32>
        %mul3A_744 = arith.constant 16 : i32
        %mul3A_745 = vector.broadcast %mul3A_744 : i32 to vector<16xi32>
        %mul3A_746 = arith.muli %min3A_743, %mul3A_745 : vector<16xi32>
        %add3A_747 = arith.addi %mul3A_746, %iota3A : vector<16xi32>
        tpu.vector_store_idx %arg7[%add3A_747], %add3A_734 {add = true} : memref<160xf32, #tpu.memory_space<vmem>>[vector<16xi32>], vector<16xf32>,
        tpu.vector_store_idx %arg8[%add3A_747], %broadcast_in_dim3A_5 {add = true} : memref<160xf32, #tpu.memory_space<vmem>>[vector<16xi32>], vector<16xf32>,
        %get3A_748 = arith.index_cast %add3A_537 : i32 to index
        %get3A_749 = arith.constant 48 : index
        %get3A_750 = tpu.vector_load %arg5[%get3A_748, %get3A_749] {strides = array<i32>} : memref<184x80xf32, #tpu.memory_space<vmem>>, vector<16xf32>,
        %get3A_751 = arith.index_cast %add3A_537 : i32 to index
        %get3A_752 = arith.constant 48 : index
        %get3A_753 = tpu.vector_load %arg6[%get3A_751, %get3A_752] {strides = array<i32>} : memref<184x80xf32, #tpu.memory_space<vmem>>, vector<16xf32>,
        %neg3A_754 = arith.constant 0.000000e+00 : f32
        %neg3A_755 = vector.broadcast %neg3A_754 : f32 to vector<16xf32>
        %neg3A_756 = arith.subf %neg3A_755, %get3A_750 : vector<16xf32>
        %exp3A_757 = math.exp %neg3A_756 : vector<16xf32>
        %add3A_758 = arith.constant 1.000000e+00 : f32
        %add3A_759 = vector.broadcast %add3A_758 : f32 to vector<16xf32>
        %add3A_760 = arith.addf %add3A_759, %exp3A_757 : vector<16xf32>
        %div3A_761 = arith.constant 1.000000e+00 : f32
        %div3A_762 = vector.broadcast %div3A_761 : f32 to vector<16xf32>
        %div3A_763 = arith.divf %div3A_762, %add3A_760 : vector<16xf32>
        %mul3A_764 = arith.mulf %div3A_763, %div3A_763 : vector<16xf32>
        %mul3A_765 = arith.mulf %mul3A_764, %mul3A_764 : vector<16xf32>
        %mul3A_766 = arith.constant -5.000000e-01 : f32
        %mul3A_767 = vector.broadcast %mul3A_766 : f32 to vector<16xf32>
        %mul3A_768 = arith.mulf %mul3A_767, %div3A_763 : vector<16xf32>
        %add3A_769 = arith.constant 0.693147182 : f32
        %add3A_770 = vector.broadcast %add3A_769 : f32 to vector<16xf32>
        %add3A_771 = arith.addf %add3A_770, %mul3A_768 : vector<16xf32>
        %mul3A_772 = arith.constant -2.32767593E-6 : f32
        %mul3A_773 = vector.broadcast %mul3A_772 : f32 to vector<16xf32>
        %mul3A_774 = arith.mulf %mul3A_773, %div3A_763 : vector<16xf32>
        %add3A_775 = arith.constant 0.125000253 : f32
        %add3A_776 = vector.broadcast %add3A_775 : f32 to vector<16xf32>
        %add3A_777 = arith.addf %add3A_776, %mul3A_774 : vector<16xf32>
        %mul3A_778 = arith.mulf %mul3A_764, %add3A_777 : vector<16xf32>
        %add3A_779 = arith.addf %add3A_771, %mul3A_778 : vector<16xf32>
        %mul3A_780 = arith.constant -3.08754315E-5 : f32
        %mul3A_781 = vector.broadcast %mul3A_780 : f32 to vector<16xf32>
        %mul3A_782 = arith.mulf %mul3A_781, %div3A_763 : vector<16xf32>
        %add3A_783 = arith.constant -0.00519710407 : f32
        %add3A_784 = vector.broadcast %add3A_783 : f32 to vector<16xf32>
        %add3A_785 = arith.addf %add3A_784, %mul3A_782 : vector<16xf32>
        %mul3A_786 = arith.constant -4.513050e-05 : f32
        %mul3A_787 = vector.broadcast %mul3A_786 : f32 to vector<16xf32>
        %mul3A_788 = arith.mulf %mul3A_787, %div3A_763 : vector<16xf32>
        %add3A_789 = arith.constant 3.96936288E-4 : f32
        %add3A_790 = vector.broadcast %add3A_789 : f32 to vector<16xf32>
        %add3A_791 = arith.addf %add3A_790, %mul3A_788 : vector<16xf32>
        %mul3A_792 = arith.mulf %mul3A_764, %add3A_791 : vector<16xf32>
        %add3A_793 = arith.addf %add3A_785, %mul3A_792 : vector<16xf32>
        %mul3A_794 = arith.constant -7.23134917E-6 : f32
        %mul3A_795 = vector.broadcast %mul3A_794 : f32 to vector<16xf32>
        %mul3A_796 = arith.mulf %mul3A_765, %mul3A_795 : vector<16xf32>
        %add3A_797 = arith.addf %add3A_793, %mul3A_796 : vector<16xf32>
        %mul3A_798 = arith.mulf %mul3A_765, %add3A_797 : vector<16xf32>
        %add3A_799 = arith.addf %add3A_779, %mul3A_798 : vector<16xf32>
        %sub3A_800 = arith.constant 1.000000e+00 : f32
        %sub3A_801 = vector.broadcast %sub3A_800 : f32 to vector<16xf32>
        %sub3A_802 = arith.subf %sub3A_801, %get3A_753 : vector<16xf32>
        %mul3A_803 = arith.mulf %div3A_763, %sub3A_802 : vector<16xf32>
        %add3A_804 = arith.addf %mul3A_803, %add3A_799 : vector<16xf32>
        %sub3A_805 = arith.subf %div3A_763, %get3A_753 : vector<16xf32>
        %abs3A_806 = math.absf %sub3A_805 : vector<16xf32>
        %mul3A_807 = arith.constant 1.000000e+01 : f32
        %mul3A_808 = vector.broadcast %mul3A_807 : f32 to vector<16xf32>
        %mul3A_809 = arith.mulf %abs3A_806, %mul3A_808 : vector<16xf32>
        %convert_element_type3A_810 = arith.fptosi %mul3A_809 : vector<16xf32> to vector<16xi32>
        %min3A_811 = arith.constant 9 : i32
        %min3A_812 = vector.broadcast %min3A_811 : i32 to vector<16xi32>
        %min3A_813 = arith.minsi %convert_element_type3A_810, %min3A_812 : vector<16xi32>
        %mul3A_814 = arith.constant 16 : i32
        %mul3A_815 = vector.broadcast %mul3A_814 : i32 to vector<16xi32>
        %mul3A_816 = arith.muli %min3A_813, %mul3A_815 : vector<16xi32>
        %add3A_817 = arith.addi %mul3A_816, %iota3A : vector<16xi32>
        tpu.vector_store_idx %arg7[%add3A_817], %add3A_804 {add = true} : memref<160xf32, #tpu.memory_space<vmem>>[vector<16xi32>], vector<16xf32>,
        tpu.vector_store_idx %arg8[%add3A_817], %broadcast_in_dim3A_5 {add = true} : memref<160xf32, #tpu.memory_space<vmem>>[vector<16xi32>], vector<16xf32>,
        %get3A_818 = arith.index_cast %add3A_537 : i32 to index
        %get3A_819 = arith.constant 64 : index
        %get3A_820 = tpu.vector_load %arg5[%get3A_818, %get3A_819] {strides = array<i32>} : memref<184x80xf32, #tpu.memory_space<vmem>>, vector<16xf32>,
        %get3A_821 = arith.index_cast %add3A_537 : i32 to index
        %get3A_822 = arith.constant 64 : index
        %get3A_823 = tpu.vector_load %arg6[%get3A_821, %get3A_822] {strides = array<i32>} : memref<184x80xf32, #tpu.memory_space<vmem>>, vector<16xf32>,
        %neg3A_824 = arith.constant 0.000000e+00 : f32
        %neg3A_825 = vector.broadcast %neg3A_824 : f32 to vector<16xf32>
        %neg3A_826 = arith.subf %neg3A_825, %get3A_820 : vector<16xf32>
        %exp3A_827 = math.exp %neg3A_826 : vector<16xf32>
        %add3A_828 = arith.constant 1.000000e+00 : f32
        %add3A_829 = vector.broadcast %add3A_828 : f32 to vector<16xf32>
        %add3A_830 = arith.addf %add3A_829, %exp3A_827 : vector<16xf32>
        %div3A_831 = arith.constant 1.000000e+00 : f32
        %div3A_832 = vector.broadcast %div3A_831 : f32 to vector<16xf32>
        %div3A_833 = arith.divf %div3A_832, %add3A_830 : vector<16xf32>
        %mul3A_834 = arith.mulf %div3A_833, %div3A_833 : vector<16xf32>
        %mul3A_835 = arith.mulf %mul3A_834, %mul3A_834 : vector<16xf32>
        %mul3A_836 = arith.constant -5.000000e-01 : f32
        %mul3A_837 = vector.broadcast %mul3A_836 : f32 to vector<16xf32>
        %mul3A_838 = arith.mulf %mul3A_837, %div3A_833 : vector<16xf32>
        %add3A_839 = arith.constant 0.693147182 : f32
        %add3A_840 = vector.broadcast %add3A_839 : f32 to vector<16xf32>
        %add3A_841 = arith.addf %add3A_840, %mul3A_838 : vector<16xf32>
        %mul3A_842 = arith.constant -2.32767593E-6 : f32
        %mul3A_843 = vector.broadcast %mul3A_842 : f32 to vector<16xf32>
        %mul3A_844 = arith.mulf %mul3A_843, %div3A_833 : vector<16xf32>
        %add3A_845 = arith.constant 0.125000253 : f32
        %add3A_846 = vector.broadcast %add3A_845 : f32 to vector<16xf32>
        %add3A_847 = arith.addf %add3A_846, %mul3A_844 : vector<16xf32>
        %mul3A_848 = arith.mulf %mul3A_834, %add3A_847 : vector<16xf32>
        %add3A_849 = arith.addf %add3A_841, %mul3A_848 : vector<16xf32>
        %mul3A_850 = arith.constant -3.08754315E-5 : f32
        %mul3A_851 = vector.broadcast %mul3A_850 : f32 to vector<16xf32>
        %mul3A_852 = arith.mulf %mul3A_851, %div3A_833 : vector<16xf32>
        %add3A_853 = arith.constant -0.00519710407 : f32
        %add3A_854 = vector.broadcast %add3A_853 : f32 to vector<16xf32>
        %add3A_855 = arith.addf %add3A_854, %mul3A_852 : vector<16xf32>
        %mul3A_856 = arith.constant -4.513050e-05 : f32
        %mul3A_857 = vector.broadcast %mul3A_856 : f32 to vector<16xf32>
        %mul3A_858 = arith.mulf %mul3A_857, %div3A_833 : vector<16xf32>
        %add3A_859 = arith.constant 3.96936288E-4 : f32
        %add3A_860 = vector.broadcast %add3A_859 : f32 to vector<16xf32>
        %add3A_861 = arith.addf %add3A_860, %mul3A_858 : vector<16xf32>
        %mul3A_862 = arith.mulf %mul3A_834, %add3A_861 : vector<16xf32>
        %add3A_863 = arith.addf %add3A_855, %mul3A_862 : vector<16xf32>
        %mul3A_864 = arith.constant -7.23134917E-6 : f32
        %mul3A_865 = vector.broadcast %mul3A_864 : f32 to vector<16xf32>
        %mul3A_866 = arith.mulf %mul3A_835, %mul3A_865 : vector<16xf32>
        %add3A_867 = arith.addf %add3A_863, %mul3A_866 : vector<16xf32>
        %mul3A_868 = arith.mulf %mul3A_835, %add3A_867 : vector<16xf32>
        %add3A_869 = arith.addf %add3A_849, %mul3A_868 : vector<16xf32>
        %sub3A_870 = arith.constant 1.000000e+00 : f32
        %sub3A_871 = vector.broadcast %sub3A_870 : f32 to vector<16xf32>
        %sub3A_872 = arith.subf %sub3A_871, %get3A_823 : vector<16xf32>
        %mul3A_873 = arith.mulf %div3A_833, %sub3A_872 : vector<16xf32>
        %add3A_874 = arith.addf %mul3A_873, %add3A_869 : vector<16xf32>
        %sub3A_875 = arith.subf %div3A_833, %get3A_823 : vector<16xf32>
        %abs3A_876 = math.absf %sub3A_875 : vector<16xf32>
        %mul3A_877 = arith.constant 1.000000e+01 : f32
        %mul3A_878 = vector.broadcast %mul3A_877 : f32 to vector<16xf32>
        %mul3A_879 = arith.mulf %abs3A_876, %mul3A_878 : vector<16xf32>
        %convert_element_type3A_880 = arith.fptosi %mul3A_879 : vector<16xf32> to vector<16xi32>
        %min3A_881 = arith.constant 9 : i32
        %min3A_882 = vector.broadcast %min3A_881 : i32 to vector<16xi32>
        %min3A_883 = arith.minsi %convert_element_type3A_880, %min3A_882 : vector<16xi32>
        %mul3A_884 = arith.constant 16 : i32
        %mul3A_885 = vector.broadcast %mul3A_884 : i32 to vector<16xi32>
        %mul3A_886 = arith.muli %min3A_883, %mul3A_885 : vector<16xi32>
        %add3A_887 = arith.addi %mul3A_886, %iota3A : vector<16xi32>
        tpu.vector_store_idx %arg7[%add3A_887], %add3A_874 {add = true} : memref<160xf32, #tpu.memory_space<vmem>>[vector<16xi32>], vector<16xf32>,
        tpu.vector_store_idx %arg8[%add3A_887], %broadcast_in_dim3A_5 {add = true} : memref<160xf32, #tpu.memory_space<vmem>>[vector<16xi32>], vector<16xf32>,
        %mul3A_888 = arith.constant 4 : i32
        %mul3A_889 = arith.muli %scan3A_185, %mul3A_888 : i32
        %add3A_890 = arith.constant 2 : i32
        %add3A_891 = arith.addi %mul3A_889, %add3A_890 : i32
        %get3A_892 = arith.index_cast %add3A_891 : i32 to index
        %get3A_893 = arith.constant 0 : index
        %get3A_894 = tpu.vector_load %arg5[%get3A_892, %get3A_893] {strides = array<i32>} : memref<184x80xf32, #tpu.memory_space<vmem>>, vector<16xf32>,
        %get3A_895 = arith.index_cast %add3A_891 : i32 to index
        %get3A_896 = arith.constant 0 : index
        %get3A_897 = tpu.vector_load %arg6[%get3A_895, %get3A_896] {strides = array<i32>} : memref<184x80xf32, #tpu.memory_space<vmem>>, vector<16xf32>,
        %neg3A_898 = arith.constant 0.000000e+00 : f32
        %neg3A_899 = vector.broadcast %neg3A_898 : f32 to vector<16xf32>
        %neg3A_900 = arith.subf %neg3A_899, %get3A_894 : vector<16xf32>
        %exp3A_901 = math.exp %neg3A_900 : vector<16xf32>
        %add3A_902 = arith.constant 1.000000e+00 : f32
        %add3A_903 = vector.broadcast %add3A_902 : f32 to vector<16xf32>
        %add3A_904 = arith.addf %add3A_903, %exp3A_901 : vector<16xf32>
        %div3A_905 = arith.constant 1.000000e+00 : f32
        %div3A_906 = vector.broadcast %div3A_905 : f32 to vector<16xf32>
        %div3A_907 = arith.divf %div3A_906, %add3A_904 : vector<16xf32>
        %mul3A_908 = arith.mulf %div3A_907, %div3A_907 : vector<16xf32>
        %mul3A_909 = arith.mulf %mul3A_908, %mul3A_908 : vector<16xf32>
        %mul3A_910 = arith.constant -5.000000e-01 : f32
        %mul3A_911 = vector.broadcast %mul3A_910 : f32 to vector<16xf32>
        %mul3A_912 = arith.mulf %mul3A_911, %div3A_907 : vector<16xf32>
        %add3A_913 = arith.constant 0.693147182 : f32
        %add3A_914 = vector.broadcast %add3A_913 : f32 to vector<16xf32>
        %add3A_915 = arith.addf %add3A_914, %mul3A_912 : vector<16xf32>
        %mul3A_916 = arith.constant -2.32767593E-6 : f32
        %mul3A_917 = vector.broadcast %mul3A_916 : f32 to vector<16xf32>
        %mul3A_918 = arith.mulf %mul3A_917, %div3A_907 : vector<16xf32>
        %add3A_919 = arith.constant 0.125000253 : f32
        %add3A_920 = vector.broadcast %add3A_919 : f32 to vector<16xf32>
        %add3A_921 = arith.addf %add3A_920, %mul3A_918 : vector<16xf32>
        %mul3A_922 = arith.mulf %mul3A_908, %add3A_921 : vector<16xf32>
        %add3A_923 = arith.addf %add3A_915, %mul3A_922 : vector<16xf32>
        %mul3A_924 = arith.constant -3.08754315E-5 : f32
        %mul3A_925 = vector.broadcast %mul3A_924 : f32 to vector<16xf32>
        %mul3A_926 = arith.mulf %mul3A_925, %div3A_907 : vector<16xf32>
        %add3A_927 = arith.constant -0.00519710407 : f32
        %add3A_928 = vector.broadcast %add3A_927 : f32 to vector<16xf32>
        %add3A_929 = arith.addf %add3A_928, %mul3A_926 : vector<16xf32>
        %mul3A_930 = arith.constant -4.513050e-05 : f32
        %mul3A_931 = vector.broadcast %mul3A_930 : f32 to vector<16xf32>
        %mul3A_932 = arith.mulf %mul3A_931, %div3A_907 : vector<16xf32>
        %add3A_933 = arith.constant 3.96936288E-4 : f32
        %add3A_934 = vector.broadcast %add3A_933 : f32 to vector<16xf32>
        %add3A_935 = arith.addf %add3A_934, %mul3A_932 : vector<16xf32>
        %mul3A_936 = arith.mulf %mul3A_908, %add3A_935 : vector<16xf32>
        %add3A_937 = arith.addf %add3A_929, %mul3A_936 : vector<16xf32>
        %mul3A_938 = arith.constant -7.23134917E-6 : f32
        %mul3A_939 = vector.broadcast %mul3A_938 : f32 to vector<16xf32>
        %mul3A_940 = arith.mulf %mul3A_909, %mul3A_939 : vector<16xf32>
        %add3A_941 = arith.addf %add3A_937, %mul3A_940 : vector<16xf32>
        %mul3A_942 = arith.mulf %mul3A_909, %add3A_941 : vector<16xf32>
        %add3A_943 = arith.addf %add3A_923, %mul3A_942 : vector<16xf32>
        %sub3A_944 = arith.constant 1.000000e+00 : f32
        %sub3A_945 = vector.broadcast %sub3A_944 : f32 to vector<16xf32>
        %sub3A_946 = arith.subf %sub3A_945, %get3A_897 : vector<16xf32>
        %mul3A_947 = arith.mulf %div3A_907, %sub3A_946 : vector<16xf32>
        %add3A_948 = arith.addf %mul3A_947, %add3A_943 : vector<16xf32>
        %sub3A_949 = arith.subf %div3A_907, %get3A_897 : vector<16xf32>
        %abs3A_950 = math.absf %sub3A_949 : vector<16xf32>
        %mul3A_951 = arith.constant 1.000000e+01 : f32
        %mul3A_952 = vector.broadcast %mul3A_951 : f32 to vector<16xf32>
        %mul3A_953 = arith.mulf %abs3A_950, %mul3A_952 : vector<16xf32>
        %convert_element_type3A_954 = arith.fptosi %mul3A_953 : vector<16xf32> to vector<16xi32>
        %min3A_955 = arith.constant 9 : i32
        %min3A_956 = vector.broadcast %min3A_955 : i32 to vector<16xi32>
        %min3A_957 = arith.minsi %convert_element_type3A_954, %min3A_956 : vector<16xi32>
        %mul3A_958 = arith.constant 16 : i32
        %mul3A_959 = vector.broadcast %mul3A_958 : i32 to vector<16xi32>
        %mul3A_960 = arith.muli %min3A_957, %mul3A_959 : vector<16xi32>
        %add3A_961 = arith.addi %mul3A_960, %iota3A : vector<16xi32>
        tpu.vector_store_idx %arg7[%add3A_961], %add3A_948 {add = true} : memref<160xf32, #tpu.memory_space<vmem>>[vector<16xi32>], vector<16xf32>,
        tpu.vector_store_idx %arg8[%add3A_961], %broadcast_in_dim3A_5 {add = true} : memref<160xf32, #tpu.memory_space<vmem>>[vector<16xi32>], vector<16xf32>,
        %get3A_962 = arith.index_cast %add3A_891 : i32 to index
        %get3A_963 = arith.constant 16 : index
        %get3A_964 = tpu.vector_load %arg5[%get3A_962, %get3A_963] {strides = array<i32>} : memref<184x80xf32, #tpu.memory_space<vmem>>, vector<16xf32>,
        %get3A_965 = arith.index_cast %add3A_891 : i32 to index
        %get3A_966 = arith.constant 16 : index
        %get3A_967 = tpu.vector_load %arg6[%get3A_965, %get3A_966] {strides = array<i32>} : memref<184x80xf32, #tpu.memory_space<vmem>>, vector<16xf32>,
        %neg3A_968 = arith.constant 0.000000e+00 : f32
        %neg3A_969 = vector.broadcast %neg3A_968 : f32 to vector<16xf32>
        %neg3A_970 = arith.subf %neg3A_969, %get3A_964 : vector<16xf32>
        %exp3A_971 = math.exp %neg3A_970 : vector<16xf32>
        %add3A_972 = arith.constant 1.000000e+00 : f32
        %add3A_973 = vector.broadcast %add3A_972 : f32 to vector<16xf32>
        %add3A_974 = arith.addf %add3A_973, %exp3A_971 : vector<16xf32>
        %div3A_975 = arith.constant 1.000000e+00 : f32
        %div3A_976 = vector.broadcast %div3A_975 : f32 to vector<16xf32>
        %div3A_977 = arith.divf %div3A_976, %add3A_974 : vector<16xf32>
        %mul3A_978 = arith.mulf %div3A_977, %div3A_977 : vector<16xf32>
        %mul3A_979 = arith.mulf %mul3A_978, %mul3A_978 : vector<16xf32>
        %mul3A_980 = arith.constant -5.000000e-01 : f32
        %mul3A_981 = vector.broadcast %mul3A_980 : f32 to vector<16xf32>
        %mul3A_982 = arith.mulf %mul3A_981, %div3A_977 : vector<16xf32>
        %add3A_983 = arith.constant 0.693147182 : f32
        %add3A_984 = vector.broadcast %add3A_983 : f32 to vector<16xf32>
        %add3A_985 = arith.addf %add3A_984, %mul3A_982 : vector<16xf32>
        %mul3A_986 = arith.constant -2.32767593E-6 : f32
        %mul3A_987 = vector.broadcast %mul3A_986 : f32 to vector<16xf32>
        %mul3A_988 = arith.mulf %mul3A_987, %div3A_977 : vector<16xf32>
        %add3A_989 = arith.constant 0.125000253 : f32
        %add3A_990 = vector.broadcast %add3A_989 : f32 to vector<16xf32>
        %add3A_991 = arith.addf %add3A_990, %mul3A_988 : vector<16xf32>
        %mul3A_992 = arith.mulf %mul3A_978, %add3A_991 : vector<16xf32>
        %add3A_993 = arith.addf %add3A_985, %mul3A_992 : vector<16xf32>
        %mul3A_994 = arith.constant -3.08754315E-5 : f32
        %mul3A_995 = vector.broadcast %mul3A_994 : f32 to vector<16xf32>
        %mul3A_996 = arith.mulf %mul3A_995, %div3A_977 : vector<16xf32>
        %add3A_997 = arith.constant -0.00519710407 : f32
        %add3A_998 = vector.broadcast %add3A_997 : f32 to vector<16xf32>
        %add3A_999 = arith.addf %add3A_998, %mul3A_996 : vector<16xf32>
        %mul3A_1000 = arith.constant -4.513050e-05 : f32
        %mul3A_1001 = vector.broadcast %mul3A_1000 : f32 to vector<16xf32>
        %mul3A_1002 = arith.mulf %mul3A_1001, %div3A_977 : vector<16xf32>
        %add3A_1003 = arith.constant 3.96936288E-4 : f32
        %add3A_1004 = vector.broadcast %add3A_1003 : f32 to vector<16xf32>
        %add3A_1005 = arith.addf %add3A_1004, %mul3A_1002 : vector<16xf32>
        %mul3A_1006 = arith.mulf %mul3A_978, %add3A_1005 : vector<16xf32>
        %add3A_1007 = arith.addf %add3A_999, %mul3A_1006 : vector<16xf32>
        %mul3A_1008 = arith.constant -7.23134917E-6 : f32
        %mul3A_1009 = vector.broadcast %mul3A_1008 : f32 to vector<16xf32>
        %mul3A_1010 = arith.mulf %mul3A_979, %mul3A_1009 : vector<16xf32>
        %add3A_1011 = arith.addf %add3A_1007, %mul3A_1010 : vector<16xf32>
        %mul3A_1012 = arith.mulf %mul3A_979, %add3A_1011 : vector<16xf32>
        %add3A_1013 = arith.addf %add3A_993, %mul3A_1012 : vector<16xf32>
        %sub3A_1014 = arith.constant 1.000000e+00 : f32
        %sub3A_1015 = vector.broadcast %sub3A_1014 : f32 to vector<16xf32>
        %sub3A_1016 = arith.subf %sub3A_1015, %get3A_967 : vector<16xf32>
        %mul3A_1017 = arith.mulf %div3A_977, %sub3A_1016 : vector<16xf32>
        %add3A_1018 = arith.addf %mul3A_1017, %add3A_1013 : vector<16xf32>
        %sub3A_1019 = arith.subf %div3A_977, %get3A_967 : vector<16xf32>
        %abs3A_1020 = math.absf %sub3A_1019 : vector<16xf32>
        %mul3A_1021 = arith.constant 1.000000e+01 : f32
        %mul3A_1022 = vector.broadcast %mul3A_1021 : f32 to vector<16xf32>
        %mul3A_1023 = arith.mulf %abs3A_1020, %mul3A_1022 : vector<16xf32>
        %convert_element_type3A_1024 = arith.fptosi %mul3A_1023 : vector<16xf32> to vector<16xi32>
        %min3A_1025 = arith.constant 9 : i32
        %min3A_1026 = vector.broadcast %min3A_1025 : i32 to vector<16xi32>
        %min3A_1027 = arith.minsi %convert_element_type3A_1024, %min3A_1026 : vector<16xi32>
        %mul3A_1028 = arith.constant 16 : i32
        %mul3A_1029 = vector.broadcast %mul3A_1028 : i32 to vector<16xi32>
        %mul3A_1030 = arith.muli %min3A_1027, %mul3A_1029 : vector<16xi32>
        %add3A_1031 = arith.addi %mul3A_1030, %iota3A : vector<16xi32>
        tpu.vector_store_idx %arg7[%add3A_1031], %add3A_1018 {add = true} : memref<160xf32, #tpu.memory_space<vmem>>[vector<16xi32>], vector<16xf32>,
        tpu.vector_store_idx %arg8[%add3A_1031], %broadcast_in_dim3A_5 {add = true} : memref<160xf32, #tpu.memory_space<vmem>>[vector<16xi32>], vector<16xf32>,
        %get3A_1032 = arith.index_cast %add3A_891 : i32 to index
        %get3A_1033 = arith.constant 32 : index
        %get3A_1034 = tpu.vector_load %arg5[%get3A_1032, %get3A_1033] {strides = array<i32>} : memref<184x80xf32, #tpu.memory_space<vmem>>, vector<16xf32>,
        %get3A_1035 = arith.index_cast %add3A_891 : i32 to index
        %get3A_1036 = arith.constant 32 : index
        %get3A_1037 = tpu.vector_load %arg6[%get3A_1035, %get3A_1036] {strides = array<i32>} : memref<184x80xf32, #tpu.memory_space<vmem>>, vector<16xf32>,
        %neg3A_1038 = arith.constant 0.000000e+00 : f32
        %neg3A_1039 = vector.broadcast %neg3A_1038 : f32 to vector<16xf32>
        %neg3A_1040 = arith.subf %neg3A_1039, %get3A_1034 : vector<16xf32>
        %exp3A_1041 = math.exp %neg3A_1040 : vector<16xf32>
        %add3A_1042 = arith.constant 1.000000e+00 : f32
        %add3A_1043 = vector.broadcast %add3A_1042 : f32 to vector<16xf32>
        %add3A_1044 = arith.addf %add3A_1043, %exp3A_1041 : vector<16xf32>
        %div3A_1045 = arith.constant 1.000000e+00 : f32
        %div3A_1046 = vector.broadcast %div3A_1045 : f32 to vector<16xf32>
        %div3A_1047 = arith.divf %div3A_1046, %add3A_1044 : vector<16xf32>
        %mul3A_1048 = arith.mulf %div3A_1047, %div3A_1047 : vector<16xf32>
        %mul3A_1049 = arith.mulf %mul3A_1048, %mul3A_1048 : vector<16xf32>
        %mul3A_1050 = arith.constant -5.000000e-01 : f32
        %mul3A_1051 = vector.broadcast %mul3A_1050 : f32 to vector<16xf32>
        %mul3A_1052 = arith.mulf %mul3A_1051, %div3A_1047 : vector<16xf32>
        %add3A_1053 = arith.constant 0.693147182 : f32
        %add3A_1054 = vector.broadcast %add3A_1053 : f32 to vector<16xf32>
        %add3A_1055 = arith.addf %add3A_1054, %mul3A_1052 : vector<16xf32>
        %mul3A_1056 = arith.constant -2.32767593E-6 : f32
        %mul3A_1057 = vector.broadcast %mul3A_1056 : f32 to vector<16xf32>
        %mul3A_1058 = arith.mulf %mul3A_1057, %div3A_1047 : vector<16xf32>
        %add3A_1059 = arith.constant 0.125000253 : f32
        %add3A_1060 = vector.broadcast %add3A_1059 : f32 to vector<16xf32>
        %add3A_1061 = arith.addf %add3A_1060, %mul3A_1058 : vector<16xf32>
        %mul3A_1062 = arith.mulf %mul3A_1048, %add3A_1061 : vector<16xf32>
        %add3A_1063 = arith.addf %add3A_1055, %mul3A_1062 : vector<16xf32>
        %mul3A_1064 = arith.constant -3.08754315E-5 : f32
        %mul3A_1065 = vector.broadcast %mul3A_1064 : f32 to vector<16xf32>
        %mul3A_1066 = arith.mulf %mul3A_1065, %div3A_1047 : vector<16xf32>
        %add3A_1067 = arith.constant -0.00519710407 : f32
        %add3A_1068 = vector.broadcast %add3A_1067 : f32 to vector<16xf32>
        %add3A_1069 = arith.addf %add3A_1068, %mul3A_1066 : vector<16xf32>
        %mul3A_1070 = arith.constant -4.513050e-05 : f32
        %mul3A_1071 = vector.broadcast %mul3A_1070 : f32 to vector<16xf32>
        %mul3A_1072 = arith.mulf %mul3A_1071, %div3A_1047 : vector<16xf32>
        %add3A_1073 = arith.constant 3.96936288E-4 : f32
        %add3A_1074 = vector.broadcast %add3A_1073 : f32 to vector<16xf32>
        %add3A_1075 = arith.addf %add3A_1074, %mul3A_1072 : vector<16xf32>
        %mul3A_1076 = arith.mulf %mul3A_1048, %add3A_1075 : vector<16xf32>
        %add3A_1077 = arith.addf %add3A_1069, %mul3A_1076 : vector<16xf32>
        %mul3A_1078 = arith.constant -7.23134917E-6 : f32
        %mul3A_1079 = vector.broadcast %mul3A_1078 : f32 to vector<16xf32>
        %mul3A_1080 = arith.mulf %mul3A_1049, %mul3A_1079 : vector<16xf32>
        %add3A_1081 = arith.addf %add3A_1077, %mul3A_1080 : vector<16xf32>
        %mul3A_1082 = arith.mulf %mul3A_1049, %add3A_1081 : vector<16xf32>
        %add3A_1083 = arith.addf %add3A_1063, %mul3A_1082 : vector<16xf32>
        %sub3A_1084 = arith.constant 1.000000e+00 : f32
        %sub3A_1085 = vector.broadcast %sub3A_1084 : f32 to vector<16xf32>
        %sub3A_1086 = arith.subf %sub3A_1085, %get3A_1037 : vector<16xf32>
        %mul3A_1087 = arith.mulf %div3A_1047, %sub3A_1086 : vector<16xf32>
        %add3A_1088 = arith.addf %mul3A_1087, %add3A_1083 : vector<16xf32>
        %sub3A_1089 = arith.subf %div3A_1047, %get3A_1037 : vector<16xf32>
        %abs3A_1090 = math.absf %sub3A_1089 : vector<16xf32>
        %mul3A_1091 = arith.constant 1.000000e+01 : f32
        %mul3A_1092 = vector.broadcast %mul3A_1091 : f32 to vector<16xf32>
        %mul3A_1093 = arith.mulf %abs3A_1090, %mul3A_1092 : vector<16xf32>
        %convert_element_type3A_1094 = arith.fptosi %mul3A_1093 : vector<16xf32> to vector<16xi32>
        %min3A_1095 = arith.constant 9 : i32
        %min3A_1096 = vector.broadcast %min3A_1095 : i32 to vector<16xi32>
        %min3A_1097 = arith.minsi %convert_element_type3A_1094, %min3A_1096 : vector<16xi32>
        %mul3A_1098 = arith.constant 16 : i32
        %mul3A_1099 = vector.broadcast %mul3A_1098 : i32 to vector<16xi32>
        %mul3A_1100 = arith.muli %min3A_1097, %mul3A_1099 : vector<16xi32>
        %add3A_1101 = arith.addi %mul3A_1100, %iota3A : vector<16xi32>
        tpu.vector_store_idx %arg7[%add3A_1101], %add3A_1088 {add = true} : memref<160xf32, #tpu.memory_space<vmem>>[vector<16xi32>], vector<16xf32>,
        tpu.vector_store_idx %arg8[%add3A_1101], %broadcast_in_dim3A_5 {add = true} : memref<160xf32, #tpu.memory_space<vmem>>[vector<16xi32>], vector<16xf32>,
        %get3A_1102 = arith.index_cast %add3A_891 : i32 to index
        %get3A_1103 = arith.constant 48 : index
        %get3A_1104 = tpu.vector_load %arg5[%get3A_1102, %get3A_1103] {strides = array<i32>} : memref<184x80xf32, #tpu.memory_space<vmem>>, vector<16xf32>,
        %get3A_1105 = arith.index_cast %add3A_891 : i32 to index
        %get3A_1106 = arith.constant 48 : index
        %get3A_1107 = tpu.vector_load %arg6[%get3A_1105, %get3A_1106] {strides = array<i32>} : memref<184x80xf32, #tpu.memory_space<vmem>>, vector<16xf32>,
        %neg3A_1108 = arith.constant 0.000000e+00 : f32
        %neg3A_1109 = vector.broadcast %neg3A_1108 : f32 to vector<16xf32>
        %neg3A_1110 = arith.subf %neg3A_1109, %get3A_1104 : vector<16xf32>
        %exp3A_1111 = math.exp %neg3A_1110 : vector<16xf32>
        %add3A_1112 = arith.constant 1.000000e+00 : f32
        %add3A_1113 = vector.broadcast %add3A_1112 : f32 to vector<16xf32>
        %add3A_1114 = arith.addf %add3A_1113, %exp3A_1111 : vector<16xf32>
        %div3A_1115 = arith.constant 1.000000e+00 : f32
        %div3A_1116 = vector.broadcast %div3A_1115 : f32 to vector<16xf32>
        %div3A_1117 = arith.divf %div3A_1116, %add3A_1114 : vector<16xf32>
        %mul3A_1118 = arith.mulf %div3A_1117, %div3A_1117 : vector<16xf32>
        %mul3A_1119 = arith.mulf %mul3A_1118, %mul3A_1118 : vector<16xf32>
        %mul3A_1120 = arith.constant -5.000000e-01 : f32
        %mul3A_1121 = vector.broadcast %mul3A_1120 : f32 to vector<16xf32>
        %mul3A_1122 = arith.mulf %mul3A_1121, %div3A_1117 : vector<16xf32>
        %add3A_1123 = arith.constant 0.693147182 : f32
        %add3A_1124 = vector.broadcast %add3A_1123 : f32 to vector<16xf32>
        %add3A_1125 = arith.addf %add3A_1124, %mul3A_1122 : vector<16xf32>
        %mul3A_1126 = arith.constant -2.32767593E-6 : f32
        %mul3A_1127 = vector.broadcast %mul3A_1126 : f32 to vector<16xf32>
        %mul3A_1128 = arith.mulf %mul3A_1127, %div3A_1117 : vector<16xf32>
        %add3A_1129 = arith.constant 0.125000253 : f32
        %add3A_1130 = vector.broadcast %add3A_1129 : f32 to vector<16xf32>
        %add3A_1131 = arith.addf %add3A_1130, %mul3A_1128 : vector<16xf32>
        %mul3A_1132 = arith.mulf %mul3A_1118, %add3A_1131 : vector<16xf32>
        %add3A_1133 = arith.addf %add3A_1125, %mul3A_1132 : vector<16xf32>
        %mul3A_1134 = arith.constant -3.08754315E-5 : f32
        %mul3A_1135 = vector.broadcast %mul3A_1134 : f32 to vector<16xf32>
        %mul3A_1136 = arith.mulf %mul3A_1135, %div3A_1117 : vector<16xf32>
        %add3A_1137 = arith.constant -0.00519710407 : f32
        %add3A_1138 = vector.broadcast %add3A_1137 : f32 to vector<16xf32>
        %add3A_1139 = arith.addf %add3A_1138, %mul3A_1136 : vector<16xf32>
        %mul3A_1140 = arith.constant -4.513050e-05 : f32
        %mul3A_1141 = vector.broadcast %mul3A_1140 : f32 to vector<16xf32>
        %mul3A_1142 = arith.mulf %mul3A_1141, %div3A_1117 : vector<16xf32>
        %add3A_1143 = arith.constant 3.96936288E-4 : f32
        %add3A_1144 = vector.broadcast %add3A_1143 : f32 to vector<16xf32>
        %add3A_1145 = arith.addf %add3A_1144, %mul3A_1142 : vector<16xf32>
        %mul3A_1146 = arith.mulf %mul3A_1118, %add3A_1145 : vector<16xf32>
        %add3A_1147 = arith.addf %add3A_1139, %mul3A_1146 : vector<16xf32>
        %mul3A_1148 = arith.constant -7.23134917E-6 : f32
        %mul3A_1149 = vector.broadcast %mul3A_1148 : f32 to vector<16xf32>
        %mul3A_1150 = arith.mulf %mul3A_1119, %mul3A_1149 : vector<16xf32>
        %add3A_1151 = arith.addf %add3A_1147, %mul3A_1150 : vector<16xf32>
        %mul3A_1152 = arith.mulf %mul3A_1119, %add3A_1151 : vector<16xf32>
        %add3A_1153 = arith.addf %add3A_1133, %mul3A_1152 : vector<16xf32>
        %sub3A_1154 = arith.constant 1.000000e+00 : f32
        %sub3A_1155 = vector.broadcast %sub3A_1154 : f32 to vector<16xf32>
        %sub3A_1156 = arith.subf %sub3A_1155, %get3A_1107 : vector<16xf32>
        %mul3A_1157 = arith.mulf %div3A_1117, %sub3A_1156 : vector<16xf32>
        %add3A_1158 = arith.addf %mul3A_1157, %add3A_1153 : vector<16xf32>
        %sub3A_1159 = arith.subf %div3A_1117, %get3A_1107 : vector<16xf32>
        %abs3A_1160 = math.absf %sub3A_1159 : vector<16xf32>
        %mul3A_1161 = arith.constant 1.000000e+01 : f32
        %mul3A_1162 = vector.broadcast %mul3A_1161 : f32 to vector<16xf32>
        %mul3A_1163 = arith.mulf %abs3A_1160, %mul3A_1162 : vector<16xf32>
        %convert_element_type3A_1164 = arith.fptosi %mul3A_1163 : vector<16xf32> to vector<16xi32>
        %min3A_1165 = arith.constant 9 : i32
        %min3A_1166 = vector.broadcast %min3A_1165 : i32 to vector<16xi32>
        %min3A_1167 = arith.minsi %convert_element_type3A_1164, %min3A_1166 : vector<16xi32>
        %mul3A_1168 = arith.constant 16 : i32
        %mul3A_1169 = vector.broadcast %mul3A_1168 : i32 to vector<16xi32>
        %mul3A_1170 = arith.muli %min3A_1167, %mul3A_1169 : vector<16xi32>
        %add3A_1171 = arith.addi %mul3A_1170, %iota3A : vector<16xi32>
        tpu.vector_store_idx %arg7[%add3A_1171], %add3A_1158 {add = true} : memref<160xf32, #tpu.memory_space<vmem>>[vector<16xi32>], vector<16xf32>,
        tpu.vector_store_idx %arg8[%add3A_1171], %broadcast_in_dim3A_5 {add = true} : memref<160xf32, #tpu.memory_space<vmem>>[vector<16xi32>], vector<16xf32>,
        %get3A_1172 = arith.index_cast %add3A_891 : i32 to index
        %get3A_1173 = arith.constant 64 : index
        %get3A_1174 = tpu.vector_load %arg5[%get3A_1172, %get3A_1173] {strides = array<i32>} : memref<184x80xf32, #tpu.memory_space<vmem>>, vector<16xf32>,
        %get3A_1175 = arith.index_cast %add3A_891 : i32 to index
        %get3A_1176 = arith.constant 64 : index
        %get3A_1177 = tpu.vector_load %arg6[%get3A_1175, %get3A_1176] {strides = array<i32>} : memref<184x80xf32, #tpu.memory_space<vmem>>, vector<16xf32>,
        %neg3A_1178 = arith.constant 0.000000e+00 : f32
        %neg3A_1179 = vector.broadcast %neg3A_1178 : f32 to vector<16xf32>
        %neg3A_1180 = arith.subf %neg3A_1179, %get3A_1174 : vector<16xf32>
        %exp3A_1181 = math.exp %neg3A_1180 : vector<16xf32>
        %add3A_1182 = arith.constant 1.000000e+00 : f32
        %add3A_1183 = vector.broadcast %add3A_1182 : f32 to vector<16xf32>
        %add3A_1184 = arith.addf %add3A_1183, %exp3A_1181 : vector<16xf32>
        %div3A_1185 = arith.constant 1.000000e+00 : f32
        %div3A_1186 = vector.broadcast %div3A_1185 : f32 to vector<16xf32>
        %div3A_1187 = arith.divf %div3A_1186, %add3A_1184 : vector<16xf32>
        %mul3A_1188 = arith.mulf %div3A_1187, %div3A_1187 : vector<16xf32>
        %mul3A_1189 = arith.mulf %mul3A_1188, %mul3A_1188 : vector<16xf32>
        %mul3A_1190 = arith.constant -5.000000e-01 : f32
        %mul3A_1191 = vector.broadcast %mul3A_1190 : f32 to vector<16xf32>
        %mul3A_1192 = arith.mulf %mul3A_1191, %div3A_1187 : vector<16xf32>
        %add3A_1193 = arith.constant 0.693147182 : f32
        %add3A_1194 = vector.broadcast %add3A_1193 : f32 to vector<16xf32>
        %add3A_1195 = arith.addf %add3A_1194, %mul3A_1192 : vector<16xf32>
        %mul3A_1196 = arith.constant -2.32767593E-6 : f32
        %mul3A_1197 = vector.broadcast %mul3A_1196 : f32 to vector<16xf32>
        %mul3A_1198 = arith.mulf %mul3A_1197, %div3A_1187 : vector<16xf32>
        %add3A_1199 = arith.constant 0.125000253 : f32
        %add3A_1200 = vector.broadcast %add3A_1199 : f32 to vector<16xf32>
        %add3A_1201 = arith.addf %add3A_1200, %mul3A_1198 : vector<16xf32>
        %mul3A_1202 = arith.mulf %mul3A_1188, %add3A_1201 : vector<16xf32>
        %add3A_1203 = arith.addf %add3A_1195, %mul3A_1202 : vector<16xf32>
        %mul3A_1204 = arith.constant -3.08754315E-5 : f32
        %mul3A_1205 = vector.broadcast %mul3A_1204 : f32 to vector<16xf32>
        %mul3A_1206 = arith.mulf %mul3A_1205, %div3A_1187 : vector<16xf32>
        %add3A_1207 = arith.constant -0.00519710407 : f32
        %add3A_1208 = vector.broadcast %add3A_1207 : f32 to vector<16xf32>
        %add3A_1209 = arith.addf %add3A_1208, %mul3A_1206 : vector<16xf32>
        %mul3A_1210 = arith.constant -4.513050e-05 : f32
        %mul3A_1211 = vector.broadcast %mul3A_1210 : f32 to vector<16xf32>
        %mul3A_1212 = arith.mulf %mul3A_1211, %div3A_1187 : vector<16xf32>
        %add3A_1213 = arith.constant 3.96936288E-4 : f32
        %add3A_1214 = vector.broadcast %add3A_1213 : f32 to vector<16xf32>
        %add3A_1215 = arith.addf %add3A_1214, %mul3A_1212 : vector<16xf32>
        %mul3A_1216 = arith.mulf %mul3A_1188, %add3A_1215 : vector<16xf32>
        %add3A_1217 = arith.addf %add3A_1209, %mul3A_1216 : vector<16xf32>
        %mul3A_1218 = arith.constant -7.23134917E-6 : f32
        %mul3A_1219 = vector.broadcast %mul3A_1218 : f32 to vector<16xf32>
        %mul3A_1220 = arith.mulf %mul3A_1189, %mul3A_1219 : vector<16xf32>
        %add3A_1221 = arith.addf %add3A_1217, %mul3A_1220 : vector<16xf32>
        %mul3A_1222 = arith.mulf %mul3A_1189, %add3A_1221 : vector<16xf32>
        %add3A_1223 = arith.addf %add3A_1203, %mul3A_1222 : vector<16xf32>
        %sub3A_1224 = arith.constant 1.000000e+00 : f32
        %sub3A_1225 = vector.broadcast %sub3A_1224 : f32 to vector<16xf32>
        %sub3A_1226 = arith.subf %sub3A_1225, %get3A_1177 : vector<16xf32>
        %mul3A_1227 = arith.mulf %div3A_1187, %sub3A_1226 : vector<16xf32>
        %add3A_1228 = arith.addf %mul3A_1227, %add3A_1223 : vector<16xf32>
        %sub3A_1229 = arith.subf %div3A_1187, %get3A_1177 : vector<16xf32>
        %abs3A_1230 = math.absf %sub3A_1229 : vector<16xf32>
        %mul3A_1231 = arith.constant 1.000000e+01 : f32
        %mul3A_1232 = vector.broadcast %mul3A_1231 : f32 to vector<16xf32>
        %mul3A_1233 = arith.mulf %abs3A_1230, %mul3A_1232 : vector<16xf32>
        %convert_element_type3A_1234 = arith.fptosi %mul3A_1233 : vector<16xf32> to vector<16xi32>
        %min3A_1235 = arith.constant 9 : i32
        %min3A_1236 = vector.broadcast %min3A_1235 : i32 to vector<16xi32>
        %min3A_1237 = arith.minsi %convert_element_type3A_1234, %min3A_1236 : vector<16xi32>
        %mul3A_1238 = arith.constant 16 : i32
        %mul3A_1239 = vector.broadcast %mul3A_1238 : i32 to vector<16xi32>
        %mul3A_1240 = arith.muli %min3A_1237, %mul3A_1239 : vector<16xi32>
        %add3A_1241 = arith.addi %mul3A_1240, %iota3A : vector<16xi32>
        tpu.vector_store_idx %arg7[%add3A_1241], %add3A_1228 {add = true} : memref<160xf32, #tpu.memory_space<vmem>>[vector<16xi32>], vector<16xf32>,
        tpu.vector_store_idx %arg8[%add3A_1241], %broadcast_in_dim3A_5 {add = true} : memref<160xf32, #tpu.memory_space<vmem>>[vector<16xi32>], vector<16xf32>,
        %mul3A_1242 = arith.constant 4 : i32
        %mul3A_1243 = arith.muli %scan3A_185, %mul3A_1242 : i32
        %add3A_1244 = arith.constant 3 : i32
        %add3A_1245 = arith.addi %mul3A_1243, %add3A_1244 : i32
        %get3A_1246 = arith.index_cast %add3A_1245 : i32 to index
        %get3A_1247 = arith.constant 0 : index
        %get3A_1248 = tpu.vector_load %arg5[%get3A_1246, %get3A_1247] {strides = array<i32>} : memref<184x80xf32, #tpu.memory_space<vmem>>, vector<16xf32>,
        %get3A_1249 = arith.index_cast %add3A_1245 : i32 to index
        %get3A_1250 = arith.constant 0 : index
        %get3A_1251 = tpu.vector_load %arg6[%get3A_1249, %get3A_1250] {strides = array<i32>} : memref<184x80xf32, #tpu.memory_space<vmem>>, vector<16xf32>,
        %neg3A_1252 = arith.constant 0.000000e+00 : f32
        %neg3A_1253 = vector.broadcast %neg3A_1252 : f32 to vector<16xf32>
        %neg3A_1254 = arith.subf %neg3A_1253, %get3A_1248 : vector<16xf32>
        %exp3A_1255 = math.exp %neg3A_1254 : vector<16xf32>
        %add3A_1256 = arith.constant 1.000000e+00 : f32
        %add3A_1257 = vector.broadcast %add3A_1256 : f32 to vector<16xf32>
        %add3A_1258 = arith.addf %add3A_1257, %exp3A_1255 : vector<16xf32>
        %div3A_1259 = arith.constant 1.000000e+00 : f32
        %div3A_1260 = vector.broadcast %div3A_1259 : f32 to vector<16xf32>
        %div3A_1261 = arith.divf %div3A_1260, %add3A_1258 : vector<16xf32>
        %mul3A_1262 = arith.mulf %div3A_1261, %div3A_1261 : vector<16xf32>
        %mul3A_1263 = arith.mulf %mul3A_1262, %mul3A_1262 : vector<16xf32>
        %mul3A_1264 = arith.constant -5.000000e-01 : f32
        %mul3A_1265 = vector.broadcast %mul3A_1264 : f32 to vector<16xf32>
        %mul3A_1266 = arith.mulf %mul3A_1265, %div3A_1261 : vector<16xf32>
        %add3A_1267 = arith.constant 0.693147182 : f32
        %add3A_1268 = vector.broadcast %add3A_1267 : f32 to vector<16xf32>
        %add3A_1269 = arith.addf %add3A_1268, %mul3A_1266 : vector<16xf32>
        %mul3A_1270 = arith.constant -2.32767593E-6 : f32
        %mul3A_1271 = vector.broadcast %mul3A_1270 : f32 to vector<16xf32>
        %mul3A_1272 = arith.mulf %mul3A_1271, %div3A_1261 : vector<16xf32>
        %add3A_1273 = arith.constant 0.125000253 : f32
        %add3A_1274 = vector.broadcast %add3A_1273 : f32 to vector<16xf32>
        %add3A_1275 = arith.addf %add3A_1274, %mul3A_1272 : vector<16xf32>
        %mul3A_1276 = arith.mulf %mul3A_1262, %add3A_1275 : vector<16xf32>
        %add3A_1277 = arith.addf %add3A_1269, %mul3A_1276 : vector<16xf32>
        %mul3A_1278 = arith.constant -3.08754315E-5 : f32
        %mul3A_1279 = vector.broadcast %mul3A_1278 : f32 to vector<16xf32>
        %mul3A_1280 = arith.mulf %mul3A_1279, %div3A_1261 : vector<16xf32>
        %add3A_1281 = arith.constant -0.00519710407 : f32
        %add3A_1282 = vector.broadcast %add3A_1281 : f32 to vector<16xf32>
        %add3A_1283 = arith.addf %add3A_1282, %mul3A_1280 : vector<16xf32>
        %mul3A_1284 = arith.constant -4.513050e-05 : f32
        %mul3A_1285 = vector.broadcast %mul3A_1284 : f32 to vector<16xf32>
        %mul3A_1286 = arith.mulf %mul3A_1285, %div3A_1261 : vector<16xf32>
        %add3A_1287 = arith.constant 3.96936288E-4 : f32
        %add3A_1288 = vector.broadcast %add3A_1287 : f32 to vector<16xf32>
        %add3A_1289 = arith.addf %add3A_1288, %mul3A_1286 : vector<16xf32>
        %mul3A_1290 = arith.mulf %mul3A_1262, %add3A_1289 : vector<16xf32>
        %add3A_1291 = arith.addf %add3A_1283, %mul3A_1290 : vector<16xf32>
        %mul3A_1292 = arith.constant -7.23134917E-6 : f32
        %mul3A_1293 = vector.broadcast %mul3A_1292 : f32 to vector<16xf32>
        %mul3A_1294 = arith.mulf %mul3A_1263, %mul3A_1293 : vector<16xf32>
        %add3A_1295 = arith.addf %add3A_1291, %mul3A_1294 : vector<16xf32>
        %mul3A_1296 = arith.mulf %mul3A_1263, %add3A_1295 : vector<16xf32>
        %add3A_1297 = arith.addf %add3A_1277, %mul3A_1296 : vector<16xf32>
        %sub3A_1298 = arith.constant 1.000000e+00 : f32
        %sub3A_1299 = vector.broadcast %sub3A_1298 : f32 to vector<16xf32>
        %sub3A_1300 = arith.subf %sub3A_1299, %get3A_1251 : vector<16xf32>
        %mul3A_1301 = arith.mulf %div3A_1261, %sub3A_1300 : vector<16xf32>
        %add3A_1302 = arith.addf %mul3A_1301, %add3A_1297 : vector<16xf32>
        %sub3A_1303 = arith.subf %div3A_1261, %get3A_1251 : vector<16xf32>
        %abs3A_1304 = math.absf %sub3A_1303 : vector<16xf32>
        %mul3A_1305 = arith.constant 1.000000e+01 : f32
        %mul3A_1306 = vector.broadcast %mul3A_1305 : f32 to vector<16xf32>
        %mul3A_1307 = arith.mulf %abs3A_1304, %mul3A_1306 : vector<16xf32>
        %convert_element_type3A_1308 = arith.fptosi %mul3A_1307 : vector<16xf32> to vector<16xi32>
        %min3A_1309 = arith.constant 9 : i32
        %min3A_1310 = vector.broadcast %min3A_1309 : i32 to vector<16xi32>
        %min3A_1311 = arith.minsi %convert_element_type3A_1308, %min3A_1310 : vector<16xi32>
        %mul3A_1312 = arith.constant 16 : i32
        %mul3A_1313 = vector.broadcast %mul3A_1312 : i32 to vector<16xi32>
        %mul3A_1314 = arith.muli %min3A_1311, %mul3A_1313 : vector<16xi32>
        %add3A_1315 = arith.addi %mul3A_1314, %iota3A : vector<16xi32>
        tpu.vector_store_idx %arg7[%add3A_1315], %add3A_1302 {add = true} : memref<160xf32, #tpu.memory_space<vmem>>[vector<16xi32>], vector<16xf32>,
        tpu.vector_store_idx %arg8[%add3A_1315], %broadcast_in_dim3A_5 {add = true} : memref<160xf32, #tpu.memory_space<vmem>>[vector<16xi32>], vector<16xf32>,
        %get3A_1316 = arith.index_cast %add3A_1245 : i32 to index
        %get3A_1317 = arith.constant 16 : index
        %get3A_1318 = tpu.vector_load %arg5[%get3A_1316, %get3A_1317] {strides = array<i32>} : memref<184x80xf32, #tpu.memory_space<vmem>>, vector<16xf32>,
        %get3A_1319 = arith.index_cast %add3A_1245 : i32 to index
        %get3A_1320 = arith.constant 16 : index
        %get3A_1321 = tpu.vector_load %arg6[%get3A_1319, %get3A_1320] {strides = array<i32>} : memref<184x80xf32, #tpu.memory_space<vmem>>, vector<16xf32>,
        %neg3A_1322 = arith.constant 0.000000e+00 : f32
        %neg3A_1323 = vector.broadcast %neg3A_1322 : f32 to vector<16xf32>
        %neg3A_1324 = arith.subf %neg3A_1323, %get3A_1318 : vector<16xf32>
        %exp3A_1325 = math.exp %neg3A_1324 : vector<16xf32>
        %add3A_1326 = arith.constant 1.000000e+00 : f32
        %add3A_1327 = vector.broadcast %add3A_1326 : f32 to vector<16xf32>
        %add3A_1328 = arith.addf %add3A_1327, %exp3A_1325 : vector<16xf32>
        %div3A_1329 = arith.constant 1.000000e+00 : f32
        %div3A_1330 = vector.broadcast %div3A_1329 : f32 to vector<16xf32>
        %div3A_1331 = arith.divf %div3A_1330, %add3A_1328 : vector<16xf32>
        %mul3A_1332 = arith.mulf %div3A_1331, %div3A_1331 : vector<16xf32>
        %mul3A_1333 = arith.mulf %mul3A_1332, %mul3A_1332 : vector<16xf32>
        %mul3A_1334 = arith.constant -5.000000e-01 : f32
        %mul3A_1335 = vector.broadcast %mul3A_1334 : f32 to vector<16xf32>
        %mul3A_1336 = arith.mulf %mul3A_1335, %div3A_1331 : vector<16xf32>
        %add3A_1337 = arith.constant 0.693147182 : f32
        %add3A_1338 = vector.broadcast %add3A_1337 : f32 to vector<16xf32>
        %add3A_1339 = arith.addf %add3A_1338, %mul3A_1336 : vector<16xf32>
        %mul3A_1340 = arith.constant -2.32767593E-6 : f32
        %mul3A_1341 = vector.broadcast %mul3A_1340 : f32 to vector<16xf32>
        %mul3A_1342 = arith.mulf %mul3A_1341, %div3A_1331 : vector<16xf32>
        %add3A_1343 = arith.constant 0.125000253 : f32
        %add3A_1344 = vector.broadcast %add3A_1343 : f32 to vector<16xf32>
        %add3A_1345 = arith.addf %add3A_1344, %mul3A_1342 : vector<16xf32>
        %mul3A_1346 = arith.mulf %mul3A_1332, %add3A_1345 : vector<16xf32>
        %add3A_1347 = arith.addf %add3A_1339, %mul3A_1346 : vector<16xf32>
        %mul3A_1348 = arith.constant -3.08754315E-5 : f32
        %mul3A_1349 = vector.broadcast %mul3A_1348 : f32 to vector<16xf32>
        %mul3A_1350 = arith.mulf %mul3A_1349, %div3A_1331 : vector<16xf32>
        %add3A_1351 = arith.constant -0.00519710407 : f32
        %add3A_1352 = vector.broadcast %add3A_1351 : f32 to vector<16xf32>
        %add3A_1353 = arith.addf %add3A_1352, %mul3A_1350 : vector<16xf32>
        %mul3A_1354 = arith.constant -4.513050e-05 : f32
        %mul3A_1355 = vector.broadcast %mul3A_1354 : f32 to vector<16xf32>
        %mul3A_1356 = arith.mulf %mul3A_1355, %div3A_1331 : vector<16xf32>
        %add3A_1357 = arith.constant 3.96936288E-4 : f32
        %add3A_1358 = vector.broadcast %add3A_1357 : f32 to vector<16xf32>
        %add3A_1359 = arith.addf %add3A_1358, %mul3A_1356 : vector<16xf32>
        %mul3A_1360 = arith.mulf %mul3A_1332, %add3A_1359 : vector<16xf32>
        %add3A_1361 = arith.addf %add3A_1353, %mul3A_1360 : vector<16xf32>
        %mul3A_1362 = arith.constant -7.23134917E-6 : f32
        %mul3A_1363 = vector.broadcast %mul3A_1362 : f32 to vector<16xf32>
        %mul3A_1364 = arith.mulf %mul3A_1333, %mul3A_1363 : vector<16xf32>
        %add3A_1365 = arith.addf %add3A_1361, %mul3A_1364 : vector<16xf32>
        %mul3A_1366 = arith.mulf %mul3A_1333, %add3A_1365 : vector<16xf32>
        %add3A_1367 = arith.addf %add3A_1347, %mul3A_1366 : vector<16xf32>
        %sub3A_1368 = arith.constant 1.000000e+00 : f32
        %sub3A_1369 = vector.broadcast %sub3A_1368 : f32 to vector<16xf32>
        %sub3A_1370 = arith.subf %sub3A_1369, %get3A_1321 : vector<16xf32>
        %mul3A_1371 = arith.mulf %div3A_1331, %sub3A_1370 : vector<16xf32>
        %add3A_1372 = arith.addf %mul3A_1371, %add3A_1367 : vector<16xf32>
        %sub3A_1373 = arith.subf %div3A_1331, %get3A_1321 : vector<16xf32>
        %abs3A_1374 = math.absf %sub3A_1373 : vector<16xf32>
        %mul3A_1375 = arith.constant 1.000000e+01 : f32
        %mul3A_1376 = vector.broadcast %mul3A_1375 : f32 to vector<16xf32>
        %mul3A_1377 = arith.mulf %abs3A_1374, %mul3A_1376 : vector<16xf32>
        %convert_element_type3A_1378 = arith.fptosi %mul3A_1377 : vector<16xf32> to vector<16xi32>
        %min3A_1379 = arith.constant 9 : i32
        %min3A_1380 = vector.broadcast %min3A_1379 : i32 to vector<16xi32>
        %min3A_1381 = arith.minsi %convert_element_type3A_1378, %min3A_1380 : vector<16xi32>
        %mul3A_1382 = arith.constant 16 : i32
        %mul3A_1383 = vector.broadcast %mul3A_1382 : i32 to vector<16xi32>
        %mul3A_1384 = arith.muli %min3A_1381, %mul3A_1383 : vector<16xi32>
        %add3A_1385 = arith.addi %mul3A_1384, %iota3A : vector<16xi32>
        tpu.vector_store_idx %arg7[%add3A_1385], %add3A_1372 {add = true} : memref<160xf32, #tpu.memory_space<vmem>>[vector<16xi32>], vector<16xf32>,
        tpu.vector_store_idx %arg8[%add3A_1385], %broadcast_in_dim3A_5 {add = true} : memref<160xf32, #tpu.memory_space<vmem>>[vector<16xi32>], vector<16xf32>,
        %get3A_1386 = arith.index_cast %add3A_1245 : i32 to index
        %get3A_1387 = arith.constant 32 : index
        %get3A_1388 = tpu.vector_load %arg5[%get3A_1386, %get3A_1387] {strides = array<i32>} : memref<184x80xf32, #tpu.memory_space<vmem>>, vector<16xf32>,
        %get3A_1389 = arith.index_cast %add3A_1245 : i32 to index
        %get3A_1390 = arith.constant 32 : index
        %get3A_1391 = tpu.vector_load %arg6[%get3A_1389, %get3A_1390] {strides = array<i32>} : memref<184x80xf32, #tpu.memory_space<vmem>>, vector<16xf32>,
        %neg3A_1392 = arith.constant 0.000000e+00 : f32
        %neg3A_1393 = vector.broadcast %neg3A_1392 : f32 to vector<16xf32>
        %neg3A_1394 = arith.subf %neg3A_1393, %get3A_1388 : vector<16xf32>
        %exp3A_1395 = math.exp %neg3A_1394 : vector<16xf32>
        %add3A_1396 = arith.constant 1.000000e+00 : f32
        %add3A_1397 = vector.broadcast %add3A_1396 : f32 to vector<16xf32>
        %add3A_1398 = arith.addf %add3A_1397, %exp3A_1395 : vector<16xf32>
        %div3A_1399 = arith.constant 1.000000e+00 : f32
        %div3A_1400 = vector.broadcast %div3A_1399 : f32 to vector<16xf32>
        %div3A_1401 = arith.divf %div3A_1400, %add3A_1398 : vector<16xf32>
        %mul3A_1402 = arith.mulf %div3A_1401, %div3A_1401 : vector<16xf32>
        %mul3A_1403 = arith.mulf %mul3A_1402, %mul3A_1402 : vector<16xf32>
        %mul3A_1404 = arith.constant -5.000000e-01 : f32
        %mul3A_1405 = vector.broadcast %mul3A_1404 : f32 to vector<16xf32>
        %mul3A_1406 = arith.mulf %mul3A_1405, %div3A_1401 : vector<16xf32>
        %add3A_1407 = arith.constant 0.693147182 : f32
        %add3A_1408 = vector.broadcast %add3A_1407 : f32 to vector<16xf32>
        %add3A_1409 = arith.addf %add3A_1408, %mul3A_1406 : vector<16xf32>
        %mul3A_1410 = arith.constant -2.32767593E-6 : f32
        %mul3A_1411 = vector.broadcast %mul3A_1410 : f32 to vector<16xf32>
        %mul3A_1412 = arith.mulf %mul3A_1411, %div3A_1401 : vector<16xf32>
        %add3A_1413 = arith.constant 0.125000253 : f32
        %add3A_1414 = vector.broadcast %add3A_1413 : f32 to vector<16xf32>
        %add3A_1415 = arith.addf %add3A_1414, %mul3A_1412 : vector<16xf32>
        %mul3A_1416 = arith.mulf %mul3A_1402, %add3A_1415 : vector<16xf32>
        %add3A_1417 = arith.addf %add3A_1409, %mul3A_1416 : vector<16xf32>
        %mul3A_1418 = arith.constant -3.08754315E-5 : f32
        %mul3A_1419 = vector.broadcast %mul3A_1418 : f32 to vector<16xf32>
        %mul3A_1420 = arith.mulf %mul3A_1419, %div3A_1401 : vector<16xf32>
        %add3A_1421 = arith.constant -0.00519710407 : f32
        %add3A_1422 = vector.broadcast %add3A_1421 : f32 to vector<16xf32>
        %add3A_1423 = arith.addf %add3A_1422, %mul3A_1420 : vector<16xf32>
        %mul3A_1424 = arith.constant -4.513050e-05 : f32
        %mul3A_1425 = vector.broadcast %mul3A_1424 : f32 to vector<16xf32>
        %mul3A_1426 = arith.mulf %mul3A_1425, %div3A_1401 : vector<16xf32>
        %add3A_1427 = arith.constant 3.96936288E-4 : f32
        %add3A_1428 = vector.broadcast %add3A_1427 : f32 to vector<16xf32>
        %add3A_1429 = arith.addf %add3A_1428, %mul3A_1426 : vector<16xf32>
        %mul3A_1430 = arith.mulf %mul3A_1402, %add3A_1429 : vector<16xf32>
        %add3A_1431 = arith.addf %add3A_1423, %mul3A_1430 : vector<16xf32>
        %mul3A_1432 = arith.constant -7.23134917E-6 : f32
        %mul3A_1433 = vector.broadcast %mul3A_1432 : f32 to vector<16xf32>
        %mul3A_1434 = arith.mulf %mul3A_1403, %mul3A_1433 : vector<16xf32>
        %add3A_1435 = arith.addf %add3A_1431, %mul3A_1434 : vector<16xf32>
        %mul3A_1436 = arith.mulf %mul3A_1403, %add3A_1435 : vector<16xf32>
        %add3A_1437 = arith.addf %add3A_1417, %mul3A_1436 : vector<16xf32>
        %sub3A_1438 = arith.constant 1.000000e+00 : f32
        %sub3A_1439 = vector.broadcast %sub3A_1438 : f32 to vector<16xf32>
        %sub3A_1440 = arith.subf %sub3A_1439, %get3A_1391 : vector<16xf32>
        %mul3A_1441 = arith.mulf %div3A_1401, %sub3A_1440 : vector<16xf32>
        %add3A_1442 = arith.addf %mul3A_1441, %add3A_1437 : vector<16xf32>
        %sub3A_1443 = arith.subf %div3A_1401, %get3A_1391 : vector<16xf32>
        %abs3A_1444 = math.absf %sub3A_1443 : vector<16xf32>
        %mul3A_1445 = arith.constant 1.000000e+01 : f32
        %mul3A_1446 = vector.broadcast %mul3A_1445 : f32 to vector<16xf32>
        %mul3A_1447 = arith.mulf %abs3A_1444, %mul3A_1446 : vector<16xf32>
        %convert_element_type3A_1448 = arith.fptosi %mul3A_1447 : vector<16xf32> to vector<16xi32>
        %min3A_1449 = arith.constant 9 : i32
        %min3A_1450 = vector.broadcast %min3A_1449 : i32 to vector<16xi32>
        %min3A_1451 = arith.minsi %convert_element_type3A_1448, %min3A_1450 : vector<16xi32>
        %mul3A_1452 = arith.constant 16 : i32
        %mul3A_1453 = vector.broadcast %mul3A_1452 : i32 to vector<16xi32>
        %mul3A_1454 = arith.muli %min3A_1451, %mul3A_1453 : vector<16xi32>
        %add3A_1455 = arith.addi %mul3A_1454, %iota3A : vector<16xi32>
        tpu.vector_store_idx %arg7[%add3A_1455], %add3A_1442 {add = true} : memref<160xf32, #tpu.memory_space<vmem>>[vector<16xi32>], vector<16xf32>,
        tpu.vector_store_idx %arg8[%add3A_1455], %broadcast_in_dim3A_5 {add = true} : memref<160xf32, #tpu.memory_space<vmem>>[vector<16xi32>], vector<16xf32>,
        %get3A_1456 = arith.index_cast %add3A_1245 : i32 to index
        %get3A_1457 = arith.constant 48 : index
        %get3A_1458 = tpu.vector_load %arg5[%get3A_1456, %get3A_1457] {strides = array<i32>} : memref<184x80xf32, #tpu.memory_space<vmem>>, vector<16xf32>,
        %get3A_1459 = arith.index_cast %add3A_1245 : i32 to index
        %get3A_1460 = arith.constant 48 : index
        %get3A_1461 = tpu.vector_load %arg6[%get3A_1459, %get3A_1460] {strides = array<i32>} : memref<184x80xf32, #tpu.memory_space<vmem>>, vector<16xf32>,
        %neg3A_1462 = arith.constant 0.000000e+00 : f32
        %neg3A_1463 = vector.broadcast %neg3A_1462 : f32 to vector<16xf32>
        %neg3A_1464 = arith.subf %neg3A_1463, %get3A_1458 : vector<16xf32>
        %exp3A_1465 = math.exp %neg3A_1464 : vector<16xf32>
        %add3A_1466 = arith.constant 1.000000e+00 : f32
        %add3A_1467 = vector.broadcast %add3A_1466 : f32 to vector<16xf32>
        %add3A_1468 = arith.addf %add3A_1467, %exp3A_1465 : vector<16xf32>
        %div3A_1469 = arith.constant 1.000000e+00 : f32
        %div3A_1470 = vector.broadcast %div3A_1469 : f32 to vector<16xf32>
        %div3A_1471 = arith.divf %div3A_1470, %add3A_1468 : vector<16xf32>
        %mul3A_1472 = arith.mulf %div3A_1471, %div3A_1471 : vector<16xf32>
        %mul3A_1473 = arith.mulf %mul3A_1472, %mul3A_1472 : vector<16xf32>
        %mul3A_1474 = arith.constant -5.000000e-01 : f32
        %mul3A_1475 = vector.broadcast %mul3A_1474 : f32 to vector<16xf32>
        %mul3A_1476 = arith.mulf %mul3A_1475, %div3A_1471 : vector<16xf32>
        %add3A_1477 = arith.constant 0.693147182 : f32
        %add3A_1478 = vector.broadcast %add3A_1477 : f32 to vector<16xf32>
        %add3A_1479 = arith.addf %add3A_1478, %mul3A_1476 : vector<16xf32>
        %mul3A_1480 = arith.constant -2.32767593E-6 : f32
        %mul3A_1481 = vector.broadcast %mul3A_1480 : f32 to vector<16xf32>
        %mul3A_1482 = arith.mulf %mul3A_1481, %div3A_1471 : vector<16xf32>
        %add3A_1483 = arith.constant 0.125000253 : f32
        %add3A_1484 = vector.broadcast %add3A_1483 : f32 to vector<16xf32>
        %add3A_1485 = arith.addf %add3A_1484, %mul3A_1482 : vector<16xf32>
        %mul3A_1486 = arith.mulf %mul3A_1472, %add3A_1485 : vector<16xf32>
        %add3A_1487 = arith.addf %add3A_1479, %mul3A_1486 : vector<16xf32>
        %mul3A_1488 = arith.constant -3.08754315E-5 : f32
        %mul3A_1489 = vector.broadcast %mul3A_1488 : f32 to vector<16xf32>
        %mul3A_1490 = arith.mulf %mul3A_1489, %div3A_1471 : vector<16xf32>
        %add3A_1491 = arith.constant -0.00519710407 : f32
        %add3A_1492 = vector.broadcast %add3A_1491 : f32 to vector<16xf32>
        %add3A_1493 = arith.addf %add3A_1492, %mul3A_1490 : vector<16xf32>
        %mul3A_1494 = arith.constant -4.513050e-05 : f32
        %mul3A_1495 = vector.broadcast %mul3A_1494 : f32 to vector<16xf32>
        %mul3A_1496 = arith.mulf %mul3A_1495, %div3A_1471 : vector<16xf32>
        %add3A_1497 = arith.constant 3.96936288E-4 : f32
        %add3A_1498 = vector.broadcast %add3A_1497 : f32 to vector<16xf32>
        %add3A_1499 = arith.addf %add3A_1498, %mul3A_1496 : vector<16xf32>
        %mul3A_1500 = arith.mulf %mul3A_1472, %add3A_1499 : vector<16xf32>
        %add3A_1501 = arith.addf %add3A_1493, %mul3A_1500 : vector<16xf32>
        %mul3A_1502 = arith.constant -7.23134917E-6 : f32
        %mul3A_1503 = vector.broadcast %mul3A_1502 : f32 to vector<16xf32>
        %mul3A_1504 = arith.mulf %mul3A_1473, %mul3A_1503 : vector<16xf32>
        %add3A_1505 = arith.addf %add3A_1501, %mul3A_1504 : vector<16xf32>
        %mul3A_1506 = arith.mulf %mul3A_1473, %add3A_1505 : vector<16xf32>
        %add3A_1507 = arith.addf %add3A_1487, %mul3A_1506 : vector<16xf32>
        %sub3A_1508 = arith.constant 1.000000e+00 : f32
        %sub3A_1509 = vector.broadcast %sub3A_1508 : f32 to vector<16xf32>
        %sub3A_1510 = arith.subf %sub3A_1509, %get3A_1461 : vector<16xf32>
        %mul3A_1511 = arith.mulf %div3A_1471, %sub3A_1510 : vector<16xf32>
        %add3A_1512 = arith.addf %mul3A_1511, %add3A_1507 : vector<16xf32>
        %sub3A_1513 = arith.subf %div3A_1471, %get3A_1461 : vector<16xf32>
        %abs3A_1514 = math.absf %sub3A_1513 : vector<16xf32>
        %mul3A_1515 = arith.constant 1.000000e+01 : f32
        %mul3A_1516 = vector.broadcast %mul3A_1515 : f32 to vector<16xf32>
        %mul3A_1517 = arith.mulf %abs3A_1514, %mul3A_1516 : vector<16xf32>
        %convert_element_type3A_1518 = arith.fptosi %mul3A_1517 : vector<16xf32> to vector<16xi32>
        %min3A_1519 = arith.constant 9 : i32
        %min3A_1520 = vector.broadcast %min3A_1519 : i32 to vector<16xi32>
        %min3A_1521 = arith.minsi %convert_element_type3A_1518, %min3A_1520 : vector<16xi32>
        %mul3A_1522 = arith.constant 16 : i32
        %mul3A_1523 = vector.broadcast %mul3A_1522 : i32 to vector<16xi32>
        %mul3A_1524 = arith.muli %min3A_1521, %mul3A_1523 : vector<16xi32>
        %add3A_1525 = arith.addi %mul3A_1524, %iota3A : vector<16xi32>
        tpu.vector_store_idx %arg7[%add3A_1525], %add3A_1512 {add = true} : memref<160xf32, #tpu.memory_space<vmem>>[vector<16xi32>], vector<16xf32>,
        tpu.vector_store_idx %arg8[%add3A_1525], %broadcast_in_dim3A_5 {add = true} : memref<160xf32, #tpu.memory_space<vmem>>[vector<16xi32>], vector<16xf32>,
        %get3A_1526 = arith.index_cast %add3A_1245 : i32 to index
        %get3A_1527 = arith.constant 64 : index
        %get3A_1528 = tpu.vector_load %arg5[%get3A_1526, %get3A_1527] {strides = array<i32>} : memref<184x80xf32, #tpu.memory_space<vmem>>, vector<16xf32>,
        %get3A_1529 = arith.index_cast %add3A_1245 : i32 to index
        %get3A_1530 = arith.constant 64 : index
        %get3A_1531 = tpu.vector_load %arg6[%get3A_1529, %get3A_1530] {strides = array<i32>} : memref<184x80xf32, #tpu.memory_space<vmem>>, vector<16xf32>,
        %neg3A_1532 = arith.constant 0.000000e+00 : f32
        %neg3A_1533 = vector.broadcast %neg3A_1532 : f32 to vector<16xf32>
        %neg3A_1534 = arith.subf %neg3A_1533, %get3A_1528 : vector<16xf32>
        %exp3A_1535 = math.exp %neg3A_1534 : vector<16xf32>
        %add3A_1536 = arith.constant 1.000000e+00 : f32
        %add3A_1537 = vector.broadcast %add3A_1536 : f32 to vector<16xf32>
        %add3A_1538 = arith.addf %add3A_1537, %exp3A_1535 : vector<16xf32>
        %div3A_1539 = arith.constant 1.000000e+00 : f32
        %div3A_1540 = vector.broadcast %div3A_1539 : f32 to vector<16xf32>
        %div3A_1541 = arith.divf %div3A_1540, %add3A_1538 : vector<16xf32>
        %mul3A_1542 = arith.mulf %div3A_1541, %div3A_1541 : vector<16xf32>
        %mul3A_1543 = arith.mulf %mul3A_1542, %mul3A_1542 : vector<16xf32>
        %mul3A_1544 = arith.constant -5.000000e-01 : f32
        %mul3A_1545 = vector.broadcast %mul3A_1544 : f32 to vector<16xf32>
        %mul3A_1546 = arith.mulf %mul3A_1545, %div3A_1541 : vector<16xf32>
        %add3A_1547 = arith.constant 0.693147182 : f32
        %add3A_1548 = vector.broadcast %add3A_1547 : f32 to vector<16xf32>
        %add3A_1549 = arith.addf %add3A_1548, %mul3A_1546 : vector<16xf32>
        %mul3A_1550 = arith.constant -2.32767593E-6 : f32
        %mul3A_1551 = vector.broadcast %mul3A_1550 : f32 to vector<16xf32>
        %mul3A_1552 = arith.mulf %mul3A_1551, %div3A_1541 : vector<16xf32>
        %add3A_1553 = arith.constant 0.125000253 : f32
        %add3A_1554 = vector.broadcast %add3A_1553 : f32 to vector<16xf32>
        %add3A_1555 = arith.addf %add3A_1554, %mul3A_1552 : vector<16xf32>
        %mul3A_1556 = arith.mulf %mul3A_1542, %add3A_1555 : vector<16xf32>
        %add3A_1557 = arith.addf %add3A_1549, %mul3A_1556 : vector<16xf32>
        %mul3A_1558 = arith.constant -3.08754315E-5 : f32
        %mul3A_1559 = vector.broadcast %mul3A_1558 : f32 to vector<16xf32>
        %mul3A_1560 = arith.mulf %mul3A_1559, %div3A_1541 : vector<16xf32>
        %add3A_1561 = arith.constant -0.00519710407 : f32
        %add3A_1562 = vector.broadcast %add3A_1561 : f32 to vector<16xf32>
        %add3A_1563 = arith.addf %add3A_1562, %mul3A_1560 : vector<16xf32>
        %mul3A_1564 = arith.constant -4.513050e-05 : f32
        %mul3A_1565 = vector.broadcast %mul3A_1564 : f32 to vector<16xf32>
        %mul3A_1566 = arith.mulf %mul3A_1565, %div3A_1541 : vector<16xf32>
        %add3A_1567 = arith.constant 3.96936288E-4 : f32
        %add3A_1568 = vector.broadcast %add3A_1567 : f32 to vector<16xf32>
        %add3A_1569 = arith.addf %add3A_1568, %mul3A_1566 : vector<16xf32>
        %mul3A_1570 = arith.mulf %mul3A_1542, %add3A_1569 : vector<16xf32>
        %add3A_1571 = arith.addf %add3A_1563, %mul3A_1570 : vector<16xf32>
        %mul3A_1572 = arith.constant -7.23134917E-6 : f32
        %mul3A_1573 = vector.broadcast %mul3A_1572 : f32 to vector<16xf32>
        %mul3A_1574 = arith.mulf %mul3A_1543, %mul3A_1573 : vector<16xf32>
        %add3A_1575 = arith.addf %add3A_1571, %mul3A_1574 : vector<16xf32>
        %mul3A_1576 = arith.mulf %mul3A_1543, %add3A_1575 : vector<16xf32>
        %add3A_1577 = arith.addf %add3A_1557, %mul3A_1576 : vector<16xf32>
        %sub3A_1578 = arith.constant 1.000000e+00 : f32
        %sub3A_1579 = vector.broadcast %sub3A_1578 : f32 to vector<16xf32>
        %sub3A_1580 = arith.subf %sub3A_1579, %get3A_1531 : vector<16xf32>
        %mul3A_1581 = arith.mulf %div3A_1541, %sub3A_1580 : vector<16xf32>
        %add3A_1582 = arith.addf %mul3A_1581, %add3A_1577 : vector<16xf32>
        %sub3A_1583 = arith.subf %div3A_1541, %get3A_1531 : vector<16xf32>
        %abs3A_1584 = math.absf %sub3A_1583 : vector<16xf32>
        %mul3A_1585 = arith.constant 1.000000e+01 : f32
        %mul3A_1586 = vector.broadcast %mul3A_1585 : f32 to vector<16xf32>
        %mul3A_1587 = arith.mulf %abs3A_1584, %mul3A_1586 : vector<16xf32>
        %convert_element_type3A_1588 = arith.fptosi %mul3A_1587 : vector<16xf32> to vector<16xi32>
        %min3A_1589 = arith.constant 9 : i32
        %min3A_1590 = vector.broadcast %min3A_1589 : i32 to vector<16xi32>
        %min3A_1591 = arith.minsi %convert_element_type3A_1588, %min3A_1590 : vector<16xi32>
        %mul3A_1592 = arith.constant 16 : i32
        %mul3A_1593 = vector.broadcast %mul3A_1592 : i32 to vector<16xi32>
        %mul3A_1594 = arith.muli %min3A_1591, %mul3A_1593 : vector<16xi32>
        %add3A_1595 = arith.addi %mul3A_1594, %iota3A : vector<16xi32>
        tpu.vector_store_idx %arg7[%add3A_1595], %add3A_1582 {add = true} : memref<160xf32, #tpu.memory_space<vmem>>[vector<16xi32>], vector<16xf32>,
        tpu.vector_store_idx %arg8[%add3A_1595], %broadcast_in_dim3A_5 {add = true} : memref<160xf32, #tpu.memory_space<vmem>>[vector<16xi32>], vector<16xf32>,
      }
      %scan3A_184 = arith.constant 46 : i32
    }
    %scan3A_49 = arith.constant 16 : i32
    %lt3A = arith.constant 31 : i32
    %lt3A_50 = arith.cmpi slt, %add3A, %lt3A : i32
    %convert_element_type3A = arith.extui %lt3A_50 : i1 to i32
    %cond3A = arith.constant 0 : i32
    %cond3A_51 = arith.cmpi ne, %convert_element_type3A, %cond3A : i32
    scf.if %cond3A_51 {
      %add3A_175 = arith.constant 2944 : i32
      %add3A_176 = arith.addi %mul3A_2, %add3A_175 : i32
      "tpu.region"() ({
        %run_scoped3A = tpu.sem_alloc : memref<!tpu.dma_semaphore, #tpu.memory_space<semaphore_mem>>
        %dma_start3A = arith.constant 0 : i32
        %dma_start3A_183 = arith.constant 0 : i32
        %dma_start3A_184 = tpu.memref_slice %arg5[%dma_start3A, %dma_start3A_183] : memref<184x80xf32, #tpu.memory_space<vmem>> -> memref<184x80xf32, #tpu.memory_space<vmem>>
        %dma_start3A_185 = arith.constant 0 : i32
        %dma_start3A_186 = tpu.memref_slice %arg2[%add3A_176, %dma_start3A_185] : memref<100000x80xf32, #tpu.memory_space<hbm>> -> memref<184x80xf32, #tpu.memory_space<hbm>>
        %dma_start3A_187 = arith.constant 0 : i32
        %dma_start3A_188 = arith.constant 0 : i32
        %dma_start3A_189 = tpu.memref_slice %arg5[%dma_start3A_187, %dma_start3A_188] : memref<184x80xf32, #tpu.memory_space<vmem>> -> memref<184x80xf32, #tpu.memory_space<vmem>>
        %dma_start3A_190 = arith.constant 0 : i32
        %dma_start3A_191 = tpu.memref_slice %arg2[%add3A_176, %dma_start3A_190] : memref<100000x80xf32, #tpu.memory_space<hbm>> -> memref<184x80xf32, #tpu.memory_space<hbm>>
        tpu.enqueue_dma source(%dma_start3A_191 : memref<184x80xf32, #tpu.memory_space<hbm>>) target(%dma_start3A_189 : memref<184x80xf32, #tpu.memory_space<vmem>>) target_semaphore(%run_scoped3A : memref<!tpu.dma_semaphore, #tpu.memory_space<semaphore_mem>>)
        %dma_wait3A = arith.constant 0 : i32
        %dma_wait3A_192 = arith.constant 0 : i32
        %dma_wait3A_193 = tpu.memref_slice %arg5[%dma_wait3A, %dma_wait3A_192] : memref<184x80xf32, #tpu.memory_space<vmem>> -> memref<184x80xf32, #tpu.memory_space<vmem>>
        %dma_wait3A_194 = arith.constant 0 : i32
        %dma_wait3A_195 = tpu.memref_slice %arg2[%add3A_176, %dma_wait3A_194] : memref<100000x80xf32, #tpu.memory_space<hbm>> -> memref<184x80xf32, #tpu.memory_space<hbm>>
        %dma_wait3A_196 = arith.constant 0 : i32
        %dma_wait3A_197 = arith.constant 0 : i32
        %dma_wait3A_198 = tpu.memref_slice %arg5[%dma_wait3A_196, %dma_wait3A_197] : memref<184x80xf32, #tpu.memory_space<vmem>> -> memref<184x80xf32, #tpu.memory_space<vmem>>
        %dma_wait3A_199 = arith.constant 0 : i32
        %dma_wait3A_200 = tpu.memref_slice %arg2[%add3A_176, %dma_wait3A_199] : memref<100000x80xf32, #tpu.memory_space<hbm>> -> memref<184x80xf32, #tpu.memory_space<hbm>>
        tpu.wait_dma2 semaphore(%run_scoped3A : memref<!tpu.dma_semaphore, #tpu.memory_space<semaphore_mem>>) src(%dma_wait3A_200 : memref<184x80xf32, #tpu.memory_space<hbm>>) dst(%dma_wait3A_198 : memref<184x80xf32, #tpu.memory_space<vmem>>)
        tpu.yield
      }) : () -> ()
      "tpu.region"() ({
        %run_scoped3A = tpu.sem_alloc : memref<!tpu.dma_semaphore, #tpu.memory_space<semaphore_mem>>
        %dma_start3A = arith.constant 0 : i32
        %dma_start3A_183 = arith.constant 0 : i32
        %dma_start3A_184 = tpu.memref_slice %arg6[%dma_start3A, %dma_start3A_183] : memref<184x80xf32, #tpu.memory_space<vmem>> -> memref<184x80xf32, #tpu.memory_space<vmem>>
        %dma_start3A_185 = arith.constant 0 : i32
        %dma_start3A_186 = tpu.memref_slice %arg3[%add3A_176, %dma_start3A_185] : memref<100000x80xf32, #tpu.memory_space<hbm>> -> memref<184x80xf32, #tpu.memory_space<hbm>>
        %dma_start3A_187 = arith.constant 0 : i32
        %dma_start3A_188 = arith.constant 0 : i32
        %dma_start3A_189 = tpu.memref_slice %arg6[%dma_start3A_187, %dma_start3A_188] : memref<184x80xf32, #tpu.memory_space<vmem>> -> memref<184x80xf32, #tpu.memory_space<vmem>>
        %dma_start3A_190 = arith.constant 0 : i32
        %dma_start3A_191 = tpu.memref_slice %arg3[%add3A_176, %dma_start3A_190] : memref<100000x80xf32, #tpu.memory_space<hbm>> -> memref<184x80xf32, #tpu.memory_space<hbm>>
        tpu.enqueue_dma source(%dma_start3A_191 : memref<184x80xf32, #tpu.memory_space<hbm>>) target(%dma_start3A_189 : memref<184x80xf32, #tpu.memory_space<vmem>>) target_semaphore(%run_scoped3A : memref<!tpu.dma_semaphore, #tpu.memory_space<semaphore_mem>>)
        %dma_wait3A = arith.constant 0 : i32
        %dma_wait3A_192 = arith.constant 0 : i32
        %dma_wait3A_193 = tpu.memref_slice %arg6[%dma_wait3A, %dma_wait3A_192] : memref<184x80xf32, #tpu.memory_space<vmem>> -> memref<184x80xf32, #tpu.memory_space<vmem>>
        %dma_wait3A_194 = arith.constant 0 : i32
        %dma_wait3A_195 = tpu.memref_slice %arg3[%add3A_176, %dma_wait3A_194] : memref<100000x80xf32, #tpu.memory_space<hbm>> -> memref<184x80xf32, #tpu.memory_space<hbm>>
        %dma_wait3A_196 = arith.constant 0 : i32
        %dma_wait3A_197 = arith.constant 0 : i32
        %dma_wait3A_198 = tpu.memref_slice %arg6[%dma_wait3A_196, %dma_wait3A_197] : memref<184x80xf32, #tpu.memory_space<vmem>> -> memref<184x80xf32, #tpu.memory_space<vmem>>
        %dma_wait3A_199 = arith.constant 0 : i32
        %dma_wait3A_200 = tpu.memref_slice %arg3[%add3A_176, %dma_wait3A_199] : memref<100000x80xf32, #tpu.memory_space<hbm>> -> memref<184x80xf32, #tpu.memory_space<hbm>>
        tpu.wait_dma2 semaphore(%run_scoped3A : memref<!tpu.dma_semaphore, #tpu.memory_space<semaphore_mem>>) src(%dma_wait3A_200 : memref<184x80xf32, #tpu.memory_space<hbm>>) dst(%dma_wait3A_198 : memref<184x80xf32, #tpu.memory_space<vmem>>)
        tpu.yield
      }) : () -> ()
      %scan3A_177 = arith.constant 0 : i32
      %scan3A_178 = arith.constant 0 : i32
      %scan3A_179 = arith.constant 46 : i32
      %scan3A_180 = arith.addi %scan3A_178, %scan3A_179 : i32
      %scan3A_181 = arith.constant 1 : i32
      scf.for %scan3A_183 = %scan3A_178 to %scan3A_180 step %scan3A_181  : i32 {
        %mul3A_184 = arith.constant 4 : i32
        %mul3A_185 = arith.muli %scan3A_183, %mul3A_184 : i32
        %add3A_186 = arith.constant 0 : i32
        %add3A_187 = arith.addi %mul3A_185, %add3A_186 : i32
        %get3A_188 = arith.index_cast %add3A_187 : i32 to index
        %get3A_189 = arith.constant 0 : index
        %get3A_190 = tpu.vector_load %arg5[%get3A_188, %get3A_189] {strides = array<i32>} : memref<184x80xf32, #tpu.memory_space<vmem>>, vector<16xf32>,
        %get3A_191 = arith.index_cast %add3A_187 : i32 to index
        %get3A_192 = arith.constant 0 : index
        %get3A_193 = tpu.vector_load %arg6[%get3A_191, %get3A_192] {strides = array<i32>} : memref<184x80xf32, #tpu.memory_space<vmem>>, vector<16xf32>,
        %neg3A = arith.constant 0.000000e+00 : f32
        %neg3A_194 = vector.broadcast %neg3A : f32 to vector<16xf32>
        %neg3A_195 = arith.subf %neg3A_194, %get3A_190 : vector<16xf32>
        %exp3A = math.exp %neg3A_195 : vector<16xf32>
        %add3A_196 = arith.constant 1.000000e+00 : f32
        %add3A_197 = vector.broadcast %add3A_196 : f32 to vector<16xf32>
        %add3A_198 = arith.addf %add3A_197, %exp3A : vector<16xf32>
        %div3A = arith.constant 1.000000e+00 : f32
        %div3A_199 = vector.broadcast %div3A : f32 to vector<16xf32>
        %div3A_200 = arith.divf %div3A_199, %add3A_198 : vector<16xf32>
        %mul3A_201 = arith.mulf %div3A_200, %div3A_200 : vector<16xf32>
        %mul3A_202 = arith.mulf %mul3A_201, %mul3A_201 : vector<16xf32>
        %mul3A_203 = arith.constant -5.000000e-01 : f32
        %mul3A_204 = vector.broadcast %mul3A_203 : f32 to vector<16xf32>
        %mul3A_205 = arith.mulf %mul3A_204, %div3A_200 : vector<16xf32>
        %add3A_206 = arith.constant 0.693147182 : f32
        %add3A_207 = vector.broadcast %add3A_206 : f32 to vector<16xf32>
        %add3A_208 = arith.addf %add3A_207, %mul3A_205 : vector<16xf32>
        %mul3A_209 = arith.constant -2.32767593E-6 : f32
        %mul3A_210 = vector.broadcast %mul3A_209 : f32 to vector<16xf32>
        %mul3A_211 = arith.mulf %mul3A_210, %div3A_200 : vector<16xf32>
        %add3A_212 = arith.constant 0.125000253 : f32
        %add3A_213 = vector.broadcast %add3A_212 : f32 to vector<16xf32>
        %add3A_214 = arith.addf %add3A_213, %mul3A_211 : vector<16xf32>
        %mul3A_215 = arith.mulf %mul3A_201, %add3A_214 : vector<16xf32>
        %add3A_216 = arith.addf %add3A_208, %mul3A_215 : vector<16xf32>
        %mul3A_217 = arith.constant -3.08754315E-5 : f32
        %mul3A_218 = vector.broadcast %mul3A_217 : f32 to vector<16xf32>
        %mul3A_219 = arith.mulf %mul3A_218, %div3A_200 : vector<16xf32>
        %add3A_220 = arith.constant -0.00519710407 : f32
        %add3A_221 = vector.broadcast %add3A_220 : f32 to vector<16xf32>
        %add3A_222 = arith.addf %add3A_221, %mul3A_219 : vector<16xf32>
        %mul3A_223 = arith.constant -4.513050e-05 : f32
        %mul3A_224 = vector.broadcast %mul3A_223 : f32 to vector<16xf32>
        %mul3A_225 = arith.mulf %mul3A_224, %div3A_200 : vector<16xf32>
        %add3A_226 = arith.constant 3.96936288E-4 : f32
        %add3A_227 = vector.broadcast %add3A_226 : f32 to vector<16xf32>
        %add3A_228 = arith.addf %add3A_227, %mul3A_225 : vector<16xf32>
        %mul3A_229 = arith.mulf %mul3A_201, %add3A_228 : vector<16xf32>
        %add3A_230 = arith.addf %add3A_222, %mul3A_229 : vector<16xf32>
        %mul3A_231 = arith.constant -7.23134917E-6 : f32
        %mul3A_232 = vector.broadcast %mul3A_231 : f32 to vector<16xf32>
        %mul3A_233 = arith.mulf %mul3A_202, %mul3A_232 : vector<16xf32>
        %add3A_234 = arith.addf %add3A_230, %mul3A_233 : vector<16xf32>
        %mul3A_235 = arith.mulf %mul3A_202, %add3A_234 : vector<16xf32>
        %add3A_236 = arith.addf %add3A_216, %mul3A_235 : vector<16xf32>
        %sub3A = arith.constant 1.000000e+00 : f32
        %sub3A_237 = vector.broadcast %sub3A : f32 to vector<16xf32>
        %sub3A_238 = arith.subf %sub3A_237, %get3A_193 : vector<16xf32>
        %mul3A_239 = arith.mulf %div3A_200, %sub3A_238 : vector<16xf32>
        %add3A_240 = arith.addf %mul3A_239, %add3A_236 : vector<16xf32>
        %sub3A_241 = arith.subf %div3A_200, %get3A_193 : vector<16xf32>
        %abs3A = math.absf %sub3A_241 : vector<16xf32>
        %mul3A_242 = arith.constant 1.000000e+01 : f32
        %mul3A_243 = vector.broadcast %mul3A_242 : f32 to vector<16xf32>
        %mul3A_244 = arith.mulf %abs3A, %mul3A_243 : vector<16xf32>
        %convert_element_type3A_245 = arith.fptosi %mul3A_244 : vector<16xf32> to vector<16xi32>
        %min3A = arith.constant 9 : i32
        %min3A_246 = vector.broadcast %min3A : i32 to vector<16xi32>
        %min3A_247 = arith.minsi %convert_element_type3A_245, %min3A_246 : vector<16xi32>
        %mul3A_248 = arith.constant 16 : i32
        %mul3A_249 = vector.broadcast %mul3A_248 : i32 to vector<16xi32>
        %mul3A_250 = arith.muli %min3A_247, %mul3A_249 : vector<16xi32>
        %add3A_251 = arith.addi %mul3A_250, %iota3A : vector<16xi32>
        tpu.vector_store_idx %arg7[%add3A_251], %add3A_240 {add = true} : memref<160xf32, #tpu.memory_space<vmem>>[vector<16xi32>], vector<16xf32>,
        tpu.vector_store_idx %arg8[%add3A_251], %broadcast_in_dim3A_5 {add = true} : memref<160xf32, #tpu.memory_space<vmem>>[vector<16xi32>], vector<16xf32>,
        %get3A_252 = arith.index_cast %add3A_187 : i32 to index
        %get3A_253 = arith.constant 16 : index
        %get3A_254 = tpu.vector_load %arg5[%get3A_252, %get3A_253] {strides = array<i32>} : memref<184x80xf32, #tpu.memory_space<vmem>>, vector<16xf32>,
        %get3A_255 = arith.index_cast %add3A_187 : i32 to index
        %get3A_256 = arith.constant 16 : index
        %get3A_257 = tpu.vector_load %arg6[%get3A_255, %get3A_256] {strides = array<i32>} : memref<184x80xf32, #tpu.memory_space<vmem>>, vector<16xf32>,
        %neg3A_258 = arith.constant 0.000000e+00 : f32
        %neg3A_259 = vector.broadcast %neg3A_258 : f32 to vector<16xf32>
        %neg3A_260 = arith.subf %neg3A_259, %get3A_254 : vector<16xf32>
        %exp3A_261 = math.exp %neg3A_260 : vector<16xf32>
        %add3A_262 = arith.constant 1.000000e+00 : f32
        %add3A_263 = vector.broadcast %add3A_262 : f32 to vector<16xf32>
        %add3A_264 = arith.addf %add3A_263, %exp3A_261 : vector<16xf32>
        %div3A_265 = arith.constant 1.000000e+00 : f32
        %div3A_266 = vector.broadcast %div3A_265 : f32 to vector<16xf32>
        %div3A_267 = arith.divf %div3A_266, %add3A_264 : vector<16xf32>
        %mul3A_268 = arith.mulf %div3A_267, %div3A_267 : vector<16xf32>
        %mul3A_269 = arith.mulf %mul3A_268, %mul3A_268 : vector<16xf32>
        %mul3A_270 = arith.constant -5.000000e-01 : f32
        %mul3A_271 = vector.broadcast %mul3A_270 : f32 to vector<16xf32>
        %mul3A_272 = arith.mulf %mul3A_271, %div3A_267 : vector<16xf32>
        %add3A_273 = arith.constant 0.693147182 : f32
        %add3A_274 = vector.broadcast %add3A_273 : f32 to vector<16xf32>
        %add3A_275 = arith.addf %add3A_274, %mul3A_272 : vector<16xf32>
        %mul3A_276 = arith.constant -2.32767593E-6 : f32
        %mul3A_277 = vector.broadcast %mul3A_276 : f32 to vector<16xf32>
        %mul3A_278 = arith.mulf %mul3A_277, %div3A_267 : vector<16xf32>
        %add3A_279 = arith.constant 0.125000253 : f32
        %add3A_280 = vector.broadcast %add3A_279 : f32 to vector<16xf32>
        %add3A_281 = arith.addf %add3A_280, %mul3A_278 : vector<16xf32>
        %mul3A_282 = arith.mulf %mul3A_268, %add3A_281 : vector<16xf32>
        %add3A_283 = arith.addf %add3A_275, %mul3A_282 : vector<16xf32>
        %mul3A_284 = arith.constant -3.08754315E-5 : f32
        %mul3A_285 = vector.broadcast %mul3A_284 : f32 to vector<16xf32>
        %mul3A_286 = arith.mulf %mul3A_285, %div3A_267 : vector<16xf32>
        %add3A_287 = arith.constant -0.00519710407 : f32
        %add3A_288 = vector.broadcast %add3A_287 : f32 to vector<16xf32>
        %add3A_289 = arith.addf %add3A_288, %mul3A_286 : vector<16xf32>
        %mul3A_290 = arith.constant -4.513050e-05 : f32
        %mul3A_291 = vector.broadcast %mul3A_290 : f32 to vector<16xf32>
        %mul3A_292 = arith.mulf %mul3A_291, %div3A_267 : vector<16xf32>
        %add3A_293 = arith.constant 3.96936288E-4 : f32
        %add3A_294 = vector.broadcast %add3A_293 : f32 to vector<16xf32>
        %add3A_295 = arith.addf %add3A_294, %mul3A_292 : vector<16xf32>
        %mul3A_296 = arith.mulf %mul3A_268, %add3A_295 : vector<16xf32>
        %add3A_297 = arith.addf %add3A_289, %mul3A_296 : vector<16xf32>
        %mul3A_298 = arith.constant -7.23134917E-6 : f32
        %mul3A_299 = vector.broadcast %mul3A_298 : f32 to vector<16xf32>
        %mul3A_300 = arith.mulf %mul3A_269, %mul3A_299 : vector<16xf32>
        %add3A_301 = arith.addf %add3A_297, %mul3A_300 : vector<16xf32>
        %mul3A_302 = arith.mulf %mul3A_269, %add3A_301 : vector<16xf32>
        %add3A_303 = arith.addf %add3A_283, %mul3A_302 : vector<16xf32>
        %sub3A_304 = arith.constant 1.000000e+00 : f32
        %sub3A_305 = vector.broadcast %sub3A_304 : f32 to vector<16xf32>
        %sub3A_306 = arith.subf %sub3A_305, %get3A_257 : vector<16xf32>
        %mul3A_307 = arith.mulf %div3A_267, %sub3A_306 : vector<16xf32>
        %add3A_308 = arith.addf %mul3A_307, %add3A_303 : vector<16xf32>
        %sub3A_309 = arith.subf %div3A_267, %get3A_257 : vector<16xf32>
        %abs3A_310 = math.absf %sub3A_309 : vector<16xf32>
        %mul3A_311 = arith.constant 1.000000e+01 : f32
        %mul3A_312 = vector.broadcast %mul3A_311 : f32 to vector<16xf32>
        %mul3A_313 = arith.mulf %abs3A_310, %mul3A_312 : vector<16xf32>
        %convert_element_type3A_314 = arith.fptosi %mul3A_313 : vector<16xf32> to vector<16xi32>
        %min3A_315 = arith.constant 9 : i32
        %min3A_316 = vector.broadcast %min3A_315 : i32 to vector<16xi32>
        %min3A_317 = arith.minsi %convert_element_type3A_314, %min3A_316 : vector<16xi32>
        %mul3A_318 = arith.constant 16 : i32
        %mul3A_319 = vector.broadcast %mul3A_318 : i32 to vector<16xi32>
        %mul3A_320 = arith.muli %min3A_317, %mul3A_319 : vector<16xi32>
        %add3A_321 = arith.addi %mul3A_320, %iota3A : vector<16xi32>
        tpu.vector_store_idx %arg7[%add3A_321], %add3A_308 {add = true} : memref<160xf32, #tpu.memory_space<vmem>>[vector<16xi32>], vector<16xf32>,
        tpu.vector_store_idx %arg8[%add3A_321], %broadcast_in_dim3A_5 {add = true} : memref<160xf32, #tpu.memory_space<vmem>>[vector<16xi32>], vector<16xf32>,
        %get3A_322 = arith.index_cast %add3A_187 : i32 to index
        %get3A_323 = arith.constant 32 : index
        %get3A_324 = tpu.vector_load %arg5[%get3A_322, %get3A_323] {strides = array<i32>} : memref<184x80xf32, #tpu.memory_space<vmem>>, vector<16xf32>,
        %get3A_325 = arith.index_cast %add3A_187 : i32 to index
        %get3A_326 = arith.constant 32 : index
        %get3A_327 = tpu.vector_load %arg6[%get3A_325, %get3A_326] {strides = array<i32>} : memref<184x80xf32, #tpu.memory_space<vmem>>, vector<16xf32>,
        %neg3A_328 = arith.constant 0.000000e+00 : f32
        %neg3A_329 = vector.broadcast %neg3A_328 : f32 to vector<16xf32>
        %neg3A_330 = arith.subf %neg3A_329, %get3A_324 : vector<16xf32>
        %exp3A_331 = math.exp %neg3A_330 : vector<16xf32>
        %add3A_332 = arith.constant 1.000000e+00 : f32
        %add3A_333 = vector.broadcast %add3A_332 : f32 to vector<16xf32>
        %add3A_334 = arith.addf %add3A_333, %exp3A_331 : vector<16xf32>
        %div3A_335 = arith.constant 1.000000e+00 : f32
        %div3A_336 = vector.broadcast %div3A_335 : f32 to vector<16xf32>
        %div3A_337 = arith.divf %div3A_336, %add3A_334 : vector<16xf32>
        %mul3A_338 = arith.mulf %div3A_337, %div3A_337 : vector<16xf32>
        %mul3A_339 = arith.mulf %mul3A_338, %mul3A_338 : vector<16xf32>
        %mul3A_340 = arith.constant -5.000000e-01 : f32
        %mul3A_341 = vector.broadcast %mul3A_340 : f32 to vector<16xf32>
        %mul3A_342 = arith.mulf %mul3A_341, %div3A_337 : vector<16xf32>
        %add3A_343 = arith.constant 0.693147182 : f32
        %add3A_344 = vector.broadcast %add3A_343 : f32 to vector<16xf32>
        %add3A_345 = arith.addf %add3A_344, %mul3A_342 : vector<16xf32>
        %mul3A_346 = arith.constant -2.32767593E-6 : f32
        %mul3A_347 = vector.broadcast %mul3A_346 : f32 to vector<16xf32>
        %mul3A_348 = arith.mulf %mul3A_347, %div3A_337 : vector<16xf32>
        %add3A_349 = arith.constant 0.125000253 : f32
        %add3A_350 = vector.broadcast %add3A_349 : f32 to vector<16xf32>
        %add3A_351 = arith.addf %add3A_350, %mul3A_348 : vector<16xf32>
        %mul3A_352 = arith.mulf %mul3A_338, %add3A_351 : vector<16xf32>
        %add3A_353 = arith.addf %add3A_345, %mul3A_352 : vector<16xf32>
        %mul3A_354 = arith.constant -3.08754315E-5 : f32
        %mul3A_355 = vector.broadcast %mul3A_354 : f32 to vector<16xf32>
        %mul3A_356 = arith.mulf %mul3A_355, %div3A_337 : vector<16xf32>
        %add3A_357 = arith.constant -0.00519710407 : f32
        %add3A_358 = vector.broadcast %add3A_357 : f32 to vector<16xf32>
        %add3A_359 = arith.addf %add3A_358, %mul3A_356 : vector<16xf32>
        %mul3A_360 = arith.constant -4.513050e-05 : f32
        %mul3A_361 = vector.broadcast %mul3A_360 : f32 to vector<16xf32>
        %mul3A_362 = arith.mulf %mul3A_361, %div3A_337 : vector<16xf32>
        %add3A_363 = arith.constant 3.96936288E-4 : f32
        %add3A_364 = vector.broadcast %add3A_363 : f32 to vector<16xf32>
        %add3A_365 = arith.addf %add3A_364, %mul3A_362 : vector<16xf32>
        %mul3A_366 = arith.mulf %mul3A_338, %add3A_365 : vector<16xf32>
        %add3A_367 = arith.addf %add3A_359, %mul3A_366 : vector<16xf32>
        %mul3A_368 = arith.constant -7.23134917E-6 : f32
        %mul3A_369 = vector.broadcast %mul3A_368 : f32 to vector<16xf32>
        %mul3A_370 = arith.mulf %mul3A_339, %mul3A_369 : vector<16xf32>
        %add3A_371 = arith.addf %add3A_367, %mul3A_370 : vector<16xf32>
        %mul3A_372 = arith.mulf %mul3A_339, %add3A_371 : vector<16xf32>
        %add3A_373 = arith.addf %add3A_353, %mul3A_372 : vector<16xf32>
        %sub3A_374 = arith.constant 1.000000e+00 : f32
        %sub3A_375 = vector.broadcast %sub3A_374 : f32 to vector<16xf32>
        %sub3A_376 = arith.subf %sub3A_375, %get3A_327 : vector<16xf32>
        %mul3A_377 = arith.mulf %div3A_337, %sub3A_376 : vector<16xf32>
        %add3A_378 = arith.addf %mul3A_377, %add3A_373 : vector<16xf32>
        %sub3A_379 = arith.subf %div3A_337, %get3A_327 : vector<16xf32>
        %abs3A_380 = math.absf %sub3A_379 : vector<16xf32>
        %mul3A_381 = arith.constant 1.000000e+01 : f32
        %mul3A_382 = vector.broadcast %mul3A_381 : f32 to vector<16xf32>
        %mul3A_383 = arith.mulf %abs3A_380, %mul3A_382 : vector<16xf32>
        %convert_element_type3A_384 = arith.fptosi %mul3A_383 : vector<16xf32> to vector<16xi32>
        %min3A_385 = arith.constant 9 : i32
        %min3A_386 = vector.broadcast %min3A_385 : i32 to vector<16xi32>
        %min3A_387 = arith.minsi %convert_element_type3A_384, %min3A_386 : vector<16xi32>
        %mul3A_388 = arith.constant 16 : i32
        %mul3A_389 = vector.broadcast %mul3A_388 : i32 to vector<16xi32>
        %mul3A_390 = arith.muli %min3A_387, %mul3A_389 : vector<16xi32>
        %add3A_391 = arith.addi %mul3A_390, %iota3A : vector<16xi32>
        tpu.vector_store_idx %arg7[%add3A_391], %add3A_378 {add = true} : memref<160xf32, #tpu.memory_space<vmem>>[vector<16xi32>], vector<16xf32>,
        tpu.vector_store_idx %arg8[%add3A_391], %broadcast_in_dim3A_5 {add = true} : memref<160xf32, #tpu.memory_space<vmem>>[vector<16xi32>], vector<16xf32>,
        %get3A_392 = arith.index_cast %add3A_187 : i32 to index
        %get3A_393 = arith.constant 48 : index
        %get3A_394 = tpu.vector_load %arg5[%get3A_392, %get3A_393] {strides = array<i32>} : memref<184x80xf32, #tpu.memory_space<vmem>>, vector<16xf32>,
        %get3A_395 = arith.index_cast %add3A_187 : i32 to index
        %get3A_396 = arith.constant 48 : index
        %get3A_397 = tpu.vector_load %arg6[%get3A_395, %get3A_396] {strides = array<i32>} : memref<184x80xf32, #tpu.memory_space<vmem>>, vector<16xf32>,
        %neg3A_398 = arith.constant 0.000000e+00 : f32
        %neg3A_399 = vector.broadcast %neg3A_398 : f32 to vector<16xf32>
        %neg3A_400 = arith.subf %neg3A_399, %get3A_394 : vector<16xf32>
        %exp3A_401 = math.exp %neg3A_400 : vector<16xf32>
        %add3A_402 = arith.constant 1.000000e+00 : f32
        %add3A_403 = vector.broadcast %add3A_402 : f32 to vector<16xf32>
        %add3A_404 = arith.addf %add3A_403, %exp3A_401 : vector<16xf32>
        %div3A_405 = arith.constant 1.000000e+00 : f32
        %div3A_406 = vector.broadcast %div3A_405 : f32 to vector<16xf32>
        %div3A_407 = arith.divf %div3A_406, %add3A_404 : vector<16xf32>
        %mul3A_408 = arith.mulf %div3A_407, %div3A_407 : vector<16xf32>
        %mul3A_409 = arith.mulf %mul3A_408, %mul3A_408 : vector<16xf32>
        %mul3A_410 = arith.constant -5.000000e-01 : f32
        %mul3A_411 = vector.broadcast %mul3A_410 : f32 to vector<16xf32>
        %mul3A_412 = arith.mulf %mul3A_411, %div3A_407 : vector<16xf32>
        %add3A_413 = arith.constant 0.693147182 : f32
        %add3A_414 = vector.broadcast %add3A_413 : f32 to vector<16xf32>
        %add3A_415 = arith.addf %add3A_414, %mul3A_412 : vector<16xf32>
        %mul3A_416 = arith.constant -2.32767593E-6 : f32
        %mul3A_417 = vector.broadcast %mul3A_416 : f32 to vector<16xf32>
        %mul3A_418 = arith.mulf %mul3A_417, %div3A_407 : vector<16xf32>
        %add3A_419 = arith.constant 0.125000253 : f32
        %add3A_420 = vector.broadcast %add3A_419 : f32 to vector<16xf32>
        %add3A_421 = arith.addf %add3A_420, %mul3A_418 : vector<16xf32>
        %mul3A_422 = arith.mulf %mul3A_408, %add3A_421 : vector<16xf32>
        %add3A_423 = arith.addf %add3A_415, %mul3A_422 : vector<16xf32>
        %mul3A_424 = arith.constant -3.08754315E-5 : f32
        %mul3A_425 = vector.broadcast %mul3A_424 : f32 to vector<16xf32>
        %mul3A_426 = arith.mulf %mul3A_425, %div3A_407 : vector<16xf32>
        %add3A_427 = arith.constant -0.00519710407 : f32
        %add3A_428 = vector.broadcast %add3A_427 : f32 to vector<16xf32>
        %add3A_429 = arith.addf %add3A_428, %mul3A_426 : vector<16xf32>
        %mul3A_430 = arith.constant -4.513050e-05 : f32
        %mul3A_431 = vector.broadcast %mul3A_430 : f32 to vector<16xf32>
        %mul3A_432 = arith.mulf %mul3A_431, %div3A_407 : vector<16xf32>
        %add3A_433 = arith.constant 3.96936288E-4 : f32
        %add3A_434 = vector.broadcast %add3A_433 : f32 to vector<16xf32>
        %add3A_435 = arith.addf %add3A_434, %mul3A_432 : vector<16xf32>
        %mul3A_436 = arith.mulf %mul3A_408, %add3A_435 : vector<16xf32>
        %add3A_437 = arith.addf %add3A_429, %mul3A_436 : vector<16xf32>
        %mul3A_438 = arith.constant -7.23134917E-6 : f32
        %mul3A_439 = vector.broadcast %mul3A_438 : f32 to vector<16xf32>
        %mul3A_440 = arith.mulf %mul3A_409, %mul3A_439 : vector<16xf32>
        %add3A_441 = arith.addf %add3A_437, %mul3A_440 : vector<16xf32>
        %mul3A_442 = arith.mulf %mul3A_409, %add3A_441 : vector<16xf32>
        %add3A_443 = arith.addf %add3A_423, %mul3A_442 : vector<16xf32>
        %sub3A_444 = arith.constant 1.000000e+00 : f32
        %sub3A_445 = vector.broadcast %sub3A_444 : f32 to vector<16xf32>
        %sub3A_446 = arith.subf %sub3A_445, %get3A_397 : vector<16xf32>
        %mul3A_447 = arith.mulf %div3A_407, %sub3A_446 : vector<16xf32>
        %add3A_448 = arith.addf %mul3A_447, %add3A_443 : vector<16xf32>
        %sub3A_449 = arith.subf %div3A_407, %get3A_397 : vector<16xf32>
        %abs3A_450 = math.absf %sub3A_449 : vector<16xf32>
        %mul3A_451 = arith.constant 1.000000e+01 : f32
        %mul3A_452 = vector.broadcast %mul3A_451 : f32 to vector<16xf32>
        %mul3A_453 = arith.mulf %abs3A_450, %mul3A_452 : vector<16xf32>
        %convert_element_type3A_454 = arith.fptosi %mul3A_453 : vector<16xf32> to vector<16xi32>
        %min3A_455 = arith.constant 9 : i32
        %min3A_456 = vector.broadcast %min3A_455 : i32 to vector<16xi32>
        %min3A_457 = arith.minsi %convert_element_type3A_454, %min3A_456 : vector<16xi32>
        %mul3A_458 = arith.constant 16 : i32
        %mul3A_459 = vector.broadcast %mul3A_458 : i32 to vector<16xi32>
        %mul3A_460 = arith.muli %min3A_457, %mul3A_459 : vector<16xi32>
        %add3A_461 = arith.addi %mul3A_460, %iota3A : vector<16xi32>
        tpu.vector_store_idx %arg7[%add3A_461], %add3A_448 {add = true} : memref<160xf32, #tpu.memory_space<vmem>>[vector<16xi32>], vector<16xf32>,
        tpu.vector_store_idx %arg8[%add3A_461], %broadcast_in_dim3A_5 {add = true} : memref<160xf32, #tpu.memory_space<vmem>>[vector<16xi32>], vector<16xf32>,
        %get3A_462 = arith.index_cast %add3A_187 : i32 to index
        %get3A_463 = arith.constant 64 : index
        %get3A_464 = tpu.vector_load %arg5[%get3A_462, %get3A_463] {strides = array<i32>} : memref<184x80xf32, #tpu.memory_space<vmem>>, vector<16xf32>,
        %get3A_465 = arith.index_cast %add3A_187 : i32 to index
        %get3A_466 = arith.constant 64 : index
        %get3A_467 = tpu.vector_load %arg6[%get3A_465, %get3A_466] {strides = array<i32>} : memref<184x80xf32, #tpu.memory_space<vmem>>, vector<16xf32>,
        %neg3A_468 = arith.constant 0.000000e+00 : f32
        %neg3A_469 = vector.broadcast %neg3A_468 : f32 to vector<16xf32>
        %neg3A_470 = arith.subf %neg3A_469, %get3A_464 : vector<16xf32>
        %exp3A_471 = math.exp %neg3A_470 : vector<16xf32>
        %add3A_472 = arith.constant 1.000000e+00 : f32
        %add3A_473 = vector.broadcast %add3A_472 : f32 to vector<16xf32>
        %add3A_474 = arith.addf %add3A_473, %exp3A_471 : vector<16xf32>
        %div3A_475 = arith.constant 1.000000e+00 : f32
        %div3A_476 = vector.broadcast %div3A_475 : f32 to vector<16xf32>
        %div3A_477 = arith.divf %div3A_476, %add3A_474 : vector<16xf32>
        %mul3A_478 = arith.mulf %div3A_477, %div3A_477 : vector<16xf32>
        %mul3A_479 = arith.mulf %mul3A_478, %mul3A_478 : vector<16xf32>
        %mul3A_480 = arith.constant -5.000000e-01 : f32
        %mul3A_481 = vector.broadcast %mul3A_480 : f32 to vector<16xf32>
        %mul3A_482 = arith.mulf %mul3A_481, %div3A_477 : vector<16xf32>
        %add3A_483 = arith.constant 0.693147182 : f32
        %add3A_484 = vector.broadcast %add3A_483 : f32 to vector<16xf32>
        %add3A_485 = arith.addf %add3A_484, %mul3A_482 : vector<16xf32>
        %mul3A_486 = arith.constant -2.32767593E-6 : f32
        %mul3A_487 = vector.broadcast %mul3A_486 : f32 to vector<16xf32>
        %mul3A_488 = arith.mulf %mul3A_487, %div3A_477 : vector<16xf32>
        %add3A_489 = arith.constant 0.125000253 : f32
        %add3A_490 = vector.broadcast %add3A_489 : f32 to vector<16xf32>
        %add3A_491 = arith.addf %add3A_490, %mul3A_488 : vector<16xf32>
        %mul3A_492 = arith.mulf %mul3A_478, %add3A_491 : vector<16xf32>
        %add3A_493 = arith.addf %add3A_485, %mul3A_492 : vector<16xf32>
        %mul3A_494 = arith.constant -3.08754315E-5 : f32
        %mul3A_495 = vector.broadcast %mul3A_494 : f32 to vector<16xf32>
        %mul3A_496 = arith.mulf %mul3A_495, %div3A_477 : vector<16xf32>
        %add3A_497 = arith.constant -0.00519710407 : f32
        %add3A_498 = vector.broadcast %add3A_497 : f32 to vector<16xf32>
        %add3A_499 = arith.addf %add3A_498, %mul3A_496 : vector<16xf32>
        %mul3A_500 = arith.constant -4.513050e-05 : f32
        %mul3A_501 = vector.broadcast %mul3A_500 : f32 to vector<16xf32>
        %mul3A_502 = arith.mulf %mul3A_501, %div3A_477 : vector<16xf32>
        %add3A_503 = arith.constant 3.96936288E-4 : f32
        %add3A_504 = vector.broadcast %add3A_503 : f32 to vector<16xf32>
        %add3A_505 = arith.addf %add3A_504, %mul3A_502 : vector<16xf32>
        %mul3A_506 = arith.mulf %mul3A_478, %add3A_505 : vector<16xf32>
        %add3A_507 = arith.addf %add3A_499, %mul3A_506 : vector<16xf32>
        %mul3A_508 = arith.constant -7.23134917E-6 : f32
        %mul3A_509 = vector.broadcast %mul3A_508 : f32 to vector<16xf32>
        %mul3A_510 = arith.mulf %mul3A_479, %mul3A_509 : vector<16xf32>
        %add3A_511 = arith.addf %add3A_507, %mul3A_510 : vector<16xf32>
        %mul3A_512 = arith.mulf %mul3A_479, %add3A_511 : vector<16xf32>
        %add3A_513 = arith.addf %add3A_493, %mul3A_512 : vector<16xf32>
        %sub3A_514 = arith.constant 1.000000e+00 : f32
        %sub3A_515 = vector.broadcast %sub3A_514 : f32 to vector<16xf32>
        %sub3A_516 = arith.subf %sub3A_515, %get3A_467 : vector<16xf32>
        %mul3A_517 = arith.mulf %div3A_477, %sub3A_516 : vector<16xf32>
        %add3A_518 = arith.addf %mul3A_517, %add3A_513 : vector<16xf32>
        %sub3A_519 = arith.subf %div3A_477, %get3A_467 : vector<16xf32>
        %abs3A_520 = math.absf %sub3A_519 : vector<16xf32>
        %mul3A_521 = arith.constant 1.000000e+01 : f32
        %mul3A_522 = vector.broadcast %mul3A_521 : f32 to vector<16xf32>
        %mul3A_523 = arith.mulf %abs3A_520, %mul3A_522 : vector<16xf32>
        %convert_element_type3A_524 = arith.fptosi %mul3A_523 : vector<16xf32> to vector<16xi32>
        %min3A_525 = arith.constant 9 : i32
        %min3A_526 = vector.broadcast %min3A_525 : i32 to vector<16xi32>
        %min3A_527 = arith.minsi %convert_element_type3A_524, %min3A_526 : vector<16xi32>
        %mul3A_528 = arith.constant 16 : i32
        %mul3A_529 = vector.broadcast %mul3A_528 : i32 to vector<16xi32>
        %mul3A_530 = arith.muli %min3A_527, %mul3A_529 : vector<16xi32>
        %add3A_531 = arith.addi %mul3A_530, %iota3A : vector<16xi32>
        tpu.vector_store_idx %arg7[%add3A_531], %add3A_518 {add = true} : memref<160xf32, #tpu.memory_space<vmem>>[vector<16xi32>], vector<16xf32>,
        tpu.vector_store_idx %arg8[%add3A_531], %broadcast_in_dim3A_5 {add = true} : memref<160xf32, #tpu.memory_space<vmem>>[vector<16xi32>], vector<16xf32>,
        %mul3A_532 = arith.constant 4 : i32
        %mul3A_533 = arith.muli %scan3A_183, %mul3A_532 : i32
        %add3A_534 = arith.constant 1 : i32
        %add3A_535 = arith.addi %mul3A_533, %add3A_534 : i32
        %get3A_536 = arith.index_cast %add3A_535 : i32 to index
        %get3A_537 = arith.constant 0 : index
        %get3A_538 = tpu.vector_load %arg5[%get3A_536, %get3A_537] {strides = array<i32>} : memref<184x80xf32, #tpu.memory_space<vmem>>, vector<16xf32>,
        %get3A_539 = arith.index_cast %add3A_535 : i32 to index
        %get3A_540 = arith.constant 0 : index
        %get3A_541 = tpu.vector_load %arg6[%get3A_539, %get3A_540] {strides = array<i32>} : memref<184x80xf32, #tpu.memory_space<vmem>>, vector<16xf32>,
        %neg3A_542 = arith.constant 0.000000e+00 : f32
        %neg3A_543 = vector.broadcast %neg3A_542 : f32 to vector<16xf32>
        %neg3A_544 = arith.subf %neg3A_543, %get3A_538 : vector<16xf32>
        %exp3A_545 = math.exp %neg3A_544 : vector<16xf32>
        %add3A_546 = arith.constant 1.000000e+00 : f32
        %add3A_547 = vector.broadcast %add3A_546 : f32 to vector<16xf32>
        %add3A_548 = arith.addf %add3A_547, %exp3A_545 : vector<16xf32>
        %div3A_549 = arith.constant 1.000000e+00 : f32
        %div3A_550 = vector.broadcast %div3A_549 : f32 to vector<16xf32>
        %div3A_551 = arith.divf %div3A_550, %add3A_548 : vector<16xf32>
        %mul3A_552 = arith.mulf %div3A_551, %div3A_551 : vector<16xf32>
        %mul3A_553 = arith.mulf %mul3A_552, %mul3A_552 : vector<16xf32>
        %mul3A_554 = arith.constant -5.000000e-01 : f32
        %mul3A_555 = vector.broadcast %mul3A_554 : f32 to vector<16xf32>
        %mul3A_556 = arith.mulf %mul3A_555, %div3A_551 : vector<16xf32>
        %add3A_557 = arith.constant 0.693147182 : f32
        %add3A_558 = vector.broadcast %add3A_557 : f32 to vector<16xf32>
        %add3A_559 = arith.addf %add3A_558, %mul3A_556 : vector<16xf32>
        %mul3A_560 = arith.constant -2.32767593E-6 : f32
        %mul3A_561 = vector.broadcast %mul3A_560 : f32 to vector<16xf32>
        %mul3A_562 = arith.mulf %mul3A_561, %div3A_551 : vector<16xf32>
        %add3A_563 = arith.constant 0.125000253 : f32
        %add3A_564 = vector.broadcast %add3A_563 : f32 to vector<16xf32>
        %add3A_565 = arith.addf %add3A_564, %mul3A_562 : vector<16xf32>
        %mul3A_566 = arith.mulf %mul3A_552, %add3A_565 : vector<16xf32>
        %add3A_567 = arith.addf %add3A_559, %mul3A_566 : vector<16xf32>
        %mul3A_568 = arith.constant -3.08754315E-5 : f32
        %mul3A_569 = vector.broadcast %mul3A_568 : f32 to vector<16xf32>
        %mul3A_570 = arith.mulf %mul3A_569, %div3A_551 : vector<16xf32>
        %add3A_571 = arith.constant -0.00519710407 : f32
        %add3A_572 = vector.broadcast %add3A_571 : f32 to vector<16xf32>
        %add3A_573 = arith.addf %add3A_572, %mul3A_570 : vector<16xf32>
        %mul3A_574 = arith.constant -4.513050e-05 : f32
        %mul3A_575 = vector.broadcast %mul3A_574 : f32 to vector<16xf32>
        %mul3A_576 = arith.mulf %mul3A_575, %div3A_551 : vector<16xf32>
        %add3A_577 = arith.constant 3.96936288E-4 : f32
        %add3A_578 = vector.broadcast %add3A_577 : f32 to vector<16xf32>
        %add3A_579 = arith.addf %add3A_578, %mul3A_576 : vector<16xf32>
        %mul3A_580 = arith.mulf %mul3A_552, %add3A_579 : vector<16xf32>
        %add3A_581 = arith.addf %add3A_573, %mul3A_580 : vector<16xf32>
        %mul3A_582 = arith.constant -7.23134917E-6 : f32
        %mul3A_583 = vector.broadcast %mul3A_582 : f32 to vector<16xf32>
        %mul3A_584 = arith.mulf %mul3A_553, %mul3A_583 : vector<16xf32>
        %add3A_585 = arith.addf %add3A_581, %mul3A_584 : vector<16xf32>
        %mul3A_586 = arith.mulf %mul3A_553, %add3A_585 : vector<16xf32>
        %add3A_587 = arith.addf %add3A_567, %mul3A_586 : vector<16xf32>
        %sub3A_588 = arith.constant 1.000000e+00 : f32
        %sub3A_589 = vector.broadcast %sub3A_588 : f32 to vector<16xf32>
        %sub3A_590 = arith.subf %sub3A_589, %get3A_541 : vector<16xf32>
        %mul3A_591 = arith.mulf %div3A_551, %sub3A_590 : vector<16xf32>
        %add3A_592 = arith.addf %mul3A_591, %add3A_587 : vector<16xf32>
        %sub3A_593 = arith.subf %div3A_551, %get3A_541 : vector<16xf32>
        %abs3A_594 = math.absf %sub3A_593 : vector<16xf32>
        %mul3A_595 = arith.constant 1.000000e+01 : f32
        %mul3A_596 = vector.broadcast %mul3A_595 : f32 to vector<16xf32>
        %mul3A_597 = arith.mulf %abs3A_594, %mul3A_596 : vector<16xf32>
        %convert_element_type3A_598 = arith.fptosi %mul3A_597 : vector<16xf32> to vector<16xi32>
        %min3A_599 = arith.constant 9 : i32
        %min3A_600 = vector.broadcast %min3A_599 : i32 to vector<16xi32>
        %min3A_601 = arith.minsi %convert_element_type3A_598, %min3A_600 : vector<16xi32>
        %mul3A_602 = arith.constant 16 : i32
        %mul3A_603 = vector.broadcast %mul3A_602 : i32 to vector<16xi32>
        %mul3A_604 = arith.muli %min3A_601, %mul3A_603 : vector<16xi32>
        %add3A_605 = arith.addi %mul3A_604, %iota3A : vector<16xi32>
        tpu.vector_store_idx %arg7[%add3A_605], %add3A_592 {add = true} : memref<160xf32, #tpu.memory_space<vmem>>[vector<16xi32>], vector<16xf32>,
        tpu.vector_store_idx %arg8[%add3A_605], %broadcast_in_dim3A_5 {add = true} : memref<160xf32, #tpu.memory_space<vmem>>[vector<16xi32>], vector<16xf32>,
        %get3A_606 = arith.index_cast %add3A_535 : i32 to index
        %get3A_607 = arith.constant 16 : index
        %get3A_608 = tpu.vector_load %arg5[%get3A_606, %get3A_607] {strides = array<i32>} : memref<184x80xf32, #tpu.memory_space<vmem>>, vector<16xf32>,
        %get3A_609 = arith.index_cast %add3A_535 : i32 to index
        %get3A_610 = arith.constant 16 : index
        %get3A_611 = tpu.vector_load %arg6[%get3A_609, %get3A_610] {strides = array<i32>} : memref<184x80xf32, #tpu.memory_space<vmem>>, vector<16xf32>,
        %neg3A_612 = arith.constant 0.000000e+00 : f32
        %neg3A_613 = vector.broadcast %neg3A_612 : f32 to vector<16xf32>
        %neg3A_614 = arith.subf %neg3A_613, %get3A_608 : vector<16xf32>
        %exp3A_615 = math.exp %neg3A_614 : vector<16xf32>
        %add3A_616 = arith.constant 1.000000e+00 : f32
        %add3A_617 = vector.broadcast %add3A_616 : f32 to vector<16xf32>
        %add3A_618 = arith.addf %add3A_617, %exp3A_615 : vector<16xf32>
        %div3A_619 = arith.constant 1.000000e+00 : f32
        %div3A_620 = vector.broadcast %div3A_619 : f32 to vector<16xf32>
        %div3A_621 = arith.divf %div3A_620, %add3A_618 : vector<16xf32>
        %mul3A_622 = arith.mulf %div3A_621, %div3A_621 : vector<16xf32>
        %mul3A_623 = arith.mulf %mul3A_622, %mul3A_622 : vector<16xf32>
        %mul3A_624 = arith.constant -5.000000e-01 : f32
        %mul3A_625 = vector.broadcast %mul3A_624 : f32 to vector<16xf32>
        %mul3A_626 = arith.mulf %mul3A_625, %div3A_621 : vector<16xf32>
        %add3A_627 = arith.constant 0.693147182 : f32
        %add3A_628 = vector.broadcast %add3A_627 : f32 to vector<16xf32>
        %add3A_629 = arith.addf %add3A_628, %mul3A_626 : vector<16xf32>
        %mul3A_630 = arith.constant -2.32767593E-6 : f32
        %mul3A_631 = vector.broadcast %mul3A_630 : f32 to vector<16xf32>
        %mul3A_632 = arith.mulf %mul3A_631, %div3A_621 : vector<16xf32>
        %add3A_633 = arith.constant 0.125000253 : f32
        %add3A_634 = vector.broadcast %add3A_633 : f32 to vector<16xf32>
        %add3A_635 = arith.addf %add3A_634, %mul3A_632 : vector<16xf32>
        %mul3A_636 = arith.mulf %mul3A_622, %add3A_635 : vector<16xf32>
        %add3A_637 = arith.addf %add3A_629, %mul3A_636 : vector<16xf32>
        %mul3A_638 = arith.constant -3.08754315E-5 : f32
        %mul3A_639 = vector.broadcast %mul3A_638 : f32 to vector<16xf32>
        %mul3A_640 = arith.mulf %mul3A_639, %div3A_621 : vector<16xf32>
        %add3A_641 = arith.constant -0.00519710407 : f32
        %add3A_642 = vector.broadcast %add3A_641 : f32 to vector<16xf32>
        %add3A_643 = arith.addf %add3A_642, %mul3A_640 : vector<16xf32>
        %mul3A_644 = arith.constant -4.513050e-05 : f32
        %mul3A_645 = vector.broadcast %mul3A_644 : f32 to vector<16xf32>
        %mul3A_646 = arith.mulf %mul3A_645, %div3A_621 : vector<16xf32>
        %add3A_647 = arith.constant 3.96936288E-4 : f32
        %add3A_648 = vector.broadcast %add3A_647 : f32 to vector<16xf32>
        %add3A_649 = arith.addf %add3A_648, %mul3A_646 : vector<16xf32>
        %mul3A_650 = arith.mulf %mul3A_622, %add3A_649 : vector<16xf32>
        %add3A_651 = arith.addf %add3A_643, %mul3A_650 : vector<16xf32>
        %mul3A_652 = arith.constant -7.23134917E-6 : f32
        %mul3A_653 = vector.broadcast %mul3A_652 : f32 to vector<16xf32>
        %mul3A_654 = arith.mulf %mul3A_623, %mul3A_653 : vector<16xf32>
        %add3A_655 = arith.addf %add3A_651, %mul3A_654 : vector<16xf32>
        %mul3A_656 = arith.mulf %mul3A_623, %add3A_655 : vector<16xf32>
        %add3A_657 = arith.addf %add3A_637, %mul3A_656 : vector<16xf32>
        %sub3A_658 = arith.constant 1.000000e+00 : f32
        %sub3A_659 = vector.broadcast %sub3A_658 : f32 to vector<16xf32>
        %sub3A_660 = arith.subf %sub3A_659, %get3A_611 : vector<16xf32>
        %mul3A_661 = arith.mulf %div3A_621, %sub3A_660 : vector<16xf32>
        %add3A_662 = arith.addf %mul3A_661, %add3A_657 : vector<16xf32>
        %sub3A_663 = arith.subf %div3A_621, %get3A_611 : vector<16xf32>
        %abs3A_664 = math.absf %sub3A_663 : vector<16xf32>
        %mul3A_665 = arith.constant 1.000000e+01 : f32
        %mul3A_666 = vector.broadcast %mul3A_665 : f32 to vector<16xf32>
        %mul3A_667 = arith.mulf %abs3A_664, %mul3A_666 : vector<16xf32>
        %convert_element_type3A_668 = arith.fptosi %mul3A_667 : vector<16xf32> to vector<16xi32>
        %min3A_669 = arith.constant 9 : i32
        %min3A_670 = vector.broadcast %min3A_669 : i32 to vector<16xi32>
        %min3A_671 = arith.minsi %convert_element_type3A_668, %min3A_670 : vector<16xi32>
        %mul3A_672 = arith.constant 16 : i32
        %mul3A_673 = vector.broadcast %mul3A_672 : i32 to vector<16xi32>
        %mul3A_674 = arith.muli %min3A_671, %mul3A_673 : vector<16xi32>
        %add3A_675 = arith.addi %mul3A_674, %iota3A : vector<16xi32>
        tpu.vector_store_idx %arg7[%add3A_675], %add3A_662 {add = true} : memref<160xf32, #tpu.memory_space<vmem>>[vector<16xi32>], vector<16xf32>,
        tpu.vector_store_idx %arg8[%add3A_675], %broadcast_in_dim3A_5 {add = true} : memref<160xf32, #tpu.memory_space<vmem>>[vector<16xi32>], vector<16xf32>,
        %get3A_676 = arith.index_cast %add3A_535 : i32 to index
        %get3A_677 = arith.constant 32 : index
        %get3A_678 = tpu.vector_load %arg5[%get3A_676, %get3A_677] {strides = array<i32>} : memref<184x80xf32, #tpu.memory_space<vmem>>, vector<16xf32>,
        %get3A_679 = arith.index_cast %add3A_535 : i32 to index
        %get3A_680 = arith.constant 32 : index
        %get3A_681 = tpu.vector_load %arg6[%get3A_679, %get3A_680] {strides = array<i32>} : memref<184x80xf32, #tpu.memory_space<vmem>>, vector<16xf32>,
        %neg3A_682 = arith.constant 0.000000e+00 : f32
        %neg3A_683 = vector.broadcast %neg3A_682 : f32 to vector<16xf32>
        %neg3A_684 = arith.subf %neg3A_683, %get3A_678 : vector<16xf32>
        %exp3A_685 = math.exp %neg3A_684 : vector<16xf32>
        %add3A_686 = arith.constant 1.000000e+00 : f32
        %add3A_687 = vector.broadcast %add3A_686 : f32 to vector<16xf32>
        %add3A_688 = arith.addf %add3A_687, %exp3A_685 : vector<16xf32>
        %div3A_689 = arith.constant 1.000000e+00 : f32
        %div3A_690 = vector.broadcast %div3A_689 : f32 to vector<16xf32>
        %div3A_691 = arith.divf %div3A_690, %add3A_688 : vector<16xf32>
        %mul3A_692 = arith.mulf %div3A_691, %div3A_691 : vector<16xf32>
        %mul3A_693 = arith.mulf %mul3A_692, %mul3A_692 : vector<16xf32>
        %mul3A_694 = arith.constant -5.000000e-01 : f32
        %mul3A_695 = vector.broadcast %mul3A_694 : f32 to vector<16xf32>
        %mul3A_696 = arith.mulf %mul3A_695, %div3A_691 : vector<16xf32>
        %add3A_697 = arith.constant 0.693147182 : f32
        %add3A_698 = vector.broadcast %add3A_697 : f32 to vector<16xf32>
        %add3A_699 = arith.addf %add3A_698, %mul3A_696 : vector<16xf32>
        %mul3A_700 = arith.constant -2.32767593E-6 : f32
        %mul3A_701 = vector.broadcast %mul3A_700 : f32 to vector<16xf32>
        %mul3A_702 = arith.mulf %mul3A_701, %div3A_691 : vector<16xf32>
        %add3A_703 = arith.constant 0.125000253 : f32
        %add3A_704 = vector.broadcast %add3A_703 : f32 to vector<16xf32>
        %add3A_705 = arith.addf %add3A_704, %mul3A_702 : vector<16xf32>
        %mul3A_706 = arith.mulf %mul3A_692, %add3A_705 : vector<16xf32>
        %add3A_707 = arith.addf %add3A_699, %mul3A_706 : vector<16xf32>
        %mul3A_708 = arith.constant -3.08754315E-5 : f32
        %mul3A_709 = vector.broadcast %mul3A_708 : f32 to vector<16xf32>
        %mul3A_710 = arith.mulf %mul3A_709, %div3A_691 : vector<16xf32>
        %add3A_711 = arith.constant -0.00519710407 : f32
        %add3A_712 = vector.broadcast %add3A_711 : f32 to vector<16xf32>
        %add3A_713 = arith.addf %add3A_712, %mul3A_710 : vector<16xf32>
        %mul3A_714 = arith.constant -4.513050e-05 : f32
        %mul3A_715 = vector.broadcast %mul3A_714 : f32 to vector<16xf32>
        %mul3A_716 = arith.mulf %mul3A_715, %div3A_691 : vector<16xf32>
        %add3A_717 = arith.constant 3.96936288E-4 : f32
        %add3A_718 = vector.broadcast %add3A_717 : f32 to vector<16xf32>
        %add3A_719 = arith.addf %add3A_718, %mul3A_716 : vector<16xf32>
        %mul3A_720 = arith.mulf %mul3A_692, %add3A_719 : vector<16xf32>
        %add3A_721 = arith.addf %add3A_713, %mul3A_720 : vector<16xf32>
        %mul3A_722 = arith.constant -7.23134917E-6 : f32
        %mul3A_723 = vector.broadcast %mul3A_722 : f32 to vector<16xf32>
        %mul3A_724 = arith.mulf %mul3A_693, %mul3A_723 : vector<16xf32>
        %add3A_725 = arith.addf %add3A_721, %mul3A_724 : vector<16xf32>
        %mul3A_726 = arith.mulf %mul3A_693, %add3A_725 : vector<16xf32>
        %add3A_727 = arith.addf %add3A_707, %mul3A_726 : vector<16xf32>
        %sub3A_728 = arith.constant 1.000000e+00 : f32
        %sub3A_729 = vector.broadcast %sub3A_728 : f32 to vector<16xf32>
        %sub3A_730 = arith.subf %sub3A_729, %get3A_681 : vector<16xf32>
        %mul3A_731 = arith.mulf %div3A_691, %sub3A_730 : vector<16xf32>
        %add3A_732 = arith.addf %mul3A_731, %add3A_727 : vector<16xf32>
        %sub3A_733 = arith.subf %div3A_691, %get3A_681 : vector<16xf32>
        %abs3A_734 = math.absf %sub3A_733 : vector<16xf32>
        %mul3A_735 = arith.constant 1.000000e+01 : f32
        %mul3A_736 = vector.broadcast %mul3A_735 : f32 to vector<16xf32>
        %mul3A_737 = arith.mulf %abs3A_734, %mul3A_736 : vector<16xf32>
        %convert_element_type3A_738 = arith.fptosi %mul3A_737 : vector<16xf32> to vector<16xi32>
        %min3A_739 = arith.constant 9 : i32
        %min3A_740 = vector.broadcast %min3A_739 : i32 to vector<16xi32>
        %min3A_741 = arith.minsi %convert_element_type3A_738, %min3A_740 : vector<16xi32>
        %mul3A_742 = arith.constant 16 : i32
        %mul3A_743 = vector.broadcast %mul3A_742 : i32 to vector<16xi32>
        %mul3A_744 = arith.muli %min3A_741, %mul3A_743 : vector<16xi32>
        %add3A_745 = arith.addi %mul3A_744, %iota3A : vector<16xi32>
        tpu.vector_store_idx %arg7[%add3A_745], %add3A_732 {add = true} : memref<160xf32, #tpu.memory_space<vmem>>[vector<16xi32>], vector<16xf32>,
        tpu.vector_store_idx %arg8[%add3A_745], %broadcast_in_dim3A_5 {add = true} : memref<160xf32, #tpu.memory_space<vmem>>[vector<16xi32>], vector<16xf32>,
        %get3A_746 = arith.index_cast %add3A_535 : i32 to index
        %get3A_747 = arith.constant 48 : index
        %get3A_748 = tpu.vector_load %arg5[%get3A_746, %get3A_747] {strides = array<i32>} : memref<184x80xf32, #tpu.memory_space<vmem>>, vector<16xf32>,
        %get3A_749 = arith.index_cast %add3A_535 : i32 to index
        %get3A_750 = arith.constant 48 : index
        %get3A_751 = tpu.vector_load %arg6[%get3A_749, %get3A_750] {strides = array<i32>} : memref<184x80xf32, #tpu.memory_space<vmem>>, vector<16xf32>,
        %neg3A_752 = arith.constant 0.000000e+00 : f32
        %neg3A_753 = vector.broadcast %neg3A_752 : f32 to vector<16xf32>
        %neg3A_754 = arith.subf %neg3A_753, %get3A_748 : vector<16xf32>
        %exp3A_755 = math.exp %neg3A_754 : vector<16xf32>
        %add3A_756 = arith.constant 1.000000e+00 : f32
        %add3A_757 = vector.broadcast %add3A_756 : f32 to vector<16xf32>
        %add3A_758 = arith.addf %add3A_757, %exp3A_755 : vector<16xf32>
        %div3A_759 = arith.constant 1.000000e+00 : f32
        %div3A_760 = vector.broadcast %div3A_759 : f32 to vector<16xf32>
        %div3A_761 = arith.divf %div3A_760, %add3A_758 : vector<16xf32>
        %mul3A_762 = arith.mulf %div3A_761, %div3A_761 : vector<16xf32>
        %mul3A_763 = arith.mulf %mul3A_762, %mul3A_762 : vector<16xf32>
        %mul3A_764 = arith.constant -5.000000e-01 : f32
        %mul3A_765 = vector.broadcast %mul3A_764 : f32 to vector<16xf32>
        %mul3A_766 = arith.mulf %mul3A_765, %div3A_761 : vector<16xf32>
        %add3A_767 = arith.constant 0.693147182 : f32
        %add3A_768 = vector.broadcast %add3A_767 : f32 to vector<16xf32>
        %add3A_769 = arith.addf %add3A_768, %mul3A_766 : vector<16xf32>
        %mul3A_770 = arith.constant -2.32767593E-6 : f32
        %mul3A_771 = vector.broadcast %mul3A_770 : f32 to vector<16xf32>
        %mul3A_772 = arith.mulf %mul3A_771, %div3A_761 : vector<16xf32>
        %add3A_773 = arith.constant 0.125000253 : f32
        %add3A_774 = vector.broadcast %add3A_773 : f32 to vector<16xf32>
        %add3A_775 = arith.addf %add3A_774, %mul3A_772 : vector<16xf32>
        %mul3A_776 = arith.mulf %mul3A_762, %add3A_775 : vector<16xf32>
        %add3A_777 = arith.addf %add3A_769, %mul3A_776 : vector<16xf32>
        %mul3A_778 = arith.constant -3.08754315E-5 : f32
        %mul3A_779 = vector.broadcast %mul3A_778 : f32 to vector<16xf32>
        %mul3A_780 = arith.mulf %mul3A_779, %div3A_761 : vector<16xf32>
        %add3A_781 = arith.constant -0.00519710407 : f32
        %add3A_782 = vector.broadcast %add3A_781 : f32 to vector<16xf32>
        %add3A_783 = arith.addf %add3A_782, %mul3A_780 : vector<16xf32>
        %mul3A_784 = arith.constant -4.513050e-05 : f32
        %mul3A_785 = vector.broadcast %mul3A_784 : f32 to vector<16xf32>
        %mul3A_786 = arith.mulf %mul3A_785, %div3A_761 : vector<16xf32>
        %add3A_787 = arith.constant 3.96936288E-4 : f32
        %add3A_788 = vector.broadcast %add3A_787 : f32 to vector<16xf32>
        %add3A_789 = arith.addf %add3A_788, %mul3A_786 : vector<16xf32>
        %mul3A_790 = arith.mulf %mul3A_762, %add3A_789 : vector<16xf32>
        %add3A_791 = arith.addf %add3A_783, %mul3A_790 : vector<16xf32>
        %mul3A_792 = arith.constant -7.23134917E-6 : f32
        %mul3A_793 = vector.broadcast %mul3A_792 : f32 to vector<16xf32>
        %mul3A_794 = arith.mulf %mul3A_763, %mul3A_793 : vector<16xf32>
        %add3A_795 = arith.addf %add3A_791, %mul3A_794 : vector<16xf32>
        %mul3A_796 = arith.mulf %mul3A_763, %add3A_795 : vector<16xf32>
        %add3A_797 = arith.addf %add3A_777, %mul3A_796 : vector<16xf32>
        %sub3A_798 = arith.constant 1.000000e+00 : f32
        %sub3A_799 = vector.broadcast %sub3A_798 : f32 to vector<16xf32>
        %sub3A_800 = arith.subf %sub3A_799, %get3A_751 : vector<16xf32>
        %mul3A_801 = arith.mulf %div3A_761, %sub3A_800 : vector<16xf32>
        %add3A_802 = arith.addf %mul3A_801, %add3A_797 : vector<16xf32>
        %sub3A_803 = arith.subf %div3A_761, %get3A_751 : vector<16xf32>
        %abs3A_804 = math.absf %sub3A_803 : vector<16xf32>
        %mul3A_805 = arith.constant 1.000000e+01 : f32
        %mul3A_806 = vector.broadcast %mul3A_805 : f32 to vector<16xf32>
        %mul3A_807 = arith.mulf %abs3A_804, %mul3A_806 : vector<16xf32>
        %convert_element_type3A_808 = arith.fptosi %mul3A_807 : vector<16xf32> to vector<16xi32>
        %min3A_809 = arith.constant 9 : i32
        %min3A_810 = vector.broadcast %min3A_809 : i32 to vector<16xi32>
        %min3A_811 = arith.minsi %convert_element_type3A_808, %min3A_810 : vector<16xi32>
        %mul3A_812 = arith.constant 16 : i32
        %mul3A_813 = vector.broadcast %mul3A_812 : i32 to vector<16xi32>
        %mul3A_814 = arith.muli %min3A_811, %mul3A_813 : vector<16xi32>
        %add3A_815 = arith.addi %mul3A_814, %iota3A : vector<16xi32>
        tpu.vector_store_idx %arg7[%add3A_815], %add3A_802 {add = true} : memref<160xf32, #tpu.memory_space<vmem>>[vector<16xi32>], vector<16xf32>,
        tpu.vector_store_idx %arg8[%add3A_815], %broadcast_in_dim3A_5 {add = true} : memref<160xf32, #tpu.memory_space<vmem>>[vector<16xi32>], vector<16xf32>,
        %get3A_816 = arith.index_cast %add3A_535 : i32 to index
        %get3A_817 = arith.constant 64 : index
        %get3A_818 = tpu.vector_load %arg5[%get3A_816, %get3A_817] {strides = array<i32>} : memref<184x80xf32, #tpu.memory_space<vmem>>, vector<16xf32>,
        %get3A_819 = arith.index_cast %add3A_535 : i32 to index
        %get3A_820 = arith.constant 64 : index
        %get3A_821 = tpu.vector_load %arg6[%get3A_819, %get3A_820] {strides = array<i32>} : memref<184x80xf32, #tpu.memory_space<vmem>>, vector<16xf32>,
        %neg3A_822 = arith.constant 0.000000e+00 : f32
        %neg3A_823 = vector.broadcast %neg3A_822 : f32 to vector<16xf32>
        %neg3A_824 = arith.subf %neg3A_823, %get3A_818 : vector<16xf32>
        %exp3A_825 = math.exp %neg3A_824 : vector<16xf32>
        %add3A_826 = arith.constant 1.000000e+00 : f32
        %add3A_827 = vector.broadcast %add3A_826 : f32 to vector<16xf32>
        %add3A_828 = arith.addf %add3A_827, %exp3A_825 : vector<16xf32>
        %div3A_829 = arith.constant 1.000000e+00 : f32
        %div3A_830 = vector.broadcast %div3A_829 : f32 to vector<16xf32>
        %div3A_831 = arith.divf %div3A_830, %add3A_828 : vector<16xf32>
        %mul3A_832 = arith.mulf %div3A_831, %div3A_831 : vector<16xf32>
        %mul3A_833 = arith.mulf %mul3A_832, %mul3A_832 : vector<16xf32>
        %mul3A_834 = arith.constant -5.000000e-01 : f32
        %mul3A_835 = vector.broadcast %mul3A_834 : f32 to vector<16xf32>
        %mul3A_836 = arith.mulf %mul3A_835, %div3A_831 : vector<16xf32>
        %add3A_837 = arith.constant 0.693147182 : f32
        %add3A_838 = vector.broadcast %add3A_837 : f32 to vector<16xf32>
        %add3A_839 = arith.addf %add3A_838, %mul3A_836 : vector<16xf32>
        %mul3A_840 = arith.constant -2.32767593E-6 : f32
        %mul3A_841 = vector.broadcast %mul3A_840 : f32 to vector<16xf32>
        %mul3A_842 = arith.mulf %mul3A_841, %div3A_831 : vector<16xf32>
        %add3A_843 = arith.constant 0.125000253 : f32
        %add3A_844 = vector.broadcast %add3A_843 : f32 to vector<16xf32>
        %add3A_845 = arith.addf %add3A_844, %mul3A_842 : vector<16xf32>
        %mul3A_846 = arith.mulf %mul3A_832, %add3A_845 : vector<16xf32>
        %add3A_847 = arith.addf %add3A_839, %mul3A_846 : vector<16xf32>
        %mul3A_848 = arith.constant -3.08754315E-5 : f32
        %mul3A_849 = vector.broadcast %mul3A_848 : f32 to vector<16xf32>
        %mul3A_850 = arith.mulf %mul3A_849, %div3A_831 : vector<16xf32>
        %add3A_851 = arith.constant -0.00519710407 : f32
        %add3A_852 = vector.broadcast %add3A_851 : f32 to vector<16xf32>
        %add3A_853 = arith.addf %add3A_852, %mul3A_850 : vector<16xf32>
        %mul3A_854 = arith.constant -4.513050e-05 : f32
        %mul3A_855 = vector.broadcast %mul3A_854 : f32 to vector<16xf32>
        %mul3A_856 = arith.mulf %mul3A_855, %div3A_831 : vector<16xf32>
        %add3A_857 = arith.constant 3.96936288E-4 : f32
        %add3A_858 = vector.broadcast %add3A_857 : f32 to vector<16xf32>
        %add3A_859 = arith.addf %add3A_858, %mul3A_856 : vector<16xf32>
        %mul3A_860 = arith.mulf %mul3A_832, %add3A_859 : vector<16xf32>
        %add3A_861 = arith.addf %add3A_853, %mul3A_860 : vector<16xf32>
        %mul3A_862 = arith.constant -7.23134917E-6 : f32
        %mul3A_863 = vector.broadcast %mul3A_862 : f32 to vector<16xf32>
        %mul3A_864 = arith.mulf %mul3A_833, %mul3A_863 : vector<16xf32>
        %add3A_865 = arith.addf %add3A_861, %mul3A_864 : vector<16xf32>
        %mul3A_866 = arith.mulf %mul3A_833, %add3A_865 : vector<16xf32>
        %add3A_867 = arith.addf %add3A_847, %mul3A_866 : vector<16xf32>
        %sub3A_868 = arith.constant 1.000000e+00 : f32
        %sub3A_869 = vector.broadcast %sub3A_868 : f32 to vector<16xf32>
        %sub3A_870 = arith.subf %sub3A_869, %get3A_821 : vector<16xf32>
        %mul3A_871 = arith.mulf %div3A_831, %sub3A_870 : vector<16xf32>
        %add3A_872 = arith.addf %mul3A_871, %add3A_867 : vector<16xf32>
        %sub3A_873 = arith.subf %div3A_831, %get3A_821 : vector<16xf32>
        %abs3A_874 = math.absf %sub3A_873 : vector<16xf32>
        %mul3A_875 = arith.constant 1.000000e+01 : f32
        %mul3A_876 = vector.broadcast %mul3A_875 : f32 to vector<16xf32>
        %mul3A_877 = arith.mulf %abs3A_874, %mul3A_876 : vector<16xf32>
        %convert_element_type3A_878 = arith.fptosi %mul3A_877 : vector<16xf32> to vector<16xi32>
        %min3A_879 = arith.constant 9 : i32
        %min3A_880 = vector.broadcast %min3A_879 : i32 to vector<16xi32>
        %min3A_881 = arith.minsi %convert_element_type3A_878, %min3A_880 : vector<16xi32>
        %mul3A_882 = arith.constant 16 : i32
        %mul3A_883 = vector.broadcast %mul3A_882 : i32 to vector<16xi32>
        %mul3A_884 = arith.muli %min3A_881, %mul3A_883 : vector<16xi32>
        %add3A_885 = arith.addi %mul3A_884, %iota3A : vector<16xi32>
        tpu.vector_store_idx %arg7[%add3A_885], %add3A_872 {add = true} : memref<160xf32, #tpu.memory_space<vmem>>[vector<16xi32>], vector<16xf32>,
        tpu.vector_store_idx %arg8[%add3A_885], %broadcast_in_dim3A_5 {add = true} : memref<160xf32, #tpu.memory_space<vmem>>[vector<16xi32>], vector<16xf32>,
        %mul3A_886 = arith.constant 4 : i32
        %mul3A_887 = arith.muli %scan3A_183, %mul3A_886 : i32
        %add3A_888 = arith.constant 2 : i32
        %add3A_889 = arith.addi %mul3A_887, %add3A_888 : i32
        %get3A_890 = arith.index_cast %add3A_889 : i32 to index
        %get3A_891 = arith.constant 0 : index
        %get3A_892 = tpu.vector_load %arg5[%get3A_890, %get3A_891] {strides = array<i32>} : memref<184x80xf32, #tpu.memory_space<vmem>>, vector<16xf32>,
        %get3A_893 = arith.index_cast %add3A_889 : i32 to index
        %get3A_894 = arith.constant 0 : index
        %get3A_895 = tpu.vector_load %arg6[%get3A_893, %get3A_894] {strides = array<i32>} : memref<184x80xf32, #tpu.memory_space<vmem>>, vector<16xf32>,
        %neg3A_896 = arith.constant 0.000000e+00 : f32
        %neg3A_897 = vector.broadcast %neg3A_896 : f32 to vector<16xf32>
        %neg3A_898 = arith.subf %neg3A_897, %get3A_892 : vector<16xf32>
        %exp3A_899 = math.exp %neg3A_898 : vector<16xf32>
        %add3A_900 = arith.constant 1.000000e+00 : f32
        %add3A_901 = vector.broadcast %add3A_900 : f32 to vector<16xf32>
        %add3A_902 = arith.addf %add3A_901, %exp3A_899 : vector<16xf32>
        %div3A_903 = arith.constant 1.000000e+00 : f32
        %div3A_904 = vector.broadcast %div3A_903 : f32 to vector<16xf32>
        %div3A_905 = arith.divf %div3A_904, %add3A_902 : vector<16xf32>
        %mul3A_906 = arith.mulf %div3A_905, %div3A_905 : vector<16xf32>
        %mul3A_907 = arith.mulf %mul3A_906, %mul3A_906 : vector<16xf32>
        %mul3A_908 = arith.constant -5.000000e-01 : f32
        %mul3A_909 = vector.broadcast %mul3A_908 : f32 to vector<16xf32>
        %mul3A_910 = arith.mulf %mul3A_909, %div3A_905 : vector<16xf32>
        %add3A_911 = arith.constant 0.693147182 : f32
        %add3A_912 = vector.broadcast %add3A_911 : f32 to vector<16xf32>
        %add3A_913 = arith.addf %add3A_912, %mul3A_910 : vector<16xf32>
        %mul3A_914 = arith.constant -2.32767593E-6 : f32
        %mul3A_915 = vector.broadcast %mul3A_914 : f32 to vector<16xf32>
        %mul3A_916 = arith.mulf %mul3A_915, %div3A_905 : vector<16xf32>
        %add3A_917 = arith.constant 0.125000253 : f32
        %add3A_918 = vector.broadcast %add3A_917 : f32 to vector<16xf32>
        %add3A_919 = arith.addf %add3A_918, %mul3A_916 : vector<16xf32>
        %mul3A_920 = arith.mulf %mul3A_906, %add3A_919 : vector<16xf32>
        %add3A_921 = arith.addf %add3A_913, %mul3A_920 : vector<16xf32>
        %mul3A_922 = arith.constant -3.08754315E-5 : f32
        %mul3A_923 = vector.broadcast %mul3A_922 : f32 to vector<16xf32>
        %mul3A_924 = arith.mulf %mul3A_923, %div3A_905 : vector<16xf32>
        %add3A_925 = arith.constant -0.00519710407 : f32
        %add3A_926 = vector.broadcast %add3A_925 : f32 to vector<16xf32>
        %add3A_927 = arith.addf %add3A_926, %mul3A_924 : vector<16xf32>
        %mul3A_928 = arith.constant -4.513050e-05 : f32
        %mul3A_929 = vector.broadcast %mul3A_928 : f32 to vector<16xf32>
        %mul3A_930 = arith.mulf %mul3A_929, %div3A_905 : vector<16xf32>
        %add3A_931 = arith.constant 3.96936288E-4 : f32
        %add3A_932 = vector.broadcast %add3A_931 : f32 to vector<16xf32>
        %add3A_933 = arith.addf %add3A_932, %mul3A_930 : vector<16xf32>
        %mul3A_934 = arith.mulf %mul3A_906, %add3A_933 : vector<16xf32>
        %add3A_935 = arith.addf %add3A_927, %mul3A_934 : vector<16xf32>
        %mul3A_936 = arith.constant -7.23134917E-6 : f32
        %mul3A_937 = vector.broadcast %mul3A_936 : f32 to vector<16xf32>
        %mul3A_938 = arith.mulf %mul3A_907, %mul3A_937 : vector<16xf32>
        %add3A_939 = arith.addf %add3A_935, %mul3A_938 : vector<16xf32>
        %mul3A_940 = arith.mulf %mul3A_907, %add3A_939 : vector<16xf32>
        %add3A_941 = arith.addf %add3A_921, %mul3A_940 : vector<16xf32>
        %sub3A_942 = arith.constant 1.000000e+00 : f32
        %sub3A_943 = vector.broadcast %sub3A_942 : f32 to vector<16xf32>
        %sub3A_944 = arith.subf %sub3A_943, %get3A_895 : vector<16xf32>
        %mul3A_945 = arith.mulf %div3A_905, %sub3A_944 : vector<16xf32>
        %add3A_946 = arith.addf %mul3A_945, %add3A_941 : vector<16xf32>
        %sub3A_947 = arith.subf %div3A_905, %get3A_895 : vector<16xf32>
        %abs3A_948 = math.absf %sub3A_947 : vector<16xf32>
        %mul3A_949 = arith.constant 1.000000e+01 : f32
        %mul3A_950 = vector.broadcast %mul3A_949 : f32 to vector<16xf32>
        %mul3A_951 = arith.mulf %abs3A_948, %mul3A_950 : vector<16xf32>
        %convert_element_type3A_952 = arith.fptosi %mul3A_951 : vector<16xf32> to vector<16xi32>
        %min3A_953 = arith.constant 9 : i32
        %min3A_954 = vector.broadcast %min3A_953 : i32 to vector<16xi32>
        %min3A_955 = arith.minsi %convert_element_type3A_952, %min3A_954 : vector<16xi32>
        %mul3A_956 = arith.constant 16 : i32
        %mul3A_957 = vector.broadcast %mul3A_956 : i32 to vector<16xi32>
        %mul3A_958 = arith.muli %min3A_955, %mul3A_957 : vector<16xi32>
        %add3A_959 = arith.addi %mul3A_958, %iota3A : vector<16xi32>
        tpu.vector_store_idx %arg7[%add3A_959], %add3A_946 {add = true} : memref<160xf32, #tpu.memory_space<vmem>>[vector<16xi32>], vector<16xf32>,
        tpu.vector_store_idx %arg8[%add3A_959], %broadcast_in_dim3A_5 {add = true} : memref<160xf32, #tpu.memory_space<vmem>>[vector<16xi32>], vector<16xf32>,
        %get3A_960 = arith.index_cast %add3A_889 : i32 to index
        %get3A_961 = arith.constant 16 : index
        %get3A_962 = tpu.vector_load %arg5[%get3A_960, %get3A_961] {strides = array<i32>} : memref<184x80xf32, #tpu.memory_space<vmem>>, vector<16xf32>,
        %get3A_963 = arith.index_cast %add3A_889 : i32 to index
        %get3A_964 = arith.constant 16 : index
        %get3A_965 = tpu.vector_load %arg6[%get3A_963, %get3A_964] {strides = array<i32>} : memref<184x80xf32, #tpu.memory_space<vmem>>, vector<16xf32>,
        %neg3A_966 = arith.constant 0.000000e+00 : f32
        %neg3A_967 = vector.broadcast %neg3A_966 : f32 to vector<16xf32>
        %neg3A_968 = arith.subf %neg3A_967, %get3A_962 : vector<16xf32>
        %exp3A_969 = math.exp %neg3A_968 : vector<16xf32>
        %add3A_970 = arith.constant 1.000000e+00 : f32
        %add3A_971 = vector.broadcast %add3A_970 : f32 to vector<16xf32>
        %add3A_972 = arith.addf %add3A_971, %exp3A_969 : vector<16xf32>
        %div3A_973 = arith.constant 1.000000e+00 : f32
        %div3A_974 = vector.broadcast %div3A_973 : f32 to vector<16xf32>
        %div3A_975 = arith.divf %div3A_974, %add3A_972 : vector<16xf32>
        %mul3A_976 = arith.mulf %div3A_975, %div3A_975 : vector<16xf32>
        %mul3A_977 = arith.mulf %mul3A_976, %mul3A_976 : vector<16xf32>
        %mul3A_978 = arith.constant -5.000000e-01 : f32
        %mul3A_979 = vector.broadcast %mul3A_978 : f32 to vector<16xf32>
        %mul3A_980 = arith.mulf %mul3A_979, %div3A_975 : vector<16xf32>
        %add3A_981 = arith.constant 0.693147182 : f32
        %add3A_982 = vector.broadcast %add3A_981 : f32 to vector<16xf32>
        %add3A_983 = arith.addf %add3A_982, %mul3A_980 : vector<16xf32>
        %mul3A_984 = arith.constant -2.32767593E-6 : f32
        %mul3A_985 = vector.broadcast %mul3A_984 : f32 to vector<16xf32>
        %mul3A_986 = arith.mulf %mul3A_985, %div3A_975 : vector<16xf32>
        %add3A_987 = arith.constant 0.125000253 : f32
        %add3A_988 = vector.broadcast %add3A_987 : f32 to vector<16xf32>
        %add3A_989 = arith.addf %add3A_988, %mul3A_986 : vector<16xf32>
        %mul3A_990 = arith.mulf %mul3A_976, %add3A_989 : vector<16xf32>
        %add3A_991 = arith.addf %add3A_983, %mul3A_990 : vector<16xf32>
        %mul3A_992 = arith.constant -3.08754315E-5 : f32
        %mul3A_993 = vector.broadcast %mul3A_992 : f32 to vector<16xf32>
        %mul3A_994 = arith.mulf %mul3A_993, %div3A_975 : vector<16xf32>
        %add3A_995 = arith.constant -0.00519710407 : f32
        %add3A_996 = vector.broadcast %add3A_995 : f32 to vector<16xf32>
        %add3A_997 = arith.addf %add3A_996, %mul3A_994 : vector<16xf32>
        %mul3A_998 = arith.constant -4.513050e-05 : f32
        %mul3A_999 = vector.broadcast %mul3A_998 : f32 to vector<16xf32>
        %mul3A_1000 = arith.mulf %mul3A_999, %div3A_975 : vector<16xf32>
        %add3A_1001 = arith.constant 3.96936288E-4 : f32
        %add3A_1002 = vector.broadcast %add3A_1001 : f32 to vector<16xf32>
        %add3A_1003 = arith.addf %add3A_1002, %mul3A_1000 : vector<16xf32>
        %mul3A_1004 = arith.mulf %mul3A_976, %add3A_1003 : vector<16xf32>
        %add3A_1005 = arith.addf %add3A_997, %mul3A_1004 : vector<16xf32>
        %mul3A_1006 = arith.constant -7.23134917E-6 : f32
        %mul3A_1007 = vector.broadcast %mul3A_1006 : f32 to vector<16xf32>
        %mul3A_1008 = arith.mulf %mul3A_977, %mul3A_1007 : vector<16xf32>
        %add3A_1009 = arith.addf %add3A_1005, %mul3A_1008 : vector<16xf32>
        %mul3A_1010 = arith.mulf %mul3A_977, %add3A_1009 : vector<16xf32>
        %add3A_1011 = arith.addf %add3A_991, %mul3A_1010 : vector<16xf32>
        %sub3A_1012 = arith.constant 1.000000e+00 : f32
        %sub3A_1013 = vector.broadcast %sub3A_1012 : f32 to vector<16xf32>
        %sub3A_1014 = arith.subf %sub3A_1013, %get3A_965 : vector<16xf32>
        %mul3A_1015 = arith.mulf %div3A_975, %sub3A_1014 : vector<16xf32>
        %add3A_1016 = arith.addf %mul3A_1015, %add3A_1011 : vector<16xf32>
        %sub3A_1017 = arith.subf %div3A_975, %get3A_965 : vector<16xf32>
        %abs3A_1018 = math.absf %sub3A_1017 : vector<16xf32>
        %mul3A_1019 = arith.constant 1.000000e+01 : f32
        %mul3A_1020 = vector.broadcast %mul3A_1019 : f32 to vector<16xf32>
        %mul3A_1021 = arith.mulf %abs3A_1018, %mul3A_1020 : vector<16xf32>
        %convert_element_type3A_1022 = arith.fptosi %mul3A_1021 : vector<16xf32> to vector<16xi32>
        %min3A_1023 = arith.constant 9 : i32
        %min3A_1024 = vector.broadcast %min3A_1023 : i32 to vector<16xi32>
        %min3A_1025 = arith.minsi %convert_element_type3A_1022, %min3A_1024 : vector<16xi32>
        %mul3A_1026 = arith.constant 16 : i32
        %mul3A_1027 = vector.broadcast %mul3A_1026 : i32 to vector<16xi32>
        %mul3A_1028 = arith.muli %min3A_1025, %mul3A_1027 : vector<16xi32>
        %add3A_1029 = arith.addi %mul3A_1028, %iota3A : vector<16xi32>
        tpu.vector_store_idx %arg7[%add3A_1029], %add3A_1016 {add = true} : memref<160xf32, #tpu.memory_space<vmem>>[vector<16xi32>], vector<16xf32>,
        tpu.vector_store_idx %arg8[%add3A_1029], %broadcast_in_dim3A_5 {add = true} : memref<160xf32, #tpu.memory_space<vmem>>[vector<16xi32>], vector<16xf32>,
        %get3A_1030 = arith.index_cast %add3A_889 : i32 to index
        %get3A_1031 = arith.constant 32 : index
        %get3A_1032 = tpu.vector_load %arg5[%get3A_1030, %get3A_1031] {strides = array<i32>} : memref<184x80xf32, #tpu.memory_space<vmem>>, vector<16xf32>,
        %get3A_1033 = arith.index_cast %add3A_889 : i32 to index
        %get3A_1034 = arith.constant 32 : index
        %get3A_1035 = tpu.vector_load %arg6[%get3A_1033, %get3A_1034] {strides = array<i32>} : memref<184x80xf32, #tpu.memory_space<vmem>>, vector<16xf32>,
        %neg3A_1036 = arith.constant 0.000000e+00 : f32
        %neg3A_1037 = vector.broadcast %neg3A_1036 : f32 to vector<16xf32>
        %neg3A_1038 = arith.subf %neg3A_1037, %get3A_1032 : vector<16xf32>
        %exp3A_1039 = math.exp %neg3A_1038 : vector<16xf32>
        %add3A_1040 = arith.constant 1.000000e+00 : f32
        %add3A_1041 = vector.broadcast %add3A_1040 : f32 to vector<16xf32>
        %add3A_1042 = arith.addf %add3A_1041, %exp3A_1039 : vector<16xf32>
        %div3A_1043 = arith.constant 1.000000e+00 : f32
        %div3A_1044 = vector.broadcast %div3A_1043 : f32 to vector<16xf32>
        %div3A_1045 = arith.divf %div3A_1044, %add3A_1042 : vector<16xf32>
        %mul3A_1046 = arith.mulf %div3A_1045, %div3A_1045 : vector<16xf32>
        %mul3A_1047 = arith.mulf %mul3A_1046, %mul3A_1046 : vector<16xf32>
        %mul3A_1048 = arith.constant -5.000000e-01 : f32
        %mul3A_1049 = vector.broadcast %mul3A_1048 : f32 to vector<16xf32>
        %mul3A_1050 = arith.mulf %mul3A_1049, %div3A_1045 : vector<16xf32>
        %add3A_1051 = arith.constant 0.693147182 : f32
        %add3A_1052 = vector.broadcast %add3A_1051 : f32 to vector<16xf32>
        %add3A_1053 = arith.addf %add3A_1052, %mul3A_1050 : vector<16xf32>
        %mul3A_1054 = arith.constant -2.32767593E-6 : f32
        %mul3A_1055 = vector.broadcast %mul3A_1054 : f32 to vector<16xf32>
        %mul3A_1056 = arith.mulf %mul3A_1055, %div3A_1045 : vector<16xf32>
        %add3A_1057 = arith.constant 0.125000253 : f32
        %add3A_1058 = vector.broadcast %add3A_1057 : f32 to vector<16xf32>
        %add3A_1059 = arith.addf %add3A_1058, %mul3A_1056 : vector<16xf32>
        %mul3A_1060 = arith.mulf %mul3A_1046, %add3A_1059 : vector<16xf32>
        %add3A_1061 = arith.addf %add3A_1053, %mul3A_1060 : vector<16xf32>
        %mul3A_1062 = arith.constant -3.08754315E-5 : f32
        %mul3A_1063 = vector.broadcast %mul3A_1062 : f32 to vector<16xf32>
        %mul3A_1064 = arith.mulf %mul3A_1063, %div3A_1045 : vector<16xf32>
        %add3A_1065 = arith.constant -0.00519710407 : f32
        %add3A_1066 = vector.broadcast %add3A_1065 : f32 to vector<16xf32>
        %add3A_1067 = arith.addf %add3A_1066, %mul3A_1064 : vector<16xf32>
        %mul3A_1068 = arith.constant -4.513050e-05 : f32
        %mul3A_1069 = vector.broadcast %mul3A_1068 : f32 to vector<16xf32>
        %mul3A_1070 = arith.mulf %mul3A_1069, %div3A_1045 : vector<16xf32>
        %add3A_1071 = arith.constant 3.96936288E-4 : f32
        %add3A_1072 = vector.broadcast %add3A_1071 : f32 to vector<16xf32>
        %add3A_1073 = arith.addf %add3A_1072, %mul3A_1070 : vector<16xf32>
        %mul3A_1074 = arith.mulf %mul3A_1046, %add3A_1073 : vector<16xf32>
        %add3A_1075 = arith.addf %add3A_1067, %mul3A_1074 : vector<16xf32>
        %mul3A_1076 = arith.constant -7.23134917E-6 : f32
        %mul3A_1077 = vector.broadcast %mul3A_1076 : f32 to vector<16xf32>
        %mul3A_1078 = arith.mulf %mul3A_1047, %mul3A_1077 : vector<16xf32>
        %add3A_1079 = arith.addf %add3A_1075, %mul3A_1078 : vector<16xf32>
        %mul3A_1080 = arith.mulf %mul3A_1047, %add3A_1079 : vector<16xf32>
        %add3A_1081 = arith.addf %add3A_1061, %mul3A_1080 : vector<16xf32>
        %sub3A_1082 = arith.constant 1.000000e+00 : f32
        %sub3A_1083 = vector.broadcast %sub3A_1082 : f32 to vector<16xf32>
        %sub3A_1084 = arith.subf %sub3A_1083, %get3A_1035 : vector<16xf32>
        %mul3A_1085 = arith.mulf %div3A_1045, %sub3A_1084 : vector<16xf32>
        %add3A_1086 = arith.addf %mul3A_1085, %add3A_1081 : vector<16xf32>
        %sub3A_1087 = arith.subf %div3A_1045, %get3A_1035 : vector<16xf32>
        %abs3A_1088 = math.absf %sub3A_1087 : vector<16xf32>
        %mul3A_1089 = arith.constant 1.000000e+01 : f32
        %mul3A_1090 = vector.broadcast %mul3A_1089 : f32 to vector<16xf32>
        %mul3A_1091 = arith.mulf %abs3A_1088, %mul3A_1090 : vector<16xf32>
        %convert_element_type3A_1092 = arith.fptosi %mul3A_1091 : vector<16xf32> to vector<16xi32>
        %min3A_1093 = arith.constant 9 : i32
        %min3A_1094 = vector.broadcast %min3A_1093 : i32 to vector<16xi32>
        %min3A_1095 = arith.minsi %convert_element_type3A_1092, %min3A_1094 : vector<16xi32>
        %mul3A_1096 = arith.constant 16 : i32
        %mul3A_1097 = vector.broadcast %mul3A_1096 : i32 to vector<16xi32>
        %mul3A_1098 = arith.muli %min3A_1095, %mul3A_1097 : vector<16xi32>
        %add3A_1099 = arith.addi %mul3A_1098, %iota3A : vector<16xi32>
        tpu.vector_store_idx %arg7[%add3A_1099], %add3A_1086 {add = true} : memref<160xf32, #tpu.memory_space<vmem>>[vector<16xi32>], vector<16xf32>,
        tpu.vector_store_idx %arg8[%add3A_1099], %broadcast_in_dim3A_5 {add = true} : memref<160xf32, #tpu.memory_space<vmem>>[vector<16xi32>], vector<16xf32>,
        %get3A_1100 = arith.index_cast %add3A_889 : i32 to index
        %get3A_1101 = arith.constant 48 : index
        %get3A_1102 = tpu.vector_load %arg5[%get3A_1100, %get3A_1101] {strides = array<i32>} : memref<184x80xf32, #tpu.memory_space<vmem>>, vector<16xf32>,
        %get3A_1103 = arith.index_cast %add3A_889 : i32 to index
        %get3A_1104 = arith.constant 48 : index
        %get3A_1105 = tpu.vector_load %arg6[%get3A_1103, %get3A_1104] {strides = array<i32>} : memref<184x80xf32, #tpu.memory_space<vmem>>, vector<16xf32>,
        %neg3A_1106 = arith.constant 0.000000e+00 : f32
        %neg3A_1107 = vector.broadcast %neg3A_1106 : f32 to vector<16xf32>
        %neg3A_1108 = arith.subf %neg3A_1107, %get3A_1102 : vector<16xf32>
        %exp3A_1109 = math.exp %neg3A_1108 : vector<16xf32>
        %add3A_1110 = arith.constant 1.000000e+00 : f32
        %add3A_1111 = vector.broadcast %add3A_1110 : f32 to vector<16xf32>
        %add3A_1112 = arith.addf %add3A_1111, %exp3A_1109 : vector<16xf32>
        %div3A_1113 = arith.constant 1.000000e+00 : f32
        %div3A_1114 = vector.broadcast %div3A_1113 : f32 to vector<16xf32>
        %div3A_1115 = arith.divf %div3A_1114, %add3A_1112 : vector<16xf32>
        %mul3A_1116 = arith.mulf %div3A_1115, %div3A_1115 : vector<16xf32>
        %mul3A_1117 = arith.mulf %mul3A_1116, %mul3A_1116 : vector<16xf32>
        %mul3A_1118 = arith.constant -5.000000e-01 : f32
        %mul3A_1119 = vector.broadcast %mul3A_1118 : f32 to vector<16xf32>
        %mul3A_1120 = arith.mulf %mul3A_1119, %div3A_1115 : vector<16xf32>
        %add3A_1121 = arith.constant 0.693147182 : f32
        %add3A_1122 = vector.broadcast %add3A_1121 : f32 to vector<16xf32>
        %add3A_1123 = arith.addf %add3A_1122, %mul3A_1120 : vector<16xf32>
        %mul3A_1124 = arith.constant -2.32767593E-6 : f32
        %mul3A_1125 = vector.broadcast %mul3A_1124 : f32 to vector<16xf32>
        %mul3A_1126 = arith.mulf %mul3A_1125, %div3A_1115 : vector<16xf32>
        %add3A_1127 = arith.constant 0.125000253 : f32
        %add3A_1128 = vector.broadcast %add3A_1127 : f32 to vector<16xf32>
        %add3A_1129 = arith.addf %add3A_1128, %mul3A_1126 : vector<16xf32>
        %mul3A_1130 = arith.mulf %mul3A_1116, %add3A_1129 : vector<16xf32>
        %add3A_1131 = arith.addf %add3A_1123, %mul3A_1130 : vector<16xf32>
        %mul3A_1132 = arith.constant -3.08754315E-5 : f32
        %mul3A_1133 = vector.broadcast %mul3A_1132 : f32 to vector<16xf32>
        %mul3A_1134 = arith.mulf %mul3A_1133, %div3A_1115 : vector<16xf32>
        %add3A_1135 = arith.constant -0.00519710407 : f32
        %add3A_1136 = vector.broadcast %add3A_1135 : f32 to vector<16xf32>
        %add3A_1137 = arith.addf %add3A_1136, %mul3A_1134 : vector<16xf32>
        %mul3A_1138 = arith.constant -4.513050e-05 : f32
        %mul3A_1139 = vector.broadcast %mul3A_1138 : f32 to vector<16xf32>
        %mul3A_1140 = arith.mulf %mul3A_1139, %div3A_1115 : vector<16xf32>
        %add3A_1141 = arith.constant 3.96936288E-4 : f32
        %add3A_1142 = vector.broadcast %add3A_1141 : f32 to vector<16xf32>
        %add3A_1143 = arith.addf %add3A_1142, %mul3A_1140 : vector<16xf32>
        %mul3A_1144 = arith.mulf %mul3A_1116, %add3A_1143 : vector<16xf32>
        %add3A_1145 = arith.addf %add3A_1137, %mul3A_1144 : vector<16xf32>
        %mul3A_1146 = arith.constant -7.23134917E-6 : f32
        %mul3A_1147 = vector.broadcast %mul3A_1146 : f32 to vector<16xf32>
        %mul3A_1148 = arith.mulf %mul3A_1117, %mul3A_1147 : vector<16xf32>
        %add3A_1149 = arith.addf %add3A_1145, %mul3A_1148 : vector<16xf32>
        %mul3A_1150 = arith.mulf %mul3A_1117, %add3A_1149 : vector<16xf32>
        %add3A_1151 = arith.addf %add3A_1131, %mul3A_1150 : vector<16xf32>
        %sub3A_1152 = arith.constant 1.000000e+00 : f32
        %sub3A_1153 = vector.broadcast %sub3A_1152 : f32 to vector<16xf32>
        %sub3A_1154 = arith.subf %sub3A_1153, %get3A_1105 : vector<16xf32>
        %mul3A_1155 = arith.mulf %div3A_1115, %sub3A_1154 : vector<16xf32>
        %add3A_1156 = arith.addf %mul3A_1155, %add3A_1151 : vector<16xf32>
        %sub3A_1157 = arith.subf %div3A_1115, %get3A_1105 : vector<16xf32>
        %abs3A_1158 = math.absf %sub3A_1157 : vector<16xf32>
        %mul3A_1159 = arith.constant 1.000000e+01 : f32
        %mul3A_1160 = vector.broadcast %mul3A_1159 : f32 to vector<16xf32>
        %mul3A_1161 = arith.mulf %abs3A_1158, %mul3A_1160 : vector<16xf32>
        %convert_element_type3A_1162 = arith.fptosi %mul3A_1161 : vector<16xf32> to vector<16xi32>
        %min3A_1163 = arith.constant 9 : i32
        %min3A_1164 = vector.broadcast %min3A_1163 : i32 to vector<16xi32>
        %min3A_1165 = arith.minsi %convert_element_type3A_1162, %min3A_1164 : vector<16xi32>
        %mul3A_1166 = arith.constant 16 : i32
        %mul3A_1167 = vector.broadcast %mul3A_1166 : i32 to vector<16xi32>
        %mul3A_1168 = arith.muli %min3A_1165, %mul3A_1167 : vector<16xi32>
        %add3A_1169 = arith.addi %mul3A_1168, %iota3A : vector<16xi32>
        tpu.vector_store_idx %arg7[%add3A_1169], %add3A_1156 {add = true} : memref<160xf32, #tpu.memory_space<vmem>>[vector<16xi32>], vector<16xf32>,
        tpu.vector_store_idx %arg8[%add3A_1169], %broadcast_in_dim3A_5 {add = true} : memref<160xf32, #tpu.memory_space<vmem>>[vector<16xi32>], vector<16xf32>,
        %get3A_1170 = arith.index_cast %add3A_889 : i32 to index
        %get3A_1171 = arith.constant 64 : index
        %get3A_1172 = tpu.vector_load %arg5[%get3A_1170, %get3A_1171] {strides = array<i32>} : memref<184x80xf32, #tpu.memory_space<vmem>>, vector<16xf32>,
        %get3A_1173 = arith.index_cast %add3A_889 : i32 to index
        %get3A_1174 = arith.constant 64 : index
        %get3A_1175 = tpu.vector_load %arg6[%get3A_1173, %get3A_1174] {strides = array<i32>} : memref<184x80xf32, #tpu.memory_space<vmem>>, vector<16xf32>,
        %neg3A_1176 = arith.constant 0.000000e+00 : f32
        %neg3A_1177 = vector.broadcast %neg3A_1176 : f32 to vector<16xf32>
        %neg3A_1178 = arith.subf %neg3A_1177, %get3A_1172 : vector<16xf32>
        %exp3A_1179 = math.exp %neg3A_1178 : vector<16xf32>
        %add3A_1180 = arith.constant 1.000000e+00 : f32
        %add3A_1181 = vector.broadcast %add3A_1180 : f32 to vector<16xf32>
        %add3A_1182 = arith.addf %add3A_1181, %exp3A_1179 : vector<16xf32>
        %div3A_1183 = arith.constant 1.000000e+00 : f32
        %div3A_1184 = vector.broadcast %div3A_1183 : f32 to vector<16xf32>
        %div3A_1185 = arith.divf %div3A_1184, %add3A_1182 : vector<16xf32>
        %mul3A_1186 = arith.mulf %div3A_1185, %div3A_1185 : vector<16xf32>
        %mul3A_1187 = arith.mulf %mul3A_1186, %mul3A_1186 : vector<16xf32>
        %mul3A_1188 = arith.constant -5.000000e-01 : f32
        %mul3A_1189 = vector.broadcast %mul3A_1188 : f32 to vector<16xf32>
        %mul3A_1190 = arith.mulf %mul3A_1189, %div3A_1185 : vector<16xf32>
        %add3A_1191 = arith.constant 0.693147182 : f32
        %add3A_1192 = vector.broadcast %add3A_1191 : f32 to vector<16xf32>
        %add3A_1193 = arith.addf %add3A_1192, %mul3A_1190 : vector<16xf32>
        %mul3A_1194 = arith.constant -2.32767593E-6 : f32
        %mul3A_1195 = vector.broadcast %mul3A_1194 : f32 to vector<16xf32>
        %mul3A_1196 = arith.mulf %mul3A_1195, %div3A_1185 : vector<16xf32>
        %add3A_1197 = arith.constant 0.125000253 : f32
        %add3A_1198 = vector.broadcast %add3A_1197 : f32 to vector<16xf32>
        %add3A_1199 = arith.addf %add3A_1198, %mul3A_1196 : vector<16xf32>
        %mul3A_1200 = arith.mulf %mul3A_1186, %add3A_1199 : vector<16xf32>
        %add3A_1201 = arith.addf %add3A_1193, %mul3A_1200 : vector<16xf32>
        %mul3A_1202 = arith.constant -3.08754315E-5 : f32
        %mul3A_1203 = vector.broadcast %mul3A_1202 : f32 to vector<16xf32>
        %mul3A_1204 = arith.mulf %mul3A_1203, %div3A_1185 : vector<16xf32>
        %add3A_1205 = arith.constant -0.00519710407 : f32
        %add3A_1206 = vector.broadcast %add3A_1205 : f32 to vector<16xf32>
        %add3A_1207 = arith.addf %add3A_1206, %mul3A_1204 : vector<16xf32>
        %mul3A_1208 = arith.constant -4.513050e-05 : f32
        %mul3A_1209 = vector.broadcast %mul3A_1208 : f32 to vector<16xf32>
        %mul3A_1210 = arith.mulf %mul3A_1209, %div3A_1185 : vector<16xf32>
        %add3A_1211 = arith.constant 3.96936288E-4 : f32
        %add3A_1212 = vector.broadcast %add3A_1211 : f32 to vector<16xf32>
        %add3A_1213 = arith.addf %add3A_1212, %mul3A_1210 : vector<16xf32>
        %mul3A_1214 = arith.mulf %mul3A_1186, %add3A_1213 : vector<16xf32>
        %add3A_1215 = arith.addf %add3A_1207, %mul3A_1214 : vector<16xf32>
        %mul3A_1216 = arith.constant -7.23134917E-6 : f32
        %mul3A_1217 = vector.broadcast %mul3A_1216 : f32 to vector<16xf32>
        %mul3A_1218 = arith.mulf %mul3A_1187, %mul3A_1217 : vector<16xf32>
        %add3A_1219 = arith.addf %add3A_1215, %mul3A_1218 : vector<16xf32>
        %mul3A_1220 = arith.mulf %mul3A_1187, %add3A_1219 : vector<16xf32>
        %add3A_1221 = arith.addf %add3A_1201, %mul3A_1220 : vector<16xf32>
        %sub3A_1222 = arith.constant 1.000000e+00 : f32
        %sub3A_1223 = vector.broadcast %sub3A_1222 : f32 to vector<16xf32>
        %sub3A_1224 = arith.subf %sub3A_1223, %get3A_1175 : vector<16xf32>
        %mul3A_1225 = arith.mulf %div3A_1185, %sub3A_1224 : vector<16xf32>
        %add3A_1226 = arith.addf %mul3A_1225, %add3A_1221 : vector<16xf32>
        %sub3A_1227 = arith.subf %div3A_1185, %get3A_1175 : vector<16xf32>
        %abs3A_1228 = math.absf %sub3A_1227 : vector<16xf32>
        %mul3A_1229 = arith.constant 1.000000e+01 : f32
        %mul3A_1230 = vector.broadcast %mul3A_1229 : f32 to vector<16xf32>
        %mul3A_1231 = arith.mulf %abs3A_1228, %mul3A_1230 : vector<16xf32>
        %convert_element_type3A_1232 = arith.fptosi %mul3A_1231 : vector<16xf32> to vector<16xi32>
        %min3A_1233 = arith.constant 9 : i32
        %min3A_1234 = vector.broadcast %min3A_1233 : i32 to vector<16xi32>
        %min3A_1235 = arith.minsi %convert_element_type3A_1232, %min3A_1234 : vector<16xi32>
        %mul3A_1236 = arith.constant 16 : i32
        %mul3A_1237 = vector.broadcast %mul3A_1236 : i32 to vector<16xi32>
        %mul3A_1238 = arith.muli %min3A_1235, %mul3A_1237 : vector<16xi32>
        %add3A_1239 = arith.addi %mul3A_1238, %iota3A : vector<16xi32>
        tpu.vector_store_idx %arg7[%add3A_1239], %add3A_1226 {add = true} : memref<160xf32, #tpu.memory_space<vmem>>[vector<16xi32>], vector<16xf32>,
        tpu.vector_store_idx %arg8[%add3A_1239], %broadcast_in_dim3A_5 {add = true} : memref<160xf32, #tpu.memory_space<vmem>>[vector<16xi32>], vector<16xf32>,
        %mul3A_1240 = arith.constant 4 : i32
        %mul3A_1241 = arith.muli %scan3A_183, %mul3A_1240 : i32
        %add3A_1242 = arith.constant 3 : i32
        %add3A_1243 = arith.addi %mul3A_1241, %add3A_1242 : i32
        %get3A_1244 = arith.index_cast %add3A_1243 : i32 to index
        %get3A_1245 = arith.constant 0 : index
        %get3A_1246 = tpu.vector_load %arg5[%get3A_1244, %get3A_1245] {strides = array<i32>} : memref<184x80xf32, #tpu.memory_space<vmem>>, vector<16xf32>,
        %get3A_1247 = arith.index_cast %add3A_1243 : i32 to index
        %get3A_1248 = arith.constant 0 : index
        %get3A_1249 = tpu.vector_load %arg6[%get3A_1247, %get3A_1248] {strides = array<i32>} : memref<184x80xf32, #tpu.memory_space<vmem>>, vector<16xf32>,
        %neg3A_1250 = arith.constant 0.000000e+00 : f32
        %neg3A_1251 = vector.broadcast %neg3A_1250 : f32 to vector<16xf32>
        %neg3A_1252 = arith.subf %neg3A_1251, %get3A_1246 : vector<16xf32>
        %exp3A_1253 = math.exp %neg3A_1252 : vector<16xf32>
        %add3A_1254 = arith.constant 1.000000e+00 : f32
        %add3A_1255 = vector.broadcast %add3A_1254 : f32 to vector<16xf32>
        %add3A_1256 = arith.addf %add3A_1255, %exp3A_1253 : vector<16xf32>
        %div3A_1257 = arith.constant 1.000000e+00 : f32
        %div3A_1258 = vector.broadcast %div3A_1257 : f32 to vector<16xf32>
        %div3A_1259 = arith.divf %div3A_1258, %add3A_1256 : vector<16xf32>
        %mul3A_1260 = arith.mulf %div3A_1259, %div3A_1259 : vector<16xf32>
        %mul3A_1261 = arith.mulf %mul3A_1260, %mul3A_1260 : vector<16xf32>
        %mul3A_1262 = arith.constant -5.000000e-01 : f32
        %mul3A_1263 = vector.broadcast %mul3A_1262 : f32 to vector<16xf32>
        %mul3A_1264 = arith.mulf %mul3A_1263, %div3A_1259 : vector<16xf32>
        %add3A_1265 = arith.constant 0.693147182 : f32
        %add3A_1266 = vector.broadcast %add3A_1265 : f32 to vector<16xf32>
        %add3A_1267 = arith.addf %add3A_1266, %mul3A_1264 : vector<16xf32>
        %mul3A_1268 = arith.constant -2.32767593E-6 : f32
        %mul3A_1269 = vector.broadcast %mul3A_1268 : f32 to vector<16xf32>
        %mul3A_1270 = arith.mulf %mul3A_1269, %div3A_1259 : vector<16xf32>
        %add3A_1271 = arith.constant 0.125000253 : f32
        %add3A_1272 = vector.broadcast %add3A_1271 : f32 to vector<16xf32>
        %add3A_1273 = arith.addf %add3A_1272, %mul3A_1270 : vector<16xf32>
        %mul3A_1274 = arith.mulf %mul3A_1260, %add3A_1273 : vector<16xf32>
        %add3A_1275 = arith.addf %add3A_1267, %mul3A_1274 : vector<16xf32>
        %mul3A_1276 = arith.constant -3.08754315E-5 : f32
        %mul3A_1277 = vector.broadcast %mul3A_1276 : f32 to vector<16xf32>
        %mul3A_1278 = arith.mulf %mul3A_1277, %div3A_1259 : vector<16xf32>
        %add3A_1279 = arith.constant -0.00519710407 : f32
        %add3A_1280 = vector.broadcast %add3A_1279 : f32 to vector<16xf32>
        %add3A_1281 = arith.addf %add3A_1280, %mul3A_1278 : vector<16xf32>
        %mul3A_1282 = arith.constant -4.513050e-05 : f32
        %mul3A_1283 = vector.broadcast %mul3A_1282 : f32 to vector<16xf32>
        %mul3A_1284 = arith.mulf %mul3A_1283, %div3A_1259 : vector<16xf32>
        %add3A_1285 = arith.constant 3.96936288E-4 : f32
        %add3A_1286 = vector.broadcast %add3A_1285 : f32 to vector<16xf32>
        %add3A_1287 = arith.addf %add3A_1286, %mul3A_1284 : vector<16xf32>
        %mul3A_1288 = arith.mulf %mul3A_1260, %add3A_1287 : vector<16xf32>
        %add3A_1289 = arith.addf %add3A_1281, %mul3A_1288 : vector<16xf32>
        %mul3A_1290 = arith.constant -7.23134917E-6 : f32
        %mul3A_1291 = vector.broadcast %mul3A_1290 : f32 to vector<16xf32>
        %mul3A_1292 = arith.mulf %mul3A_1261, %mul3A_1291 : vector<16xf32>
        %add3A_1293 = arith.addf %add3A_1289, %mul3A_1292 : vector<16xf32>
        %mul3A_1294 = arith.mulf %mul3A_1261, %add3A_1293 : vector<16xf32>
        %add3A_1295 = arith.addf %add3A_1275, %mul3A_1294 : vector<16xf32>
        %sub3A_1296 = arith.constant 1.000000e+00 : f32
        %sub3A_1297 = vector.broadcast %sub3A_1296 : f32 to vector<16xf32>
        %sub3A_1298 = arith.subf %sub3A_1297, %get3A_1249 : vector<16xf32>
        %mul3A_1299 = arith.mulf %div3A_1259, %sub3A_1298 : vector<16xf32>
        %add3A_1300 = arith.addf %mul3A_1299, %add3A_1295 : vector<16xf32>
        %sub3A_1301 = arith.subf %div3A_1259, %get3A_1249 : vector<16xf32>
        %abs3A_1302 = math.absf %sub3A_1301 : vector<16xf32>
        %mul3A_1303 = arith.constant 1.000000e+01 : f32
        %mul3A_1304 = vector.broadcast %mul3A_1303 : f32 to vector<16xf32>
        %mul3A_1305 = arith.mulf %abs3A_1302, %mul3A_1304 : vector<16xf32>
        %convert_element_type3A_1306 = arith.fptosi %mul3A_1305 : vector<16xf32> to vector<16xi32>
        %min3A_1307 = arith.constant 9 : i32
        %min3A_1308 = vector.broadcast %min3A_1307 : i32 to vector<16xi32>
        %min3A_1309 = arith.minsi %convert_element_type3A_1306, %min3A_1308 : vector<16xi32>
        %mul3A_1310 = arith.constant 16 : i32
        %mul3A_1311 = vector.broadcast %mul3A_1310 : i32 to vector<16xi32>
        %mul3A_1312 = arith.muli %min3A_1309, %mul3A_1311 : vector<16xi32>
        %add3A_1313 = arith.addi %mul3A_1312, %iota3A : vector<16xi32>
        tpu.vector_store_idx %arg7[%add3A_1313], %add3A_1300 {add = true} : memref<160xf32, #tpu.memory_space<vmem>>[vector<16xi32>], vector<16xf32>,
        tpu.vector_store_idx %arg8[%add3A_1313], %broadcast_in_dim3A_5 {add = true} : memref<160xf32, #tpu.memory_space<vmem>>[vector<16xi32>], vector<16xf32>,
        %get3A_1314 = arith.index_cast %add3A_1243 : i32 to index
        %get3A_1315 = arith.constant 16 : index
        %get3A_1316 = tpu.vector_load %arg5[%get3A_1314, %get3A_1315] {strides = array<i32>} : memref<184x80xf32, #tpu.memory_space<vmem>>, vector<16xf32>,
        %get3A_1317 = arith.index_cast %add3A_1243 : i32 to index
        %get3A_1318 = arith.constant 16 : index
        %get3A_1319 = tpu.vector_load %arg6[%get3A_1317, %get3A_1318] {strides = array<i32>} : memref<184x80xf32, #tpu.memory_space<vmem>>, vector<16xf32>,
        %neg3A_1320 = arith.constant 0.000000e+00 : f32
        %neg3A_1321 = vector.broadcast %neg3A_1320 : f32 to vector<16xf32>
        %neg3A_1322 = arith.subf %neg3A_1321, %get3A_1316 : vector<16xf32>
        %exp3A_1323 = math.exp %neg3A_1322 : vector<16xf32>
        %add3A_1324 = arith.constant 1.000000e+00 : f32
        %add3A_1325 = vector.broadcast %add3A_1324 : f32 to vector<16xf32>
        %add3A_1326 = arith.addf %add3A_1325, %exp3A_1323 : vector<16xf32>
        %div3A_1327 = arith.constant 1.000000e+00 : f32
        %div3A_1328 = vector.broadcast %div3A_1327 : f32 to vector<16xf32>
        %div3A_1329 = arith.divf %div3A_1328, %add3A_1326 : vector<16xf32>
        %mul3A_1330 = arith.mulf %div3A_1329, %div3A_1329 : vector<16xf32>
        %mul3A_1331 = arith.mulf %mul3A_1330, %mul3A_1330 : vector<16xf32>
        %mul3A_1332 = arith.constant -5.000000e-01 : f32
        %mul3A_1333 = vector.broadcast %mul3A_1332 : f32 to vector<16xf32>
        %mul3A_1334 = arith.mulf %mul3A_1333, %div3A_1329 : vector<16xf32>
        %add3A_1335 = arith.constant 0.693147182 : f32
        %add3A_1336 = vector.broadcast %add3A_1335 : f32 to vector<16xf32>
        %add3A_1337 = arith.addf %add3A_1336, %mul3A_1334 : vector<16xf32>
        %mul3A_1338 = arith.constant -2.32767593E-6 : f32
        %mul3A_1339 = vector.broadcast %mul3A_1338 : f32 to vector<16xf32>
        %mul3A_1340 = arith.mulf %mul3A_1339, %div3A_1329 : vector<16xf32>
        %add3A_1341 = arith.constant 0.125000253 : f32
        %add3A_1342 = vector.broadcast %add3A_1341 : f32 to vector<16xf32>
        %add3A_1343 = arith.addf %add3A_1342, %mul3A_1340 : vector<16xf32>
        %mul3A_1344 = arith.mulf %mul3A_1330, %add3A_1343 : vector<16xf32>
        %add3A_1345 = arith.addf %add3A_1337, %mul3A_1344 : vector<16xf32>
        %mul3A_1346 = arith.constant -3.08754315E-5 : f32
        %mul3A_1347 = vector.broadcast %mul3A_1346 : f32 to vector<16xf32>
        %mul3A_1348 = arith.mulf %mul3A_1347, %div3A_1329 : vector<16xf32>
        %add3A_1349 = arith.constant -0.00519710407 : f32
        %add3A_1350 = vector.broadcast %add3A_1349 : f32 to vector<16xf32>
        %add3A_1351 = arith.addf %add3A_1350, %mul3A_1348 : vector<16xf32>
        %mul3A_1352 = arith.constant -4.513050e-05 : f32
        %mul3A_1353 = vector.broadcast %mul3A_1352 : f32 to vector<16xf32>
        %mul3A_1354 = arith.mulf %mul3A_1353, %div3A_1329 : vector<16xf32>
        %add3A_1355 = arith.constant 3.96936288E-4 : f32
        %add3A_1356 = vector.broadcast %add3A_1355 : f32 to vector<16xf32>
        %add3A_1357 = arith.addf %add3A_1356, %mul3A_1354 : vector<16xf32>
        %mul3A_1358 = arith.mulf %mul3A_1330, %add3A_1357 : vector<16xf32>
        %add3A_1359 = arith.addf %add3A_1351, %mul3A_1358 : vector<16xf32>
        %mul3A_1360 = arith.constant -7.23134917E-6 : f32
        %mul3A_1361 = vector.broadcast %mul3A_1360 : f32 to vector<16xf32>
        %mul3A_1362 = arith.mulf %mul3A_1331, %mul3A_1361 : vector<16xf32>
        %add3A_1363 = arith.addf %add3A_1359, %mul3A_1362 : vector<16xf32>
        %mul3A_1364 = arith.mulf %mul3A_1331, %add3A_1363 : vector<16xf32>
        %add3A_1365 = arith.addf %add3A_1345, %mul3A_1364 : vector<16xf32>
        %sub3A_1366 = arith.constant 1.000000e+00 : f32
        %sub3A_1367 = vector.broadcast %sub3A_1366 : f32 to vector<16xf32>
        %sub3A_1368 = arith.subf %sub3A_1367, %get3A_1319 : vector<16xf32>
        %mul3A_1369 = arith.mulf %div3A_1329, %sub3A_1368 : vector<16xf32>
        %add3A_1370 = arith.addf %mul3A_1369, %add3A_1365 : vector<16xf32>
        %sub3A_1371 = arith.subf %div3A_1329, %get3A_1319 : vector<16xf32>
        %abs3A_1372 = math.absf %sub3A_1371 : vector<16xf32>
        %mul3A_1373 = arith.constant 1.000000e+01 : f32
        %mul3A_1374 = vector.broadcast %mul3A_1373 : f32 to vector<16xf32>
        %mul3A_1375 = arith.mulf %abs3A_1372, %mul3A_1374 : vector<16xf32>
        %convert_element_type3A_1376 = arith.fptosi %mul3A_1375 : vector<16xf32> to vector<16xi32>
        %min3A_1377 = arith.constant 9 : i32
        %min3A_1378 = vector.broadcast %min3A_1377 : i32 to vector<16xi32>
        %min3A_1379 = arith.minsi %convert_element_type3A_1376, %min3A_1378 : vector<16xi32>
        %mul3A_1380 = arith.constant 16 : i32
        %mul3A_1381 = vector.broadcast %mul3A_1380 : i32 to vector<16xi32>
        %mul3A_1382 = arith.muli %min3A_1379, %mul3A_1381 : vector<16xi32>
        %add3A_1383 = arith.addi %mul3A_1382, %iota3A : vector<16xi32>
        tpu.vector_store_idx %arg7[%add3A_1383], %add3A_1370 {add = true} : memref<160xf32, #tpu.memory_space<vmem>>[vector<16xi32>], vector<16xf32>,
        tpu.vector_store_idx %arg8[%add3A_1383], %broadcast_in_dim3A_5 {add = true} : memref<160xf32, #tpu.memory_space<vmem>>[vector<16xi32>], vector<16xf32>,
        %get3A_1384 = arith.index_cast %add3A_1243 : i32 to index
        %get3A_1385 = arith.constant 32 : index
        %get3A_1386 = tpu.vector_load %arg5[%get3A_1384, %get3A_1385] {strides = array<i32>} : memref<184x80xf32, #tpu.memory_space<vmem>>, vector<16xf32>,
        %get3A_1387 = arith.index_cast %add3A_1243 : i32 to index
        %get3A_1388 = arith.constant 32 : index
        %get3A_1389 = tpu.vector_load %arg6[%get3A_1387, %get3A_1388] {strides = array<i32>} : memref<184x80xf32, #tpu.memory_space<vmem>>, vector<16xf32>,
        %neg3A_1390 = arith.constant 0.000000e+00 : f32
        %neg3A_1391 = vector.broadcast %neg3A_1390 : f32 to vector<16xf32>
        %neg3A_1392 = arith.subf %neg3A_1391, %get3A_1386 : vector<16xf32>
        %exp3A_1393 = math.exp %neg3A_1392 : vector<16xf32>
        %add3A_1394 = arith.constant 1.000000e+00 : f32
        %add3A_1395 = vector.broadcast %add3A_1394 : f32 to vector<16xf32>
        %add3A_1396 = arith.addf %add3A_1395, %exp3A_1393 : vector<16xf32>
        %div3A_1397 = arith.constant 1.000000e+00 : f32
        %div3A_1398 = vector.broadcast %div3A_1397 : f32 to vector<16xf32>
        %div3A_1399 = arith.divf %div3A_1398, %add3A_1396 : vector<16xf32>
        %mul3A_1400 = arith.mulf %div3A_1399, %div3A_1399 : vector<16xf32>
        %mul3A_1401 = arith.mulf %mul3A_1400, %mul3A_1400 : vector<16xf32>
        %mul3A_1402 = arith.constant -5.000000e-01 : f32
        %mul3A_1403 = vector.broadcast %mul3A_1402 : f32 to vector<16xf32>
        %mul3A_1404 = arith.mulf %mul3A_1403, %div3A_1399 : vector<16xf32>
        %add3A_1405 = arith.constant 0.693147182 : f32
        %add3A_1406 = vector.broadcast %add3A_1405 : f32 to vector<16xf32>
        %add3A_1407 = arith.addf %add3A_1406, %mul3A_1404 : vector<16xf32>
        %mul3A_1408 = arith.constant -2.32767593E-6 : f32
        %mul3A_1409 = vector.broadcast %mul3A_1408 : f32 to vector<16xf32>
        %mul3A_1410 = arith.mulf %mul3A_1409, %div3A_1399 : vector<16xf32>
        %add3A_1411 = arith.constant 0.125000253 : f32
        %add3A_1412 = vector.broadcast %add3A_1411 : f32 to vector<16xf32>
        %add3A_1413 = arith.addf %add3A_1412, %mul3A_1410 : vector<16xf32>
        %mul3A_1414 = arith.mulf %mul3A_1400, %add3A_1413 : vector<16xf32>
        %add3A_1415 = arith.addf %add3A_1407, %mul3A_1414 : vector<16xf32>
        %mul3A_1416 = arith.constant -3.08754315E-5 : f32
        %mul3A_1417 = vector.broadcast %mul3A_1416 : f32 to vector<16xf32>
        %mul3A_1418 = arith.mulf %mul3A_1417, %div3A_1399 : vector<16xf32>
        %add3A_1419 = arith.constant -0.00519710407 : f32
        %add3A_1420 = vector.broadcast %add3A_1419 : f32 to vector<16xf32>
        %add3A_1421 = arith.addf %add3A_1420, %mul3A_1418 : vector<16xf32>
        %mul3A_1422 = arith.constant -4.513050e-05 : f32
        %mul3A_1423 = vector.broadcast %mul3A_1422 : f32 to vector<16xf32>
        %mul3A_1424 = arith.mulf %mul3A_1423, %div3A_1399 : vector<16xf32>
        %add3A_1425 = arith.constant 3.96936288E-4 : f32
        %add3A_1426 = vector.broadcast %add3A_1425 : f32 to vector<16xf32>
        %add3A_1427 = arith.addf %add3A_1426, %mul3A_1424 : vector<16xf32>
        %mul3A_1428 = arith.mulf %mul3A_1400, %add3A_1427 : vector<16xf32>
        %add3A_1429 = arith.addf %add3A_1421, %mul3A_1428 : vector<16xf32>
        %mul3A_1430 = arith.constant -7.23134917E-6 : f32
        %mul3A_1431 = vector.broadcast %mul3A_1430 : f32 to vector<16xf32>
        %mul3A_1432 = arith.mulf %mul3A_1401, %mul3A_1431 : vector<16xf32>
        %add3A_1433 = arith.addf %add3A_1429, %mul3A_1432 : vector<16xf32>
        %mul3A_1434 = arith.mulf %mul3A_1401, %add3A_1433 : vector<16xf32>
        %add3A_1435 = arith.addf %add3A_1415, %mul3A_1434 : vector<16xf32>
        %sub3A_1436 = arith.constant 1.000000e+00 : f32
        %sub3A_1437 = vector.broadcast %sub3A_1436 : f32 to vector<16xf32>
        %sub3A_1438 = arith.subf %sub3A_1437, %get3A_1389 : vector<16xf32>
        %mul3A_1439 = arith.mulf %div3A_1399, %sub3A_1438 : vector<16xf32>
        %add3A_1440 = arith.addf %mul3A_1439, %add3A_1435 : vector<16xf32>
        %sub3A_1441 = arith.subf %div3A_1399, %get3A_1389 : vector<16xf32>
        %abs3A_1442 = math.absf %sub3A_1441 : vector<16xf32>
        %mul3A_1443 = arith.constant 1.000000e+01 : f32
        %mul3A_1444 = vector.broadcast %mul3A_1443 : f32 to vector<16xf32>
        %mul3A_1445 = arith.mulf %abs3A_1442, %mul3A_1444 : vector<16xf32>
        %convert_element_type3A_1446 = arith.fptosi %mul3A_1445 : vector<16xf32> to vector<16xi32>
        %min3A_1447 = arith.constant 9 : i32
        %min3A_1448 = vector.broadcast %min3A_1447 : i32 to vector<16xi32>
        %min3A_1449 = arith.minsi %convert_element_type3A_1446, %min3A_1448 : vector<16xi32>
        %mul3A_1450 = arith.constant 16 : i32
        %mul3A_1451 = vector.broadcast %mul3A_1450 : i32 to vector<16xi32>
        %mul3A_1452 = arith.muli %min3A_1449, %mul3A_1451 : vector<16xi32>
        %add3A_1453 = arith.addi %mul3A_1452, %iota3A : vector<16xi32>
        tpu.vector_store_idx %arg7[%add3A_1453], %add3A_1440 {add = true} : memref<160xf32, #tpu.memory_space<vmem>>[vector<16xi32>], vector<16xf32>,
        tpu.vector_store_idx %arg8[%add3A_1453], %broadcast_in_dim3A_5 {add = true} : memref<160xf32, #tpu.memory_space<vmem>>[vector<16xi32>], vector<16xf32>,
        %get3A_1454 = arith.index_cast %add3A_1243 : i32 to index
        %get3A_1455 = arith.constant 48 : index
        %get3A_1456 = tpu.vector_load %arg5[%get3A_1454, %get3A_1455] {strides = array<i32>} : memref<184x80xf32, #tpu.memory_space<vmem>>, vector<16xf32>,
        %get3A_1457 = arith.index_cast %add3A_1243 : i32 to index
        %get3A_1458 = arith.constant 48 : index
        %get3A_1459 = tpu.vector_load %arg6[%get3A_1457, %get3A_1458] {strides = array<i32>} : memref<184x80xf32, #tpu.memory_space<vmem>>, vector<16xf32>,
        %neg3A_1460 = arith.constant 0.000000e+00 : f32
        %neg3A_1461 = vector.broadcast %neg3A_1460 : f32 to vector<16xf32>
        %neg3A_1462 = arith.subf %neg3A_1461, %get3A_1456 : vector<16xf32>
        %exp3A_1463 = math.exp %neg3A_1462 : vector<16xf32>
        %add3A_1464 = arith.constant 1.000000e+00 : f32
        %add3A_1465 = vector.broadcast %add3A_1464 : f32 to vector<16xf32>
        %add3A_1466 = arith.addf %add3A_1465, %exp3A_1463 : vector<16xf32>
        %div3A_1467 = arith.constant 1.000000e+00 : f32
        %div3A_1468 = vector.broadcast %div3A_1467 : f32 to vector<16xf32>
        %div3A_1469 = arith.divf %div3A_1468, %add3A_1466 : vector<16xf32>
        %mul3A_1470 = arith.mulf %div3A_1469, %div3A_1469 : vector<16xf32>
        %mul3A_1471 = arith.mulf %mul3A_1470, %mul3A_1470 : vector<16xf32>
        %mul3A_1472 = arith.constant -5.000000e-01 : f32
        %mul3A_1473 = vector.broadcast %mul3A_1472 : f32 to vector<16xf32>
        %mul3A_1474 = arith.mulf %mul3A_1473, %div3A_1469 : vector<16xf32>
        %add3A_1475 = arith.constant 0.693147182 : f32
        %add3A_1476 = vector.broadcast %add3A_1475 : f32 to vector<16xf32>
        %add3A_1477 = arith.addf %add3A_1476, %mul3A_1474 : vector<16xf32>
        %mul3A_1478 = arith.constant -2.32767593E-6 : f32
        %mul3A_1479 = vector.broadcast %mul3A_1478 : f32 to vector<16xf32>
        %mul3A_1480 = arith.mulf %mul3A_1479, %div3A_1469 : vector<16xf32>
        %add3A_1481 = arith.constant 0.125000253 : f32
        %add3A_1482 = vector.broadcast %add3A_1481 : f32 to vector<16xf32>
        %add3A_1483 = arith.addf %add3A_1482, %mul3A_1480 : vector<16xf32>
        %mul3A_1484 = arith.mulf %mul3A_1470, %add3A_1483 : vector<16xf32>
        %add3A_1485 = arith.addf %add3A_1477, %mul3A_1484 : vector<16xf32>
        %mul3A_1486 = arith.constant -3.08754315E-5 : f32
        %mul3A_1487 = vector.broadcast %mul3A_1486 : f32 to vector<16xf32>
        %mul3A_1488 = arith.mulf %mul3A_1487, %div3A_1469 : vector<16xf32>
        %add3A_1489 = arith.constant -0.00519710407 : f32
        %add3A_1490 = vector.broadcast %add3A_1489 : f32 to vector<16xf32>
        %add3A_1491 = arith.addf %add3A_1490, %mul3A_1488 : vector<16xf32>
        %mul3A_1492 = arith.constant -4.513050e-05 : f32
        %mul3A_1493 = vector.broadcast %mul3A_1492 : f32 to vector<16xf32>
        %mul3A_1494 = arith.mulf %mul3A_1493, %div3A_1469 : vector<16xf32>
        %add3A_1495 = arith.constant 3.96936288E-4 : f32
        %add3A_1496 = vector.broadcast %add3A_1495 : f32 to vector<16xf32>
        %add3A_1497 = arith.addf %add3A_1496, %mul3A_1494 : vector<16xf32>
        %mul3A_1498 = arith.mulf %mul3A_1470, %add3A_1497 : vector<16xf32>
        %add3A_1499 = arith.addf %add3A_1491, %mul3A_1498 : vector<16xf32>
        %mul3A_1500 = arith.constant -7.23134917E-6 : f32
        %mul3A_1501 = vector.broadcast %mul3A_1500 : f32 to vector<16xf32>
        %mul3A_1502 = arith.mulf %mul3A_1471, %mul3A_1501 : vector<16xf32>
        %add3A_1503 = arith.addf %add3A_1499, %mul3A_1502 : vector<16xf32>
        %mul3A_1504 = arith.mulf %mul3A_1471, %add3A_1503 : vector<16xf32>
        %add3A_1505 = arith.addf %add3A_1485, %mul3A_1504 : vector<16xf32>
        %sub3A_1506 = arith.constant 1.000000e+00 : f32
        %sub3A_1507 = vector.broadcast %sub3A_1506 : f32 to vector<16xf32>
        %sub3A_1508 = arith.subf %sub3A_1507, %get3A_1459 : vector<16xf32>
        %mul3A_1509 = arith.mulf %div3A_1469, %sub3A_1508 : vector<16xf32>
        %add3A_1510 = arith.addf %mul3A_1509, %add3A_1505 : vector<16xf32>
        %sub3A_1511 = arith.subf %div3A_1469, %get3A_1459 : vector<16xf32>
        %abs3A_1512 = math.absf %sub3A_1511 : vector<16xf32>
        %mul3A_1513 = arith.constant 1.000000e+01 : f32
        %mul3A_1514 = vector.broadcast %mul3A_1513 : f32 to vector<16xf32>
        %mul3A_1515 = arith.mulf %abs3A_1512, %mul3A_1514 : vector<16xf32>
        %convert_element_type3A_1516 = arith.fptosi %mul3A_1515 : vector<16xf32> to vector<16xi32>
        %min3A_1517 = arith.constant 9 : i32
        %min3A_1518 = vector.broadcast %min3A_1517 : i32 to vector<16xi32>
        %min3A_1519 = arith.minsi %convert_element_type3A_1516, %min3A_1518 : vector<16xi32>
        %mul3A_1520 = arith.constant 16 : i32
        %mul3A_1521 = vector.broadcast %mul3A_1520 : i32 to vector<16xi32>
        %mul3A_1522 = arith.muli %min3A_1519, %mul3A_1521 : vector<16xi32>
        %add3A_1523 = arith.addi %mul3A_1522, %iota3A : vector<16xi32>
        tpu.vector_store_idx %arg7[%add3A_1523], %add3A_1510 {add = true} : memref<160xf32, #tpu.memory_space<vmem>>[vector<16xi32>], vector<16xf32>,
        tpu.vector_store_idx %arg8[%add3A_1523], %broadcast_in_dim3A_5 {add = true} : memref<160xf32, #tpu.memory_space<vmem>>[vector<16xi32>], vector<16xf32>,
        %get3A_1524 = arith.index_cast %add3A_1243 : i32 to index
        %get3A_1525 = arith.constant 64 : index
        %get3A_1526 = tpu.vector_load %arg5[%get3A_1524, %get3A_1525] {strides = array<i32>} : memref<184x80xf32, #tpu.memory_space<vmem>>, vector<16xf32>,
        %get3A_1527 = arith.index_cast %add3A_1243 : i32 to index
        %get3A_1528 = arith.constant 64 : index
        %get3A_1529 = tpu.vector_load %arg6[%get3A_1527, %get3A_1528] {strides = array<i32>} : memref<184x80xf32, #tpu.memory_space<vmem>>, vector<16xf32>,
        %neg3A_1530 = arith.constant 0.000000e+00 : f32
        %neg3A_1531 = vector.broadcast %neg3A_1530 : f32 to vector<16xf32>
        %neg3A_1532 = arith.subf %neg3A_1531, %get3A_1526 : vector<16xf32>
        %exp3A_1533 = math.exp %neg3A_1532 : vector<16xf32>
        %add3A_1534 = arith.constant 1.000000e+00 : f32
        %add3A_1535 = vector.broadcast %add3A_1534 : f32 to vector<16xf32>
        %add3A_1536 = arith.addf %add3A_1535, %exp3A_1533 : vector<16xf32>
        %div3A_1537 = arith.constant 1.000000e+00 : f32
        %div3A_1538 = vector.broadcast %div3A_1537 : f32 to vector<16xf32>
        %div3A_1539 = arith.divf %div3A_1538, %add3A_1536 : vector<16xf32>
        %mul3A_1540 = arith.mulf %div3A_1539, %div3A_1539 : vector<16xf32>
        %mul3A_1541 = arith.mulf %mul3A_1540, %mul3A_1540 : vector<16xf32>
        %mul3A_1542 = arith.constant -5.000000e-01 : f32
        %mul3A_1543 = vector.broadcast %mul3A_1542 : f32 to vector<16xf32>
        %mul3A_1544 = arith.mulf %mul3A_1543, %div3A_1539 : vector<16xf32>
        %add3A_1545 = arith.constant 0.693147182 : f32
        %add3A_1546 = vector.broadcast %add3A_1545 : f32 to vector<16xf32>
        %add3A_1547 = arith.addf %add3A_1546, %mul3A_1544 : vector<16xf32>
        %mul3A_1548 = arith.constant -2.32767593E-6 : f32
        %mul3A_1549 = vector.broadcast %mul3A_1548 : f32 to vector<16xf32>
        %mul3A_1550 = arith.mulf %mul3A_1549, %div3A_1539 : vector<16xf32>
        %add3A_1551 = arith.constant 0.125000253 : f32
        %add3A_1552 = vector.broadcast %add3A_1551 : f32 to vector<16xf32>
        %add3A_1553 = arith.addf %add3A_1552, %mul3A_1550 : vector<16xf32>
        %mul3A_1554 = arith.mulf %mul3A_1540, %add3A_1553 : vector<16xf32>
        %add3A_1555 = arith.addf %add3A_1547, %mul3A_1554 : vector<16xf32>
        %mul3A_1556 = arith.constant -3.08754315E-5 : f32
        %mul3A_1557 = vector.broadcast %mul3A_1556 : f32 to vector<16xf32>
        %mul3A_1558 = arith.mulf %mul3A_1557, %div3A_1539 : vector<16xf32>
        %add3A_1559 = arith.constant -0.00519710407 : f32
        %add3A_1560 = vector.broadcast %add3A_1559 : f32 to vector<16xf32>
        %add3A_1561 = arith.addf %add3A_1560, %mul3A_1558 : vector<16xf32>
        %mul3A_1562 = arith.constant -4.513050e-05 : f32
        %mul3A_1563 = vector.broadcast %mul3A_1562 : f32 to vector<16xf32>
        %mul3A_1564 = arith.mulf %mul3A_1563, %div3A_1539 : vector<16xf32>
        %add3A_1565 = arith.constant 3.96936288E-4 : f32
        %add3A_1566 = vector.broadcast %add3A_1565 : f32 to vector<16xf32>
        %add3A_1567 = arith.addf %add3A_1566, %mul3A_1564 : vector<16xf32>
        %mul3A_1568 = arith.mulf %mul3A_1540, %add3A_1567 : vector<16xf32>
        %add3A_1569 = arith.addf %add3A_1561, %mul3A_1568 : vector<16xf32>
        %mul3A_1570 = arith.constant -7.23134917E-6 : f32
        %mul3A_1571 = vector.broadcast %mul3A_1570 : f32 to vector<16xf32>
        %mul3A_1572 = arith.mulf %mul3A_1541, %mul3A_1571 : vector<16xf32>
        %add3A_1573 = arith.addf %add3A_1569, %mul3A_1572 : vector<16xf32>
        %mul3A_1574 = arith.mulf %mul3A_1541, %add3A_1573 : vector<16xf32>
        %add3A_1575 = arith.addf %add3A_1555, %mul3A_1574 : vector<16xf32>
        %sub3A_1576 = arith.constant 1.000000e+00 : f32
        %sub3A_1577 = vector.broadcast %sub3A_1576 : f32 to vector<16xf32>
        %sub3A_1578 = arith.subf %sub3A_1577, %get3A_1529 : vector<16xf32>
        %mul3A_1579 = arith.mulf %div3A_1539, %sub3A_1578 : vector<16xf32>
        %add3A_1580 = arith.addf %mul3A_1579, %add3A_1575 : vector<16xf32>
        %sub3A_1581 = arith.subf %div3A_1539, %get3A_1529 : vector<16xf32>
        %abs3A_1582 = math.absf %sub3A_1581 : vector<16xf32>
        %mul3A_1583 = arith.constant 1.000000e+01 : f32
        %mul3A_1584 = vector.broadcast %mul3A_1583 : f32 to vector<16xf32>
        %mul3A_1585 = arith.mulf %abs3A_1582, %mul3A_1584 : vector<16xf32>
        %convert_element_type3A_1586 = arith.fptosi %mul3A_1585 : vector<16xf32> to vector<16xi32>
        %min3A_1587 = arith.constant 9 : i32
        %min3A_1588 = vector.broadcast %min3A_1587 : i32 to vector<16xi32>
        %min3A_1589 = arith.minsi %convert_element_type3A_1586, %min3A_1588 : vector<16xi32>
        %mul3A_1590 = arith.constant 16 : i32
        %mul3A_1591 = vector.broadcast %mul3A_1590 : i32 to vector<16xi32>
        %mul3A_1592 = arith.muli %min3A_1589, %mul3A_1591 : vector<16xi32>
        %add3A_1593 = arith.addi %mul3A_1592, %iota3A : vector<16xi32>
        tpu.vector_store_idx %arg7[%add3A_1593], %add3A_1580 {add = true} : memref<160xf32, #tpu.memory_space<vmem>>[vector<16xi32>], vector<16xf32>,
        tpu.vector_store_idx %arg8[%add3A_1593], %broadcast_in_dim3A_5 {add = true} : memref<160xf32, #tpu.memory_space<vmem>>[vector<16xi32>], vector<16xf32>,
      }
      %scan3A_182 = arith.constant 46 : i32
    } else {
    }
    %eq3A = arith.constant 31 : i32
    %eq3A_52 = arith.cmpi eq, %add3A, %eq3A : i32
    %convert_element_type3A_53 = arith.extui %eq3A_52 : i1 to i32
    %cond3A_54 = arith.constant 0 : i32
    %cond3A_55 = arith.cmpi ne, %convert_element_type3A_53, %cond3A_54 : i32
    scf.if %cond3A_55 {
      %add3A_175 = arith.constant 2944 : i32
      %add3A_176 = arith.addi %mul3A_2, %add3A_175 : i32
      "tpu.region"() ({
        %run_scoped3A = tpu.sem_alloc : memref<!tpu.dma_semaphore, #tpu.memory_space<semaphore_mem>>
        %dma_start3A = arith.constant 0 : i32
        %dma_start3A_183 = arith.constant 0 : i32
        %dma_start3A_184 = tpu.memref_slice %arg5[%dma_start3A, %dma_start3A_183] : memref<184x80xf32, #tpu.memory_space<vmem>> -> memref<88x80xf32, #tpu.memory_space<vmem>>
        %dma_start3A_185 = arith.constant 0 : i32
        %dma_start3A_186 = tpu.memref_slice %arg2[%add3A_176, %dma_start3A_185] : memref<100000x80xf32, #tpu.memory_space<hbm>> -> memref<88x80xf32, #tpu.memory_space<hbm>>
        %dma_start3A_187 = arith.constant 0 : i32
        %dma_start3A_188 = arith.constant 0 : i32
        %dma_start3A_189 = tpu.memref_slice %arg5[%dma_start3A_187, %dma_start3A_188] : memref<184x80xf32, #tpu.memory_space<vmem>> -> memref<88x80xf32, #tpu.memory_space<vmem>>
        %dma_start3A_190 = arith.constant 0 : i32
        %dma_start3A_191 = tpu.memref_slice %arg2[%add3A_176, %dma_start3A_190] : memref<100000x80xf32, #tpu.memory_space<hbm>> -> memref<88x80xf32, #tpu.memory_space<hbm>>
        tpu.enqueue_dma source(%dma_start3A_191 : memref<88x80xf32, #tpu.memory_space<hbm>>) target(%dma_start3A_189 : memref<88x80xf32, #tpu.memory_space<vmem>>) target_semaphore(%run_scoped3A : memref<!tpu.dma_semaphore, #tpu.memory_space<semaphore_mem>>)
        %dma_wait3A = arith.constant 0 : i32
        %dma_wait3A_192 = arith.constant 0 : i32
        %dma_wait3A_193 = tpu.memref_slice %arg5[%dma_wait3A, %dma_wait3A_192] : memref<184x80xf32, #tpu.memory_space<vmem>> -> memref<88x80xf32, #tpu.memory_space<vmem>>
        %dma_wait3A_194 = arith.constant 0 : i32
        %dma_wait3A_195 = tpu.memref_slice %arg2[%add3A_176, %dma_wait3A_194] : memref<100000x80xf32, #tpu.memory_space<hbm>> -> memref<88x80xf32, #tpu.memory_space<hbm>>
        %dma_wait3A_196 = arith.constant 0 : i32
        %dma_wait3A_197 = arith.constant 0 : i32
        %dma_wait3A_198 = tpu.memref_slice %arg5[%dma_wait3A_196, %dma_wait3A_197] : memref<184x80xf32, #tpu.memory_space<vmem>> -> memref<88x80xf32, #tpu.memory_space<vmem>>
        %dma_wait3A_199 = arith.constant 0 : i32
        %dma_wait3A_200 = tpu.memref_slice %arg2[%add3A_176, %dma_wait3A_199] : memref<100000x80xf32, #tpu.memory_space<hbm>> -> memref<88x80xf32, #tpu.memory_space<hbm>>
        tpu.wait_dma2 semaphore(%run_scoped3A : memref<!tpu.dma_semaphore, #tpu.memory_space<semaphore_mem>>) src(%dma_wait3A_200 : memref<88x80xf32, #tpu.memory_space<hbm>>) dst(%dma_wait3A_198 : memref<88x80xf32, #tpu.memory_space<vmem>>)
        tpu.yield
      }) : () -> ()
      "tpu.region"() ({
        %run_scoped3A = tpu.sem_alloc : memref<!tpu.dma_semaphore, #tpu.memory_space<semaphore_mem>>
        %dma_start3A = arith.constant 0 : i32
        %dma_start3A_183 = arith.constant 0 : i32
        %dma_start3A_184 = tpu.memref_slice %arg6[%dma_start3A, %dma_start3A_183] : memref<184x80xf32, #tpu.memory_space<vmem>> -> memref<88x80xf32, #tpu.memory_space<vmem>>
        %dma_start3A_185 = arith.constant 0 : i32
        %dma_start3A_186 = tpu.memref_slice %arg3[%add3A_176, %dma_start3A_185] : memref<100000x80xf32, #tpu.memory_space<hbm>> -> memref<88x80xf32, #tpu.memory_space<hbm>>
        %dma_start3A_187 = arith.constant 0 : i32
        %dma_start3A_188 = arith.constant 0 : i32
        %dma_start3A_189 = tpu.memref_slice %arg6[%dma_start3A_187, %dma_start3A_188] : memref<184x80xf32, #tpu.memory_space<vmem>> -> memref<88x80xf32, #tpu.memory_space<vmem>>
        %dma_start3A_190 = arith.constant 0 : i32
        %dma_start3A_191 = tpu.memref_slice %arg3[%add3A_176, %dma_start3A_190] : memref<100000x80xf32, #tpu.memory_space<hbm>> -> memref<88x80xf32, #tpu.memory_space<hbm>>
        tpu.enqueue_dma source(%dma_start3A_191 : memref<88x80xf32, #tpu.memory_space<hbm>>) target(%dma_start3A_189 : memref<88x80xf32, #tpu.memory_space<vmem>>) target_semaphore(%run_scoped3A : memref<!tpu.dma_semaphore, #tpu.memory_space<semaphore_mem>>)
        %dma_wait3A = arith.constant 0 : i32
        %dma_wait3A_192 = arith.constant 0 : i32
        %dma_wait3A_193 = tpu.memref_slice %arg6[%dma_wait3A, %dma_wait3A_192] : memref<184x80xf32, #tpu.memory_space<vmem>> -> memref<88x80xf32, #tpu.memory_space<vmem>>
        %dma_wait3A_194 = arith.constant 0 : i32
        %dma_wait3A_195 = tpu.memref_slice %arg3[%add3A_176, %dma_wait3A_194] : memref<100000x80xf32, #tpu.memory_space<hbm>> -> memref<88x80xf32, #tpu.memory_space<hbm>>
        %dma_wait3A_196 = arith.constant 0 : i32
        %dma_wait3A_197 = arith.constant 0 : i32
        %dma_wait3A_198 = tpu.memref_slice %arg6[%dma_wait3A_196, %dma_wait3A_197] : memref<184x80xf32, #tpu.memory_space<vmem>> -> memref<88x80xf32, #tpu.memory_space<vmem>>
        %dma_wait3A_199 = arith.constant 0 : i32
        %dma_wait3A_200 = tpu.memref_slice %arg3[%add3A_176, %dma_wait3A_199] : memref<100000x80xf32, #tpu.memory_space<hbm>> -> memref<88x80xf32, #tpu.memory_space<hbm>>
        tpu.wait_dma2 semaphore(%run_scoped3A : memref<!tpu.dma_semaphore, #tpu.memory_space<semaphore_mem>>) src(%dma_wait3A_200 : memref<88x80xf32, #tpu.memory_space<hbm>>) dst(%dma_wait3A_198 : memref<88x80xf32, #tpu.memory_space<vmem>>)
        tpu.yield
      }) : () -> ()
      %scan3A_177 = arith.constant 0 : i32
      %scan3A_178 = arith.constant 0 : i32
      %scan3A_179 = arith.constant 22 : i32
      %scan3A_180 = arith.addi %scan3A_178, %scan3A_179 : i32
      %scan3A_181 = arith.constant 1 : i32
      scf.for %scan3A_183 = %scan3A_178 to %scan3A_180 step %scan3A_181  : i32 {
        %mul3A_184 = arith.constant 4 : i32
        %mul3A_185 = arith.muli %scan3A_183, %mul3A_184 : i32
        %add3A_186 = arith.constant 0 : i32
        %add3A_187 = arith.addi %mul3A_185, %add3A_186 : i32
        %get3A_188 = arith.index_cast %add3A_187 : i32 to index
        %get3A_189 = arith.constant 0 : index
        %get3A_190 = tpu.vector_load %arg5[%get3A_188, %get3A_189] {strides = array<i32>} : memref<184x80xf32, #tpu.memory_space<vmem>>, vector<16xf32>,
        %get3A_191 = arith.index_cast %add3A_187 : i32 to index
        %get3A_192 = arith.constant 0 : index
        %get3A_193 = tpu.vector_load %arg6[%get3A_191, %get3A_192] {strides = array<i32>} : memref<184x80xf32, #tpu.memory_space<vmem>>, vector<16xf32>,
        %neg3A = arith.constant 0.000000e+00 : f32
        %neg3A_194 = vector.broadcast %neg3A : f32 to vector<16xf32>
        %neg3A_195 = arith.subf %neg3A_194, %get3A_190 : vector<16xf32>
        %exp3A = math.exp %neg3A_195 : vector<16xf32>
        %add3A_196 = arith.constant 1.000000e+00 : f32
        %add3A_197 = vector.broadcast %add3A_196 : f32 to vector<16xf32>
        %add3A_198 = arith.addf %add3A_197, %exp3A : vector<16xf32>
        %div3A = arith.constant 1.000000e+00 : f32
        %div3A_199 = vector.broadcast %div3A : f32 to vector<16xf32>
        %div3A_200 = arith.divf %div3A_199, %add3A_198 : vector<16xf32>
        %mul3A_201 = arith.mulf %div3A_200, %div3A_200 : vector<16xf32>
        %mul3A_202 = arith.mulf %mul3A_201, %mul3A_201 : vector<16xf32>
        %mul3A_203 = arith.constant -5.000000e-01 : f32
        %mul3A_204 = vector.broadcast %mul3A_203 : f32 to vector<16xf32>
        %mul3A_205 = arith.mulf %mul3A_204, %div3A_200 : vector<16xf32>
        %add3A_206 = arith.constant 0.693147182 : f32
        %add3A_207 = vector.broadcast %add3A_206 : f32 to vector<16xf32>
        %add3A_208 = arith.addf %add3A_207, %mul3A_205 : vector<16xf32>
        %mul3A_209 = arith.constant -2.32767593E-6 : f32
        %mul3A_210 = vector.broadcast %mul3A_209 : f32 to vector<16xf32>
        %mul3A_211 = arith.mulf %mul3A_210, %div3A_200 : vector<16xf32>
        %add3A_212 = arith.constant 0.125000253 : f32
        %add3A_213 = vector.broadcast %add3A_212 : f32 to vector<16xf32>
        %add3A_214 = arith.addf %add3A_213, %mul3A_211 : vector<16xf32>
        %mul3A_215 = arith.mulf %mul3A_201, %add3A_214 : vector<16xf32>
        %add3A_216 = arith.addf %add3A_208, %mul3A_215 : vector<16xf32>
        %mul3A_217 = arith.constant -3.08754315E-5 : f32
        %mul3A_218 = vector.broadcast %mul3A_217 : f32 to vector<16xf32>
        %mul3A_219 = arith.mulf %mul3A_218, %div3A_200 : vector<16xf32>
        %add3A_220 = arith.constant -0.00519710407 : f32
        %add3A_221 = vector.broadcast %add3A_220 : f32 to vector<16xf32>
        %add3A_222 = arith.addf %add3A_221, %mul3A_219 : vector<16xf32>
        %mul3A_223 = arith.constant -4.513050e-05 : f32
        %mul3A_224 = vector.broadcast %mul3A_223 : f32 to vector<16xf32>
        %mul3A_225 = arith.mulf %mul3A_224, %div3A_200 : vector<16xf32>
        %add3A_226 = arith.constant 3.96936288E-4 : f32
        %add3A_227 = vector.broadcast %add3A_226 : f32 to vector<16xf32>
        %add3A_228 = arith.addf %add3A_227, %mul3A_225 : vector<16xf32>
        %mul3A_229 = arith.mulf %mul3A_201, %add3A_228 : vector<16xf32>
        %add3A_230 = arith.addf %add3A_222, %mul3A_229 : vector<16xf32>
        %mul3A_231 = arith.constant -7.23134917E-6 : f32
        %mul3A_232 = vector.broadcast %mul3A_231 : f32 to vector<16xf32>
        %mul3A_233 = arith.mulf %mul3A_202, %mul3A_232 : vector<16xf32>
        %add3A_234 = arith.addf %add3A_230, %mul3A_233 : vector<16xf32>
        %mul3A_235 = arith.mulf %mul3A_202, %add3A_234 : vector<16xf32>
        %add3A_236 = arith.addf %add3A_216, %mul3A_235 : vector<16xf32>
        %sub3A = arith.constant 1.000000e+00 : f32
        %sub3A_237 = vector.broadcast %sub3A : f32 to vector<16xf32>
        %sub3A_238 = arith.subf %sub3A_237, %get3A_193 : vector<16xf32>
        %mul3A_239 = arith.mulf %div3A_200, %sub3A_238 : vector<16xf32>
        %add3A_240 = arith.addf %mul3A_239, %add3A_236 : vector<16xf32>
        %sub3A_241 = arith.subf %div3A_200, %get3A_193 : vector<16xf32>
        %abs3A = math.absf %sub3A_241 : vector<16xf32>
        %mul3A_242 = arith.constant 1.000000e+01 : f32
        %mul3A_243 = vector.broadcast %mul3A_242 : f32 to vector<16xf32>
        %mul3A_244 = arith.mulf %abs3A, %mul3A_243 : vector<16xf32>
        %convert_element_type3A_245 = arith.fptosi %mul3A_244 : vector<16xf32> to vector<16xi32>
        %min3A = arith.constant 9 : i32
        %min3A_246 = vector.broadcast %min3A : i32 to vector<16xi32>
        %min3A_247 = arith.minsi %convert_element_type3A_245, %min3A_246 : vector<16xi32>
        %mul3A_248 = arith.constant 16 : i32
        %mul3A_249 = vector.broadcast %mul3A_248 : i32 to vector<16xi32>
        %mul3A_250 = arith.muli %min3A_247, %mul3A_249 : vector<16xi32>
        %add3A_251 = arith.addi %mul3A_250, %iota3A : vector<16xi32>
        tpu.vector_store_idx %arg7[%add3A_251], %add3A_240 {add = true} : memref<160xf32, #tpu.memory_space<vmem>>[vector<16xi32>], vector<16xf32>,
        tpu.vector_store_idx %arg8[%add3A_251], %broadcast_in_dim3A_5 {add = true} : memref<160xf32, #tpu.memory_space<vmem>>[vector<16xi32>], vector<16xf32>,
        %get3A_252 = arith.index_cast %add3A_187 : i32 to index
        %get3A_253 = arith.constant 16 : index
        %get3A_254 = tpu.vector_load %arg5[%get3A_252, %get3A_253] {strides = array<i32>} : memref<184x80xf32, #tpu.memory_space<vmem>>, vector<16xf32>,
        %get3A_255 = arith.index_cast %add3A_187 : i32 to index
        %get3A_256 = arith.constant 16 : index
        %get3A_257 = tpu.vector_load %arg6[%get3A_255, %get3A_256] {strides = array<i32>} : memref<184x80xf32, #tpu.memory_space<vmem>>, vector<16xf32>,
        %neg3A_258 = arith.constant 0.000000e+00 : f32
        %neg3A_259 = vector.broadcast %neg3A_258 : f32 to vector<16xf32>
        %neg3A_260 = arith.subf %neg3A_259, %get3A_254 : vector<16xf32>
        %exp3A_261 = math.exp %neg3A_260 : vector<16xf32>
        %add3A_262 = arith.constant 1.000000e+00 : f32
        %add3A_263 = vector.broadcast %add3A_262 : f32 to vector<16xf32>
        %add3A_264 = arith.addf %add3A_263, %exp3A_261 : vector<16xf32>
        %div3A_265 = arith.constant 1.000000e+00 : f32
        %div3A_266 = vector.broadcast %div3A_265 : f32 to vector<16xf32>
        %div3A_267 = arith.divf %div3A_266, %add3A_264 : vector<16xf32>
        %mul3A_268 = arith.mulf %div3A_267, %div3A_267 : vector<16xf32>
        %mul3A_269 = arith.mulf %mul3A_268, %mul3A_268 : vector<16xf32>
        %mul3A_270 = arith.constant -5.000000e-01 : f32
        %mul3A_271 = vector.broadcast %mul3A_270 : f32 to vector<16xf32>
        %mul3A_272 = arith.mulf %mul3A_271, %div3A_267 : vector<16xf32>
        %add3A_273 = arith.constant 0.693147182 : f32
        %add3A_274 = vector.broadcast %add3A_273 : f32 to vector<16xf32>
        %add3A_275 = arith.addf %add3A_274, %mul3A_272 : vector<16xf32>
        %mul3A_276 = arith.constant -2.32767593E-6 : f32
        %mul3A_277 = vector.broadcast %mul3A_276 : f32 to vector<16xf32>
        %mul3A_278 = arith.mulf %mul3A_277, %div3A_267 : vector<16xf32>
        %add3A_279 = arith.constant 0.125000253 : f32
        %add3A_280 = vector.broadcast %add3A_279 : f32 to vector<16xf32>
        %add3A_281 = arith.addf %add3A_280, %mul3A_278 : vector<16xf32>
        %mul3A_282 = arith.mulf %mul3A_268, %add3A_281 : vector<16xf32>
        %add3A_283 = arith.addf %add3A_275, %mul3A_282 : vector<16xf32>
        %mul3A_284 = arith.constant -3.08754315E-5 : f32
        %mul3A_285 = vector.broadcast %mul3A_284 : f32 to vector<16xf32>
        %mul3A_286 = arith.mulf %mul3A_285, %div3A_267 : vector<16xf32>
        %add3A_287 = arith.constant -0.00519710407 : f32
        %add3A_288 = vector.broadcast %add3A_287 : f32 to vector<16xf32>
        %add3A_289 = arith.addf %add3A_288, %mul3A_286 : vector<16xf32>
        %mul3A_290 = arith.constant -4.513050e-05 : f32
        %mul3A_291 = vector.broadcast %mul3A_290 : f32 to vector<16xf32>
        %mul3A_292 = arith.mulf %mul3A_291, %div3A_267 : vector<16xf32>
        %add3A_293 = arith.constant 3.96936288E-4 : f32
        %add3A_294 = vector.broadcast %add3A_293 : f32 to vector<16xf32>
        %add3A_295 = arith.addf %add3A_294, %mul3A_292 : vector<16xf32>
        %mul3A_296 = arith.mulf %mul3A_268, %add3A_295 : vector<16xf32>
        %add3A_297 = arith.addf %add3A_289, %mul3A_296 : vector<16xf32>
        %mul3A_298 = arith.constant -7.23134917E-6 : f32
        %mul3A_299 = vector.broadcast %mul3A_298 : f32 to vector<16xf32>
        %mul3A_300 = arith.mulf %mul3A_269, %mul3A_299 : vector<16xf32>
        %add3A_301 = arith.addf %add3A_297, %mul3A_300 : vector<16xf32>
        %mul3A_302 = arith.mulf %mul3A_269, %add3A_301 : vector<16xf32>
        %add3A_303 = arith.addf %add3A_283, %mul3A_302 : vector<16xf32>
        %sub3A_304 = arith.constant 1.000000e+00 : f32
        %sub3A_305 = vector.broadcast %sub3A_304 : f32 to vector<16xf32>
        %sub3A_306 = arith.subf %sub3A_305, %get3A_257 : vector<16xf32>
        %mul3A_307 = arith.mulf %div3A_267, %sub3A_306 : vector<16xf32>
        %add3A_308 = arith.addf %mul3A_307, %add3A_303 : vector<16xf32>
        %sub3A_309 = arith.subf %div3A_267, %get3A_257 : vector<16xf32>
        %abs3A_310 = math.absf %sub3A_309 : vector<16xf32>
        %mul3A_311 = arith.constant 1.000000e+01 : f32
        %mul3A_312 = vector.broadcast %mul3A_311 : f32 to vector<16xf32>
        %mul3A_313 = arith.mulf %abs3A_310, %mul3A_312 : vector<16xf32>
        %convert_element_type3A_314 = arith.fptosi %mul3A_313 : vector<16xf32> to vector<16xi32>
        %min3A_315 = arith.constant 9 : i32
        %min3A_316 = vector.broadcast %min3A_315 : i32 to vector<16xi32>
        %min3A_317 = arith.minsi %convert_element_type3A_314, %min3A_316 : vector<16xi32>
        %mul3A_318 = arith.constant 16 : i32
        %mul3A_319 = vector.broadcast %mul3A_318 : i32 to vector<16xi32>
        %mul3A_320 = arith.muli %min3A_317, %mul3A_319 : vector<16xi32>
        %add3A_321 = arith.addi %mul3A_320, %iota3A : vector<16xi32>
        tpu.vector_store_idx %arg7[%add3A_321], %add3A_308 {add = true} : memref<160xf32, #tpu.memory_space<vmem>>[vector<16xi32>], vector<16xf32>,
        tpu.vector_store_idx %arg8[%add3A_321], %broadcast_in_dim3A_5 {add = true} : memref<160xf32, #tpu.memory_space<vmem>>[vector<16xi32>], vector<16xf32>,
        %get3A_322 = arith.index_cast %add3A_187 : i32 to index
        %get3A_323 = arith.constant 32 : index
        %get3A_324 = tpu.vector_load %arg5[%get3A_322, %get3A_323] {strides = array<i32>} : memref<184x80xf32, #tpu.memory_space<vmem>>, vector<16xf32>,
        %get3A_325 = arith.index_cast %add3A_187 : i32 to index
        %get3A_326 = arith.constant 32 : index
        %get3A_327 = tpu.vector_load %arg6[%get3A_325, %get3A_326] {strides = array<i32>} : memref<184x80xf32, #tpu.memory_space<vmem>>, vector<16xf32>,
        %neg3A_328 = arith.constant 0.000000e+00 : f32
        %neg3A_329 = vector.broadcast %neg3A_328 : f32 to vector<16xf32>
        %neg3A_330 = arith.subf %neg3A_329, %get3A_324 : vector<16xf32>
        %exp3A_331 = math.exp %neg3A_330 : vector<16xf32>
        %add3A_332 = arith.constant 1.000000e+00 : f32
        %add3A_333 = vector.broadcast %add3A_332 : f32 to vector<16xf32>
        %add3A_334 = arith.addf %add3A_333, %exp3A_331 : vector<16xf32>
        %div3A_335 = arith.constant 1.000000e+00 : f32
        %div3A_336 = vector.broadcast %div3A_335 : f32 to vector<16xf32>
        %div3A_337 = arith.divf %div3A_336, %add3A_334 : vector<16xf32>
        %mul3A_338 = arith.mulf %div3A_337, %div3A_337 : vector<16xf32>
        %mul3A_339 = arith.mulf %mul3A_338, %mul3A_338 : vector<16xf32>
        %mul3A_340 = arith.constant -5.000000e-01 : f32
        %mul3A_341 = vector.broadcast %mul3A_340 : f32 to vector<16xf32>
        %mul3A_342 = arith.mulf %mul3A_341, %div3A_337 : vector<16xf32>
        %add3A_343 = arith.constant 0.693147182 : f32
        %add3A_344 = vector.broadcast %add3A_343 : f32 to vector<16xf32>
        %add3A_345 = arith.addf %add3A_344, %mul3A_342 : vector<16xf32>
        %mul3A_346 = arith.constant -2.32767593E-6 : f32
        %mul3A_347 = vector.broadcast %mul3A_346 : f32 to vector<16xf32>
        %mul3A_348 = arith.mulf %mul3A_347, %div3A_337 : vector<16xf32>
        %add3A_349 = arith.constant 0.125000253 : f32
        %add3A_350 = vector.broadcast %add3A_349 : f32 to vector<16xf32>
        %add3A_351 = arith.addf %add3A_350, %mul3A_348 : vector<16xf32>
        %mul3A_352 = arith.mulf %mul3A_338, %add3A_351 : vector<16xf32>
        %add3A_353 = arith.addf %add3A_345, %mul3A_352 : vector<16xf32>
        %mul3A_354 = arith.constant -3.08754315E-5 : f32
        %mul3A_355 = vector.broadcast %mul3A_354 : f32 to vector<16xf32>
        %mul3A_356 = arith.mulf %mul3A_355, %div3A_337 : vector<16xf32>
        %add3A_357 = arith.constant -0.00519710407 : f32
        %add3A_358 = vector.broadcast %add3A_357 : f32 to vector<16xf32>
        %add3A_359 = arith.addf %add3A_358, %mul3A_356 : vector<16xf32>
        %mul3A_360 = arith.constant -4.513050e-05 : f32
        %mul3A_361 = vector.broadcast %mul3A_360 : f32 to vector<16xf32>
        %mul3A_362 = arith.mulf %mul3A_361, %div3A_337 : vector<16xf32>
        %add3A_363 = arith.constant 3.96936288E-4 : f32
        %add3A_364 = vector.broadcast %add3A_363 : f32 to vector<16xf32>
        %add3A_365 = arith.addf %add3A_364, %mul3A_362 : vector<16xf32>
        %mul3A_366 = arith.mulf %mul3A_338, %add3A_365 : vector<16xf32>
        %add3A_367 = arith.addf %add3A_359, %mul3A_366 : vector<16xf32>
        %mul3A_368 = arith.constant -7.23134917E-6 : f32
        %mul3A_369 = vector.broadcast %mul3A_368 : f32 to vector<16xf32>
        %mul3A_370 = arith.mulf %mul3A_339, %mul3A_369 : vector<16xf32>
        %add3A_371 = arith.addf %add3A_367, %mul3A_370 : vector<16xf32>
        %mul3A_372 = arith.mulf %mul3A_339, %add3A_371 : vector<16xf32>
        %add3A_373 = arith.addf %add3A_353, %mul3A_372 : vector<16xf32>
        %sub3A_374 = arith.constant 1.000000e+00 : f32
        %sub3A_375 = vector.broadcast %sub3A_374 : f32 to vector<16xf32>
        %sub3A_376 = arith.subf %sub3A_375, %get3A_327 : vector<16xf32>
        %mul3A_377 = arith.mulf %div3A_337, %sub3A_376 : vector<16xf32>
        %add3A_378 = arith.addf %mul3A_377, %add3A_373 : vector<16xf32>
        %sub3A_379 = arith.subf %div3A_337, %get3A_327 : vector<16xf32>
        %abs3A_380 = math.absf %sub3A_379 : vector<16xf32>
        %mul3A_381 = arith.constant 1.000000e+01 : f32
        %mul3A_382 = vector.broadcast %mul3A_381 : f32 to vector<16xf32>
        %mul3A_383 = arith.mulf %abs3A_380, %mul3A_382 : vector<16xf32>
        %convert_element_type3A_384 = arith.fptosi %mul3A_383 : vector<16xf32> to vector<16xi32>
        %min3A_385 = arith.constant 9 : i32
        %min3A_386 = vector.broadcast %min3A_385 : i32 to vector<16xi32>
        %min3A_387 = arith.minsi %convert_element_type3A_384, %min3A_386 : vector<16xi32>
        %mul3A_388 = arith.constant 16 : i32
        %mul3A_389 = vector.broadcast %mul3A_388 : i32 to vector<16xi32>
        %mul3A_390 = arith.muli %min3A_387, %mul3A_389 : vector<16xi32>
        %add3A_391 = arith.addi %mul3A_390, %iota3A : vector<16xi32>
        tpu.vector_store_idx %arg7[%add3A_391], %add3A_378 {add = true} : memref<160xf32, #tpu.memory_space<vmem>>[vector<16xi32>], vector<16xf32>,
        tpu.vector_store_idx %arg8[%add3A_391], %broadcast_in_dim3A_5 {add = true} : memref<160xf32, #tpu.memory_space<vmem>>[vector<16xi32>], vector<16xf32>,
        %get3A_392 = arith.index_cast %add3A_187 : i32 to index
        %get3A_393 = arith.constant 48 : index
        %get3A_394 = tpu.vector_load %arg5[%get3A_392, %get3A_393] {strides = array<i32>} : memref<184x80xf32, #tpu.memory_space<vmem>>, vector<16xf32>,
        %get3A_395 = arith.index_cast %add3A_187 : i32 to index
        %get3A_396 = arith.constant 48 : index
        %get3A_397 = tpu.vector_load %arg6[%get3A_395, %get3A_396] {strides = array<i32>} : memref<184x80xf32, #tpu.memory_space<vmem>>, vector<16xf32>,
        %neg3A_398 = arith.constant 0.000000e+00 : f32
        %neg3A_399 = vector.broadcast %neg3A_398 : f32 to vector<16xf32>
        %neg3A_400 = arith.subf %neg3A_399, %get3A_394 : vector<16xf32>
        %exp3A_401 = math.exp %neg3A_400 : vector<16xf32>
        %add3A_402 = arith.constant 1.000000e+00 : f32
        %add3A_403 = vector.broadcast %add3A_402 : f32 to vector<16xf32>
        %add3A_404 = arith.addf %add3A_403, %exp3A_401 : vector<16xf32>
        %div3A_405 = arith.constant 1.000000e+00 : f32
        %div3A_406 = vector.broadcast %div3A_405 : f32 to vector<16xf32>
        %div3A_407 = arith.divf %div3A_406, %add3A_404 : vector<16xf32>
        %mul3A_408 = arith.mulf %div3A_407, %div3A_407 : vector<16xf32>
        %mul3A_409 = arith.mulf %mul3A_408, %mul3A_408 : vector<16xf32>
        %mul3A_410 = arith.constant -5.000000e-01 : f32
        %mul3A_411 = vector.broadcast %mul3A_410 : f32 to vector<16xf32>
        %mul3A_412 = arith.mulf %mul3A_411, %div3A_407 : vector<16xf32>
        %add3A_413 = arith.constant 0.693147182 : f32
        %add3A_414 = vector.broadcast %add3A_413 : f32 to vector<16xf32>
        %add3A_415 = arith.addf %add3A_414, %mul3A_412 : vector<16xf32>
        %mul3A_416 = arith.constant -2.32767593E-6 : f32
        %mul3A_417 = vector.broadcast %mul3A_416 : f32 to vector<16xf32>
        %mul3A_418 = arith.mulf %mul3A_417, %div3A_407 : vector<16xf32>
        %add3A_419 = arith.constant 0.125000253 : f32
        %add3A_420 = vector.broadcast %add3A_419 : f32 to vector<16xf32>
        %add3A_421 = arith.addf %add3A_420, %mul3A_418 : vector<16xf32>
        %mul3A_422 = arith.mulf %mul3A_408, %add3A_421 : vector<16xf32>
        %add3A_423 = arith.addf %add3A_415, %mul3A_422 : vector<16xf32>
        %mul3A_424 = arith.constant -3.08754315E-5 : f32
        %mul3A_425 = vector.broadcast %mul3A_424 : f32 to vector<16xf32>
        %mul3A_426 = arith.mulf %mul3A_425, %div3A_407 : vector<16xf32>
        %add3A_427 = arith.constant -0.00519710407 : f32
        %add3A_428 = vector.broadcast %add3A_427 : f32 to vector<16xf32>
        %add3A_429 = arith.addf %add3A_428, %mul3A_426 : vector<16xf32>
        %mul3A_430 = arith.constant -4.513050e-05 : f32
        %mul3A_431 = vector.broadcast %mul3A_430 : f32 to vector<16xf32>
        %mul3A_432 = arith.mulf %mul3A_431, %div3A_407 : vector<16xf32>
        %add3A_433 = arith.constant 3.96936288E-4 : f32
        %add3A_434 = vector.broadcast %add3A_433 : f32 to vector<16xf32>
        %add3A_435 = arith.addf %add3A_434, %mul3A_432 : vector<16xf32>
        %mul3A_436 = arith.mulf %mul3A_408, %add3A_435 : vector<16xf32>
        %add3A_437 = arith.addf %add3A_429, %mul3A_436 : vector<16xf32>
        %mul3A_438 = arith.constant -7.23134917E-6 : f32
        %mul3A_439 = vector.broadcast %mul3A_438 : f32 to vector<16xf32>
        %mul3A_440 = arith.mulf %mul3A_409, %mul3A_439 : vector<16xf32>
        %add3A_441 = arith.addf %add3A_437, %mul3A_440 : vector<16xf32>
        %mul3A_442 = arith.mulf %mul3A_409, %add3A_441 : vector<16xf32>
        %add3A_443 = arith.addf %add3A_423, %mul3A_442 : vector<16xf32>
        %sub3A_444 = arith.constant 1.000000e+00 : f32
        %sub3A_445 = vector.broadcast %sub3A_444 : f32 to vector<16xf32>
        %sub3A_446 = arith.subf %sub3A_445, %get3A_397 : vector<16xf32>
        %mul3A_447 = arith.mulf %div3A_407, %sub3A_446 : vector<16xf32>
        %add3A_448 = arith.addf %mul3A_447, %add3A_443 : vector<16xf32>
        %sub3A_449 = arith.subf %div3A_407, %get3A_397 : vector<16xf32>
        %abs3A_450 = math.absf %sub3A_449 : vector<16xf32>
        %mul3A_451 = arith.constant 1.000000e+01 : f32
        %mul3A_452 = vector.broadcast %mul3A_451 : f32 to vector<16xf32>
        %mul3A_453 = arith.mulf %abs3A_450, %mul3A_452 : vector<16xf32>
        %convert_element_type3A_454 = arith.fptosi %mul3A_453 : vector<16xf32> to vector<16xi32>
        %min3A_455 = arith.constant 9 : i32
        %min3A_456 = vector.broadcast %min3A_455 : i32 to vector<16xi32>
        %min3A_457 = arith.minsi %convert_element_type3A_454, %min3A_456 : vector<16xi32>
        %mul3A_458 = arith.constant 16 : i32
        %mul3A_459 = vector.broadcast %mul3A_458 : i32 to vector<16xi32>
        %mul3A_460 = arith.muli %min3A_457, %mul3A_459 : vector<16xi32>
        %add3A_461 = arith.addi %mul3A_460, %iota3A : vector<16xi32>
        tpu.vector_store_idx %arg7[%add3A_461], %add3A_448 {add = true} : memref<160xf32, #tpu.memory_space<vmem>>[vector<16xi32>], vector<16xf32>,
        tpu.vector_store_idx %arg8[%add3A_461], %broadcast_in_dim3A_5 {add = true} : memref<160xf32, #tpu.memory_space<vmem>>[vector<16xi32>], vector<16xf32>,
        %get3A_462 = arith.index_cast %add3A_187 : i32 to index
        %get3A_463 = arith.constant 64 : index
        %get3A_464 = tpu.vector_load %arg5[%get3A_462, %get3A_463] {strides = array<i32>} : memref<184x80xf32, #tpu.memory_space<vmem>>, vector<16xf32>,
        %get3A_465 = arith.index_cast %add3A_187 : i32 to index
        %get3A_466 = arith.constant 64 : index
        %get3A_467 = tpu.vector_load %arg6[%get3A_465, %get3A_466] {strides = array<i32>} : memref<184x80xf32, #tpu.memory_space<vmem>>, vector<16xf32>,
        %neg3A_468 = arith.constant 0.000000e+00 : f32
        %neg3A_469 = vector.broadcast %neg3A_468 : f32 to vector<16xf32>
        %neg3A_470 = arith.subf %neg3A_469, %get3A_464 : vector<16xf32>
        %exp3A_471 = math.exp %neg3A_470 : vector<16xf32>
        %add3A_472 = arith.constant 1.000000e+00 : f32
        %add3A_473 = vector.broadcast %add3A_472 : f32 to vector<16xf32>
        %add3A_474 = arith.addf %add3A_473, %exp3A_471 : vector<16xf32>
        %div3A_475 = arith.constant 1.000000e+00 : f32
        %div3A_476 = vector.broadcast %div3A_475 : f32 to vector<16xf32>
        %div3A_477 = arith.divf %div3A_476, %add3A_474 : vector<16xf32>
        %mul3A_478 = arith.mulf %div3A_477, %div3A_477 : vector<16xf32>
        %mul3A_479 = arith.mulf %mul3A_478, %mul3A_478 : vector<16xf32>
        %mul3A_480 = arith.constant -5.000000e-01 : f32
        %mul3A_481 = vector.broadcast %mul3A_480 : f32 to vector<16xf32>
        %mul3A_482 = arith.mulf %mul3A_481, %div3A_477 : vector<16xf32>
        %add3A_483 = arith.constant 0.693147182 : f32
        %add3A_484 = vector.broadcast %add3A_483 : f32 to vector<16xf32>
        %add3A_485 = arith.addf %add3A_484, %mul3A_482 : vector<16xf32>
        %mul3A_486 = arith.constant -2.32767593E-6 : f32
        %mul3A_487 = vector.broadcast %mul3A_486 : f32 to vector<16xf32>
        %mul3A_488 = arith.mulf %mul3A_487, %div3A_477 : vector<16xf32>
        %add3A_489 = arith.constant 0.125000253 : f32
        %add3A_490 = vector.broadcast %add3A_489 : f32 to vector<16xf32>
        %add3A_491 = arith.addf %add3A_490, %mul3A_488 : vector<16xf32>
        %mul3A_492 = arith.mulf %mul3A_478, %add3A_491 : vector<16xf32>
        %add3A_493 = arith.addf %add3A_485, %mul3A_492 : vector<16xf32>
        %mul3A_494 = arith.constant -3.08754315E-5 : f32
        %mul3A_495 = vector.broadcast %mul3A_494 : f32 to vector<16xf32>
        %mul3A_496 = arith.mulf %mul3A_495, %div3A_477 : vector<16xf32>
        %add3A_497 = arith.constant -0.00519710407 : f32
        %add3A_498 = vector.broadcast %add3A_497 : f32 to vector<16xf32>
        %add3A_499 = arith.addf %add3A_498, %mul3A_496 : vector<16xf32>
        %mul3A_500 = arith.constant -4.513050e-05 : f32
        %mul3A_501 = vector.broadcast %mul3A_500 : f32 to vector<16xf32>
        %mul3A_502 = arith.mulf %mul3A_501, %div3A_477 : vector<16xf32>
        %add3A_503 = arith.constant 3.96936288E-4 : f32
        %add3A_504 = vector.broadcast %add3A_503 : f32 to vector<16xf32>
        %add3A_505 = arith.addf %add3A_504, %mul3A_502 : vector<16xf32>
        %mul3A_506 = arith.mulf %mul3A_478, %add3A_505 : vector<16xf32>
        %add3A_507 = arith.addf %add3A_499, %mul3A_506 : vector<16xf32>
        %mul3A_508 = arith.constant -7.23134917E-6 : f32
        %mul3A_509 = vector.broadcast %mul3A_508 : f32 to vector<16xf32>
        %mul3A_510 = arith.mulf %mul3A_479, %mul3A_509 : vector<16xf32>
        %add3A_511 = arith.addf %add3A_507, %mul3A_510 : vector<16xf32>
        %mul3A_512 = arith.mulf %mul3A_479, %add3A_511 : vector<16xf32>
        %add3A_513 = arith.addf %add3A_493, %mul3A_512 : vector<16xf32>
        %sub3A_514 = arith.constant 1.000000e+00 : f32
        %sub3A_515 = vector.broadcast %sub3A_514 : f32 to vector<16xf32>
        %sub3A_516 = arith.subf %sub3A_515, %get3A_467 : vector<16xf32>
        %mul3A_517 = arith.mulf %div3A_477, %sub3A_516 : vector<16xf32>
        %add3A_518 = arith.addf %mul3A_517, %add3A_513 : vector<16xf32>
        %sub3A_519 = arith.subf %div3A_477, %get3A_467 : vector<16xf32>
        %abs3A_520 = math.absf %sub3A_519 : vector<16xf32>
        %mul3A_521 = arith.constant 1.000000e+01 : f32
        %mul3A_522 = vector.broadcast %mul3A_521 : f32 to vector<16xf32>
        %mul3A_523 = arith.mulf %abs3A_520, %mul3A_522 : vector<16xf32>
        %convert_element_type3A_524 = arith.fptosi %mul3A_523 : vector<16xf32> to vector<16xi32>
        %min3A_525 = arith.constant 9 : i32
        %min3A_526 = vector.broadcast %min3A_525 : i32 to vector<16xi32>
        %min3A_527 = arith.minsi %convert_element_type3A_524, %min3A_526 : vector<16xi32>
        %mul3A_528 = arith.constant 16 : i32
        %mul3A_529 = vector.broadcast %mul3A_528 : i32 to vector<16xi32>
        %mul3A_530 = arith.muli %min3A_527, %mul3A_529 : vector<16xi32>
        %add3A_531 = arith.addi %mul3A_530, %iota3A : vector<16xi32>
        tpu.vector_store_idx %arg7[%add3A_531], %add3A_518 {add = true} : memref<160xf32, #tpu.memory_space<vmem>>[vector<16xi32>], vector<16xf32>,
        tpu.vector_store_idx %arg8[%add3A_531], %broadcast_in_dim3A_5 {add = true} : memref<160xf32, #tpu.memory_space<vmem>>[vector<16xi32>], vector<16xf32>,
        %mul3A_532 = arith.constant 4 : i32
        %mul3A_533 = arith.muli %scan3A_183, %mul3A_532 : i32
        %add3A_534 = arith.constant 1 : i32
        %add3A_535 = arith.addi %mul3A_533, %add3A_534 : i32
        %get3A_536 = arith.index_cast %add3A_535 : i32 to index
        %get3A_537 = arith.constant 0 : index
        %get3A_538 = tpu.vector_load %arg5[%get3A_536, %get3A_537] {strides = array<i32>} : memref<184x80xf32, #tpu.memory_space<vmem>>, vector<16xf32>,
        %get3A_539 = arith.index_cast %add3A_535 : i32 to index
        %get3A_540 = arith.constant 0 : index
        %get3A_541 = tpu.vector_load %arg6[%get3A_539, %get3A_540] {strides = array<i32>} : memref<184x80xf32, #tpu.memory_space<vmem>>, vector<16xf32>,
        %neg3A_542 = arith.constant 0.000000e+00 : f32
        %neg3A_543 = vector.broadcast %neg3A_542 : f32 to vector<16xf32>
        %neg3A_544 = arith.subf %neg3A_543, %get3A_538 : vector<16xf32>
        %exp3A_545 = math.exp %neg3A_544 : vector<16xf32>
        %add3A_546 = arith.constant 1.000000e+00 : f32
        %add3A_547 = vector.broadcast %add3A_546 : f32 to vector<16xf32>
        %add3A_548 = arith.addf %add3A_547, %exp3A_545 : vector<16xf32>
        %div3A_549 = arith.constant 1.000000e+00 : f32
        %div3A_550 = vector.broadcast %div3A_549 : f32 to vector<16xf32>
        %div3A_551 = arith.divf %div3A_550, %add3A_548 : vector<16xf32>
        %mul3A_552 = arith.mulf %div3A_551, %div3A_551 : vector<16xf32>
        %mul3A_553 = arith.mulf %mul3A_552, %mul3A_552 : vector<16xf32>
        %mul3A_554 = arith.constant -5.000000e-01 : f32
        %mul3A_555 = vector.broadcast %mul3A_554 : f32 to vector<16xf32>
        %mul3A_556 = arith.mulf %mul3A_555, %div3A_551 : vector<16xf32>
        %add3A_557 = arith.constant 0.693147182 : f32
        %add3A_558 = vector.broadcast %add3A_557 : f32 to vector<16xf32>
        %add3A_559 = arith.addf %add3A_558, %mul3A_556 : vector<16xf32>
        %mul3A_560 = arith.constant -2.32767593E-6 : f32
        %mul3A_561 = vector.broadcast %mul3A_560 : f32 to vector<16xf32>
        %mul3A_562 = arith.mulf %mul3A_561, %div3A_551 : vector<16xf32>
        %add3A_563 = arith.constant 0.125000253 : f32
        %add3A_564 = vector.broadcast %add3A_563 : f32 to vector<16xf32>
        %add3A_565 = arith.addf %add3A_564, %mul3A_562 : vector<16xf32>
        %mul3A_566 = arith.mulf %mul3A_552, %add3A_565 : vector<16xf32>
        %add3A_567 = arith.addf %add3A_559, %mul3A_566 : vector<16xf32>
        %mul3A_568 = arith.constant -3.08754315E-5 : f32
        %mul3A_569 = vector.broadcast %mul3A_568 : f32 to vector<16xf32>
        %mul3A_570 = arith.mulf %mul3A_569, %div3A_551 : vector<16xf32>
        %add3A_571 = arith.constant -0.00519710407 : f32
        %add3A_572 = vector.broadcast %add3A_571 : f32 to vector<16xf32>
        %add3A_573 = arith.addf %add3A_572, %mul3A_570 : vector<16xf32>
        %mul3A_574 = arith.constant -4.513050e-05 : f32
        %mul3A_575 = vector.broadcast %mul3A_574 : f32 to vector<16xf32>
        %mul3A_576 = arith.mulf %mul3A_575, %div3A_551 : vector<16xf32>
        %add3A_577 = arith.constant 3.96936288E-4 : f32
        %add3A_578 = vector.broadcast %add3A_577 : f32 to vector<16xf32>
        %add3A_579 = arith.addf %add3A_578, %mul3A_576 : vector<16xf32>
        %mul3A_580 = arith.mulf %mul3A_552, %add3A_579 : vector<16xf32>
        %add3A_581 = arith.addf %add3A_573, %mul3A_580 : vector<16xf32>
        %mul3A_582 = arith.constant -7.23134917E-6 : f32
        %mul3A_583 = vector.broadcast %mul3A_582 : f32 to vector<16xf32>
        %mul3A_584 = arith.mulf %mul3A_553, %mul3A_583 : vector<16xf32>
        %add3A_585 = arith.addf %add3A_581, %mul3A_584 : vector<16xf32>
        %mul3A_586 = arith.mulf %mul3A_553, %add3A_585 : vector<16xf32>
        %add3A_587 = arith.addf %add3A_567, %mul3A_586 : vector<16xf32>
        %sub3A_588 = arith.constant 1.000000e+00 : f32
        %sub3A_589 = vector.broadcast %sub3A_588 : f32 to vector<16xf32>
        %sub3A_590 = arith.subf %sub3A_589, %get3A_541 : vector<16xf32>
        %mul3A_591 = arith.mulf %div3A_551, %sub3A_590 : vector<16xf32>
        %add3A_592 = arith.addf %mul3A_591, %add3A_587 : vector<16xf32>
        %sub3A_593 = arith.subf %div3A_551, %get3A_541 : vector<16xf32>
        %abs3A_594 = math.absf %sub3A_593 : vector<16xf32>
        %mul3A_595 = arith.constant 1.000000e+01 : f32
        %mul3A_596 = vector.broadcast %mul3A_595 : f32 to vector<16xf32>
        %mul3A_597 = arith.mulf %abs3A_594, %mul3A_596 : vector<16xf32>
        %convert_element_type3A_598 = arith.fptosi %mul3A_597 : vector<16xf32> to vector<16xi32>
        %min3A_599 = arith.constant 9 : i32
        %min3A_600 = vector.broadcast %min3A_599 : i32 to vector<16xi32>
        %min3A_601 = arith.minsi %convert_element_type3A_598, %min3A_600 : vector<16xi32>
        %mul3A_602 = arith.constant 16 : i32
        %mul3A_603 = vector.broadcast %mul3A_602 : i32 to vector<16xi32>
        %mul3A_604 = arith.muli %min3A_601, %mul3A_603 : vector<16xi32>
        %add3A_605 = arith.addi %mul3A_604, %iota3A : vector<16xi32>
        tpu.vector_store_idx %arg7[%add3A_605], %add3A_592 {add = true} : memref<160xf32, #tpu.memory_space<vmem>>[vector<16xi32>], vector<16xf32>,
        tpu.vector_store_idx %arg8[%add3A_605], %broadcast_in_dim3A_5 {add = true} : memref<160xf32, #tpu.memory_space<vmem>>[vector<16xi32>], vector<16xf32>,
        %get3A_606 = arith.index_cast %add3A_535 : i32 to index
        %get3A_607 = arith.constant 16 : index
        %get3A_608 = tpu.vector_load %arg5[%get3A_606, %get3A_607] {strides = array<i32>} : memref<184x80xf32, #tpu.memory_space<vmem>>, vector<16xf32>,
        %get3A_609 = arith.index_cast %add3A_535 : i32 to index
        %get3A_610 = arith.constant 16 : index
        %get3A_611 = tpu.vector_load %arg6[%get3A_609, %get3A_610] {strides = array<i32>} : memref<184x80xf32, #tpu.memory_space<vmem>>, vector<16xf32>,
        %neg3A_612 = arith.constant 0.000000e+00 : f32
        %neg3A_613 = vector.broadcast %neg3A_612 : f32 to vector<16xf32>
        %neg3A_614 = arith.subf %neg3A_613, %get3A_608 : vector<16xf32>
        %exp3A_615 = math.exp %neg3A_614 : vector<16xf32>
        %add3A_616 = arith.constant 1.000000e+00 : f32
        %add3A_617 = vector.broadcast %add3A_616 : f32 to vector<16xf32>
        %add3A_618 = arith.addf %add3A_617, %exp3A_615 : vector<16xf32>
        %div3A_619 = arith.constant 1.000000e+00 : f32
        %div3A_620 = vector.broadcast %div3A_619 : f32 to vector<16xf32>
        %div3A_621 = arith.divf %div3A_620, %add3A_618 : vector<16xf32>
        %mul3A_622 = arith.mulf %div3A_621, %div3A_621 : vector<16xf32>
        %mul3A_623 = arith.mulf %mul3A_622, %mul3A_622 : vector<16xf32>
        %mul3A_624 = arith.constant -5.000000e-01 : f32
        %mul3A_625 = vector.broadcast %mul3A_624 : f32 to vector<16xf32>
        %mul3A_626 = arith.mulf %mul3A_625, %div3A_621 : vector<16xf32>
        %add3A_627 = arith.constant 0.693147182 : f32
        %add3A_628 = vector.broadcast %add3A_627 : f32 to vector<16xf32>
        %add3A_629 = arith.addf %add3A_628, %mul3A_626 : vector<16xf32>
        %mul3A_630 = arith.constant -2.32767593E-6 : f32
        %mul3A_631 = vector.broadcast %mul3A_630 : f32 to vector<16xf32>
        %mul3A_632 = arith.mulf %mul3A_631, %div3A_621 : vector<16xf32>
        %add3A_633 = arith.constant 0.125000253 : f32
        %add3A_634 = vector.broadcast %add3A_633 : f32 to vector<16xf32>
        %add3A_635 = arith.addf %add3A_634, %mul3A_632 : vector<16xf32>
        %mul3A_636 = arith.mulf %mul3A_622, %add3A_635 : vector<16xf32>
        %add3A_637 = arith.addf %add3A_629, %mul3A_636 : vector<16xf32>
        %mul3A_638 = arith.constant -3.08754315E-5 : f32
        %mul3A_639 = vector.broadcast %mul3A_638 : f32 to vector<16xf32>
        %mul3A_640 = arith.mulf %mul3A_639, %div3A_621 : vector<16xf32>
        %add3A_641 = arith.constant -0.00519710407 : f32
        %add3A_642 = vector.broadcast %add3A_641 : f32 to vector<16xf32>
        %add3A_643 = arith.addf %add3A_642, %mul3A_640 : vector<16xf32>
        %mul3A_644 = arith.constant -4.513050e-05 : f32
        %mul3A_645 = vector.broadcast %mul3A_644 : f32 to vector<16xf32>
        %mul3A_646 = arith.mulf %mul3A_645, %div3A_621 : vector<16xf32>
        %add3A_647 = arith.constant 3.96936288E-4 : f32
        %add3A_648 = vector.broadcast %add3A_647 : f32 to vector<16xf32>
        %add3A_649 = arith.addf %add3A_648, %mul3A_646 : vector<16xf32>
        %mul3A_650 = arith.mulf %mul3A_622, %add3A_649 : vector<16xf32>
        %add3A_651 = arith.addf %add3A_643, %mul3A_650 : vector<16xf32>
        %mul3A_652 = arith.constant -7.23134917E-6 : f32
        %mul3A_653 = vector.broadcast %mul3A_652 : f32 to vector<16xf32>
        %mul3A_654 = arith.mulf %mul3A_623, %mul3A_653 : vector<16xf32>
        %add3A_655 = arith.addf %add3A_651, %mul3A_654 : vector<16xf32>
        %mul3A_656 = arith.mulf %mul3A_623, %add3A_655 : vector<16xf32>
        %add3A_657 = arith.addf %add3A_637, %mul3A_656 : vector<16xf32>
        %sub3A_658 = arith.constant 1.000000e+00 : f32
        %sub3A_659 = vector.broadcast %sub3A_658 : f32 to vector<16xf32>
        %sub3A_660 = arith.subf %sub3A_659, %get3A_611 : vector<16xf32>
        %mul3A_661 = arith.mulf %div3A_621, %sub3A_660 : vector<16xf32>
        %add3A_662 = arith.addf %mul3A_661, %add3A_657 : vector<16xf32>
        %sub3A_663 = arith.subf %div3A_621, %get3A_611 : vector<16xf32>
        %abs3A_664 = math.absf %sub3A_663 : vector<16xf32>
        %mul3A_665 = arith.constant 1.000000e+01 : f32
        %mul3A_666 = vector.broadcast %mul3A_665 : f32 to vector<16xf32>
        %mul3A_667 = arith.mulf %abs3A_664, %mul3A_666 : vector<16xf32>
        %convert_element_type3A_668 = arith.fptosi %mul3A_667 : vector<16xf32> to vector<16xi32>
        %min3A_669 = arith.constant 9 : i32
        %min3A_670 = vector.broadcast %min3A_669 : i32 to vector<16xi32>
        %min3A_671 = arith.minsi %convert_element_type3A_668, %min3A_670 : vector<16xi32>
        %mul3A_672 = arith.constant 16 : i32
        %mul3A_673 = vector.broadcast %mul3A_672 : i32 to vector<16xi32>
        %mul3A_674 = arith.muli %min3A_671, %mul3A_673 : vector<16xi32>
        %add3A_675 = arith.addi %mul3A_674, %iota3A : vector<16xi32>
        tpu.vector_store_idx %arg7[%add3A_675], %add3A_662 {add = true} : memref<160xf32, #tpu.memory_space<vmem>>[vector<16xi32>], vector<16xf32>,
        tpu.vector_store_idx %arg8[%add3A_675], %broadcast_in_dim3A_5 {add = true} : memref<160xf32, #tpu.memory_space<vmem>>[vector<16xi32>], vector<16xf32>,
        %get3A_676 = arith.index_cast %add3A_535 : i32 to index
        %get3A_677 = arith.constant 32 : index
        %get3A_678 = tpu.vector_load %arg5[%get3A_676, %get3A_677] {strides = array<i32>} : memref<184x80xf32, #tpu.memory_space<vmem>>, vector<16xf32>,
        %get3A_679 = arith.index_cast %add3A_535 : i32 to index
        %get3A_680 = arith.constant 32 : index
        %get3A_681 = tpu.vector_load %arg6[%get3A_679, %get3A_680] {strides = array<i32>} : memref<184x80xf32, #tpu.memory_space<vmem>>, vector<16xf32>,
        %neg3A_682 = arith.constant 0.000000e+00 : f32
        %neg3A_683 = vector.broadcast %neg3A_682 : f32 to vector<16xf32>
        %neg3A_684 = arith.subf %neg3A_683, %get3A_678 : vector<16xf32>
        %exp3A_685 = math.exp %neg3A_684 : vector<16xf32>
        %add3A_686 = arith.constant 1.000000e+00 : f32
        %add3A_687 = vector.broadcast %add3A_686 : f32 to vector<16xf32>
        %add3A_688 = arith.addf %add3A_687, %exp3A_685 : vector<16xf32>
        %div3A_689 = arith.constant 1.000000e+00 : f32
        %div3A_690 = vector.broadcast %div3A_689 : f32 to vector<16xf32>
        %div3A_691 = arith.divf %div3A_690, %add3A_688 : vector<16xf32>
        %mul3A_692 = arith.mulf %div3A_691, %div3A_691 : vector<16xf32>
        %mul3A_693 = arith.mulf %mul3A_692, %mul3A_692 : vector<16xf32>
        %mul3A_694 = arith.constant -5.000000e-01 : f32
        %mul3A_695 = vector.broadcast %mul3A_694 : f32 to vector<16xf32>
        %mul3A_696 = arith.mulf %mul3A_695, %div3A_691 : vector<16xf32>
        %add3A_697 = arith.constant 0.693147182 : f32
        %add3A_698 = vector.broadcast %add3A_697 : f32 to vector<16xf32>
        %add3A_699 = arith.addf %add3A_698, %mul3A_696 : vector<16xf32>
        %mul3A_700 = arith.constant -2.32767593E-6 : f32
        %mul3A_701 = vector.broadcast %mul3A_700 : f32 to vector<16xf32>
        %mul3A_702 = arith.mulf %mul3A_701, %div3A_691 : vector<16xf32>
        %add3A_703 = arith.constant 0.125000253 : f32
        %add3A_704 = vector.broadcast %add3A_703 : f32 to vector<16xf32>
        %add3A_705 = arith.addf %add3A_704, %mul3A_702 : vector<16xf32>
        %mul3A_706 = arith.mulf %mul3A_692, %add3A_705 : vector<16xf32>
        %add3A_707 = arith.addf %add3A_699, %mul3A_706 : vector<16xf32>
        %mul3A_708 = arith.constant -3.08754315E-5 : f32
        %mul3A_709 = vector.broadcast %mul3A_708 : f32 to vector<16xf32>
        %mul3A_710 = arith.mulf %mul3A_709, %div3A_691 : vector<16xf32>
        %add3A_711 = arith.constant -0.00519710407 : f32
        %add3A_712 = vector.broadcast %add3A_711 : f32 to vector<16xf32>
        %add3A_713 = arith.addf %add3A_712, %mul3A_710 : vector<16xf32>
        %mul3A_714 = arith.constant -4.513050e-05 : f32
        %mul3A_715 = vector.broadcast %mul3A_714 : f32 to vector<16xf32>
        %mul3A_716 = arith.mulf %mul3A_715, %div3A_691 : vector<16xf32>
        %add3A_717 = arith.constant 3.96936288E-4 : f32
        %add3A_718 = vector.broadcast %add3A_717 : f32 to vector<16xf32>
        %add3A_719 = arith.addf %add3A_718, %mul3A_716 : vector<16xf32>
        %mul3A_720 = arith.mulf %mul3A_692, %add3A_719 : vector<16xf32>
        %add3A_721 = arith.addf %add3A_713, %mul3A_720 : vector<16xf32>
        %mul3A_722 = arith.constant -7.23134917E-6 : f32
        %mul3A_723 = vector.broadcast %mul3A_722 : f32 to vector<16xf32>
        %mul3A_724 = arith.mulf %mul3A_693, %mul3A_723 : vector<16xf32>
        %add3A_725 = arith.addf %add3A_721, %mul3A_724 : vector<16xf32>
        %mul3A_726 = arith.mulf %mul3A_693, %add3A_725 : vector<16xf32>
        %add3A_727 = arith.addf %add3A_707, %mul3A_726 : vector<16xf32>
        %sub3A_728 = arith.constant 1.000000e+00 : f32
        %sub3A_729 = vector.broadcast %sub3A_728 : f32 to vector<16xf32>
        %sub3A_730 = arith.subf %sub3A_729, %get3A_681 : vector<16xf32>
        %mul3A_731 = arith.mulf %div3A_691, %sub3A_730 : vector<16xf32>
        %add3A_732 = arith.addf %mul3A_731, %add3A_727 : vector<16xf32>
        %sub3A_733 = arith.subf %div3A_691, %get3A_681 : vector<16xf32>
        %abs3A_734 = math.absf %sub3A_733 : vector<16xf32>
        %mul3A_735 = arith.constant 1.000000e+01 : f32
        %mul3A_736 = vector.broadcast %mul3A_735 : f32 to vector<16xf32>
        %mul3A_737 = arith.mulf %abs3A_734, %mul3A_736 : vector<16xf32>
        %convert_element_type3A_738 = arith.fptosi %mul3A_737 : vector<16xf32> to vector<16xi32>
        %min3A_739 = arith.constant 9 : i32
        %min3A_740 = vector.broadcast %min3A_739 : i32 to vector<16xi32>
        %min3A_741 = arith.minsi %convert_element_type3A_738, %min3A_740 : vector<16xi32>
        %mul3A_742 = arith.constant 16 : i32
        %mul3A_743 = vector.broadcast %mul3A_742 : i32 to vector<16xi32>
        %mul3A_744 = arith.muli %min3A_741, %mul3A_743 : vector<16xi32>
        %add3A_745 = arith.addi %mul3A_744, %iota3A : vector<16xi32>
        tpu.vector_store_idx %arg7[%add3A_745], %add3A_732 {add = true} : memref<160xf32, #tpu.memory_space<vmem>>[vector<16xi32>], vector<16xf32>,
        tpu.vector_store_idx %arg8[%add3A_745], %broadcast_in_dim3A_5 {add = true} : memref<160xf32, #tpu.memory_space<vmem>>[vector<16xi32>], vector<16xf32>,
        %get3A_746 = arith.index_cast %add3A_535 : i32 to index
        %get3A_747 = arith.constant 48 : index
        %get3A_748 = tpu.vector_load %arg5[%get3A_746, %get3A_747] {strides = array<i32>} : memref<184x80xf32, #tpu.memory_space<vmem>>, vector<16xf32>,
        %get3A_749 = arith.index_cast %add3A_535 : i32 to index
        %get3A_750 = arith.constant 48 : index
        %get3A_751 = tpu.vector_load %arg6[%get3A_749, %get3A_750] {strides = array<i32>} : memref<184x80xf32, #tpu.memory_space<vmem>>, vector<16xf32>,
        %neg3A_752 = arith.constant 0.000000e+00 : f32
        %neg3A_753 = vector.broadcast %neg3A_752 : f32 to vector<16xf32>
        %neg3A_754 = arith.subf %neg3A_753, %get3A_748 : vector<16xf32>
        %exp3A_755 = math.exp %neg3A_754 : vector<16xf32>
        %add3A_756 = arith.constant 1.000000e+00 : f32
        %add3A_757 = vector.broadcast %add3A_756 : f32 to vector<16xf32>
        %add3A_758 = arith.addf %add3A_757, %exp3A_755 : vector<16xf32>
        %div3A_759 = arith.constant 1.000000e+00 : f32
        %div3A_760 = vector.broadcast %div3A_759 : f32 to vector<16xf32>
        %div3A_761 = arith.divf %div3A_760, %add3A_758 : vector<16xf32>
        %mul3A_762 = arith.mulf %div3A_761, %div3A_761 : vector<16xf32>
        %mul3A_763 = arith.mulf %mul3A_762, %mul3A_762 : vector<16xf32>
        %mul3A_764 = arith.constant -5.000000e-01 : f32
        %mul3A_765 = vector.broadcast %mul3A_764 : f32 to vector<16xf32>
        %mul3A_766 = arith.mulf %mul3A_765, %div3A_761 : vector<16xf32>
        %add3A_767 = arith.constant 0.693147182 : f32
        %add3A_768 = vector.broadcast %add3A_767 : f32 to vector<16xf32>
        %add3A_769 = arith.addf %add3A_768, %mul3A_766 : vector<16xf32>
        %mul3A_770 = arith.constant -2.32767593E-6 : f32
        %mul3A_771 = vector.broadcast %mul3A_770 : f32 to vector<16xf32>
        %mul3A_772 = arith.mulf %mul3A_771, %div3A_761 : vector<16xf32>
        %add3A_773 = arith.constant 0.125000253 : f32
        %add3A_774 = vector.broadcast %add3A_773 : f32 to vector<16xf32>
        %add3A_775 = arith.addf %add3A_774, %mul3A_772 : vector<16xf32>
        %mul3A_776 = arith.mulf %mul3A_762, %add3A_775 : vector<16xf32>
        %add3A_777 = arith.addf %add3A_769, %mul3A_776 : vector<16xf32>
        %mul3A_778 = arith.constant -3.08754315E-5 : f32
        %mul3A_779 = vector.broadcast %mul3A_778 : f32 to vector<16xf32>
        %mul3A_780 = arith.mulf %mul3A_779, %div3A_761 : vector<16xf32>
        %add3A_781 = arith.constant -0.00519710407 : f32
        %add3A_782 = vector.broadcast %add3A_781 : f32 to vector<16xf32>
        %add3A_783 = arith.addf %add3A_782, %mul3A_780 : vector<16xf32>
        %mul3A_784 = arith.constant -4.513050e-05 : f32
        %mul3A_785 = vector.broadcast %mul3A_784 : f32 to vector<16xf32>
        %mul3A_786 = arith.mulf %mul3A_785, %div3A_761 : vector<16xf32>
        %add3A_787 = arith.constant 3.96936288E-4 : f32
        %add3A_788 = vector.broadcast %add3A_787 : f32 to vector<16xf32>
        %add3A_789 = arith.addf %add3A_788, %mul3A_786 : vector<16xf32>
        %mul3A_790 = arith.mulf %mul3A_762, %add3A_789 : vector<16xf32>
        %add3A_791 = arith.addf %add3A_783, %mul3A_790 : vector<16xf32>
        %mul3A_792 = arith.constant -7.23134917E-6 : f32
        %mul3A_793 = vector.broadcast %mul3A_792 : f32 to vector<16xf32>
        %mul3A_794 = arith.mulf %mul3A_763, %mul3A_793 : vector<16xf32>
        %add3A_795 = arith.addf %add3A_791, %mul3A_794 : vector<16xf32>
        %mul3A_796 = arith.mulf %mul3A_763, %add3A_795 : vector<16xf32>
        %add3A_797 = arith.addf %add3A_777, %mul3A_796 : vector<16xf32>
        %sub3A_798 = arith.constant 1.000000e+00 : f32
        %sub3A_799 = vector.broadcast %sub3A_798 : f32 to vector<16xf32>
        %sub3A_800 = arith.subf %sub3A_799, %get3A_751 : vector<16xf32>
        %mul3A_801 = arith.mulf %div3A_761, %sub3A_800 : vector<16xf32>
        %add3A_802 = arith.addf %mul3A_801, %add3A_797 : vector<16xf32>
        %sub3A_803 = arith.subf %div3A_761, %get3A_751 : vector<16xf32>
        %abs3A_804 = math.absf %sub3A_803 : vector<16xf32>
        %mul3A_805 = arith.constant 1.000000e+01 : f32
        %mul3A_806 = vector.broadcast %mul3A_805 : f32 to vector<16xf32>
        %mul3A_807 = arith.mulf %abs3A_804, %mul3A_806 : vector<16xf32>
        %convert_element_type3A_808 = arith.fptosi %mul3A_807 : vector<16xf32> to vector<16xi32>
        %min3A_809 = arith.constant 9 : i32
        %min3A_810 = vector.broadcast %min3A_809 : i32 to vector<16xi32>
        %min3A_811 = arith.minsi %convert_element_type3A_808, %min3A_810 : vector<16xi32>
        %mul3A_812 = arith.constant 16 : i32
        %mul3A_813 = vector.broadcast %mul3A_812 : i32 to vector<16xi32>
        %mul3A_814 = arith.muli %min3A_811, %mul3A_813 : vector<16xi32>
        %add3A_815 = arith.addi %mul3A_814, %iota3A : vector<16xi32>
        tpu.vector_store_idx %arg7[%add3A_815], %add3A_802 {add = true} : memref<160xf32, #tpu.memory_space<vmem>>[vector<16xi32>], vector<16xf32>,
        tpu.vector_store_idx %arg8[%add3A_815], %broadcast_in_dim3A_5 {add = true} : memref<160xf32, #tpu.memory_space<vmem>>[vector<16xi32>], vector<16xf32>,
        %get3A_816 = arith.index_cast %add3A_535 : i32 to index
        %get3A_817 = arith.constant 64 : index
        %get3A_818 = tpu.vector_load %arg5[%get3A_816, %get3A_817] {strides = array<i32>} : memref<184x80xf32, #tpu.memory_space<vmem>>, vector<16xf32>,
        %get3A_819 = arith.index_cast %add3A_535 : i32 to index
        %get3A_820 = arith.constant 64 : index
        %get3A_821 = tpu.vector_load %arg6[%get3A_819, %get3A_820] {strides = array<i32>} : memref<184x80xf32, #tpu.memory_space<vmem>>, vector<16xf32>,
        %neg3A_822 = arith.constant 0.000000e+00 : f32
        %neg3A_823 = vector.broadcast %neg3A_822 : f32 to vector<16xf32>
        %neg3A_824 = arith.subf %neg3A_823, %get3A_818 : vector<16xf32>
        %exp3A_825 = math.exp %neg3A_824 : vector<16xf32>
        %add3A_826 = arith.constant 1.000000e+00 : f32
        %add3A_827 = vector.broadcast %add3A_826 : f32 to vector<16xf32>
        %add3A_828 = arith.addf %add3A_827, %exp3A_825 : vector<16xf32>
        %div3A_829 = arith.constant 1.000000e+00 : f32
        %div3A_830 = vector.broadcast %div3A_829 : f32 to vector<16xf32>
        %div3A_831 = arith.divf %div3A_830, %add3A_828 : vector<16xf32>
        %mul3A_832 = arith.mulf %div3A_831, %div3A_831 : vector<16xf32>
        %mul3A_833 = arith.mulf %mul3A_832, %mul3A_832 : vector<16xf32>
        %mul3A_834 = arith.constant -5.000000e-01 : f32
        %mul3A_835 = vector.broadcast %mul3A_834 : f32 to vector<16xf32>
        %mul3A_836 = arith.mulf %mul3A_835, %div3A_831 : vector<16xf32>
        %add3A_837 = arith.constant 0.693147182 : f32
        %add3A_838 = vector.broadcast %add3A_837 : f32 to vector<16xf32>
        %add3A_839 = arith.addf %add3A_838, %mul3A_836 : vector<16xf32>
        %mul3A_840 = arith.constant -2.32767593E-6 : f32
        %mul3A_841 = vector.broadcast %mul3A_840 : f32 to vector<16xf32>
        %mul3A_842 = arith.mulf %mul3A_841, %div3A_831 : vector<16xf32>
        %add3A_843 = arith.constant 0.125000253 : f32
        %add3A_844 = vector.broadcast %add3A_843 : f32 to vector<16xf32>
        %add3A_845 = arith.addf %add3A_844, %mul3A_842 : vector<16xf32>
        %mul3A_846 = arith.mulf %mul3A_832, %add3A_845 : vector<16xf32>
        %add3A_847 = arith.addf %add3A_839, %mul3A_846 : vector<16xf32>
        %mul3A_848 = arith.constant -3.08754315E-5 : f32
        %mul3A_849 = vector.broadcast %mul3A_848 : f32 to vector<16xf32>
        %mul3A_850 = arith.mulf %mul3A_849, %div3A_831 : vector<16xf32>
        %add3A_851 = arith.constant -0.00519710407 : f32
        %add3A_852 = vector.broadcast %add3A_851 : f32 to vector<16xf32>
        %add3A_853 = arith.addf %add3A_852, %mul3A_850 : vector<16xf32>
        %mul3A_854 = arith.constant -4.513050e-05 : f32
        %mul3A_855 = vector.broadcast %mul3A_854 : f32 to vector<16xf32>
        %mul3A_856 = arith.mulf %mul3A_855, %div3A_831 : vector<16xf32>
        %add3A_857 = arith.constant 3.96936288E-4 : f32
        %add3A_858 = vector.broadcast %add3A_857 : f32 to vector<16xf32>
        %add3A_859 = arith.addf %add3A_858, %mul3A_856 : vector<16xf32>
        %mul3A_860 = arith.mulf %mul3A_832, %add3A_859 : vector<16xf32>
        %add3A_861 = arith.addf %add3A_853, %mul3A_860 : vector<16xf32>
        %mul3A_862 = arith.constant -7.23134917E-6 : f32
        %mul3A_863 = vector.broadcast %mul3A_862 : f32 to vector<16xf32>
        %mul3A_864 = arith.mulf %mul3A_833, %mul3A_863 : vector<16xf32>
        %add3A_865 = arith.addf %add3A_861, %mul3A_864 : vector<16xf32>
        %mul3A_866 = arith.mulf %mul3A_833, %add3A_865 : vector<16xf32>
        %add3A_867 = arith.addf %add3A_847, %mul3A_866 : vector<16xf32>
        %sub3A_868 = arith.constant 1.000000e+00 : f32
        %sub3A_869 = vector.broadcast %sub3A_868 : f32 to vector<16xf32>
        %sub3A_870 = arith.subf %sub3A_869, %get3A_821 : vector<16xf32>
        %mul3A_871 = arith.mulf %div3A_831, %sub3A_870 : vector<16xf32>
        %add3A_872 = arith.addf %mul3A_871, %add3A_867 : vector<16xf32>
        %sub3A_873 = arith.subf %div3A_831, %get3A_821 : vector<16xf32>
        %abs3A_874 = math.absf %sub3A_873 : vector<16xf32>
        %mul3A_875 = arith.constant 1.000000e+01 : f32
        %mul3A_876 = vector.broadcast %mul3A_875 : f32 to vector<16xf32>
        %mul3A_877 = arith.mulf %abs3A_874, %mul3A_876 : vector<16xf32>
        %convert_element_type3A_878 = arith.fptosi %mul3A_877 : vector<16xf32> to vector<16xi32>
        %min3A_879 = arith.constant 9 : i32
        %min3A_880 = vector.broadcast %min3A_879 : i32 to vector<16xi32>
        %min3A_881 = arith.minsi %convert_element_type3A_878, %min3A_880 : vector<16xi32>
        %mul3A_882 = arith.constant 16 : i32
        %mul3A_883 = vector.broadcast %mul3A_882 : i32 to vector<16xi32>
        %mul3A_884 = arith.muli %min3A_881, %mul3A_883 : vector<16xi32>
        %add3A_885 = arith.addi %mul3A_884, %iota3A : vector<16xi32>
        tpu.vector_store_idx %arg7[%add3A_885], %add3A_872 {add = true} : memref<160xf32, #tpu.memory_space<vmem>>[vector<16xi32>], vector<16xf32>,
        tpu.vector_store_idx %arg8[%add3A_885], %broadcast_in_dim3A_5 {add = true} : memref<160xf32, #tpu.memory_space<vmem>>[vector<16xi32>], vector<16xf32>,
        %mul3A_886 = arith.constant 4 : i32
        %mul3A_887 = arith.muli %scan3A_183, %mul3A_886 : i32
        %add3A_888 = arith.constant 2 : i32
        %add3A_889 = arith.addi %mul3A_887, %add3A_888 : i32
        %get3A_890 = arith.index_cast %add3A_889 : i32 to index
        %get3A_891 = arith.constant 0 : index
        %get3A_892 = tpu.vector_load %arg5[%get3A_890, %get3A_891] {strides = array<i32>} : memref<184x80xf32, #tpu.memory_space<vmem>>, vector<16xf32>,
        %get3A_893 = arith.index_cast %add3A_889 : i32 to index
        %get3A_894 = arith.constant 0 : index
        %get3A_895 = tpu.vector_load %arg6[%get3A_893, %get3A_894] {strides = array<i32>} : memref<184x80xf32, #tpu.memory_space<vmem>>, vector<16xf32>,
        %neg3A_896 = arith.constant 0.000000e+00 : f32
        %neg3A_897 = vector.broadcast %neg3A_896 : f32 to vector<16xf32>
        %neg3A_898 = arith.subf %neg3A_897, %get3A_892 : vector<16xf32>
        %exp3A_899 = math.exp %neg3A_898 : vector<16xf32>
        %add3A_900 = arith.constant 1.000000e+00 : f32
        %add3A_901 = vector.broadcast %add3A_900 : f32 to vector<16xf32>
        %add3A_902 = arith.addf %add3A_901, %exp3A_899 : vector<16xf32>
        %div3A_903 = arith.constant 1.000000e+00 : f32
        %div3A_904 = vector.broadcast %div3A_903 : f32 to vector<16xf32>
        %div3A_905 = arith.divf %div3A_904, %add3A_902 : vector<16xf32>
        %mul3A_906 = arith.mulf %div3A_905, %div3A_905 : vector<16xf32>
        %mul3A_907 = arith.mulf %mul3A_906, %mul3A_906 : vector<16xf32>
        %mul3A_908 = arith.constant -5.000000e-01 : f32
        %mul3A_909 = vector.broadcast %mul3A_908 : f32 to vector<16xf32>
        %mul3A_910 = arith.mulf %mul3A_909, %div3A_905 : vector<16xf32>
        %add3A_911 = arith.constant 0.693147182 : f32
        %add3A_912 = vector.broadcast %add3A_911 : f32 to vector<16xf32>
        %add3A_913 = arith.addf %add3A_912, %mul3A_910 : vector<16xf32>
        %mul3A_914 = arith.constant -2.32767593E-6 : f32
        %mul3A_915 = vector.broadcast %mul3A_914 : f32 to vector<16xf32>
        %mul3A_916 = arith.mulf %mul3A_915, %div3A_905 : vector<16xf32>
        %add3A_917 = arith.constant 0.125000253 : f32
        %add3A_918 = vector.broadcast %add3A_917 : f32 to vector<16xf32>
        %add3A_919 = arith.addf %add3A_918, %mul3A_916 : vector<16xf32>
        %mul3A_920 = arith.mulf %mul3A_906, %add3A_919 : vector<16xf32>
        %add3A_921 = arith.addf %add3A_913, %mul3A_920 : vector<16xf32>
        %mul3A_922 = arith.constant -3.08754315E-5 : f32
        %mul3A_923 = vector.broadcast %mul3A_922 : f32 to vector<16xf32>
        %mul3A_924 = arith.mulf %mul3A_923, %div3A_905 : vector<16xf32>
        %add3A_925 = arith.constant -0.00519710407 : f32
        %add3A_926 = vector.broadcast %add3A_925 : f32 to vector<16xf32>
        %add3A_927 = arith.addf %add3A_926, %mul3A_924 : vector<16xf32>
        %mul3A_928 = arith.constant -4.513050e-05 : f32
        %mul3A_929 = vector.broadcast %mul3A_928 : f32 to vector<16xf32>
        %mul3A_930 = arith.mulf %mul3A_929, %div3A_905 : vector<16xf32>
        %add3A_931 = arith.constant 3.96936288E-4 : f32
        %add3A_932 = vector.broadcast %add3A_931 : f32 to vector<16xf32>
        %add3A_933 = arith.addf %add3A_932, %mul3A_930 : vector<16xf32>
        %mul3A_934 = arith.mulf %mul3A_906, %add3A_933 : vector<16xf32>
        %add3A_935 = arith.addf %add3A_927, %mul3A_934 : vector<16xf32>
        %mul3A_936 = arith.constant -7.23134917E-6 : f32
        %mul3A_937 = vector.broadcast %mul3A_936 : f32 to vector<16xf32>
        %mul3A_938 = arith.mulf %mul3A_907, %mul3A_937 : vector<16xf32>
        %add3A_939 = arith.addf %add3A_935, %mul3A_938 : vector<16xf32>
        %mul3A_940 = arith.mulf %mul3A_907, %add3A_939 : vector<16xf32>
        %add3A_941 = arith.addf %add3A_921, %mul3A_940 : vector<16xf32>
        %sub3A_942 = arith.constant 1.000000e+00 : f32
        %sub3A_943 = vector.broadcast %sub3A_942 : f32 to vector<16xf32>
        %sub3A_944 = arith.subf %sub3A_943, %get3A_895 : vector<16xf32>
        %mul3A_945 = arith.mulf %div3A_905, %sub3A_944 : vector<16xf32>
        %add3A_946 = arith.addf %mul3A_945, %add3A_941 : vector<16xf32>
        %sub3A_947 = arith.subf %div3A_905, %get3A_895 : vector<16xf32>
        %abs3A_948 = math.absf %sub3A_947 : vector<16xf32>
        %mul3A_949 = arith.constant 1.000000e+01 : f32
        %mul3A_950 = vector.broadcast %mul3A_949 : f32 to vector<16xf32>
        %mul3A_951 = arith.mulf %abs3A_948, %mul3A_950 : vector<16xf32>
        %convert_element_type3A_952 = arith.fptosi %mul3A_951 : vector<16xf32> to vector<16xi32>
        %min3A_953 = arith.constant 9 : i32
        %min3A_954 = vector.broadcast %min3A_953 : i32 to vector<16xi32>
        %min3A_955 = arith.minsi %convert_element_type3A_952, %min3A_954 : vector<16xi32>
        %mul3A_956 = arith.constant 16 : i32
        %mul3A_957 = vector.broadcast %mul3A_956 : i32 to vector<16xi32>
        %mul3A_958 = arith.muli %min3A_955, %mul3A_957 : vector<16xi32>
        %add3A_959 = arith.addi %mul3A_958, %iota3A : vector<16xi32>
        tpu.vector_store_idx %arg7[%add3A_959], %add3A_946 {add = true} : memref<160xf32, #tpu.memory_space<vmem>>[vector<16xi32>], vector<16xf32>,
        tpu.vector_store_idx %arg8[%add3A_959], %broadcast_in_dim3A_5 {add = true} : memref<160xf32, #tpu.memory_space<vmem>>[vector<16xi32>], vector<16xf32>,
        %get3A_960 = arith.index_cast %add3A_889 : i32 to index
        %get3A_961 = arith.constant 16 : index
        %get3A_962 = tpu.vector_load %arg5[%get3A_960, %get3A_961] {strides = array<i32>} : memref<184x80xf32, #tpu.memory_space<vmem>>, vector<16xf32>,
        %get3A_963 = arith.index_cast %add3A_889 : i32 to index
        %get3A_964 = arith.constant 16 : index
        %get3A_965 = tpu.vector_load %arg6[%get3A_963, %get3A_964] {strides = array<i32>} : memref<184x80xf32, #tpu.memory_space<vmem>>, vector<16xf32>,
        %neg3A_966 = arith.constant 0.000000e+00 : f32
        %neg3A_967 = vector.broadcast %neg3A_966 : f32 to vector<16xf32>
        %neg3A_968 = arith.subf %neg3A_967, %get3A_962 : vector<16xf32>
        %exp3A_969 = math.exp %neg3A_968 : vector<16xf32>
        %add3A_970 = arith.constant 1.000000e+00 : f32
        %add3A_971 = vector.broadcast %add3A_970 : f32 to vector<16xf32>
        %add3A_972 = arith.addf %add3A_971, %exp3A_969 : vector<16xf32>
        %div3A_973 = arith.constant 1.000000e+00 : f32
        %div3A_974 = vector.broadcast %div3A_973 : f32 to vector<16xf32>
        %div3A_975 = arith.divf %div3A_974, %add3A_972 : vector<16xf32>
        %mul3A_976 = arith.mulf %div3A_975, %div3A_975 : vector<16xf32>
        %mul3A_977 = arith.mulf %mul3A_976, %mul3A_976 : vector<16xf32>
        %mul3A_978 = arith.constant -5.000000e-01 : f32
        %mul3A_979 = vector.broadcast %mul3A_978 : f32 to vector<16xf32>
        %mul3A_980 = arith.mulf %mul3A_979, %div3A_975 : vector<16xf32>
        %add3A_981 = arith.constant 0.693147182 : f32
        %add3A_982 = vector.broadcast %add3A_981 : f32 to vector<16xf32>
        %add3A_983 = arith.addf %add3A_982, %mul3A_980 : vector<16xf32>
        %mul3A_984 = arith.constant -2.32767593E-6 : f32
        %mul3A_985 = vector.broadcast %mul3A_984 : f32 to vector<16xf32>
        %mul3A_986 = arith.mulf %mul3A_985, %div3A_975 : vector<16xf32>
        %add3A_987 = arith.constant 0.125000253 : f32
        %add3A_988 = vector.broadcast %add3A_987 : f32 to vector<16xf32>
        %add3A_989 = arith.addf %add3A_988, %mul3A_986 : vector<16xf32>
        %mul3A_990 = arith.mulf %mul3A_976, %add3A_989 : vector<16xf32>
        %add3A_991 = arith.addf %add3A_983, %mul3A_990 : vector<16xf32>
        %mul3A_992 = arith.constant -3.08754315E-5 : f32
        %mul3A_993 = vector.broadcast %mul3A_992 : f32 to vector<16xf32>
        %mul3A_994 = arith.mulf %mul3A_993, %div3A_975 : vector<16xf32>
        %add3A_995 = arith.constant -0.00519710407 : f32
        %add3A_996 = vector.broadcast %add3A_995 : f32 to vector<16xf32>
        %add3A_997 = arith.addf %add3A_996, %mul3A_994 : vector<16xf32>
        %mul3A_998 = arith.constant -4.513050e-05 : f32
        %mul3A_999 = vector.broadcast %mul3A_998 : f32 to vector<16xf32>
        %mul3A_1000 = arith.mulf %mul3A_999, %div3A_975 : vector<16xf32>
        %add3A_1001 = arith.constant 3.96936288E-4 : f32
        %add3A_1002 = vector.broadcast %add3A_1001 : f32 to vector<16xf32>
        %add3A_1003 = arith.addf %add3A_1002, %mul3A_1000 : vector<16xf32>
        %mul3A_1004 = arith.mulf %mul3A_976, %add3A_1003 : vector<16xf32>
        %add3A_1005 = arith.addf %add3A_997, %mul3A_1004 : vector<16xf32>
        %mul3A_1006 = arith.constant -7.23134917E-6 : f32
        %mul3A_1007 = vector.broadcast %mul3A_1006 : f32 to vector<16xf32>
        %mul3A_1008 = arith.mulf %mul3A_977, %mul3A_1007 : vector<16xf32>
        %add3A_1009 = arith.addf %add3A_1005, %mul3A_1008 : vector<16xf32>
        %mul3A_1010 = arith.mulf %mul3A_977, %add3A_1009 : vector<16xf32>
        %add3A_1011 = arith.addf %add3A_991, %mul3A_1010 : vector<16xf32>
        %sub3A_1012 = arith.constant 1.000000e+00 : f32
        %sub3A_1013 = vector.broadcast %sub3A_1012 : f32 to vector<16xf32>
        %sub3A_1014 = arith.subf %sub3A_1013, %get3A_965 : vector<16xf32>
        %mul3A_1015 = arith.mulf %div3A_975, %sub3A_1014 : vector<16xf32>
        %add3A_1016 = arith.addf %mul3A_1015, %add3A_1011 : vector<16xf32>
        %sub3A_1017 = arith.subf %div3A_975, %get3A_965 : vector<16xf32>
        %abs3A_1018 = math.absf %sub3A_1017 : vector<16xf32>
        %mul3A_1019 = arith.constant 1.000000e+01 : f32
        %mul3A_1020 = vector.broadcast %mul3A_1019 : f32 to vector<16xf32>
        %mul3A_1021 = arith.mulf %abs3A_1018, %mul3A_1020 : vector<16xf32>
        %convert_element_type3A_1022 = arith.fptosi %mul3A_1021 : vector<16xf32> to vector<16xi32>
        %min3A_1023 = arith.constant 9 : i32
        %min3A_1024 = vector.broadcast %min3A_1023 : i32 to vector<16xi32>
        %min3A_1025 = arith.minsi %convert_element_type3A_1022, %min3A_1024 : vector<16xi32>
        %mul3A_1026 = arith.constant 16 : i32
        %mul3A_1027 = vector.broadcast %mul3A_1026 : i32 to vector<16xi32>
        %mul3A_1028 = arith.muli %min3A_1025, %mul3A_1027 : vector<16xi32>
        %add3A_1029 = arith.addi %mul3A_1028, %iota3A : vector<16xi32>
        tpu.vector_store_idx %arg7[%add3A_1029], %add3A_1016 {add = true} : memref<160xf32, #tpu.memory_space<vmem>>[vector<16xi32>], vector<16xf32>,
        tpu.vector_store_idx %arg8[%add3A_1029], %broadcast_in_dim3A_5 {add = true} : memref<160xf32, #tpu.memory_space<vmem>>[vector<16xi32>], vector<16xf32>,
        %get3A_1030 = arith.index_cast %add3A_889 : i32 to index
        %get3A_1031 = arith.constant 32 : index
        %get3A_1032 = tpu.vector_load %arg5[%get3A_1030, %get3A_1031] {strides = array<i32>} : memref<184x80xf32, #tpu.memory_space<vmem>>, vector<16xf32>,
        %get3A_1033 = arith.index_cast %add3A_889 : i32 to index
        %get3A_1034 = arith.constant 32 : index
        %get3A_1035 = tpu.vector_load %arg6[%get3A_1033, %get3A_1034] {strides = array<i32>} : memref<184x80xf32, #tpu.memory_space<vmem>>, vector<16xf32>,
        %neg3A_1036 = arith.constant 0.000000e+00 : f32
        %neg3A_1037 = vector.broadcast %neg3A_1036 : f32 to vector<16xf32>
        %neg3A_1038 = arith.subf %neg3A_1037, %get3A_1032 : vector<16xf32>
        %exp3A_1039 = math.exp %neg3A_1038 : vector<16xf32>
        %add3A_1040 = arith.constant 1.000000e+00 : f32
        %add3A_1041 = vector.broadcast %add3A_1040 : f32 to vector<16xf32>
        %add3A_1042 = arith.addf %add3A_1041, %exp3A_1039 : vector<16xf32>
        %div3A_1043 = arith.constant 1.000000e+00 : f32
        %div3A_1044 = vector.broadcast %div3A_1043 : f32 to vector<16xf32>
        %div3A_1045 = arith.divf %div3A_1044, %add3A_1042 : vector<16xf32>
        %mul3A_1046 = arith.mulf %div3A_1045, %div3A_1045 : vector<16xf32>
        %mul3A_1047 = arith.mulf %mul3A_1046, %mul3A_1046 : vector<16xf32>
        %mul3A_1048 = arith.constant -5.000000e-01 : f32
        %mul3A_1049 = vector.broadcast %mul3A_1048 : f32 to vector<16xf32>
        %mul3A_1050 = arith.mulf %mul3A_1049, %div3A_1045 : vector<16xf32>
        %add3A_1051 = arith.constant 0.693147182 : f32
        %add3A_1052 = vector.broadcast %add3A_1051 : f32 to vector<16xf32>
        %add3A_1053 = arith.addf %add3A_1052, %mul3A_1050 : vector<16xf32>
        %mul3A_1054 = arith.constant -2.32767593E-6 : f32
        %mul3A_1055 = vector.broadcast %mul3A_1054 : f32 to vector<16xf32>
        %mul3A_1056 = arith.mulf %mul3A_1055, %div3A_1045 : vector<16xf32>
        %add3A_1057 = arith.constant 0.125000253 : f32
        %add3A_1058 = vector.broadcast %add3A_1057 : f32 to vector<16xf32>
        %add3A_1059 = arith.addf %add3A_1058, %mul3A_1056 : vector<16xf32>
        %mul3A_1060 = arith.mulf %mul3A_1046, %add3A_1059 : vector<16xf32>
        %add3A_1061 = arith.addf %add3A_1053, %mul3A_1060 : vector<16xf32>
        %mul3A_1062 = arith.constant -3.08754315E-5 : f32
        %mul3A_1063 = vector.broadcast %mul3A_1062 : f32 to vector<16xf32>
        %mul3A_1064 = arith.mulf %mul3A_1063, %div3A_1045 : vector<16xf32>
        %add3A_1065 = arith.constant -0.00519710407 : f32
        %add3A_1066 = vector.broadcast %add3A_1065 : f32 to vector<16xf32>
        %add3A_1067 = arith.addf %add3A_1066, %mul3A_1064 : vector<16xf32>
        %mul3A_1068 = arith.constant -4.513050e-05 : f32
        %mul3A_1069 = vector.broadcast %mul3A_1068 : f32 to vector<16xf32>
        %mul3A_1070 = arith.mulf %mul3A_1069, %div3A_1045 : vector<16xf32>
        %add3A_1071 = arith.constant 3.96936288E-4 : f32
        %add3A_1072 = vector.broadcast %add3A_1071 : f32 to vector<16xf32>
        %add3A_1073 = arith.addf %add3A_1072, %mul3A_1070 : vector<16xf32>
        %mul3A_1074 = arith.mulf %mul3A_1046, %add3A_1073 : vector<16xf32>
        %add3A_1075 = arith.addf %add3A_1067, %mul3A_1074 : vector<16xf32>
        %mul3A_1076 = arith.constant -7.23134917E-6 : f32
        %mul3A_1077 = vector.broadcast %mul3A_1076 : f32 to vector<16xf32>
        %mul3A_1078 = arith.mulf %mul3A_1047, %mul3A_1077 : vector<16xf32>
        %add3A_1079 = arith.addf %add3A_1075, %mul3A_1078 : vector<16xf32>
        %mul3A_1080 = arith.mulf %mul3A_1047, %add3A_1079 : vector<16xf32>
        %add3A_1081 = arith.addf %add3A_1061, %mul3A_1080 : vector<16xf32>
        %sub3A_1082 = arith.constant 1.000000e+00 : f32
        %sub3A_1083 = vector.broadcast %sub3A_1082 : f32 to vector<16xf32>
        %sub3A_1084 = arith.subf %sub3A_1083, %get3A_1035 : vector<16xf32>
        %mul3A_1085 = arith.mulf %div3A_1045, %sub3A_1084 : vector<16xf32>
        %add3A_1086 = arith.addf %mul3A_1085, %add3A_1081 : vector<16xf32>
        %sub3A_1087 = arith.subf %div3A_1045, %get3A_1035 : vector<16xf32>
        %abs3A_1088 = math.absf %sub3A_1087 : vector<16xf32>
        %mul3A_1089 = arith.constant 1.000000e+01 : f32
        %mul3A_1090 = vector.broadcast %mul3A_1089 : f32 to vector<16xf32>
        %mul3A_1091 = arith.mulf %abs3A_1088, %mul3A_1090 : vector<16xf32>
        %convert_element_type3A_1092 = arith.fptosi %mul3A_1091 : vector<16xf32> to vector<16xi32>
        %min3A_1093 = arith.constant 9 : i32
        %min3A_1094 = vector.broadcast %min3A_1093 : i32 to vector<16xi32>
        %min3A_1095 = arith.minsi %convert_element_type3A_1092, %min3A_1094 : vector<16xi32>
        %mul3A_1096 = arith.constant 16 : i32
        %mul3A_1097 = vector.broadcast %mul3A_1096 : i32 to vector<16xi32>
        %mul3A_1098 = arith.muli %min3A_1095, %mul3A_1097 : vector<16xi32>
        %add3A_1099 = arith.addi %mul3A_1098, %iota3A : vector<16xi32>
        tpu.vector_store_idx %arg7[%add3A_1099], %add3A_1086 {add = true} : memref<160xf32, #tpu.memory_space<vmem>>[vector<16xi32>], vector<16xf32>,
        tpu.vector_store_idx %arg8[%add3A_1099], %broadcast_in_dim3A_5 {add = true} : memref<160xf32, #tpu.memory_space<vmem>>[vector<16xi32>], vector<16xf32>,
        %get3A_1100 = arith.index_cast %add3A_889 : i32 to index
        %get3A_1101 = arith.constant 48 : index
        %get3A_1102 = tpu.vector_load %arg5[%get3A_1100, %get3A_1101] {strides = array<i32>} : memref<184x80xf32, #tpu.memory_space<vmem>>, vector<16xf32>,
        %get3A_1103 = arith.index_cast %add3A_889 : i32 to index
        %get3A_1104 = arith.constant 48 : index
        %get3A_1105 = tpu.vector_load %arg6[%get3A_1103, %get3A_1104] {strides = array<i32>} : memref<184x80xf32, #tpu.memory_space<vmem>>, vector<16xf32>,
        %neg3A_1106 = arith.constant 0.000000e+00 : f32
        %neg3A_1107 = vector.broadcast %neg3A_1106 : f32 to vector<16xf32>
        %neg3A_1108 = arith.subf %neg3A_1107, %get3A_1102 : vector<16xf32>
        %exp3A_1109 = math.exp %neg3A_1108 : vector<16xf32>
        %add3A_1110 = arith.constant 1.000000e+00 : f32
        %add3A_1111 = vector.broadcast %add3A_1110 : f32 to vector<16xf32>
        %add3A_1112 = arith.addf %add3A_1111, %exp3A_1109 : vector<16xf32>
        %div3A_1113 = arith.constant 1.000000e+00 : f32
        %div3A_1114 = vector.broadcast %div3A_1113 : f32 to vector<16xf32>
        %div3A_1115 = arith.divf %div3A_1114, %add3A_1112 : vector<16xf32>
        %mul3A_1116 = arith.mulf %div3A_1115, %div3A_1115 : vector<16xf32>
        %mul3A_1117 = arith.mulf %mul3A_1116, %mul3A_1116 : vector<16xf32>
        %mul3A_1118 = arith.constant -5.000000e-01 : f32
        %mul3A_1119 = vector.broadcast %mul3A_1118 : f32 to vector<16xf32>
        %mul3A_1120 = arith.mulf %mul3A_1119, %div3A_1115 : vector<16xf32>
        %add3A_1121 = arith.constant 0.693147182 : f32
        %add3A_1122 = vector.broadcast %add3A_1121 : f32 to vector<16xf32>
        %add3A_1123 = arith.addf %add3A_1122, %mul3A_1120 : vector<16xf32>
        %mul3A_1124 = arith.constant -2.32767593E-6 : f32
        %mul3A_1125 = vector.broadcast %mul3A_1124 : f32 to vector<16xf32>
        %mul3A_1126 = arith.mulf %mul3A_1125, %div3A_1115 : vector<16xf32>
        %add3A_1127 = arith.constant 0.125000253 : f32
        %add3A_1128 = vector.broadcast %add3A_1127 : f32 to vector<16xf32>
        %add3A_1129 = arith.addf %add3A_1128, %mul3A_1126 : vector<16xf32>
        %mul3A_1130 = arith.mulf %mul3A_1116, %add3A_1129 : vector<16xf32>
        %add3A_1131 = arith.addf %add3A_1123, %mul3A_1130 : vector<16xf32>
        %mul3A_1132 = arith.constant -3.08754315E-5 : f32
        %mul3A_1133 = vector.broadcast %mul3A_1132 : f32 to vector<16xf32>
        %mul3A_1134 = arith.mulf %mul3A_1133, %div3A_1115 : vector<16xf32>
        %add3A_1135 = arith.constant -0.00519710407 : f32
        %add3A_1136 = vector.broadcast %add3A_1135 : f32 to vector<16xf32>
        %add3A_1137 = arith.addf %add3A_1136, %mul3A_1134 : vector<16xf32>
        %mul3A_1138 = arith.constant -4.513050e-05 : f32
        %mul3A_1139 = vector.broadcast %mul3A_1138 : f32 to vector<16xf32>
        %mul3A_1140 = arith.mulf %mul3A_1139, %div3A_1115 : vector<16xf32>
        %add3A_1141 = arith.constant 3.96936288E-4 : f32
        %add3A_1142 = vector.broadcast %add3A_1141 : f32 to vector<16xf32>
        %add3A_1143 = arith.addf %add3A_1142, %mul3A_1140 : vector<16xf32>
        %mul3A_1144 = arith.mulf %mul3A_1116, %add3A_1143 : vector<16xf32>
        %add3A_1145 = arith.addf %add3A_1137, %mul3A_1144 : vector<16xf32>
        %mul3A_1146 = arith.constant -7.23134917E-6 : f32
        %mul3A_1147 = vector.broadcast %mul3A_1146 : f32 to vector<16xf32>
        %mul3A_1148 = arith.mulf %mul3A_1117, %mul3A_1147 : vector<16xf32>
        %add3A_1149 = arith.addf %add3A_1145, %mul3A_1148 : vector<16xf32>
        %mul3A_1150 = arith.mulf %mul3A_1117, %add3A_1149 : vector<16xf32>
        %add3A_1151 = arith.addf %add3A_1131, %mul3A_1150 : vector<16xf32>
        %sub3A_1152 = arith.constant 1.000000e+00 : f32
        %sub3A_1153 = vector.broadcast %sub3A_1152 : f32 to vector<16xf32>
        %sub3A_1154 = arith.subf %sub3A_1153, %get3A_1105 : vector<16xf32>
        %mul3A_1155 = arith.mulf %div3A_1115, %sub3A_1154 : vector<16xf32>
        %add3A_1156 = arith.addf %mul3A_1155, %add3A_1151 : vector<16xf32>
        %sub3A_1157 = arith.subf %div3A_1115, %get3A_1105 : vector<16xf32>
        %abs3A_1158 = math.absf %sub3A_1157 : vector<16xf32>
        %mul3A_1159 = arith.constant 1.000000e+01 : f32
        %mul3A_1160 = vector.broadcast %mul3A_1159 : f32 to vector<16xf32>
        %mul3A_1161 = arith.mulf %abs3A_1158, %mul3A_1160 : vector<16xf32>
        %convert_element_type3A_1162 = arith.fptosi %mul3A_1161 : vector<16xf32> to vector<16xi32>
        %min3A_1163 = arith.constant 9 : i32
        %min3A_1164 = vector.broadcast %min3A_1163 : i32 to vector<16xi32>
        %min3A_1165 = arith.minsi %convert_element_type3A_1162, %min3A_1164 : vector<16xi32>
        %mul3A_1166 = arith.constant 16 : i32
        %mul3A_1167 = vector.broadcast %mul3A_1166 : i32 to vector<16xi32>
        %mul3A_1168 = arith.muli %min3A_1165, %mul3A_1167 : vector<16xi32>
        %add3A_1169 = arith.addi %mul3A_1168, %iota3A : vector<16xi32>
        tpu.vector_store_idx %arg7[%add3A_1169], %add3A_1156 {add = true} : memref<160xf32, #tpu.memory_space<vmem>>[vector<16xi32>], vector<16xf32>,
        tpu.vector_store_idx %arg8[%add3A_1169], %broadcast_in_dim3A_5 {add = true} : memref<160xf32, #tpu.memory_space<vmem>>[vector<16xi32>], vector<16xf32>,
        %get3A_1170 = arith.index_cast %add3A_889 : i32 to index
        %get3A_1171 = arith.constant 64 : index
        %get3A_1172 = tpu.vector_load %arg5[%get3A_1170, %get3A_1171] {strides = array<i32>} : memref<184x80xf32, #tpu.memory_space<vmem>>, vector<16xf32>,
        %get3A_1173 = arith.index_cast %add3A_889 : i32 to index
        %get3A_1174 = arith.constant 64 : index
        %get3A_1175 = tpu.vector_load %arg6[%get3A_1173, %get3A_1174] {strides = array<i32>} : memref<184x80xf32, #tpu.memory_space<vmem>>, vector<16xf32>,
        %neg3A_1176 = arith.constant 0.000000e+00 : f32
        %neg3A_1177 = vector.broadcast %neg3A_1176 : f32 to vector<16xf32>
        %neg3A_1178 = arith.subf %neg3A_1177, %get3A_1172 : vector<16xf32>
        %exp3A_1179 = math.exp %neg3A_1178 : vector<16xf32>
        %add3A_1180 = arith.constant 1.000000e+00 : f32
        %add3A_1181 = vector.broadcast %add3A_1180 : f32 to vector<16xf32>
        %add3A_1182 = arith.addf %add3A_1181, %exp3A_1179 : vector<16xf32>
        %div3A_1183 = arith.constant 1.000000e+00 : f32
        %div3A_1184 = vector.broadcast %div3A_1183 : f32 to vector<16xf32>
        %div3A_1185 = arith.divf %div3A_1184, %add3A_1182 : vector<16xf32>
        %mul3A_1186 = arith.mulf %div3A_1185, %div3A_1185 : vector<16xf32>
        %mul3A_1187 = arith.mulf %mul3A_1186, %mul3A_1186 : vector<16xf32>
        %mul3A_1188 = arith.constant -5.000000e-01 : f32
        %mul3A_1189 = vector.broadcast %mul3A_1188 : f32 to vector<16xf32>
        %mul3A_1190 = arith.mulf %mul3A_1189, %div3A_1185 : vector<16xf32>
        %add3A_1191 = arith.constant 0.693147182 : f32
        %add3A_1192 = vector.broadcast %add3A_1191 : f32 to vector<16xf32>
        %add3A_1193 = arith.addf %add3A_1192, %mul3A_1190 : vector<16xf32>
        %mul3A_1194 = arith.constant -2.32767593E-6 : f32
        %mul3A_1195 = vector.broadcast %mul3A_1194 : f32 to vector<16xf32>
        %mul3A_1196 = arith.mulf %mul3A_1195, %div3A_1185 : vector<16xf32>
        %add3A_1197 = arith.constant 0.125000253 : f32
        %add3A_1198 = vector.broadcast %add3A_1197 : f32 to vector<16xf32>
        %add3A_1199 = arith.addf %add3A_1198, %mul3A_1196 : vector<16xf32>
        %mul3A_1200 = arith.mulf %mul3A_1186, %add3A_1199 : vector<16xf32>
        %add3A_1201 = arith.addf %add3A_1193, %mul3A_1200 : vector<16xf32>
        %mul3A_1202 = arith.constant -3.08754315E-5 : f32
        %mul3A_1203 = vector.broadcast %mul3A_1202 : f32 to vector<16xf32>
        %mul3A_1204 = arith.mulf %mul3A_1203, %div3A_1185 : vector<16xf32>
        %add3A_1205 = arith.constant -0.00519710407 : f32
        %add3A_1206 = vector.broadcast %add3A_1205 : f32 to vector<16xf32>
        %add3A_1207 = arith.addf %add3A_1206, %mul3A_1204 : vector<16xf32>
        %mul3A_1208 = arith.constant -4.513050e-05 : f32
        %mul3A_1209 = vector.broadcast %mul3A_1208 : f32 to vector<16xf32>
        %mul3A_1210 = arith.mulf %mul3A_1209, %div3A_1185 : vector<16xf32>
        %add3A_1211 = arith.constant 3.96936288E-4 : f32
        %add3A_1212 = vector.broadcast %add3A_1211 : f32 to vector<16xf32>
        %add3A_1213 = arith.addf %add3A_1212, %mul3A_1210 : vector<16xf32>
        %mul3A_1214 = arith.mulf %mul3A_1186, %add3A_1213 : vector<16xf32>
        %add3A_1215 = arith.addf %add3A_1207, %mul3A_1214 : vector<16xf32>
        %mul3A_1216 = arith.constant -7.23134917E-6 : f32
        %mul3A_1217 = vector.broadcast %mul3A_1216 : f32 to vector<16xf32>
        %mul3A_1218 = arith.mulf %mul3A_1187, %mul3A_1217 : vector<16xf32>
        %add3A_1219 = arith.addf %add3A_1215, %mul3A_1218 : vector<16xf32>
        %mul3A_1220 = arith.mulf %mul3A_1187, %add3A_1219 : vector<16xf32>
        %add3A_1221 = arith.addf %add3A_1201, %mul3A_1220 : vector<16xf32>
        %sub3A_1222 = arith.constant 1.000000e+00 : f32
        %sub3A_1223 = vector.broadcast %sub3A_1222 : f32 to vector<16xf32>
        %sub3A_1224 = arith.subf %sub3A_1223, %get3A_1175 : vector<16xf32>
        %mul3A_1225 = arith.mulf %div3A_1185, %sub3A_1224 : vector<16xf32>
        %add3A_1226 = arith.addf %mul3A_1225, %add3A_1221 : vector<16xf32>
        %sub3A_1227 = arith.subf %div3A_1185, %get3A_1175 : vector<16xf32>
        %abs3A_1228 = math.absf %sub3A_1227 : vector<16xf32>
        %mul3A_1229 = arith.constant 1.000000e+01 : f32
        %mul3A_1230 = vector.broadcast %mul3A_1229 : f32 to vector<16xf32>
        %mul3A_1231 = arith.mulf %abs3A_1228, %mul3A_1230 : vector<16xf32>
        %convert_element_type3A_1232 = arith.fptosi %mul3A_1231 : vector<16xf32> to vector<16xi32>
        %min3A_1233 = arith.constant 9 : i32
        %min3A_1234 = vector.broadcast %min3A_1233 : i32 to vector<16xi32>
        %min3A_1235 = arith.minsi %convert_element_type3A_1232, %min3A_1234 : vector<16xi32>
        %mul3A_1236 = arith.constant 16 : i32
        %mul3A_1237 = vector.broadcast %mul3A_1236 : i32 to vector<16xi32>
        %mul3A_1238 = arith.muli %min3A_1235, %mul3A_1237 : vector<16xi32>
        %add3A_1239 = arith.addi %mul3A_1238, %iota3A : vector<16xi32>
        tpu.vector_store_idx %arg7[%add3A_1239], %add3A_1226 {add = true} : memref<160xf32, #tpu.memory_space<vmem>>[vector<16xi32>], vector<16xf32>,
        tpu.vector_store_idx %arg8[%add3A_1239], %broadcast_in_dim3A_5 {add = true} : memref<160xf32, #tpu.memory_space<vmem>>[vector<16xi32>], vector<16xf32>,
        %mul3A_1240 = arith.constant 4 : i32
        %mul3A_1241 = arith.muli %scan3A_183, %mul3A_1240 : i32
        %add3A_1242 = arith.constant 3 : i32
        %add3A_1243 = arith.addi %mul3A_1241, %add3A_1242 : i32
        %get3A_1244 = arith.index_cast %add3A_1243 : i32 to index
        %get3A_1245 = arith.constant 0 : index
        %get3A_1246 = tpu.vector_load %arg5[%get3A_1244, %get3A_1245] {strides = array<i32>} : memref<184x80xf32, #tpu.memory_space<vmem>>, vector<16xf32>,
        %get3A_1247 = arith.index_cast %add3A_1243 : i32 to index
        %get3A_1248 = arith.constant 0 : index
        %get3A_1249 = tpu.vector_load %arg6[%get3A_1247, %get3A_1248] {strides = array<i32>} : memref<184x80xf32, #tpu.memory_space<vmem>>, vector<16xf32>,
        %neg3A_1250 = arith.constant 0.000000e+00 : f32
        %neg3A_1251 = vector.broadcast %neg3A_1250 : f32 to vector<16xf32>
        %neg3A_1252 = arith.subf %neg3A_1251, %get3A_1246 : vector<16xf32>
        %exp3A_1253 = math.exp %neg3A_1252 : vector<16xf32>
        %add3A_1254 = arith.constant 1.000000e+00 : f32
        %add3A_1255 = vector.broadcast %add3A_1254 : f32 to vector<16xf32>
        %add3A_1256 = arith.addf %add3A_1255, %exp3A_1253 : vector<16xf32>
        %div3A_1257 = arith.constant 1.000000e+00 : f32
        %div3A_1258 = vector.broadcast %div3A_1257 : f32 to vector<16xf32>
        %div3A_1259 = arith.divf %div3A_1258, %add3A_1256 : vector<16xf32>
        %mul3A_1260 = arith.mulf %div3A_1259, %div3A_1259 : vector<16xf32>
        %mul3A_1261 = arith.mulf %mul3A_1260, %mul3A_1260 : vector<16xf32>
        %mul3A_1262 = arith.constant -5.000000e-01 : f32
        %mul3A_1263 = vector.broadcast %mul3A_1262 : f32 to vector<16xf32>
        %mul3A_1264 = arith.mulf %mul3A_1263, %div3A_1259 : vector<16xf32>
        %add3A_1265 = arith.constant 0.693147182 : f32
        %add3A_1266 = vector.broadcast %add3A_1265 : f32 to vector<16xf32>
        %add3A_1267 = arith.addf %add3A_1266, %mul3A_1264 : vector<16xf32>
        %mul3A_1268 = arith.constant -2.32767593E-6 : f32
        %mul3A_1269 = vector.broadcast %mul3A_1268 : f32 to vector<16xf32>
        %mul3A_1270 = arith.mulf %mul3A_1269, %div3A_1259 : vector<16xf32>
        %add3A_1271 = arith.constant 0.125000253 : f32
        %add3A_1272 = vector.broadcast %add3A_1271 : f32 to vector<16xf32>
        %add3A_1273 = arith.addf %add3A_1272, %mul3A_1270 : vector<16xf32>
        %mul3A_1274 = arith.mulf %mul3A_1260, %add3A_1273 : vector<16xf32>
        %add3A_1275 = arith.addf %add3A_1267, %mul3A_1274 : vector<16xf32>
        %mul3A_1276 = arith.constant -3.08754315E-5 : f32
        %mul3A_1277 = vector.broadcast %mul3A_1276 : f32 to vector<16xf32>
        %mul3A_1278 = arith.mulf %mul3A_1277, %div3A_1259 : vector<16xf32>
        %add3A_1279 = arith.constant -0.00519710407 : f32
        %add3A_1280 = vector.broadcast %add3A_1279 : f32 to vector<16xf32>
        %add3A_1281 = arith.addf %add3A_1280, %mul3A_1278 : vector<16xf32>
        %mul3A_1282 = arith.constant -4.513050e-05 : f32
        %mul3A_1283 = vector.broadcast %mul3A_1282 : f32 to vector<16xf32>
        %mul3A_1284 = arith.mulf %mul3A_1283, %div3A_1259 : vector<16xf32>
        %add3A_1285 = arith.constant 3.96936288E-4 : f32
        %add3A_1286 = vector.broadcast %add3A_1285 : f32 to vector<16xf32>
        %add3A_1287 = arith.addf %add3A_1286, %mul3A_1284 : vector<16xf32>
        %mul3A_1288 = arith.mulf %mul3A_1260, %add3A_1287 : vector<16xf32>
        %add3A_1289 = arith.addf %add3A_1281, %mul3A_1288 : vector<16xf32>
        %mul3A_1290 = arith.constant -7.23134917E-6 : f32
        %mul3A_1291 = vector.broadcast %mul3A_1290 : f32 to vector<16xf32>
        %mul3A_1292 = arith.mulf %mul3A_1261, %mul3A_1291 : vector<16xf32>
        %add3A_1293 = arith.addf %add3A_1289, %mul3A_1292 : vector<16xf32>
        %mul3A_1294 = arith.mulf %mul3A_1261, %add3A_1293 : vector<16xf32>
        %add3A_1295 = arith.addf %add3A_1275, %mul3A_1294 : vector<16xf32>
        %sub3A_1296 = arith.constant 1.000000e+00 : f32
        %sub3A_1297 = vector.broadcast %sub3A_1296 : f32 to vector<16xf32>
        %sub3A_1298 = arith.subf %sub3A_1297, %get3A_1249 : vector<16xf32>
        %mul3A_1299 = arith.mulf %div3A_1259, %sub3A_1298 : vector<16xf32>
        %add3A_1300 = arith.addf %mul3A_1299, %add3A_1295 : vector<16xf32>
        %sub3A_1301 = arith.subf %div3A_1259, %get3A_1249 : vector<16xf32>
        %abs3A_1302 = math.absf %sub3A_1301 : vector<16xf32>
        %mul3A_1303 = arith.constant 1.000000e+01 : f32
        %mul3A_1304 = vector.broadcast %mul3A_1303 : f32 to vector<16xf32>
        %mul3A_1305 = arith.mulf %abs3A_1302, %mul3A_1304 : vector<16xf32>
        %convert_element_type3A_1306 = arith.fptosi %mul3A_1305 : vector<16xf32> to vector<16xi32>
        %min3A_1307 = arith.constant 9 : i32
        %min3A_1308 = vector.broadcast %min3A_1307 : i32 to vector<16xi32>
        %min3A_1309 = arith.minsi %convert_element_type3A_1306, %min3A_1308 : vector<16xi32>
        %mul3A_1310 = arith.constant 16 : i32
        %mul3A_1311 = vector.broadcast %mul3A_1310 : i32 to vector<16xi32>
        %mul3A_1312 = arith.muli %min3A_1309, %mul3A_1311 : vector<16xi32>
        %add3A_1313 = arith.addi %mul3A_1312, %iota3A : vector<16xi32>
        tpu.vector_store_idx %arg7[%add3A_1313], %add3A_1300 {add = true} : memref<160xf32, #tpu.memory_space<vmem>>[vector<16xi32>], vector<16xf32>,
        tpu.vector_store_idx %arg8[%add3A_1313], %broadcast_in_dim3A_5 {add = true} : memref<160xf32, #tpu.memory_space<vmem>>[vector<16xi32>], vector<16xf32>,
        %get3A_1314 = arith.index_cast %add3A_1243 : i32 to index
        %get3A_1315 = arith.constant 16 : index
        %get3A_1316 = tpu.vector_load %arg5[%get3A_1314, %get3A_1315] {strides = array<i32>} : memref<184x80xf32, #tpu.memory_space<vmem>>, vector<16xf32>,
        %get3A_1317 = arith.index_cast %add3A_1243 : i32 to index
        %get3A_1318 = arith.constant 16 : index
        %get3A_1319 = tpu.vector_load %arg6[%get3A_1317, %get3A_1318] {strides = array<i32>} : memref<184x80xf32, #tpu.memory_space<vmem>>, vector<16xf32>,
        %neg3A_1320 = arith.constant 0.000000e+00 : f32
        %neg3A_1321 = vector.broadcast %neg3A_1320 : f32 to vector<16xf32>
        %neg3A_1322 = arith.subf %neg3A_1321, %get3A_1316 : vector<16xf32>
        %exp3A_1323 = math.exp %neg3A_1322 : vector<16xf32>
        %add3A_1324 = arith.constant 1.000000e+00 : f32
        %add3A_1325 = vector.broadcast %add3A_1324 : f32 to vector<16xf32>
        %add3A_1326 = arith.addf %add3A_1325, %exp3A_1323 : vector<16xf32>
        %div3A_1327 = arith.constant 1.000000e+00 : f32
        %div3A_1328 = vector.broadcast %div3A_1327 : f32 to vector<16xf32>
        %div3A_1329 = arith.divf %div3A_1328, %add3A_1326 : vector<16xf32>
        %mul3A_1330 = arith.mulf %div3A_1329, %div3A_1329 : vector<16xf32>
        %mul3A_1331 = arith.mulf %mul3A_1330, %mul3A_1330 : vector<16xf32>
        %mul3A_1332 = arith.constant -5.000000e-01 : f32
        %mul3A_1333 = vector.broadcast %mul3A_1332 : f32 to vector<16xf32>
        %mul3A_1334 = arith.mulf %mul3A_1333, %div3A_1329 : vector<16xf32>
        %add3A_1335 = arith.constant 0.693147182 : f32
        %add3A_1336 = vector.broadcast %add3A_1335 : f32 to vector<16xf32>
        %add3A_1337 = arith.addf %add3A_1336, %mul3A_1334 : vector<16xf32>
        %mul3A_1338 = arith.constant -2.32767593E-6 : f32
        %mul3A_1339 = vector.broadcast %mul3A_1338 : f32 to vector<16xf32>
        %mul3A_1340 = arith.mulf %mul3A_1339, %div3A_1329 : vector<16xf32>
        %add3A_1341 = arith.constant 0.125000253 : f32
        %add3A_1342 = vector.broadcast %add3A_1341 : f32 to vector<16xf32>
        %add3A_1343 = arith.addf %add3A_1342, %mul3A_1340 : vector<16xf32>
        %mul3A_1344 = arith.mulf %mul3A_1330, %add3A_1343 : vector<16xf32>
        %add3A_1345 = arith.addf %add3A_1337, %mul3A_1344 : vector<16xf32>
        %mul3A_1346 = arith.constant -3.08754315E-5 : f32
        %mul3A_1347 = vector.broadcast %mul3A_1346 : f32 to vector<16xf32>
        %mul3A_1348 = arith.mulf %mul3A_1347, %div3A_1329 : vector<16xf32>
        %add3A_1349 = arith.constant -0.00519710407 : f32
        %add3A_1350 = vector.broadcast %add3A_1349 : f32 to vector<16xf32>
        %add3A_1351 = arith.addf %add3A_1350, %mul3A_1348 : vector<16xf32>
        %mul3A_1352 = arith.constant -4.513050e-05 : f32
        %mul3A_1353 = vector.broadcast %mul3A_1352 : f32 to vector<16xf32>
        %mul3A_1354 = arith.mulf %mul3A_1353, %div3A_1329 : vector<16xf32>
        %add3A_1355 = arith.constant 3.96936288E-4 : f32
        %add3A_1356 = vector.broadcast %add3A_1355 : f32 to vector<16xf32>
        %add3A_1357 = arith.addf %add3A_1356, %mul3A_1354 : vector<16xf32>
        %mul3A_1358 = arith.mulf %mul3A_1330, %add3A_1357 : vector<16xf32>
        %add3A_1359 = arith.addf %add3A_1351, %mul3A_1358 : vector<16xf32>
        %mul3A_1360 = arith.constant -7.23134917E-6 : f32
        %mul3A_1361 = vector.broadcast %mul3A_1360 : f32 to vector<16xf32>
        %mul3A_1362 = arith.mulf %mul3A_1331, %mul3A_1361 : vector<16xf32>
        %add3A_1363 = arith.addf %add3A_1359, %mul3A_1362 : vector<16xf32>
        %mul3A_1364 = arith.mulf %mul3A_1331, %add3A_1363 : vector<16xf32>
        %add3A_1365 = arith.addf %add3A_1345, %mul3A_1364 : vector<16xf32>
        %sub3A_1366 = arith.constant 1.000000e+00 : f32
        %sub3A_1367 = vector.broadcast %sub3A_1366 : f32 to vector<16xf32>
        %sub3A_1368 = arith.subf %sub3A_1367, %get3A_1319 : vector<16xf32>
        %mul3A_1369 = arith.mulf %div3A_1329, %sub3A_1368 : vector<16xf32>
        %add3A_1370 = arith.addf %mul3A_1369, %add3A_1365 : vector<16xf32>
        %sub3A_1371 = arith.subf %div3A_1329, %get3A_1319 : vector<16xf32>
        %abs3A_1372 = math.absf %sub3A_1371 : vector<16xf32>
        %mul3A_1373 = arith.constant 1.000000e+01 : f32
        %mul3A_1374 = vector.broadcast %mul3A_1373 : f32 to vector<16xf32>
        %mul3A_1375 = arith.mulf %abs3A_1372, %mul3A_1374 : vector<16xf32>
        %convert_element_type3A_1376 = arith.fptosi %mul3A_1375 : vector<16xf32> to vector<16xi32>
        %min3A_1377 = arith.constant 9 : i32
        %min3A_1378 = vector.broadcast %min3A_1377 : i32 to vector<16xi32>
        %min3A_1379 = arith.minsi %convert_element_type3A_1376, %min3A_1378 : vector<16xi32>
        %mul3A_1380 = arith.constant 16 : i32
        %mul3A_1381 = vector.broadcast %mul3A_1380 : i32 to vector<16xi32>
        %mul3A_1382 = arith.muli %min3A_1379, %mul3A_1381 : vector<16xi32>
        %add3A_1383 = arith.addi %mul3A_1382, %iota3A : vector<16xi32>
        tpu.vector_store_idx %arg7[%add3A_1383], %add3A_1370 {add = true} : memref<160xf32, #tpu.memory_space<vmem>>[vector<16xi32>], vector<16xf32>,
        tpu.vector_store_idx %arg8[%add3A_1383], %broadcast_in_dim3A_5 {add = true} : memref<160xf32, #tpu.memory_space<vmem>>[vector<16xi32>], vector<16xf32>,
        %get3A_1384 = arith.index_cast %add3A_1243 : i32 to index
        %get3A_1385 = arith.constant 32 : index
        %get3A_1386 = tpu.vector_load %arg5[%get3A_1384, %get3A_1385] {strides = array<i32>} : memref<184x80xf32, #tpu.memory_space<vmem>>, vector<16xf32>,
        %get3A_1387 = arith.index_cast %add3A_1243 : i32 to index
        %get3A_1388 = arith.constant 32 : index
        %get3A_1389 = tpu.vector_load %arg6[%get3A_1387, %get3A_1388] {strides = array<i32>} : memref<184x80xf32, #tpu.memory_space<vmem>>, vector<16xf32>,
        %neg3A_1390 = arith.constant 0.000000e+00 : f32
        %neg3A_1391 = vector.broadcast %neg3A_1390 : f32 to vector<16xf32>
        %neg3A_1392 = arith.subf %neg3A_1391, %get3A_1386 : vector<16xf32>
        %exp3A_1393 = math.exp %neg3A_1392 : vector<16xf32>
        %add3A_1394 = arith.constant 1.000000e+00 : f32
        %add3A_1395 = vector.broadcast %add3A_1394 : f32 to vector<16xf32>
        %add3A_1396 = arith.addf %add3A_1395, %exp3A_1393 : vector<16xf32>
        %div3A_1397 = arith.constant 1.000000e+00 : f32
        %div3A_1398 = vector.broadcast %div3A_1397 : f32 to vector<16xf32>
        %div3A_1399 = arith.divf %div3A_1398, %add3A_1396 : vector<16xf32>
        %mul3A_1400 = arith.mulf %div3A_1399, %div3A_1399 : vector<16xf32>
        %mul3A_1401 = arith.mulf %mul3A_1400, %mul3A_1400 : vector<16xf32>
        %mul3A_1402 = arith.constant -5.000000e-01 : f32
        %mul3A_1403 = vector.broadcast %mul3A_1402 : f32 to vector<16xf32>
        %mul3A_1404 = arith.mulf %mul3A_1403, %div3A_1399 : vector<16xf32>
        %add3A_1405 = arith.constant 0.693147182 : f32
        %add3A_1406 = vector.broadcast %add3A_1405 : f32 to vector<16xf32>
        %add3A_1407 = arith.addf %add3A_1406, %mul3A_1404 : vector<16xf32>
        %mul3A_1408 = arith.constant -2.32767593E-6 : f32
        %mul3A_1409 = vector.broadcast %mul3A_1408 : f32 to vector<16xf32>
        %mul3A_1410 = arith.mulf %mul3A_1409, %div3A_1399 : vector<16xf32>
        %add3A_1411 = arith.constant 0.125000253 : f32
        %add3A_1412 = vector.broadcast %add3A_1411 : f32 to vector<16xf32>
        %add3A_1413 = arith.addf %add3A_1412, %mul3A_1410 : vector<16xf32>
        %mul3A_1414 = arith.mulf %mul3A_1400, %add3A_1413 : vector<16xf32>
        %add3A_1415 = arith.addf %add3A_1407, %mul3A_1414 : vector<16xf32>
        %mul3A_1416 = arith.constant -3.08754315E-5 : f32
        %mul3A_1417 = vector.broadcast %mul3A_1416 : f32 to vector<16xf32>
        %mul3A_1418 = arith.mulf %mul3A_1417, %div3A_1399 : vector<16xf32>
        %add3A_1419 = arith.constant -0.00519710407 : f32
        %add3A_1420 = vector.broadcast %add3A_1419 : f32 to vector<16xf32>
        %add3A_1421 = arith.addf %add3A_1420, %mul3A_1418 : vector<16xf32>
        %mul3A_1422 = arith.constant -4.513050e-05 : f32
        %mul3A_1423 = vector.broadcast %mul3A_1422 : f32 to vector<16xf32>
        %mul3A_1424 = arith.mulf %mul3A_1423, %div3A_1399 : vector<16xf32>
        %add3A_1425 = arith.constant 3.96936288E-4 : f32
        %add3A_1426 = vector.broadcast %add3A_1425 : f32 to vector<16xf32>
        %add3A_1427 = arith.addf %add3A_1426, %mul3A_1424 : vector<16xf32>
        %mul3A_1428 = arith.mulf %mul3A_1400, %add3A_1427 : vector<16xf32>
        %add3A_1429 = arith.addf %add3A_1421, %mul3A_1428 : vector<16xf32>
        %mul3A_1430 = arith.constant -7.23134917E-6 : f32
        %mul3A_1431 = vector.broadcast %mul3A_1430 : f32 to vector<16xf32>
        %mul3A_1432 = arith.mulf %mul3A_1401, %mul3A_1431 : vector<16xf32>
        %add3A_1433 = arith.addf %add3A_1429, %mul3A_1432 : vector<16xf32>
        %mul3A_1434 = arith.mulf %mul3A_1401, %add3A_1433 : vector<16xf32>
        %add3A_1435 = arith.addf %add3A_1415, %mul3A_1434 : vector<16xf32>
        %sub3A_1436 = arith.constant 1.000000e+00 : f32
        %sub3A_1437 = vector.broadcast %sub3A_1436 : f32 to vector<16xf32>
        %sub3A_1438 = arith.subf %sub3A_1437, %get3A_1389 : vector<16xf32>
        %mul3A_1439 = arith.mulf %div3A_1399, %sub3A_1438 : vector<16xf32>
        %add3A_1440 = arith.addf %mul3A_1439, %add3A_1435 : vector<16xf32>
        %sub3A_1441 = arith.subf %div3A_1399, %get3A_1389 : vector<16xf32>
        %abs3A_1442 = math.absf %sub3A_1441 : vector<16xf32>
        %mul3A_1443 = arith.constant 1.000000e+01 : f32
        %mul3A_1444 = vector.broadcast %mul3A_1443 : f32 to vector<16xf32>
        %mul3A_1445 = arith.mulf %abs3A_1442, %mul3A_1444 : vector<16xf32>
        %convert_element_type3A_1446 = arith.fptosi %mul3A_1445 : vector<16xf32> to vector<16xi32>
        %min3A_1447 = arith.constant 9 : i32
        %min3A_1448 = vector.broadcast %min3A_1447 : i32 to vector<16xi32>
        %min3A_1449 = arith.minsi %convert_element_type3A_1446, %min3A_1448 : vector<16xi32>
        %mul3A_1450 = arith.constant 16 : i32
        %mul3A_1451 = vector.broadcast %mul3A_1450 : i32 to vector<16xi32>
        %mul3A_1452 = arith.muli %min3A_1449, %mul3A_1451 : vector<16xi32>
        %add3A_1453 = arith.addi %mul3A_1452, %iota3A : vector<16xi32>
        tpu.vector_store_idx %arg7[%add3A_1453], %add3A_1440 {add = true} : memref<160xf32, #tpu.memory_space<vmem>>[vector<16xi32>], vector<16xf32>,
        tpu.vector_store_idx %arg8[%add3A_1453], %broadcast_in_dim3A_5 {add = true} : memref<160xf32, #tpu.memory_space<vmem>>[vector<16xi32>], vector<16xf32>,
        %get3A_1454 = arith.index_cast %add3A_1243 : i32 to index
        %get3A_1455 = arith.constant 48 : index
        %get3A_1456 = tpu.vector_load %arg5[%get3A_1454, %get3A_1455] {strides = array<i32>} : memref<184x80xf32, #tpu.memory_space<vmem>>, vector<16xf32>,
        %get3A_1457 = arith.index_cast %add3A_1243 : i32 to index
        %get3A_1458 = arith.constant 48 : index
        %get3A_1459 = tpu.vector_load %arg6[%get3A_1457, %get3A_1458] {strides = array<i32>} : memref<184x80xf32, #tpu.memory_space<vmem>>, vector<16xf32>,
        %neg3A_1460 = arith.constant 0.000000e+00 : f32
        %neg3A_1461 = vector.broadcast %neg3A_1460 : f32 to vector<16xf32>
        %neg3A_1462 = arith.subf %neg3A_1461, %get3A_1456 : vector<16xf32>
        %exp3A_1463 = math.exp %neg3A_1462 : vector<16xf32>
        %add3A_1464 = arith.constant 1.000000e+00 : f32
        %add3A_1465 = vector.broadcast %add3A_1464 : f32 to vector<16xf32>
        %add3A_1466 = arith.addf %add3A_1465, %exp3A_1463 : vector<16xf32>
        %div3A_1467 = arith.constant 1.000000e+00 : f32
        %div3A_1468 = vector.broadcast %div3A_1467 : f32 to vector<16xf32>
        %div3A_1469 = arith.divf %div3A_1468, %add3A_1466 : vector<16xf32>
        %mul3A_1470 = arith.mulf %div3A_1469, %div3A_1469 : vector<16xf32>
        %mul3A_1471 = arith.mulf %mul3A_1470, %mul3A_1470 : vector<16xf32>
        %mul3A_1472 = arith.constant -5.000000e-01 : f32
        %mul3A_1473 = vector.broadcast %mul3A_1472 : f32 to vector<16xf32>
        %mul3A_1474 = arith.mulf %mul3A_1473, %div3A_1469 : vector<16xf32>
        %add3A_1475 = arith.constant 0.693147182 : f32
        %add3A_1476 = vector.broadcast %add3A_1475 : f32 to vector<16xf32>
        %add3A_1477 = arith.addf %add3A_1476, %mul3A_1474 : vector<16xf32>
        %mul3A_1478 = arith.constant -2.32767593E-6 : f32
        %mul3A_1479 = vector.broadcast %mul3A_1478 : f32 to vector<16xf32>
        %mul3A_1480 = arith.mulf %mul3A_1479, %div3A_1469 : vector<16xf32>
        %add3A_1481 = arith.constant 0.125000253 : f32
        %add3A_1482 = vector.broadcast %add3A_1481 : f32 to vector<16xf32>
        %add3A_1483 = arith.addf %add3A_1482, %mul3A_1480 : vector<16xf32>
        %mul3A_1484 = arith.mulf %mul3A_1470, %add3A_1483 : vector<16xf32>
        %add3A_1485 = arith.addf %add3A_1477, %mul3A_1484 : vector<16xf32>
        %mul3A_1486 = arith.constant -3.08754315E-5 : f32
        %mul3A_1487 = vector.broadcast %mul3A_1486 : f32 to vector<16xf32>
        %mul3A_1488 = arith.mulf %mul3A_1487, %div3A_1469 : vector<16xf32>
        %add3A_1489 = arith.constant -0.00519710407 : f32
        %add3A_1490 = vector.broadcast %add3A_1489 : f32 to vector<16xf32>
        %add3A_1491 = arith.addf %add3A_1490, %mul3A_1488 : vector<16xf32>
        %mul3A_1492 = arith.constant -4.513050e-05 : f32
        %mul3A_1493 = vector.broadcast %mul3A_1492 : f32 to vector<16xf32>
        %mul3A_1494 = arith.mulf %mul3A_1493, %div3A_1469 : vector<16xf32>
        %add3A_1495 = arith.constant 3.96936288E-4 : f32
        %add3A_1496 = vector.broadcast %add3A_1495 : f32 to vector<16xf32>
        %add3A_1497 = arith.addf %add3A_1496, %mul3A_1494 : vector<16xf32>
        %mul3A_1498 = arith.mulf %mul3A_1470, %add3A_1497 : vector<16xf32>
        %add3A_1499 = arith.addf %add3A_1491, %mul3A_1498 : vector<16xf32>
        %mul3A_1500 = arith.constant -7.23134917E-6 : f32
        %mul3A_1501 = vector.broadcast %mul3A_1500 : f32 to vector<16xf32>
        %mul3A_1502 = arith.mulf %mul3A_1471, %mul3A_1501 : vector<16xf32>
        %add3A_1503 = arith.addf %add3A_1499, %mul3A_1502 : vector<16xf32>
        %mul3A_1504 = arith.mulf %mul3A_1471, %add3A_1503 : vector<16xf32>
        %add3A_1505 = arith.addf %add3A_1485, %mul3A_1504 : vector<16xf32>
        %sub3A_1506 = arith.constant 1.000000e+00 : f32
        %sub3A_1507 = vector.broadcast %sub3A_1506 : f32 to vector<16xf32>
        %sub3A_1508 = arith.subf %sub3A_1507, %get3A_1459 : vector<16xf32>
        %mul3A_1509 = arith.mulf %div3A_1469, %sub3A_1508 : vector<16xf32>
        %add3A_1510 = arith.addf %mul3A_1509, %add3A_1505 : vector<16xf32>
        %sub3A_1511 = arith.subf %div3A_1469, %get3A_1459 : vector<16xf32>
        %abs3A_1512 = math.absf %sub3A_1511 : vector<16xf32>
        %mul3A_1513 = arith.constant 1.000000e+01 : f32
        %mul3A_1514 = vector.broadcast %mul3A_1513 : f32 to vector<16xf32>
        %mul3A_1515 = arith.mulf %abs3A_1512, %mul3A_1514 : vector<16xf32>
        %convert_element_type3A_1516 = arith.fptosi %mul3A_1515 : vector<16xf32> to vector<16xi32>
        %min3A_1517 = arith.constant 9 : i32
        %min3A_1518 = vector.broadcast %min3A_1517 : i32 to vector<16xi32>
        %min3A_1519 = arith.minsi %convert_element_type3A_1516, %min3A_1518 : vector<16xi32>
        %mul3A_1520 = arith.constant 16 : i32
        %mul3A_1521 = vector.broadcast %mul3A_1520 : i32 to vector<16xi32>
        %mul3A_1522 = arith.muli %min3A_1519, %mul3A_1521 : vector<16xi32>
        %add3A_1523 = arith.addi %mul3A_1522, %iota3A : vector<16xi32>
        tpu.vector_store_idx %arg7[%add3A_1523], %add3A_1510 {add = true} : memref<160xf32, #tpu.memory_space<vmem>>[vector<16xi32>], vector<16xf32>,
        tpu.vector_store_idx %arg8[%add3A_1523], %broadcast_in_dim3A_5 {add = true} : memref<160xf32, #tpu.memory_space<vmem>>[vector<16xi32>], vector<16xf32>,
        %get3A_1524 = arith.index_cast %add3A_1243 : i32 to index
        %get3A_1525 = arith.constant 64 : index
        %get3A_1526 = tpu.vector_load %arg5[%get3A_1524, %get3A_1525] {strides = array<i32>} : memref<184x80xf32, #tpu.memory_space<vmem>>, vector<16xf32>,
        %get3A_1527 = arith.index_cast %add3A_1243 : i32 to index
        %get3A_1528 = arith.constant 64 : index
        %get3A_1529 = tpu.vector_load %arg6[%get3A_1527, %get3A_1528] {strides = array<i32>} : memref<184x80xf32, #tpu.memory_space<vmem>>, vector<16xf32>,
        %neg3A_1530 = arith.constant 0.000000e+00 : f32
        %neg3A_1531 = vector.broadcast %neg3A_1530 : f32 to vector<16xf32>
        %neg3A_1532 = arith.subf %neg3A_1531, %get3A_1526 : vector<16xf32>
        %exp3A_1533 = math.exp %neg3A_1532 : vector<16xf32>
        %add3A_1534 = arith.constant 1.000000e+00 : f32
        %add3A_1535 = vector.broadcast %add3A_1534 : f32 to vector<16xf32>
        %add3A_1536 = arith.addf %add3A_1535, %exp3A_1533 : vector<16xf32>
        %div3A_1537 = arith.constant 1.000000e+00 : f32
        %div3A_1538 = vector.broadcast %div3A_1537 : f32 to vector<16xf32>
        %div3A_1539 = arith.divf %div3A_1538, %add3A_1536 : vector<16xf32>
        %mul3A_1540 = arith.mulf %div3A_1539, %div3A_1539 : vector<16xf32>
        %mul3A_1541 = arith.mulf %mul3A_1540, %mul3A_1540 : vector<16xf32>
        %mul3A_1542 = arith.constant -5.000000e-01 : f32
        %mul3A_1543 = vector.broadcast %mul3A_1542 : f32 to vector<16xf32>
        %mul3A_1544 = arith.mulf %mul3A_1543, %div3A_1539 : vector<16xf32>
        %add3A_1545 = arith.constant 0.693147182 : f32
        %add3A_1546 = vector.broadcast %add3A_1545 : f32 to vector<16xf32>
        %add3A_1547 = arith.addf %add3A_1546, %mul3A_1544 : vector<16xf32>
        %mul3A_1548 = arith.constant -2.32767593E-6 : f32
        %mul3A_1549 = vector.broadcast %mul3A_1548 : f32 to vector<16xf32>
        %mul3A_1550 = arith.mulf %mul3A_1549, %div3A_1539 : vector<16xf32>
        %add3A_1551 = arith.constant 0.125000253 : f32
        %add3A_1552 = vector.broadcast %add3A_1551 : f32 to vector<16xf32>
        %add3A_1553 = arith.addf %add3A_1552, %mul3A_1550 : vector<16xf32>
        %mul3A_1554 = arith.mulf %mul3A_1540, %add3A_1553 : vector<16xf32>
        %add3A_1555 = arith.addf %add3A_1547, %mul3A_1554 : vector<16xf32>
        %mul3A_1556 = arith.constant -3.08754315E-5 : f32
        %mul3A_1557 = vector.broadcast %mul3A_1556 : f32 to vector<16xf32>
        %mul3A_1558 = arith.mulf %mul3A_1557, %div3A_1539 : vector<16xf32>
        %add3A_1559 = arith.constant -0.00519710407 : f32
        %add3A_1560 = vector.broadcast %add3A_1559 : f32 to vector<16xf32>
        %add3A_1561 = arith.addf %add3A_1560, %mul3A_1558 : vector<16xf32>
        %mul3A_1562 = arith.constant -4.513050e-05 : f32
        %mul3A_1563 = vector.broadcast %mul3A_1562 : f32 to vector<16xf32>
        %mul3A_1564 = arith.mulf %mul3A_1563, %div3A_1539 : vector<16xf32>
        %add3A_1565 = arith.constant 3.96936288E-4 : f32
        %add3A_1566 = vector.broadcast %add3A_1565 : f32 to vector<16xf32>
        %add3A_1567 = arith.addf %add3A_1566, %mul3A_1564 : vector<16xf32>
        %mul3A_1568 = arith.mulf %mul3A_1540, %add3A_1567 : vector<16xf32>
        %add3A_1569 = arith.addf %add3A_1561, %mul3A_1568 : vector<16xf32>
        %mul3A_1570 = arith.constant -7.23134917E-6 : f32
        %mul3A_1571 = vector.broadcast %mul3A_1570 : f32 to vector<16xf32>
        %mul3A_1572 = arith.mulf %mul3A_1541, %mul3A_1571 : vector<16xf32>
        %add3A_1573 = arith.addf %add3A_1569, %mul3A_1572 : vector<16xf32>
        %mul3A_1574 = arith.mulf %mul3A_1541, %add3A_1573 : vector<16xf32>
        %add3A_1575 = arith.addf %add3A_1555, %mul3A_1574 : vector<16xf32>
        %sub3A_1576 = arith.constant 1.000000e+00 : f32
        %sub3A_1577 = vector.broadcast %sub3A_1576 : f32 to vector<16xf32>
        %sub3A_1578 = arith.subf %sub3A_1577, %get3A_1529 : vector<16xf32>
        %mul3A_1579 = arith.mulf %div3A_1539, %sub3A_1578 : vector<16xf32>
        %add3A_1580 = arith.addf %mul3A_1579, %add3A_1575 : vector<16xf32>
        %sub3A_1581 = arith.subf %div3A_1539, %get3A_1529 : vector<16xf32>
        %abs3A_1582 = math.absf %sub3A_1581 : vector<16xf32>
        %mul3A_1583 = arith.constant 1.000000e+01 : f32
        %mul3A_1584 = vector.broadcast %mul3A_1583 : f32 to vector<16xf32>
        %mul3A_1585 = arith.mulf %abs3A_1582, %mul3A_1584 : vector<16xf32>
        %convert_element_type3A_1586 = arith.fptosi %mul3A_1585 : vector<16xf32> to vector<16xi32>
        %min3A_1587 = arith.constant 9 : i32
        %min3A_1588 = vector.broadcast %min3A_1587 : i32 to vector<16xi32>
        %min3A_1589 = arith.minsi %convert_element_type3A_1586, %min3A_1588 : vector<16xi32>
        %mul3A_1590 = arith.constant 16 : i32
        %mul3A_1591 = vector.broadcast %mul3A_1590 : i32 to vector<16xi32>
        %mul3A_1592 = arith.muli %min3A_1589, %mul3A_1591 : vector<16xi32>
        %add3A_1593 = arith.addi %mul3A_1592, %iota3A : vector<16xi32>
        tpu.vector_store_idx %arg7[%add3A_1593], %add3A_1580 {add = true} : memref<160xf32, #tpu.memory_space<vmem>>[vector<16xi32>], vector<16xf32>,
        tpu.vector_store_idx %arg8[%add3A_1593], %broadcast_in_dim3A_5 {add = true} : memref<160xf32, #tpu.memory_space<vmem>>[vector<16xi32>], vector<16xf32>,
      }
      %scan3A_182 = arith.constant 22 : i32
    } else {
    }
    %get3A = arith.constant 0 : index
    %get3A_56 = tpu.vector_load %arg7[%get3A] {strides = array<i32>} : memref<160xf32, #tpu.memory_space<vmem>>, vector<16xf32>,
    %swap3A_57 = arith.constant 0 : i32
    %swap3A_58 = arith.index_cast %swap3A_57 : i32 to index
    %swap3A_59 = arith.constant 0 : index
    %swap3A_60 = tpu.vector_load %arg9[%swap3A_58, %swap3A_59] {strides = array<i32>} : memref<8x128xf32, #tpu.memory_space<vmem>>, vector<16xf32>,
    tpu.vector_store %arg9[%swap3A_58, %swap3A_59], %get3A_56 {strides = array<i32>} : memref<8x128xf32, #tpu.memory_space<vmem>>, vector<16xf32>,
    %get3A_61 = arith.constant 0 : index
    %get3A_62 = tpu.vector_load %arg8[%get3A_61] {strides = array<i32>} : memref<160xf32, #tpu.memory_space<vmem>>, vector<16xf32>,
    %swap3A_63 = arith.constant 2 : i32
    %swap3A_64 = arith.index_cast %swap3A_63 : i32 to index
    %swap3A_65 = arith.constant 0 : index
    %swap3A_66 = tpu.vector_load %arg9[%swap3A_64, %swap3A_65] {strides = array<i32>} : memref<8x128xf32, #tpu.memory_space<vmem>>, vector<16xf32>,
    tpu.vector_store %arg9[%swap3A_64, %swap3A_65], %get3A_62 {strides = array<i32>} : memref<8x128xf32, #tpu.memory_space<vmem>>, vector<16xf32>,
    %get3A_67 = arith.constant 16 : index
    %get3A_68 = tpu.vector_load %arg7[%get3A_67] {strides = array<i32>} : memref<160xf32, #tpu.memory_space<vmem>>, vector<16xf32>,
    %swap3A_69 = arith.constant 0 : i32
    %swap3A_70 = arith.index_cast %swap3A_69 : i32 to index
    %swap3A_71 = arith.constant 16 : index
    %swap3A_72 = tpu.vector_load %arg9[%swap3A_70, %swap3A_71] {strides = array<i32>} : memref<8x128xf32, #tpu.memory_space<vmem>>, vector<16xf32>,
    tpu.vector_store %arg9[%swap3A_70, %swap3A_71], %get3A_68 {strides = array<i32>} : memref<8x128xf32, #tpu.memory_space<vmem>>, vector<16xf32>,
    %get3A_73 = arith.constant 16 : index
    %get3A_74 = tpu.vector_load %arg8[%get3A_73] {strides = array<i32>} : memref<160xf32, #tpu.memory_space<vmem>>, vector<16xf32>,
    %swap3A_75 = arith.constant 2 : i32
    %swap3A_76 = arith.index_cast %swap3A_75 : i32 to index
    %swap3A_77 = arith.constant 16 : index
    %swap3A_78 = tpu.vector_load %arg9[%swap3A_76, %swap3A_77] {strides = array<i32>} : memref<8x128xf32, #tpu.memory_space<vmem>>, vector<16xf32>,
    tpu.vector_store %arg9[%swap3A_76, %swap3A_77], %get3A_74 {strides = array<i32>} : memref<8x128xf32, #tpu.memory_space<vmem>>, vector<16xf32>,
    %get3A_79 = arith.constant 32 : index
    %get3A_80 = tpu.vector_load %arg7[%get3A_79] {strides = array<i32>} : memref<160xf32, #tpu.memory_space<vmem>>, vector<16xf32>,
    %swap3A_81 = arith.constant 0 : i32
    %swap3A_82 = arith.index_cast %swap3A_81 : i32 to index
    %swap3A_83 = arith.constant 32 : index
    %swap3A_84 = tpu.vector_load %arg9[%swap3A_82, %swap3A_83] {strides = array<i32>} : memref<8x128xf32, #tpu.memory_space<vmem>>, vector<16xf32>,
    tpu.vector_store %arg9[%swap3A_82, %swap3A_83], %get3A_80 {strides = array<i32>} : memref<8x128xf32, #tpu.memory_space<vmem>>, vector<16xf32>,
    %get3A_85 = arith.constant 32 : index
    %get3A_86 = tpu.vector_load %arg8[%get3A_85] {strides = array<i32>} : memref<160xf32, #tpu.memory_space<vmem>>, vector<16xf32>,
    %swap3A_87 = arith.constant 2 : i32
    %swap3A_88 = arith.index_cast %swap3A_87 : i32 to index
    %swap3A_89 = arith.constant 32 : index
    %swap3A_90 = tpu.vector_load %arg9[%swap3A_88, %swap3A_89] {strides = array<i32>} : memref<8x128xf32, #tpu.memory_space<vmem>>, vector<16xf32>,
    tpu.vector_store %arg9[%swap3A_88, %swap3A_89], %get3A_86 {strides = array<i32>} : memref<8x128xf32, #tpu.memory_space<vmem>>, vector<16xf32>,
    %get3A_91 = arith.constant 48 : index
    %get3A_92 = tpu.vector_load %arg7[%get3A_91] {strides = array<i32>} : memref<160xf32, #tpu.memory_space<vmem>>, vector<16xf32>,
    %swap3A_93 = arith.constant 0 : i32
    %swap3A_94 = arith.index_cast %swap3A_93 : i32 to index
    %swap3A_95 = arith.constant 48 : index
    %swap3A_96 = tpu.vector_load %arg9[%swap3A_94, %swap3A_95] {strides = array<i32>} : memref<8x128xf32, #tpu.memory_space<vmem>>, vector<16xf32>,
    tpu.vector_store %arg9[%swap3A_94, %swap3A_95], %get3A_92 {strides = array<i32>} : memref<8x128xf32, #tpu.memory_space<vmem>>, vector<16xf32>,
    %get3A_97 = arith.constant 48 : index
    %get3A_98 = tpu.vector_load %arg8[%get3A_97] {strides = array<i32>} : memref<160xf32, #tpu.memory_space<vmem>>, vector<16xf32>,
    %swap3A_99 = arith.constant 2 : i32
    %swap3A_100 = arith.index_cast %swap3A_99 : i32 to index
    %swap3A_101 = arith.constant 48 : index
    %swap3A_102 = tpu.vector_load %arg9[%swap3A_100, %swap3A_101] {strides = array<i32>} : memref<8x128xf32, #tpu.memory_space<vmem>>, vector<16xf32>,
    tpu.vector_store %arg9[%swap3A_100, %swap3A_101], %get3A_98 {strides = array<i32>} : memref<8x128xf32, #tpu.memory_space<vmem>>, vector<16xf32>,
    %get3A_103 = arith.constant 64 : index
    %get3A_104 = tpu.vector_load %arg7[%get3A_103] {strides = array<i32>} : memref<160xf32, #tpu.memory_space<vmem>>, vector<16xf32>,
    %swap3A_105 = arith.constant 0 : i32
    %swap3A_106 = arith.index_cast %swap3A_105 : i32 to index
    %swap3A_107 = arith.constant 64 : index
    %swap3A_108 = tpu.vector_load %arg9[%swap3A_106, %swap3A_107] {strides = array<i32>} : memref<8x128xf32, #tpu.memory_space<vmem>>, vector<16xf32>,
    tpu.vector_store %arg9[%swap3A_106, %swap3A_107], %get3A_104 {strides = array<i32>} : memref<8x128xf32, #tpu.memory_space<vmem>>, vector<16xf32>,
    %get3A_109 = arith.constant 64 : index
    %get3A_110 = tpu.vector_load %arg8[%get3A_109] {strides = array<i32>} : memref<160xf32, #tpu.memory_space<vmem>>, vector<16xf32>,
    %swap3A_111 = arith.constant 2 : i32
    %swap3A_112 = arith.index_cast %swap3A_111 : i32 to index
    %swap3A_113 = arith.constant 64 : index
    %swap3A_114 = tpu.vector_load %arg9[%swap3A_112, %swap3A_113] {strides = array<i32>} : memref<8x128xf32, #tpu.memory_space<vmem>>, vector<16xf32>,
    tpu.vector_store %arg9[%swap3A_112, %swap3A_113], %get3A_110 {strides = array<i32>} : memref<8x128xf32, #tpu.memory_space<vmem>>, vector<16xf32>,
    %get3A_115 = arith.constant 80 : index
    %get3A_116 = tpu.vector_load %arg7[%get3A_115] {strides = array<i32>} : memref<160xf32, #tpu.memory_space<vmem>>, vector<16xf32>,
    %swap3A_117 = arith.constant 0 : i32
    %swap3A_118 = arith.index_cast %swap3A_117 : i32 to index
    %swap3A_119 = arith.constant 80 : index
    %swap3A_120 = tpu.vector_load %arg9[%swap3A_118, %swap3A_119] {strides = array<i32>} : memref<8x128xf32, #tpu.memory_space<vmem>>, vector<16xf32>,
    tpu.vector_store %arg9[%swap3A_118, %swap3A_119], %get3A_116 {strides = array<i32>} : memref<8x128xf32, #tpu.memory_space<vmem>>, vector<16xf32>,
    %get3A_121 = arith.constant 80 : index
    %get3A_122 = tpu.vector_load %arg8[%get3A_121] {strides = array<i32>} : memref<160xf32, #tpu.memory_space<vmem>>, vector<16xf32>,
    %swap3A_123 = arith.constant 2 : i32
    %swap3A_124 = arith.index_cast %swap3A_123 : i32 to index
    %swap3A_125 = arith.constant 80 : index
    %swap3A_126 = tpu.vector_load %arg9[%swap3A_124, %swap3A_125] {strides = array<i32>} : memref<8x128xf32, #tpu.memory_space<vmem>>, vector<16xf32>,
    tpu.vector_store %arg9[%swap3A_124, %swap3A_125], %get3A_122 {strides = array<i32>} : memref<8x128xf32, #tpu.memory_space<vmem>>, vector<16xf32>,
    %get3A_127 = arith.constant 96 : index
    %get3A_128 = tpu.vector_load %arg7[%get3A_127] {strides = array<i32>} : memref<160xf32, #tpu.memory_space<vmem>>, vector<16xf32>,
    %swap3A_129 = arith.constant 0 : i32
    %swap3A_130 = arith.index_cast %swap3A_129 : i32 to index
    %swap3A_131 = arith.constant 96 : index
    %swap3A_132 = tpu.vector_load %arg9[%swap3A_130, %swap3A_131] {strides = array<i32>} : memref<8x128xf32, #tpu.memory_space<vmem>>, vector<16xf32>,
    tpu.vector_store %arg9[%swap3A_130, %swap3A_131], %get3A_128 {strides = array<i32>} : memref<8x128xf32, #tpu.memory_space<vmem>>, vector<16xf32>,
    %get3A_133 = arith.constant 96 : index
    %get3A_134 = tpu.vector_load %arg8[%get3A_133] {strides = array<i32>} : memref<160xf32, #tpu.memory_space<vmem>>, vector<16xf32>,
    %swap3A_135 = arith.constant 2 : i32
    %swap3A_136 = arith.index_cast %swap3A_135 : i32 to index
    %swap3A_137 = arith.constant 96 : index
    %swap3A_138 = tpu.vector_load %arg9[%swap3A_136, %swap3A_137] {strides = array<i32>} : memref<8x128xf32, #tpu.memory_space<vmem>>, vector<16xf32>,
    tpu.vector_store %arg9[%swap3A_136, %swap3A_137], %get3A_134 {strides = array<i32>} : memref<8x128xf32, #tpu.memory_space<vmem>>, vector<16xf32>,
    %get3A_139 = arith.constant 112 : index
    %get3A_140 = tpu.vector_load %arg7[%get3A_139] {strides = array<i32>} : memref<160xf32, #tpu.memory_space<vmem>>, vector<16xf32>,
    %swap3A_141 = arith.constant 0 : i32
    %swap3A_142 = arith.index_cast %swap3A_141 : i32 to index
    %swap3A_143 = arith.constant 112 : index
    %swap3A_144 = tpu.vector_load %arg9[%swap3A_142, %swap3A_143] {strides = array<i32>} : memref<8x128xf32, #tpu.memory_space<vmem>>, vector<16xf32>,
    tpu.vector_store %arg9[%swap3A_142, %swap3A_143], %get3A_140 {strides = array<i32>} : memref<8x128xf32, #tpu.memory_space<vmem>>, vector<16xf32>,
    %get3A_145 = arith.constant 112 : index
    %get3A_146 = tpu.vector_load %arg8[%get3A_145] {strides = array<i32>} : memref<160xf32, #tpu.memory_space<vmem>>, vector<16xf32>,
    %swap3A_147 = arith.constant 2 : i32
    %swap3A_148 = arith.index_cast %swap3A_147 : i32 to index
    %swap3A_149 = arith.constant 112 : index
    %swap3A_150 = tpu.vector_load %arg9[%swap3A_148, %swap3A_149] {strides = array<i32>} : memref<8x128xf32, #tpu.memory_space<vmem>>, vector<16xf32>,
    tpu.vector_store %arg9[%swap3A_148, %swap3A_149], %get3A_146 {strides = array<i32>} : memref<8x128xf32, #tpu.memory_space<vmem>>, vector<16xf32>,
    %get3A_151 = arith.constant 128 : index
    %get3A_152 = tpu.vector_load %arg7[%get3A_151] {strides = array<i32>} : memref<160xf32, #tpu.memory_space<vmem>>, vector<16xf32>,
    %swap3A_153 = arith.constant 1 : i32
    %swap3A_154 = arith.index_cast %swap3A_153 : i32 to index
    %swap3A_155 = arith.constant 0 : index
    %swap3A_156 = tpu.vector_load %arg9[%swap3A_154, %swap3A_155] {strides = array<i32>} : memref<8x128xf32, #tpu.memory_space<vmem>>, vector<16xf32>,
    tpu.vector_store %arg9[%swap3A_154, %swap3A_155], %get3A_152 {strides = array<i32>} : memref<8x128xf32, #tpu.memory_space<vmem>>, vector<16xf32>,
    %get3A_157 = arith.constant 128 : index
    %get3A_158 = tpu.vector_load %arg8[%get3A_157] {strides = array<i32>} : memref<160xf32, #tpu.memory_space<vmem>>, vector<16xf32>,
    %swap3A_159 = arith.constant 3 : i32
    %swap3A_160 = arith.index_cast %swap3A_159 : i32 to index
    %swap3A_161 = arith.constant 0 : index
    %swap3A_162 = tpu.vector_load %arg9[%swap3A_160, %swap3A_161] {strides = array<i32>} : memref<8x128xf32, #tpu.memory_space<vmem>>, vector<16xf32>,
    tpu.vector_store %arg9[%swap3A_160, %swap3A_161], %get3A_158 {strides = array<i32>} : memref<8x128xf32, #tpu.memory_space<vmem>>, vector<16xf32>,
    %get3A_163 = arith.constant 144 : index
    %get3A_164 = tpu.vector_load %arg7[%get3A_163] {strides = array<i32>} : memref<160xf32, #tpu.memory_space<vmem>>, vector<16xf32>,
    %swap3A_165 = arith.constant 1 : i32
    %swap3A_166 = arith.index_cast %swap3A_165 : i32 to index
    %swap3A_167 = arith.constant 16 : index
    %swap3A_168 = tpu.vector_load %arg9[%swap3A_166, %swap3A_167] {strides = array<i32>} : memref<8x128xf32, #tpu.memory_space<vmem>>, vector<16xf32>,
    tpu.vector_store %arg9[%swap3A_166, %swap3A_167], %get3A_164 {strides = array<i32>} : memref<8x128xf32, #tpu.memory_space<vmem>>, vector<16xf32>,
    %get3A_169 = arith.constant 144 : index
    %get3A_170 = tpu.vector_load %arg8[%get3A_169] {strides = array<i32>} : memref<160xf32, #tpu.memory_space<vmem>>, vector<16xf32>,
    %swap3A_171 = arith.constant 3 : i32
    %swap3A_172 = arith.index_cast %swap3A_171 : i32 to index
    %swap3A_173 = arith.constant 16 : index
    %swap3A_174 = tpu.vector_load %arg9[%swap3A_172, %swap3A_173] {strides = array<i32>} : memref<8x128xf32, #tpu.memory_space<vmem>>, vector<16xf32>,
    tpu.vector_store %arg9[%swap3A_172, %swap3A_173], %get3A_170 {strides = array<i32>} : memref<8x128xf32, #tpu.memory_space<vmem>>, vector<16xf32>,
    "tpu.region"() ({
      %run_scoped3A = tpu.sem_alloc : memref<!tpu.dma_semaphore, #tpu.memory_space<semaphore_mem>>
      %dma_start3A = arith.constant 0 : i32
      %dma_start3A_175 = arith.constant 0 : i32
      %dma_start3A_176 = tpu.memref_slice %arg4[%add3A, %dma_start3A, %dma_start3A_175] : memref<32x8x128xf32, #tpu.memory_space<hbm>> -> memref<1x8x128xf32, #tpu.memory_space<hbm>>
      %dma_start3A_177 = tpu.memref_squeeze %dma_start3A_176 : memref<1x8x128xf32, #tpu.memory_space<hbm>> -> memref<8x128xf32, #tpu.memory_space<hbm>>
      %dma_start3A_178 = arith.constant 0 : i32
      %dma_start3A_179 = arith.constant 0 : i32
      %dma_start3A_180 = tpu.memref_slice %arg4[%add3A, %dma_start3A_178, %dma_start3A_179] : memref<32x8x128xf32, #tpu.memory_space<hbm>> -> memref<1x8x128xf32, #tpu.memory_space<hbm>>
      %dma_start3A_181 = tpu.memref_squeeze %dma_start3A_180 : memref<1x8x128xf32, #tpu.memory_space<hbm>> -> memref<8x128xf32, #tpu.memory_space<hbm>>
      tpu.enqueue_dma source(%arg9 : memref<8x128xf32, #tpu.memory_space<vmem>>) target(%dma_start3A_181 : memref<8x128xf32, #tpu.memory_space<hbm>>) target_semaphore(%run_scoped3A : memref<!tpu.dma_semaphore, #tpu.memory_space<semaphore_mem>>)
      %dma_wait3A = arith.constant 0 : i32
      %dma_wait3A_182 = arith.constant 0 : i32
      %dma_wait3A_183 = tpu.memref_slice %arg4[%add3A, %dma_wait3A, %dma_wait3A_182] : memref<32x8x128xf32, #tpu.memory_space<hbm>> -> memref<1x8x128xf32, #tpu.memory_space<hbm>>
      %dma_wait3A_184 = tpu.memref_squeeze %dma_wait3A_183 : memref<1x8x128xf32, #tpu.memory_space<hbm>> -> memref<8x128xf32, #tpu.memory_space<hbm>>
      %dma_wait3A_185 = arith.constant 0 : i32
      %dma_wait3A_186 = arith.constant 0 : i32
      %dma_wait3A_187 = tpu.memref_slice %arg4[%add3A, %dma_wait3A_185, %dma_wait3A_186] : memref<32x8x128xf32, #tpu.memory_space<hbm>> -> memref<1x8x128xf32, #tpu.memory_space<hbm>>
      %dma_wait3A_188 = tpu.memref_squeeze %dma_wait3A_187 : memref<1x8x128xf32, #tpu.memory_space<hbm>> -> memref<8x128xf32, #tpu.memory_space<hbm>>
      tpu.wait_dma2 semaphore(%run_scoped3A : memref<!tpu.dma_semaphore, #tpu.memory_space<semaphore_mem>>) src(%arg9 : memref<8x128xf32, #tpu.memory_space<vmem>>) dst(%dma_wait3A_188 : memref<8x128xf32, #tpu.memory_space<hbm>>)
      tpu.yield
    }) : () -> ()
    return
  }
}

module attributes {stable_mosaic.version = 14 : i64} {
  func.func @_combine_kernel(%arg0: memref<32x8x128xf32, #tpu.memory_space<vmem>>, %arg1: memref<1x1xf32, #tpu.memory_space<smem>>) attributes {dimension_semantics = [], scalar_prefetch = 0 : i64, scratch_operands = 0 : i64, tpu.core_type = #tpu.core_type<tc>} {
    %get3A = arith.constant 0 : index
    %get3A_0 = arith.constant 0 : index
    %get3A_1 = arith.constant 0 : index
    %get3A_2 = vector.load %arg0[%get3A, %get3A_0, %get3A_1] : memref<32x8x128xf32, #tpu.memory_space<vmem>>, vector<32x8x128xf32>
    %reduce_sum3A = arith.constant dense<0.000000e+00> : vector<8x128xf32>
    %reduce_sum3A_3 = vector.multi_reduction <add>, %get3A_2, %reduce_sum3A [0] : vector<32x8x128xf32> to vector<8x128xf32>
    %reshape3A = vector.shape_cast %reduce_sum3A_3 : vector<8x128xf32> to vector<8x8x16xf32>
    %reduce_sum3A_4 = arith.constant dense<0.000000e+00> : vector<8x8xf32>
    %reduce_sum3A_5 = vector.multi_reduction <add>, %reshape3A, %reduce_sum3A_4 [2] : vector<8x8x16xf32> to vector<8x8xf32>
    %slice3A = vector.extract_strided_slice %reduce_sum3A_5 {offsets = [0, 0], sizes = [1, 1], strides = [1, 1]} : vector<8x8xf32> to vector<1x1xf32>
    %squeeze3A = vector.extract %slice3A[0, 0] : f32 from vector<1x1xf32>
    %slice3A_6 = vector.extract_strided_slice %reduce_sum3A_5 {offsets = [2, 0], sizes = [1, 1], strides = [1, 1]} : vector<8x8xf32> to vector<1x1xf32>
    %squeeze3A_7 = vector.extract %slice3A_6[0, 0] : f32 from vector<1x1xf32>
    %gt3A = arith.constant 0.000000e+00 : f32
    %gt3A_8 = arith.cmpf ogt, %squeeze3A_7, %gt3A : f32
    %max3A = arith.constant 1.000000e+00 : f32
    %max3A_9 = arith.maximumf %squeeze3A_7, %max3A : f32
    %div3A = arith.divf %squeeze3A, %max3A_9 : f32
    %jit3A = arith.constant 0.000000e+00 : f32
    %select_n3A = arith.select %gt3A_8, %div3A, %jit3A : f32
    %add3A = arith.constant 0.000000e+00 : f32
    %add3A_10 = arith.addf %add3A, %select_n3A : f32
    %convert_element_type3A = arith.extui %gt3A_8 : i1 to i32
    %convert_element_type3A_11 = arith.sitofp %convert_element_type3A : i32 to f32
    %add3A_12 = arith.constant 0.000000e+00 : f32
    %add3A_13 = arith.addf %add3A_12, %convert_element_type3A_11 : f32
    %slice3A_14 = vector.extract_strided_slice %reduce_sum3A_5 {offsets = [0, 1], sizes = [1, 1], strides = [1, 1]} : vector<8x8xf32> to vector<1x1xf32>
    %squeeze3A_15 = vector.extract %slice3A_14[0, 0] : f32 from vector<1x1xf32>
    %slice3A_16 = vector.extract_strided_slice %reduce_sum3A_5 {offsets = [2, 1], sizes = [1, 1], strides = [1, 1]} : vector<8x8xf32> to vector<1x1xf32>
    %squeeze3A_17 = vector.extract %slice3A_16[0, 0] : f32 from vector<1x1xf32>
    %gt3A_18 = arith.constant 0.000000e+00 : f32
    %gt3A_19 = arith.cmpf ogt, %squeeze3A_17, %gt3A_18 : f32
    %max3A_20 = arith.constant 1.000000e+00 : f32
    %max3A_21 = arith.maximumf %squeeze3A_17, %max3A_20 : f32
    %div3A_22 = arith.divf %squeeze3A_15, %max3A_21 : f32
    %jit3A_23 = arith.constant 0.000000e+00 : f32
    %select_n3A_24 = arith.select %gt3A_19, %div3A_22, %jit3A_23 : f32
    %add3A_25 = arith.addf %add3A_10, %select_n3A_24 : f32
    %convert_element_type3A_26 = arith.extui %gt3A_19 : i1 to i32
    %convert_element_type3A_27 = arith.sitofp %convert_element_type3A_26 : i32 to f32
    %add3A_28 = arith.addf %add3A_13, %convert_element_type3A_27 : f32
    %slice3A_29 = vector.extract_strided_slice %reduce_sum3A_5 {offsets = [0, 2], sizes = [1, 1], strides = [1, 1]} : vector<8x8xf32> to vector<1x1xf32>
    %squeeze3A_30 = vector.extract %slice3A_29[0, 0] : f32 from vector<1x1xf32>
    %slice3A_31 = vector.extract_strided_slice %reduce_sum3A_5 {offsets = [2, 2], sizes = [1, 1], strides = [1, 1]} : vector<8x8xf32> to vector<1x1xf32>
    %squeeze3A_32 = vector.extract %slice3A_31[0, 0] : f32 from vector<1x1xf32>
    %gt3A_33 = arith.constant 0.000000e+00 : f32
    %gt3A_34 = arith.cmpf ogt, %squeeze3A_32, %gt3A_33 : f32
    %max3A_35 = arith.constant 1.000000e+00 : f32
    %max3A_36 = arith.maximumf %squeeze3A_32, %max3A_35 : f32
    %div3A_37 = arith.divf %squeeze3A_30, %max3A_36 : f32
    %jit3A_38 = arith.constant 0.000000e+00 : f32
    %select_n3A_39 = arith.select %gt3A_34, %div3A_37, %jit3A_38 : f32
    %add3A_40 = arith.addf %add3A_25, %select_n3A_39 : f32
    %convert_element_type3A_41 = arith.extui %gt3A_34 : i1 to i32
    %convert_element_type3A_42 = arith.sitofp %convert_element_type3A_41 : i32 to f32
    %add3A_43 = arith.addf %add3A_28, %convert_element_type3A_42 : f32
    %slice3A_44 = vector.extract_strided_slice %reduce_sum3A_5 {offsets = [0, 3], sizes = [1, 1], strides = [1, 1]} : vector<8x8xf32> to vector<1x1xf32>
    %squeeze3A_45 = vector.extract %slice3A_44[0, 0] : f32 from vector<1x1xf32>
    %slice3A_46 = vector.extract_strided_slice %reduce_sum3A_5 {offsets = [2, 3], sizes = [1, 1], strides = [1, 1]} : vector<8x8xf32> to vector<1x1xf32>
    %squeeze3A_47 = vector.extract %slice3A_46[0, 0] : f32 from vector<1x1xf32>
    %gt3A_48 = arith.constant 0.000000e+00 : f32
    %gt3A_49 = arith.cmpf ogt, %squeeze3A_47, %gt3A_48 : f32
    %max3A_50 = arith.constant 1.000000e+00 : f32
    %max3A_51 = arith.maximumf %squeeze3A_47, %max3A_50 : f32
    %div3A_52 = arith.divf %squeeze3A_45, %max3A_51 : f32
    %jit3A_53 = arith.constant 0.000000e+00 : f32
    %select_n3A_54 = arith.select %gt3A_49, %div3A_52, %jit3A_53 : f32
    %add3A_55 = arith.addf %add3A_40, %select_n3A_54 : f32
    %convert_element_type3A_56 = arith.extui %gt3A_49 : i1 to i32
    %convert_element_type3A_57 = arith.sitofp %convert_element_type3A_56 : i32 to f32
    %add3A_58 = arith.addf %add3A_43, %convert_element_type3A_57 : f32
    %slice3A_59 = vector.extract_strided_slice %reduce_sum3A_5 {offsets = [0, 4], sizes = [1, 1], strides = [1, 1]} : vector<8x8xf32> to vector<1x1xf32>
    %squeeze3A_60 = vector.extract %slice3A_59[0, 0] : f32 from vector<1x1xf32>
    %slice3A_61 = vector.extract_strided_slice %reduce_sum3A_5 {offsets = [2, 4], sizes = [1, 1], strides = [1, 1]} : vector<8x8xf32> to vector<1x1xf32>
    %squeeze3A_62 = vector.extract %slice3A_61[0, 0] : f32 from vector<1x1xf32>
    %gt3A_63 = arith.constant 0.000000e+00 : f32
    %gt3A_64 = arith.cmpf ogt, %squeeze3A_62, %gt3A_63 : f32
    %max3A_65 = arith.constant 1.000000e+00 : f32
    %max3A_66 = arith.maximumf %squeeze3A_62, %max3A_65 : f32
    %div3A_67 = arith.divf %squeeze3A_60, %max3A_66 : f32
    %jit3A_68 = arith.constant 0.000000e+00 : f32
    %select_n3A_69 = arith.select %gt3A_64, %div3A_67, %jit3A_68 : f32
    %add3A_70 = arith.addf %add3A_55, %select_n3A_69 : f32
    %convert_element_type3A_71 = arith.extui %gt3A_64 : i1 to i32
    %convert_element_type3A_72 = arith.sitofp %convert_element_type3A_71 : i32 to f32
    %add3A_73 = arith.addf %add3A_58, %convert_element_type3A_72 : f32
    %slice3A_74 = vector.extract_strided_slice %reduce_sum3A_5 {offsets = [0, 5], sizes = [1, 1], strides = [1, 1]} : vector<8x8xf32> to vector<1x1xf32>
    %squeeze3A_75 = vector.extract %slice3A_74[0, 0] : f32 from vector<1x1xf32>
    %slice3A_76 = vector.extract_strided_slice %reduce_sum3A_5 {offsets = [2, 5], sizes = [1, 1], strides = [1, 1]} : vector<8x8xf32> to vector<1x1xf32>
    %squeeze3A_77 = vector.extract %slice3A_76[0, 0] : f32 from vector<1x1xf32>
    %gt3A_78 = arith.constant 0.000000e+00 : f32
    %gt3A_79 = arith.cmpf ogt, %squeeze3A_77, %gt3A_78 : f32
    %max3A_80 = arith.constant 1.000000e+00 : f32
    %max3A_81 = arith.maximumf %squeeze3A_77, %max3A_80 : f32
    %div3A_82 = arith.divf %squeeze3A_75, %max3A_81 : f32
    %jit3A_83 = arith.constant 0.000000e+00 : f32
    %select_n3A_84 = arith.select %gt3A_79, %div3A_82, %jit3A_83 : f32
    %add3A_85 = arith.addf %add3A_70, %select_n3A_84 : f32
    %convert_element_type3A_86 = arith.extui %gt3A_79 : i1 to i32
    %convert_element_type3A_87 = arith.sitofp %convert_element_type3A_86 : i32 to f32
    %add3A_88 = arith.addf %add3A_73, %convert_element_type3A_87 : f32
    %slice3A_89 = vector.extract_strided_slice %reduce_sum3A_5 {offsets = [0, 6], sizes = [1, 1], strides = [1, 1]} : vector<8x8xf32> to vector<1x1xf32>
    %squeeze3A_90 = vector.extract %slice3A_89[0, 0] : f32 from vector<1x1xf32>
    %slice3A_91 = vector.extract_strided_slice %reduce_sum3A_5 {offsets = [2, 6], sizes = [1, 1], strides = [1, 1]} : vector<8x8xf32> to vector<1x1xf32>
    %squeeze3A_92 = vector.extract %slice3A_91[0, 0] : f32 from vector<1x1xf32>
    %gt3A_93 = arith.constant 0.000000e+00 : f32
    %gt3A_94 = arith.cmpf ogt, %squeeze3A_92, %gt3A_93 : f32
    %max3A_95 = arith.constant 1.000000e+00 : f32
    %max3A_96 = arith.maximumf %squeeze3A_92, %max3A_95 : f32
    %div3A_97 = arith.divf %squeeze3A_90, %max3A_96 : f32
    %jit3A_98 = arith.constant 0.000000e+00 : f32
    %select_n3A_99 = arith.select %gt3A_94, %div3A_97, %jit3A_98 : f32
    %add3A_100 = arith.addf %add3A_85, %select_n3A_99 : f32
    %convert_element_type3A_101 = arith.extui %gt3A_94 : i1 to i32
    %convert_element_type3A_102 = arith.sitofp %convert_element_type3A_101 : i32 to f32
    %add3A_103 = arith.addf %add3A_88, %convert_element_type3A_102 : f32
    %slice3A_104 = vector.extract_strided_slice %reduce_sum3A_5 {offsets = [0, 7], sizes = [1, 1], strides = [1, 1]} : vector<8x8xf32> to vector<1x1xf32>
    %squeeze3A_105 = vector.extract %slice3A_104[0, 0] : f32 from vector<1x1xf32>
    %slice3A_106 = vector.extract_strided_slice %reduce_sum3A_5 {offsets = [2, 7], sizes = [1, 1], strides = [1, 1]} : vector<8x8xf32> to vector<1x1xf32>
    %squeeze3A_107 = vector.extract %slice3A_106[0, 0] : f32 from vector<1x1xf32>
    %gt3A_108 = arith.constant 0.000000e+00 : f32
    %gt3A_109 = arith.cmpf ogt, %squeeze3A_107, %gt3A_108 : f32
    %max3A_110 = arith.constant 1.000000e+00 : f32
    %max3A_111 = arith.maximumf %squeeze3A_107, %max3A_110 : f32
    %div3A_112 = arith.divf %squeeze3A_105, %max3A_111 : f32
    %jit3A_113 = arith.constant 0.000000e+00 : f32
    %select_n3A_114 = arith.select %gt3A_109, %div3A_112, %jit3A_113 : f32
    %add3A_115 = arith.addf %add3A_100, %select_n3A_114 : f32
    %convert_element_type3A_116 = arith.extui %gt3A_109 : i1 to i32
    %convert_element_type3A_117 = arith.sitofp %convert_element_type3A_116 : i32 to f32
    %add3A_118 = arith.addf %add3A_103, %convert_element_type3A_117 : f32
    %slice3A_119 = vector.extract_strided_slice %reduce_sum3A_5 {offsets = [1, 0], sizes = [1, 1], strides = [1, 1]} : vector<8x8xf32> to vector<1x1xf32>
    %squeeze3A_120 = vector.extract %slice3A_119[0, 0] : f32 from vector<1x1xf32>
    %slice3A_121 = vector.extract_strided_slice %reduce_sum3A_5 {offsets = [3, 0], sizes = [1, 1], strides = [1, 1]} : vector<8x8xf32> to vector<1x1xf32>
    %squeeze3A_122 = vector.extract %slice3A_121[0, 0] : f32 from vector<1x1xf32>
    %gt3A_123 = arith.constant 0.000000e+00 : f32
    %gt3A_124 = arith.cmpf ogt, %squeeze3A_122, %gt3A_123 : f32
    %max3A_125 = arith.constant 1.000000e+00 : f32
    %max3A_126 = arith.maximumf %squeeze3A_122, %max3A_125 : f32
    %div3A_127 = arith.divf %squeeze3A_120, %max3A_126 : f32
    %jit3A_128 = arith.constant 0.000000e+00 : f32
    %select_n3A_129 = arith.select %gt3A_124, %div3A_127, %jit3A_128 : f32
    %add3A_130 = arith.addf %add3A_115, %select_n3A_129 : f32
    %convert_element_type3A_131 = arith.extui %gt3A_124 : i1 to i32
    %convert_element_type3A_132 = arith.sitofp %convert_element_type3A_131 : i32 to f32
    %add3A_133 = arith.addf %add3A_118, %convert_element_type3A_132 : f32
    %slice3A_134 = vector.extract_strided_slice %reduce_sum3A_5 {offsets = [1, 1], sizes = [1, 1], strides = [1, 1]} : vector<8x8xf32> to vector<1x1xf32>
    %squeeze3A_135 = vector.extract %slice3A_134[0, 0] : f32 from vector<1x1xf32>
    %slice3A_136 = vector.extract_strided_slice %reduce_sum3A_5 {offsets = [3, 1], sizes = [1, 1], strides = [1, 1]} : vector<8x8xf32> to vector<1x1xf32>
    %squeeze3A_137 = vector.extract %slice3A_136[0, 0] : f32 from vector<1x1xf32>
    %gt3A_138 = arith.constant 0.000000e+00 : f32
    %gt3A_139 = arith.cmpf ogt, %squeeze3A_137, %gt3A_138 : f32
    %max3A_140 = arith.constant 1.000000e+00 : f32
    %max3A_141 = arith.maximumf %squeeze3A_137, %max3A_140 : f32
    %div3A_142 = arith.divf %squeeze3A_135, %max3A_141 : f32
    %jit3A_143 = arith.constant 0.000000e+00 : f32
    %select_n3A_144 = arith.select %gt3A_139, %div3A_142, %jit3A_143 : f32
    %add3A_145 = arith.addf %add3A_130, %select_n3A_144 : f32
    %convert_element_type3A_146 = arith.extui %gt3A_139 : i1 to i32
    %convert_element_type3A_147 = arith.sitofp %convert_element_type3A_146 : i32 to f32
    %add3A_148 = arith.addf %add3A_133, %convert_element_type3A_147 : f32
    %max3A_149 = arith.constant 1.000000e+00 : f32
    %max3A_150 = arith.maximumf %add3A_148, %max3A_149 : f32
    %div3A_151 = arith.divf %add3A_145, %max3A_150 : f32
    %swap3A = arith.constant 0 : index
    %swap3A_152 = arith.constant 0 : index
    %swap3A_153 = memref.load %arg1[%swap3A, %swap3A_152] : memref<1x1xf32, #tpu.memory_space<smem>>
    memref.store %div3A_151, %arg1[%swap3A, %swap3A_152] : memref<1x1xf32, #tpu.memory_space<smem>>
    return
  }
}

</mosaic_0001>

<sc_bundles>
// kernel: kernel.4.cloned.1.call-start
scs
__scs_entry_jumppad:
0x0: {  	(pc) =	sbr.rel $0x88, $3  }
0x1: {  	(tag) =	ssettag $0x0;
	lr =	simm.s32 $0x1  }
0x2: {  	[smem:$0x3F9F] =	sst lr;
	_ =	strace $0xD0000000  }
0x3: {  	_ = 	snop  }
0x4: {  	_ = 	snop  }
0x5: {  	_ = 	snop  }
0x6: {  	_ = 	snop  }
0x7: {  	_ = 	snop  }
__scs_overlays_trampoline_lowered:
0x8: {  	[smem:$0x3FAE] =	sst s0  }
0x9: {  	[smem:$0x3FAF] =	sst s1  }
0xa: {  	[smem:$0x3FB0] =	sst s2  }
0xb: {  	[smem:$0x3FB1] =	sst s3  }
0xc: {  	[smem:$0x3FB2] =	sst s4  }
0xd: {  	[smem:$0x3FB3] =	sst s5  }
0xe: {  	[smem:$0x3FB4] =	sst s6  }
0xf: {  	[smem:$0x3FB5] =	sst s7  }
0x10: {  	[smem:$0x3FB6] =	sst s8  }
0x11: {  	[smem:$0x3FB7] =	sst s9;
	s0 =	simm.s32 @!p0 $0x0  }
0x12: {  	s1 =	sld [smem:$0x3F9D];
	s0 =	simm.s32 @p0 $0x1  }
0x13: {  	[smem:$0x3FB8] =	sst s0;
	s0 =	simm.s32 @!p1 $0x0  }
0x14: {  	s2 =	sld [smem:$0x3F9C];
	s0 =	simm.s32 @p1 $0x1  }
0x15: {  	[smem:$0x3FB9] =	sst s0;
	s0 =	simm.s32 @!p2 $0x0  }
0x16: {  	s3 =	sld [smem:$0x3FDB];
	s0 =	simm.s32 @p2 $0x1  }
0x17: {  	s4 =	simm.s32 $0x1BF5;
	[smem:$0x3FBB] =	sst s0  }
0x18: {  	s0 =	sld [smem:$0x3F9E];
	_ =	swait.ge [sflag:s4], $0x0  }
0x19: {  	s7 =	sld [smem:$0x3F9F]  }
0x1a: {  	s8 =	sadd.s32 $0xFFFFE003, lr  }
0x1b: {  	s9 =	sadd.s32 $0xFFFFFEF7, lr;
	s5 =	simm.s32 $0xFFFFFFFF;
	p2 =	slt.u32 s8, $0xFFFFF086  }
0x1c: {  	p1 =	slt.u32 s9, $0xF7A;
	s5 =	simm.s32 @!p2 $0x0  }
0x1d: {  	s5 =	simm.s32 @p1 $0x1;
	p0 =	seq.s32 s7, s2  }
0x1e: {  	s7 =	smul.u32 @!p0 $0xF7A, s2;
	p2 =	seq.s32 @!p0 s5, $0x0  }
0x1f: {  	s9 =	smul.u32 $0xF7A, s1;
	s8 =	simm.s32 @!p0 $0x1BF5;
	p2 =	por !p2, p0  }
0x20: {  	[sflag:s8] =	ssyncset.s32 @!p0 $0xFFFFF086;
	s6 =	sadd.s32 @!p0 s3, s7;
	s7 =	simm.s32 @!p0 $0x108  }
0x21: {  	s3 =	sadd.s32 s3, s9;
	s6 =	sadd.s32 @!p0 $0x88, s6;
	s7 =	simm.s32 @p2 $0x1082  }
0x22: {  	[simem:s7], [sflag:s8] =	dma.local @!p0 [hbm:s6], $0xF7A  }
0x23: {  	s9 =	sor.u32 $0xD0000000, s2;
	s6 =	simm.s32 $0x108;
	_ =	swait.ge @!p0 [sflag:s8], $0x0  }
0x24: {  	s3 =	sadd.s32 $0x88, s3;
	s6 =	simm.s32 @!p1 $0x1082;
	[sflag:s4] =	ssyncset.s32 $0xFFFFF086  }
0x25: {  	[simem:s6], [sflag:s4] =	dma.local [hbm:s3], $0xF7A  }
0x26: {  	[smem:$0x3F9F] =	sst s1;
	(tag) =	ssettag s2;
	_ =	strace s9  }
0x27: {  	s1 =	sld [smem:$0x3FAF]  }
0x28: {  	s2 =	sld [smem:$0x3FB0]  }
0x29: {  	s4 =	sld [smem:$0x3FB2]  }
0x2a: {  	p0 =	seq.s32 s5, $0x0;
	s5 =	sld [smem:$0x3FB3]  }
0x2b: {  	s6 =	sld [smem:$0x3FB4]  }
0x2c: {  	s7 =	sld [smem:$0x3FB5]  }
0x2d: {  	s3 =	simm.s32 $0x108;
	s8 =	sld [smem:$0x3FB6]  }
0x2e: {  	s3 =	simm.s32 @!p0 $0x1082;
	s9 =	sld [smem:$0x3FB7]  }
0x2f: {  	lr =	sadd.s32 s0, s3;
	s0 =	sld [smem:$0x3FAE]  }
0x30: {  	s3 =	sld [smem:$0x3FB1]  }
0x31: {  	[smem:$0x3FBA] =	sst s10  }
0x32: {  	s10 =	sld [smem:$0x3FB8];
	_ =	sdelay $0x3  }
0x33: {  	p0 =	seq.s32 s10, $0x1;
	s10 =	sld [smem:$0x3FBA];
	_ =	sdelay $0x3  }
0x34: {  	[smem:$0x3FBA] =	sst s10  }
0x35: {  	s10 =	sld [smem:$0x3FB9];
	_ =	sdelay $0x3  }
0x36: {  	p1 =	seq.s32 s10, $0x1;
	s10 =	sld [smem:$0x3FBA];
	_ =	sdelay $0x3  }
0x37: {  	[smem:$0x3FBA] =	sst s10  }
0x38: {  	s10 =	sld [smem:$0x3FBB]  }
0x39: {  	_ = 	snop;
	(pc) =	sbr.ind lr, $3  }
0x3a: {  	_ = 	snop  }
0x3b: {  	_ = 	snop  }
0x3c: {  	p2 =	seq.s32 s10, $0x1;
	s10 =	sld [smem:$0x3FBA]  }
0x3d: {  	_ =	shalt  }
0x3e: {  	_ =	shalt  }
0x3f: {  	_ =	shalt  }
0x40: {  	_ =	shalt  }
0x41: {  	_ =	shalt  }
0x42: {  	_ =	shalt  }
0x43: {  	_ =	shalt  }
0x44: {  	_ =	shalt  }
0x45: {  	_ =	shalt  }
0x46: {  	_ =	shalt  }
0x47: {  	_ =	shalt  }
0x48: {  	_ =	shalt  }
0x49: {  	_ =	shalt  }
0x4a: {  	_ =	shalt  }
0x4b: {  	_ =	shalt  }
0x4c: {  	_ =	shalt  }
0x4d: {  	_ =	shalt  }
0x4e: {  	_ =	shalt  }
0x4f: {  	_ =	shalt  }
0x50: {  	_ =	shalt  }
0x51: {  	_ =	shalt  }
0x52: {  	_ =	shalt  }
0x53: {  	_ =	shalt  }
0x54: {  	_ =	shalt  }
0x55: {  	_ =	shalt  }
0x56: {  	_ =	shalt  }
0x57: {  	_ =	shalt  }
0x58: {  	_ =	shalt  }
0x59: {  	_ =	shalt  }
0x5a: {  	_ =	shalt  }
0x5b: {  	_ =	shalt  }
0x5c: {  	_ =	shalt  }
0x5d: {  	_ =	shalt  }
0x5e: {  	_ =	shalt  }
0x5f: {  	_ =	shalt  }
0x60: {  	_ =	shalt  }
0x61: {  	_ =	shalt  }
0x62: {  	_ =	shalt  }
0x63: {  	_ =	shalt  }
0x64: {  	_ =	shalt  }
0x65: {  	_ =	shalt  }
0x66: {  	_ =	shalt  }
0x67: {  	_ =	shalt  }
0x68: {  	_ =	shalt  }
0x69: {  	_ =	shalt  }
0x6a: {  	_ =	shalt  }
0x6b: {  	_ =	shalt  }
0x6c: {  	_ =	shalt  }
0x6d: {  	_ =	shalt  }
0x6e: {  	_ =	shalt  }
0x6f: {  	_ =	shalt  }
0x70: {  	_ =	shalt  }
0x71: {  	_ =	shalt  }
0x72: {  	_ =	shalt  }
0x73: {  	_ =	shalt  }
0x74: {  	_ =	shalt  }
0x75: {  	_ =	shalt  }
0x76: {  	_ =	shalt  }
0x77: {  	_ =	shalt  }
0x78: {  	_ =	shalt  }
0x79: {  	_ =	shalt  }
0x7a: {  	_ =	shalt  }
0x7b: {  	_ =	shalt  }
0x7c: {  	_ =	shalt  }
0x7d: {  	_ =	shalt  }
0x7e: {  	_ =	shalt  }
0x7f: {  	_ =	shalt  }
0x80: {  	_ =	shalt  }
0x81: {  	_ =	shalt  }
0x82: {  	_ =	shalt  }
0x83: {  	_ =	shalt  }
0x84: {  	_ =	shalt  }
0x85: {  	_ =	shalt  }
0x86: {  	_ =	shalt  }
0x87: {  	_ =	shalt  }
.Lfunc_end0:
.L_simem_size_0:
called_computation_lowered:
.L_overlay_start_0:
0x88: {  	s2 =	sld [smem:$0x3FD9]  }
0x89: {  	s3 =	sld [smem:$0x3FFE];
	_ =	sdelay $0x1  }
0x8a: {  	s1 =	srdreg.scid  }
0x8b: {  	s0 =	sand.u32 $0x1, s1  }
0x8c: {  	s16 =	sshll.u32 s0, $0xA;
	s2 =	sadd.s32 s3, s2  }
0x8d: {  	s2 =	sadd.s32 s2, s16  }
0x8e: {  	[smem:$0x3FC6] =	sst s2  }
0x8f: {  	_ = 	snop  }
0x90: {  	(tm) =	ssettm $0x1  }
0x91: {  	s17 =	sld [smem:$0x3FFB];
	_ =	sdelay $0x3  }
0x92: {  	_ =	strace s17  }
0x93: {  	s2 =	sld [smem:$0x3FFC];
	_ =	sdelay $0x3  }
0x94: {  	_ =	strace s2  }
0x95: {  	s2 =	sld [smem:$0x3FFD];
	_ =	sdelay $0x3  }
0x96: {  	_ =	strace s2  }
0x97: {  	_ =	strace $0x8FFFFFFF  }
0x98: {  	s18 =	sld [smem:$0x3FDB];
	_ =	sdelay $0x1  }
0x99: {  	s19 =	simm.s32 $_scs_section_size  }
0x9a: {  	s4 =	simm.s32 $_size__tile_overlayer_lowered;
	s5 =	simm.s32 $_tile_overlayer_lowered  }
0x9b: {  	s22 =	simm.s32 $0x1BFF;
	s21 =	sshll.u32 s5, $0x1;
	s2 =	sadd.s32 s19, s18  }
0x9c: {  	s6 =	simm.s32 $0x0;
	s20 =	sshll.u32 s4, $0x1;
	s4 =	sadd.s32 s21, s2  }
0x9d: {  	[timem:s6], [sflag:s22] =	dma.local [hbm:s4], s20  }
0x9e: {  	_ =	swait.ge [sflag:s22], s20  }
0x9f: {  	s3 =	ssub.s32 $0x0, s20;
	[sflag:s22] =	ssyncset.done $0x0  }
0xa0: {  	[sflag:s22] =	ssyncadd.s32 s3;
	_ =	sdelay $0x1  }
0xa1: {  	s23 =	simm.s32 $0x1B8B  }
0xa2: {  	_ =	swait.ge [sflag:s23], $0x1  }
0xa3: {  	[sflag:s23] =	ssyncset.done $0x0  }
0xa4: {  	s25 =	simm.s32 $0x1B8E;
	s24 =	sld [smem:$0x3FFE];
	[sflag:s23] =	ssyncadd.s32 $0xFFFFFFFF  }
0xa5: {  	s26 =	simm.s32 $execute0_lowered;
	[smem:$0x3FD2] =	sst s25  }
0xa6: {  	s4 =	sshll.u32 s26, $0x1;
	_ =	strace $0x80000046;
	[dreg:$0x1] =	wrdreg $0xFFFFFFFF  }
0xa7: {  	s28 =	simm.s32 $_size_execute0_lowered;
	s2 =	sadd.s32 s2, s4;
	[dreg:$0x0] =	wrdreg $0x0  }
0xa8: {  	s4 =	sshll.u32 s28, $0x1;
	[dreg:$0x2] =	wrdreg s2  }
0xa9: {  	[dreg:$0x3] =	wrdreg s4  }
0xaa: {  	[dreg:$0x4] =	wrdreg $0xC0  }
0xab: {  	_ =	task [dreg:s6], $0x5FFFF  }
0xac: {  	[dreg:$0x1] =	wrdreg $0xFFFFFFFF  }
0xad: {  	[dreg:$0x0] =	wrdreg $0x60  }
0xae: {  	[dreg:$0x2] =	wrdreg s24  }
0xaf: {  	[dreg:$0x3] =	wrdreg $0x9  }
0xb0: {  	_ =	task.clear_ibuf [dreg:s6], $0x4FFFF;
	_ =	strace $0x90000046  }
0xb1: {  	s29 =	simm.s32 $0x9;
	_ =	strace $0x80000048  }
0xb2: {  	_ =	swait.ge [sflag:s29], $0x1  }
0xb3: {  	[sflag:s29] =	ssyncadd.s32 $0xFFFFFFFF  }
0xb4: {  	_ =	strace $0x90000048  }
0xb5: {  	_ =	sfence  }
0xb6: {  	s30 =	sld [smem:$0x0];
	_ =	sdelay $0x2  }
0xb7: {  	s31 =	sshll.u32 s1, $0xD;
	s1 =	sshrl.u32 s1, $0x2  }
0xb8: {  	s3 =	sand.u32 $0x4000, s31;
	s1 =	sadd.s32 s1, s30  }
0xb9: {  	s0 =	sor.u32 s3, s0;
	s1 =	sshll.u32 s1, $0x11  }
0xba: {  	s0 =	sor.u32 s1, s0  }
0xbb: {  	s0 =	sadd.s32 $0x8F2B, s0  }
0xbc: {  	[sflag:s0] =	ssyncadd.remote.s32 $0x1  }
0xbd: {  	_ =	sfence.sel $0xFFFF  }
0xbe: {  	[dreg:$0x0] =	wrdreg $0xFFFFFFFF;
	(pc) =	sbr.abs _section_cstart, $3  }
0xbf: {  	[dreg:$0x1] =	wrdreg $0xFFFFFFFF  }
0xc0: {  	_ =	task.clear_ibuf [dreg:s6], $0x2FFFF;
	_ =	strace $0x9FFFFFFF  }
0xc1: {  	(tm) =	ssettm $0x7FFFFFFF  }
tec
execute0_lowered:
.L_overlay_start_1:
0x0: {  	(tag) =	ssettag $0x1  }
0x1: {  	s1 =	srdreg.scid;
	s0 =	stileid.u32  }
0x2: {  	s9 =	rddreg [dreg:$0x0];
	s2 =	simm.s32 $0x0;
	s12 =	simm.s32 $0x1  }
0x3: {  	s13 =	simm.s32 $0x5C00;
	s14 =	simm.s32 $0xB800;
	s15 =	simm.s32 $0xB900  }
0x4: {  	s17 =	simm.s32 $0x0;
	s5 =	sand.u32 $0x1, s1;
	s1 =	rddreg [dreg:$0x1]  }
0x5: {  	s3 =	sshll.u32 s0, $0x1;
	[smem:$0x7FF] =	sst s2;
	s4 =	sadd.s32 $0x189000, s9  }
0x6: {  	s16 =	sor.u32 s5, s3;
	_ =	strace $0x80000047;
	s3 =	sadd.s32 $0x2600, s9  }
0x7: {  	s5 =	ssub.s32 $0x2, s5;
	s6 =	smul.u32 $0x61C00, s16;
	s7 =	sshll.u32 s16, $0x7  }
.Ltmp0:
0x8: {  	s31 =	sshrl.u32 s5, $0x1;
	p0 =	seq.s32 s16, $0x1F;
	(pc) =	sbr.rel .LBB2_1-.Ltmp0, $4  }
0x9: {  	s10 =	sadd.s32 s7, s9;
	s11 =	ssub.s32 s5, s31;
	s6 =	sshrl.u32 s6, $0x3  }
0xa: {  	s5 =	smul.u32 $0xC38, s16;
	s16 =	simm.s32 $0xBA00;
	s8 =	sadd.s32 $0xB800, s6  }
0xb: {  	s10 =	sadd.s32 $0x30FA00, s10;
	s11 =	smax.u32 s11, $0x1;
	s6 =	sadd.s32 s3, s8  }
0xc: {  	v0 =	vimm.f32 $0.0e+00;
	v1 =	vimm.f32 $1.000000000e+00;
	v2 =	vlaneseq.u32;
	s7 =	sadd.s32 s4, s8;
	s8 =	sadd.s32 $0x188A80, s9;
	s9 =	sadd.s32 $0x30F480, s9  }
.LBB2_10:
0xd: {  	v3 =	vld [tilespmem:$0xB800]  }
0xe: {  	v4 =	vld [tilespmem:$0xB900]  }
0xf: {  	v5 =	vld [tilespmem:$0xB810]  }
0x10: {  	v6 =	vld [tilespmem:$0xB910]  }
0x11: {  	v7 =	vld [tilespmem:$0xB820]  }
0x12: {  	v52 =	vld [tilespmem:$0xB830];
	[tilespmem:$0xBA00] =	vst v3  }
0x13: {  	v53 =	vld [tilespmem:$0xB930];
	[tilespmem:$0xBB00] =	vst v4  }
0x14: {  	v54 =	vld [tilespmem:$0xB840];
	[tilespmem:$0xBA10] =	vst v5  }
0x15: {  	v55 =	vld [tilespmem:$0xB940];
	[tilespmem:$0xBB10] =	vst v6  }
0x16: {  	v3 =	vld [tilespmem:$0xB920];
	[tilespmem:$0xBA20] =	vst v7  }
0x17: {  	v56 =	vld [tilespmem:$0xB950];
	[tilespmem:$0xBA30] =	vst v52  }
0x18: {  	v57 =	vld [tilespmem:$0xB860];
	[tilespmem:$0xBB30] =	vst v53  }
0x19: {  	v58 =	vld [tilespmem:$0xB960];
	[tilespmem:$0xBA40] =	vst v54  }
0x1a: {  	v59 =	vld [tilespmem:$0xB870];
	[tilespmem:$0xBB40] =	vst v55  }
0x1b: {  	[tilespmem:$0xBB20] =	vst v3;
	v3 =	vld [tilespmem:$0xB850]  }
0x1c: {  	v60 =	vld [tilespmem:$0xB880];
	[tilespmem:$0xBB50] =	vst v56  }
0x1d: {  	v61 =	vld [tilespmem:$0xB980];
	[tilespmem:$0xBA60] =	vst v57  }
0x1e: {  	v62 =	vld [tilespmem:$0xB890];
	[tilespmem:$0xBB60] =	vst v58  }
0x1f: {  	v63 =	vld [tilespmem:$0xB990];
	[tilespmem:$0xBA70] =	vst v59  }
0x20: {  	[tilespmem:$0xBA50] =	vst v3;
	v3 =	vld [tilespmem:$0xB970]  }
0x21: {  	[tilespmem:$0xBA80] =	vst v60  }
0x22: {  	[tilespmem:$0xBB80] =	vst v61  }
0x23: {  	s17 =	sadd.s32 $0x1, s17;
	[tilespmem:$0xBA90] =	vst v62  }
0x24: {  	p1 =	sne.s32 s17, s11;
	[tilespmem:$0xBB90] =	vst v63  }
.Ltmp1:
0x25: {  	[tilespmem:$0xBB70] =	vst v3;
	(pc) =	sbr.rel @!p1 .LBB2_11-.Ltmp1, $4  }
0x26: {  	[hbm4b:s10+s2] =	stream.linear.scatter [tilespmem:s16], [sflag:$0x1], $0x400, $0x38;
	[tilespmem:$0xBE00] =	vst v63  }
0x27: {  	_ =	swait.ge [sflag:s12], $0x400  }
0x28: {  	[sflag:s12] =	ssyncset.done $0x0  }
0x29: {  	[sflag:s12] =	ssyncadd.s32 $0xFFFFFC00  }
.LBB2_1:
0x2a: {  	[tilespmem:$0xB800] =	vst v0  }
0x2b: {  	[tilespmem:$0xB900] =	vst v0  }
0x2c: {  	[tilespmem:$0xB810] =	vst v0  }
0x2d: {  	[tilespmem:$0xB910] =	vst v0  }
0x2e: {  	[tilespmem:$0xB820] =	vst v0  }
0x2f: {  	[tilespmem:$0xB920] =	vst v0  }
0x30: {  	[tilespmem:$0xB830] =	vst v0  }
0x31: {  	[tilespmem:$0xB930] =	vst v0  }
0x32: {  	[tilespmem:$0xB840] =	vst v0  }
0x33: {  	[tilespmem:$0xB940] =	vst v0  }
0x34: {  	[tilespmem:$0xB850] =	vst v0  }
0x35: {  	[tilespmem:$0xB950] =	vst v0  }
0x36: {  	[tilespmem:$0xB860] =	vst v0  }
0x37: {  	[tilespmem:$0xB960] =	vst v0  }
0x38: {  	[tilespmem:$0xB870] =	vst v0  }
0x39: {  	[tilespmem:$0xB970] =	vst v0  }
0x3a: {  	[tilespmem:$0xB880] =	vst v0  }
0x3b: {  	[tilespmem:$0xB980] =	vst v0  }
0x3c: {  	[tilespmem:$0xB890] =	vst v0  }
0x3d: {  	[tilespmem:$0xB990] =	vst v0;
	s18 =	simm.s32 $0x0  }
.LBB2_2:
0x3e: {  	s19 =	smul.u32 $0xB8, s18;
	_ =	sdelay $0x1  }
0x3f: {  	s19 =	sadd.s32 s5, s19  }
0x40: {  	s20 =	sshll.u32 s19, $0x4  }
0x41: {  	s19 =	simm.s32 $0x0;
	s21 =	sadd.s32 s3, s20  }
0x42: {  	[tilespmem:s19], [sflag:$0x1] =	stream.linear.gather [hbm4b:s21+s19], $0x5C00, $0x38;
	[tilespmem:$0xBE00] =	vst v63  }
0x43: {  	_ =	swait.ge [sflag:s12], $0x5C00  }
0x44: {  	[sflag:s12] =	ssyncset.done $0x0  }
0x45: {  	s20 =	sadd.s32 s4, s20;
	[sflag:s12] =	ssyncadd.s32 $0xFFFFA400  }
0x46: {  	[tilespmem:s13], [sflag:$0x1] =	stream.linear.gather [hbm4b:s20+s19], $0x5C00, $0x38;
	[tilespmem:$0xBE00] =	vst v63  }
0x47: {  	_ =	swait.ge [sflag:s12], $0x5C00  }
0x48: {  	[sflag:s12] =	ssyncset.done $0x0  }
0x49: {  	[sflag:s12] =	ssyncadd.s32 $0xFFFFA400  }
.LBB2_3:
0x4a: {  	s20 =	sshra.s32 s19, $0x2  }
0x4b: {  	v3 =	vld [tilespmem:s20+$0x0];
	_ =	sdelay $0x4  }
0x4c: {  	v3 =	vsub.f32 $0.0e+00, v3;
	_ =	sdelay $0x1  }
0x4d: {  	v3 =	vmul.f32 $1.442695020e+00, v3;
	_ =	sdelay $0x1  }
0x4e: {  	(erf) = vpow2.f32 v3;
	_ =	sdelay $0x8  }
0x4f: {  	v3 =	vpop (erf)  }
0x50: {  	v3 =	vadd.f32 $1.000000000e+00, v3;
	_ =	sdelay $0x1  }
0x51: {  	(erf) = vrcp.f32 v3;
	_ =	sdelay $0x4  }
0x52: {  	v3 =	vld [tilespmem:s20+$0x5C00];
	_ =	sdelay $0x3  }
0x53: {  	v4 =	vpop (erf)  }
0x54: {  	v5 =	vmul.f32 $4.513049860e-05, v4;
	v6 =	vsub.f32 v4, v3  }
0x55: {  	v7 =	vmul.f32 v4, v4  }
0x56: {  	v8 =	vmul.f32 $3.087543150e-05, v4;
	v5 =	vsub.f32 $3.969362880e-04, v5;
	v6 =	vand.u32 $0x7FFFFFFF, v6  }
0x57: {  	v9 =	vmul.f32 $2.327675930e-06, v4;
	v6 =	vmul.f32 $1.000000000e+01, v6  }
0x58: {  	v10 =	vmul.f32 v7, v7;
	v8 =	vsub.f32 $-5.197104070e-03, v8;
	v5 =	vmul.f32 v5, v7  }
0x59: {  	v11 =	vmul.f32 $5.000000000e-01, v4;
	v9 =	vsub.f32 $1.250002530e-01, v9;
	v6 =	vtrunc.f32 v6  }
0x5a: {  	v47 =	vmul.f32 $7.231349170e-06, v10;
	v5 =	vadd.f32 v5, v8;
	v6 =	vcvt.f32.s32 v6  }
0x5b: {  	v11 =	vsub.f32 $6.931471820e-01, v11  }
0x5c: {  	v7 =	vmul.f32 v9, v7;
	v5 =	vsub.f32 v5, v47;
	vm0 =	vlt.s32 v6, $0x9  }
0x5d: {  	v3 =	vsub.f32 $1.000000000e+00, v3;
	v6 =	vnsel vm0, $0x9, v6  }
0x5e: {  	v7 =	vadd.f32 v7, v11;
	v5 =	vmul.f32 v5, v10;
	v6 =	vshll.u32 v6, $0x4  }
0x5f: {  	v6 =	vor.u32 v2, v6  }
0x60: {  	v3 =	vmul.f32 v4, v3;
	v5 =	vadd.f32 v5, v7;
	_ =	sdelay $0x1  }
0x61: {  	v3 =	vadd.f32 v5, v3;
	_ =	sdelay $0x1  }
0x62: {  	[tilespmem:v6+s14+$0x0] =	vst.idx.add.f32.msk $0xffff, v3  }
0x63: {  	[tilespmem:v6+s15+$0x0] =	vst.idx.add.f32.msk $0xffff, v1  }
0x64: {  	v3 =	vld [tilespmem:s20+$0x10];
	_ =	sdelay $0x4  }
0x65: {  	v3 =	vsub.f32 $0.0e+00, v3;
	_ =	sdelay $0x1  }
0x66: {  	v3 =	vmul.f32 $1.442695020e+00, v3;
	_ =	sdelay $0x1  }
0x67: {  	(erf) = vpow2.f32 v3;
	_ =	sdelay $0x8  }
0x68: {  	v3 =	vpop (erf)  }
0x69: {  	v3 =	vadd.f32 $1.000000000e+00, v3;
	_ =	sdelay $0x1  }
0x6a: {  	(erf) = vrcp.f32 v3;
	_ =	sdelay $0x4  }
0x6b: {  	v3 =	vld [tilespmem:s20+$0x5C10];
	_ =	sdelay $0x3  }
0x6c: {  	v48 =	vpop (erf)  }
0x6d: {  	v49 =	vmul.f32 $4.513049860e-05, v48;
	v50 =	vsub.f32 v48, v3  }
0x6e: {  	v51 =	vmul.f32 v48, v48  }
0x6f: {  	v52 =	vmul.f32 $3.087543150e-05, v48;
	v5 =	vsub.f32 $3.969362880e-04, v49;
	v6 =	vand.u32 $0x7FFFFFFF, v50  }
0x70: {  	v53 =	vmul.f32 $2.327675930e-06, v48;
	v6 =	vmul.f32 $1.000000000e+01, v6  }
0x71: {  	v54 =	vmul.f32 v51, v51;
	v8 =	vsub.f32 $-5.197104070e-03, v52;
	v5 =	vmul.f32 v5, v51  }
0x72: {  	v55 =	vmul.f32 $5.000000000e-01, v48;
	v9 =	vsub.f32 $1.250002530e-01, v53;
	v6 =	vtrunc.f32 v6  }
0x73: {  	v56 =	vmul.f32 $7.231349170e-06, v54;
	v5 =	vadd.f32 v5, v8;
	v6 =	vcvt.f32.s32 v6  }
0x74: {  	v11 =	vsub.f32 $6.931471820e-01, v55  }
0x75: {  	v7 =	vmul.f32 v9, v51;
	v5 =	vsub.f32 v5, v56;
	vm9 =	vlt.s32 v6, $0x9  }
0x76: {  	v3 =	vsub.f32 $1.000000000e+00, v3;
	v6 =	vnsel vm9, $0x9, v6  }
0x77: {  	v7 =	vadd.f32 v7, v11;
	v5 =	vmul.f32 v5, v54;
	v6 =	vshll.u32 v6, $0x4  }
0x78: {  	v6 =	vor.u32 v2, v6  }
0x79: {  	v3 =	vmul.f32 v48, v3;
	v5 =	vadd.f32 v5, v7;
	_ =	sdelay $0x1  }
0x7a: {  	v3 =	vadd.f32 v5, v3;
	_ =	sdelay $0x1  }
0x7b: {  	[tilespmem:v6+s14+$0x0] =	vst.idx.add.f32.msk $0xffff, v3  }
0x7c: {  	[tilespmem:v6+s15+$0x0] =	vst.idx.add.f32.msk $0xffff, v1  }
0x7d: {  	v3 =	vld [tilespmem:s20+$0x20];
	_ =	sdelay $0x4  }
0x7e: {  	v3 =	vsub.f32 $0.0e+00, v3;
	_ =	sdelay $0x1  }
0x7f: {  	v3 =	vmul.f32 $1.442695020e+00, v3;
	_ =	sdelay $0x1  }
0x80: {  	(erf) = vpow2.f32 v3;
	_ =	sdelay $0x8  }
0x81: {  	v3 =	vpop (erf)  }
0x82: {  	v3 =	vadd.f32 $1.000000000e+00, v3;
	_ =	sdelay $0x1  }
0x83: {  	(erf) = vrcp.f32 v3;
	_ =	sdelay $0x4  }
0x84: {  	v3 =	vld [tilespmem:s20+$0x5C20];
	_ =	sdelay $0x3  }
0x85: {  	v57 =	vpop (erf)  }
0x86: {  	v58 =	vmul.f32 $4.513049860e-05, v57;
	v59 =	vsub.f32 v57, v3  }
0x87: {  	v60 =	vmul.f32 v57, v57  }
0x88: {  	v61 =	vmul.f32 $3.087543150e-05, v57;
	v5 =	vsub.f32 $3.969362880e-04, v58;
	v6 =	vand.u32 $0x7FFFFFFF, v59  }
0x89: {  	v62 =	vmul.f32 $2.327675930e-06, v57;
	v6 =	vmul.f32 $1.000000000e+01, v6  }
0x8a: {  	v63 =	vmul.f32 v60, v60;
	v8 =	vsub.f32 $-5.197104070e-03, v61;
	v5 =	vmul.f32 v5, v60  }
0x8b: {  	v12 =	vmul.f32 $5.000000000e-01, v57;
	v9 =	vsub.f32 $1.250002530e-01, v62;
	v6 =	vtrunc.f32 v6  }
0x8c: {  	v13 =	vmul.f32 $7.231349170e-06, v63;
	v5 =	vadd.f32 v5, v8;
	v6 =	vcvt.f32.s32 v6  }
0x8d: {  	v11 =	vsub.f32 $6.931471820e-01, v12  }
0x8e: {  	v7 =	vmul.f32 v9, v60;
	v5 =	vsub.f32 v5, v13;
	vm10 =	vlt.s32 v6, $0x9  }
0x8f: {  	v3 =	vsub.f32 $1.000000000e+00, v3;
	v6 =	vnsel vm10, $0x9, v6  }
0x90: {  	v7 =	vadd.f32 v7, v11;
	v5 =	vmul.f32 v5, v63;
	v6 =	vshll.u32 v6, $0x4  }
0x91: {  	v6 =	vor.u32 v2, v6  }
0x92: {  	v3 =	vmul.f32 v57, v3;
	v5 =	vadd.f32 v5, v7;
	_ =	sdelay $0x1  }
0x93: {  	v3 =	vadd.f32 v5, v3;
	_ =	sdelay $0x1  }
0x94: {  	[tilespmem:v6+s14+$0x0] =	vst.idx.add.f32.msk $0xffff, v3  }
0x95: {  	[tilespmem:v6+s15+$0x0] =	vst.idx.add.f32.msk $0xffff, v1  }
0x96: {  	v3 =	vld [tilespmem:s20+$0x30];
	_ =	sdelay $0x4  }
0x97: {  	v3 =	vsub.f32 $0.0e+00, v3;
	_ =	sdelay $0x1  }
0x98: {  	v3 =	vmul.f32 $1.442695020e+00, v3;
	_ =	sdelay $0x1  }
0x99: {  	(erf) = vpow2.f32 v3;
	_ =	sdelay $0x8  }
0x9a: {  	v3 =	vpop (erf)  }
0x9b: {  	v3 =	vadd.f32 $1.000000000e+00, v3;
	_ =	sdelay $0x1  }
0x9c: {  	(erf) = vrcp.f32 v3;
	_ =	sdelay $0x4  }
0x9d: {  	v3 =	vld [tilespmem:s20+$0x5C30];
	_ =	sdelay $0x3  }
0x9e: {  	v14 =	vpop (erf)  }
0x9f: {  	v15 =	vmul.f32 $4.513049860e-05, v14;
	v16 =	vsub.f32 v14, v3  }
0xa0: {  	v17 =	vmul.f32 v14, v14  }
0xa1: {  	v18 =	vmul.f32 $3.087543150e-05, v14;
	v5 =	vsub.f32 $3.969362880e-04, v15;
	v6 =	vand.u32 $0x7FFFFFFF, v16  }
0xa2: {  	v19 =	vmul.f32 $2.327675930e-06, v14;
	v6 =	vmul.f32 $1.000000000e+01, v6  }
0xa3: {  	v20 =	vmul.f32 v17, v17;
	v8 =	vsub.f32 $-5.197104070e-03, v18;
	v5 =	vmul.f32 v5, v17  }
0xa4: {  	v21 =	vmul.f32 $5.000000000e-01, v14;
	v9 =	vsub.f32 $1.250002530e-01, v19;
	v6 =	vtrunc.f32 v6  }
0xa5: {  	v22 =	vmul.f32 $7.231349170e-06, v20;
	v5 =	vadd.f32 v5, v8;
	v6 =	vcvt.f32.s32 v6  }
0xa6: {  	v11 =	vsub.f32 $6.931471820e-01, v21  }
0xa7: {  	v7 =	vmul.f32 v9, v17;
	v5 =	vsub.f32 v5, v22;
	vm11 =	vlt.s32 v6, $0x9  }
0xa8: {  	v3 =	vsub.f32 $1.000000000e+00, v3;
	v6 =	vnsel vm11, $0x9, v6  }
0xa9: {  	v7 =	vadd.f32 v7, v11;
	v5 =	vmul.f32 v5, v20;
	v6 =	vshll.u32 v6, $0x4  }
0xaa: {  	v6 =	vor.u32 v2, v6  }
0xab: {  	v3 =	vmul.f32 v14, v3;
	v5 =	vadd.f32 v5, v7;
	_ =	sdelay $0x1  }
0xac: {  	v3 =	vadd.f32 v5, v3;
	_ =	sdelay $0x1  }
0xad: {  	[tilespmem:v6+s14+$0x0] =	vst.idx.add.f32.msk $0xffff, v3  }
0xae: {  	[tilespmem:v6+s15+$0x0] =	vst.idx.add.f32.msk $0xffff, v1  }
0xaf: {  	v3 =	vld [tilespmem:s20+$0x40];
	_ =	sdelay $0x4  }
0xb0: {  	v3 =	vsub.f32 $0.0e+00, v3;
	_ =	sdelay $0x1  }
0xb1: {  	v3 =	vmul.f32 $1.442695020e+00, v3;
	_ =	sdelay $0x1  }
0xb2: {  	(erf) = vpow2.f32 v3;
	_ =	sdelay $0x8  }
0xb3: {  	v3 =	vpop (erf)  }
0xb4: {  	v3 =	vadd.f32 $1.000000000e+00, v3;
	_ =	sdelay $0x1  }
0xb5: {  	(erf) = vrcp.f32 v3;
	_ =	sdelay $0x4  }
0xb6: {  	v3 =	vld [tilespmem:s20+$0x5C40];
	_ =	sdelay $0x3  }
0xb7: {  	v23 =	vpop (erf)  }
0xb8: {  	v24 =	vmul.f32 $4.513049860e-05, v23;
	v25 =	vsub.f32 v23, v3  }
0xb9: {  	v26 =	vmul.f32 v23, v23  }
0xba: {  	v27 =	vmul.f32 $3.087543150e-05, v23;
	v5 =	vsub.f32 $3.969362880e-04, v24;
	v6 =	vand.u32 $0x7FFFFFFF, v25  }
0xbb: {  	v28 =	vmul.f32 $2.327675930e-06, v23;
	v6 =	vmul.f32 $1.000000000e+01, v6  }
0xbc: {  	v29 =	vmul.f32 v26, v26;
	v8 =	vsub.f32 $-5.197104070e-03, v27;
	v5 =	vmul.f32 v5, v26  }
0xbd: {  	v30 =	vmul.f32 $5.000000000e-01, v23;
	v9 =	vsub.f32 $1.250002530e-01, v28;
	v6 =	vtrunc.f32 v6  }
0xbe: {  	v31 =	vmul.f32 $7.231349170e-06, v29;
	v5 =	vadd.f32 v5, v8;
	v6 =	vcvt.f32.s32 v6  }
0xbf: {  	v11 =	vsub.f32 $6.931471820e-01, v30  }
0xc0: {  	v7 =	vmul.f32 v9, v26;
	v5 =	vsub.f32 v5, v31;
	vm12 =	vlt.s32 v6, $0x9  }
0xc1: {  	v3 =	vsub.f32 $1.000000000e+00, v3;
	v6 =	vnsel vm12, $0x9, v6  }
0xc2: {  	v7 =	vadd.f32 v7, v11;
	v5 =	vmul.f32 v5, v29;
	v6 =	vshll.u32 v6, $0x4  }
0xc3: {  	v6 =	vor.u32 v2, v6  }
0xc4: {  	v3 =	vmul.f32 v23, v3;
	v5 =	vadd.f32 v5, v7;
	_ =	sdelay $0x1  }
0xc5: {  	v3 =	vadd.f32 v5, v3;
	_ =	sdelay $0x1  }
0xc6: {  	[tilespmem:v6+s14+$0x0] =	vst.idx.add.f32.msk $0xffff, v3  }
0xc7: {  	[tilespmem:v6+s15+$0x0] =	vst.idx.add.f32.msk $0xffff, v1  }
0xc8: {  	v3 =	vld [tilespmem:s20+$0x80];
	_ =	sdelay $0x4  }
0xc9: {  	v3 =	vsub.f32 $0.0e+00, v3;
	_ =	sdelay $0x1  }
0xca: {  	v3 =	vmul.f32 $1.442695020e+00, v3;
	_ =	sdelay $0x1  }
0xcb: {  	(erf) = vpow2.f32 v3;
	_ =	sdelay $0x8  }
0xcc: {  	v3 =	vpop (erf)  }
0xcd: {  	v3 =	vadd.f32 $1.000000000e+00, v3;
	_ =	sdelay $0x1  }
0xce: {  	(erf) = vrcp.f32 v3;
	_ =	sdelay $0x4  }
0xcf: {  	v3 =	vld [tilespmem:s20+$0x5C80];
	_ =	sdelay $0x3  }
0xd0: {  	v32 =	vpop (erf)  }
0xd1: {  	v33 =	vmul.f32 $4.513049860e-05, v32;
	v34 =	vsub.f32 v32, v3  }
0xd2: {  	v35 =	vmul.f32 v32, v32  }
0xd3: {  	v36 =	vmul.f32 $3.087543150e-05, v32;
	v5 =	vsub.f32 $3.969362880e-04, v33;
	v6 =	vand.u32 $0x7FFFFFFF, v34  }
0xd4: {  	v37 =	vmul.f32 $2.327675930e-06, v32;
	v6 =	vmul.f32 $1.000000000e+01, v6  }
0xd5: {  	v38 =	vmul.f32 v35, v35;
	v8 =	vsub.f32 $-5.197104070e-03, v36;
	v5 =	vmul.f32 v5, v35  }
0xd6: {  	v39 =	vmul.f32 $5.000000000e-01, v32;
	v9 =	vsub.f32 $1.250002530e-01, v37;
	v6 =	vtrunc.f32 v6  }
0xd7: {  	v40 =	vmul.f32 $7.231349170e-06, v38;
	v5 =	vadd.f32 v5, v8;
	v6 =	vcvt.f32.s32 v6  }
0xd8: {  	v11 =	vsub.f32 $6.931471820e-01, v39  }
0xd9: {  	v7 =	vmul.f32 v9, v35;
	v5 =	vsub.f32 v5, v40;
	vm13 =	vlt.s32 v6, $0x9  }
0xda: {  	v3 =	vsub.f32 $1.000000000e+00, v3;
	v6 =	vnsel vm13, $0x9, v6  }
0xdb: {  	v7 =	vadd.f32 v7, v11;
	v5 =	vmul.f32 v5, v38;
	v6 =	vshll.u32 v6, $0x4  }
0xdc: {  	v6 =	vor.u32 v2, v6  }
0xdd: {  	v3 =	vmul.f32 v32, v3;
	v5 =	vadd.f32 v5, v7;
	_ =	sdelay $0x1  }
0xde: {  	v3 =	vadd.f32 v5, v3;
	_ =	sdelay $0x1  }
0xdf: {  	[tilespmem:v6+s14+$0x0] =	vst.idx.add.f32.msk $0xffff, v3  }
0xe0: {  	[tilespmem:v6+s15+$0x0] =	vst.idx.add.f32.msk $0xffff, v1  }
0xe1: {  	v3 =	vld [tilespmem:s20+$0x90];
	_ =	sdelay $0x4  }
0xe2: {  	v3 =	vsub.f32 $0.0e+00, v3;
	_ =	sdelay $0x1  }
0xe3: {  	v3 =	vmul.f32 $1.442695020e+00, v3;
	_ =	sdelay $0x1  }
0xe4: {  	(erf) = vpow2.f32 v3;
	_ =	sdelay $0x8  }
0xe5: {  	v3 =	vpop (erf)  }
0xe6: {  	v3 =	vadd.f32 $1.000000000e+00, v3;
	_ =	sdelay $0x1  }
0xe7: {  	(erf) = vrcp.f32 v3;
	_ =	sdelay $0x4  }
0xe8: {  	v3 =	vld [tilespmem:s20+$0x5C90];
	_ =	sdelay $0x3  }
0xe9: {  	v41 =	vpop (erf)  }
0xea: {  	v42 =	vmul.f32 $4.513049860e-05, v41;
	v43 =	vsub.f32 v41, v3  }
0xeb: {  	v44 =	vmul.f32 v41, v41  }
0xec: {  	v45 =	vmul.f32 $3.087543150e-05, v41;
	v5 =	vsub.f32 $3.969362880e-04, v42;
	v6 =	vand.u32 $0x7FFFFFFF, v43  }
0xed: {  	v46 =	vmul.f32 $2.327675930e-06, v41;
	v6 =	vmul.f32 $1.000000000e+01, v6  }
0xee: {  	v47 =	vmul.f32 v44, v44;
	v8 =	vsub.f32 $-5.197104070e-03, v45;
	v5 =	vmul.f32 v5, v44  }
0xef: {  	v48 =	vmul.f32 $5.000000000e-01, v41;
	v9 =	vsub.f32 $1.250002530e-01, v46;
	v6 =	vtrunc.f32 v6  }
0xf0: {  	v49 =	vmul.f32 $7.231349170e-06, v47;
	v5 =	vadd.f32 v5, v8;
	v6 =	vcvt.f32.s32 v6  }
0xf1: {  	v11 =	vsub.f32 $6.931471820e-01, v48  }
0xf2: {  	v7 =	vmul.f32 v9, v44;
	v5 =	vsub.f32 v5, v49;
	vm14 =	vlt.s32 v6, $0x9  }
0xf3: {  	v3 =	vsub.f32 $1.000000000e+00, v3;
	v6 =	vnsel vm14, $0x9, v6  }
0xf4: {  	v7 =	vadd.f32 v7, v11;
	v5 =	vmul.f32 v5, v47;
	v6 =	vshll.u32 v6, $0x4  }
0xf5: {  	v6 =	vor.u32 v2, v6  }
0xf6: {  	v3 =	vmul.f32 v41, v3;
	v5 =	vadd.f32 v5, v7;
	_ =	sdelay $0x1  }
0xf7: {  	v3 =	vadd.f32 v5, v3;
	_ =	sdelay $0x1  }
0xf8: {  	[tilespmem:v6+s14+$0x0] =	vst.idx.add.f32.msk $0xffff, v3  }
0xf9: {  	[tilespmem:v6+s15+$0x0] =	vst.idx.add.f32.msk $0xffff, v1  }
0xfa: {  	v3 =	vld [tilespmem:s20+$0xA0];
	_ =	sdelay $0x4  }
0xfb: {  	v3 =	vsub.f32 $0.0e+00, v3;
	_ =	sdelay $0x1  }
0xfc: {  	v3 =	vmul.f32 $1.442695020e+00, v3;
	_ =	sdelay $0x1  }
0xfd: {  	(erf) = vpow2.f32 v3;
	_ =	sdelay $0x8  }
0xfe: {  	v3 =	vpop (erf)  }
0xff: {  	v3 =	vadd.f32 $1.000000000e+00, v3;
	_ =	sdelay $0x1  }
0x100: {  	(erf) = vrcp.f32 v3;
	_ =	sdelay $0x4  }
0x101: {  	v3 =	vld [tilespmem:s20+$0x5CA0];
	_ =	sdelay $0x3  }
0x102: {  	v50 =	vpop (erf)  }
0x103: {  	v51 =	vmul.f32 $4.513049860e-05, v50;
	v52 =	vsub.f32 v50, v3  }
0x104: {  	v53 =	vmul.f32 v50, v50  }
0x105: {  	v54 =	vmul.f32 $3.087543150e-05, v50;
	v5 =	vsub.f32 $3.969362880e-04, v51;
	v6 =	vand.u32 $0x7FFFFFFF, v52  }
0x106: {  	v55 =	vmul.f32 $2.327675930e-06, v50;
	v6 =	vmul.f32 $1.000000000e+01, v6  }
0x107: {  	v56 =	vmul.f32 v53, v53;
	v8 =	vsub.f32 $-5.197104070e-03, v54;
	v5 =	vmul.f32 v5, v53  }
0x108: {  	v57 =	vmul.f32 $5.000000000e-01, v50;
	v9 =	vsub.f32 $1.250002530e-01, v55;
	v6 =	vtrunc.f32 v6  }
0x109: {  	v58 =	vmul.f32 $7.231349170e-06, v56;
	v5 =	vadd.f32 v5, v8;
	v6 =	vcvt.f32.s32 v6  }
0x10a: {  	v11 =	vsub.f32 $6.931471820e-01, v57  }
0x10b: {  	v7 =	vmul.f32 v9, v53;
	v5 =	vsub.f32 v5, v58;
	vm15 =	vlt.s32 v6, $0x9  }
0x10c: {  	v3 =	vsub.f32 $1.000000000e+00, v3;
	v6 =	vnsel vm15, $0x9, v6  }
0x10d: {  	v7 =	vadd.f32 v7, v11;
	v5 =	vmul.f32 v5, v56;
	v6 =	vshll.u32 v6, $0x4  }
0x10e: {  	v6 =	vor.u32 v2, v6  }
0x10f: {  	v3 =	vmul.f32 v50, v3;
	v5 =	vadd.f32 v5, v7;
	_ =	sdelay $0x1  }
0x110: {  	v3 =	vadd.f32 v5, v3;
	_ =	sdelay $0x1  }
0x111: {  	[tilespmem:v6+s14+$0x0] =	vst.idx.add.f32.msk $0xffff, v3  }
0x112: {  	[tilespmem:v6+s15+$0x0] =	vst.idx.add.f32.msk $0xffff, v1  }
0x113: {  	v3 =	vld [tilespmem:s20+$0xB0];
	_ =	sdelay $0x4  }
0x114: {  	v3 =	vsub.f32 $0.0e+00, v3;
	_ =	sdelay $0x1  }
0x115: {  	v3 =	vmul.f32 $1.442695020e+00, v3;
	_ =	sdelay $0x1  }
0x116: {  	(erf) = vpow2.f32 v3;
	_ =	sdelay $0x8  }
0x117: {  	v3 =	vpop (erf)  }
0x118: {  	v3 =	vadd.f32 $1.000000000e+00, v3;
	_ =	sdelay $0x1  }
0x119: {  	(erf) = vrcp.f32 v3;
	_ =	sdelay $0x4  }
0x11a: {  	v3 =	vld [tilespmem:s20+$0x5CB0];
	_ =	sdelay $0x3  }
0x11b: {  	v59 =	vpop (erf)  }
0x11c: {  	v60 =	vmul.f32 $4.513049860e-05, v59;
	v61 =	vsub.f32 v59, v3  }
0x11d: {  	v62 =	vmul.f32 v59, v59  }
0x11e: {  	v63 =	vmul.f32 $3.087543150e-05, v59;
	v5 =	vsub.f32 $3.969362880e-04, v60;
	v6 =	vand.u32 $0x7FFFFFFF, v61  }
0x11f: {  	v12 =	vmul.f32 $2.327675930e-06, v59;
	v6 =	vmul.f32 $1.000000000e+01, v6  }
0x120: {  	v13 =	vmul.f32 v62, v62;
	v8 =	vsub.f32 $-5.197104070e-03, v63;
	v5 =	vmul.f32 v5, v62  }
0x121: {  	v14 =	vmul.f32 $5.000000000e-01, v59;
	v9 =	vsub.f32 $1.250002530e-01, v12;
	v6 =	vtrunc.f32 v6  }
0x122: {  	v15 =	vmul.f32 $7.231349170e-06, v13;
	v5 =	vadd.f32 v5, v8;
	v6 =	vcvt.f32.s32 v6  }
0x123: {  	v11 =	vsub.f32 $6.931471820e-01, v14  }
0x124: {  	v7 =	vmul.f32 v9, v62;
	v5 =	vsub.f32 v5, v15;
	vm4 =	vlt.s32 v6, $0x9  }
0x125: {  	v3 =	vsub.f32 $1.000000000e+00, v3;
	v6 =	vnsel vm4, $0x9, v6  }
0x126: {  	v7 =	vadd.f32 v7, v11;
	v5 =	vmul.f32 v5, v13;
	v6 =	vshll.u32 v6, $0x4  }
0x127: {  	v6 =	vor.u32 v2, v6  }
0x128: {  	v3 =	vmul.f32 v59, v3;
	v5 =	vadd.f32 v5, v7;
	_ =	sdelay $0x1  }
0x129: {  	v3 =	vadd.f32 v5, v3;
	_ =	sdelay $0x1  }
0x12a: {  	[tilespmem:v6+s14+$0x0] =	vst.idx.add.f32.msk $0xffff, v3  }
0x12b: {  	[tilespmem:v6+s15+$0x0] =	vst.idx.add.f32.msk $0xffff, v1  }
0x12c: {  	v3 =	vld [tilespmem:s20+$0xC0];
	_ =	sdelay $0x4  }
0x12d: {  	v3 =	vsub.f32 $0.0e+00, v3;
	_ =	sdelay $0x1  }
0x12e: {  	v3 =	vmul.f32 $1.442695020e+00, v3;
	_ =	sdelay $0x1  }
0x12f: {  	(erf) = vpow2.f32 v3;
	_ =	sdelay $0x8  }
0x130: {  	v3 =	vpop (erf)  }
0x131: {  	v3 =	vadd.f32 $1.000000000e+00, v3;
	_ =	sdelay $0x1  }
0x132: {  	(erf) = vrcp.f32 v3;
	_ =	sdelay $0x4  }
0x133: {  	v3 =	vld [tilespmem:s20+$0x5CC0];
	_ =	sdelay $0x3  }
0x134: {  	v16 =	vpop (erf)  }
0x135: {  	v17 =	vmul.f32 $4.513049860e-05, v16;
	v18 =	vsub.f32 v16, v3  }
0x136: {  	v19 =	vmul.f32 v16, v16  }
0x137: {  	v20 =	vmul.f32 $3.087543150e-05, v16;
	v5 =	vsub.f32 $3.969362880e-04, v17;
	v6 =	vand.u32 $0x7FFFFFFF, v18  }
0x138: {  	v21 =	vmul.f32 $2.327675930e-06, v16;
	v6 =	vmul.f32 $1.000000000e+01, v6  }
0x139: {  	v22 =	vmul.f32 v19, v19;
	v8 =	vsub.f32 $-5.197104070e-03, v20;
	v5 =	vmul.f32 v5, v19  }
0x13a: {  	v23 =	vmul.f32 $5.000000000e-01, v16;
	v9 =	vsub.f32 $1.250002530e-01, v21;
	v6 =	vtrunc.f32 v6  }
0x13b: {  	v24 =	vmul.f32 $7.231349170e-06, v22;
	v5 =	vadd.f32 v5, v8;
	v6 =	vcvt.f32.s32 v6  }
0x13c: {  	v11 =	vsub.f32 $6.931471820e-01, v23  }
0x13d: {  	v7 =	vmul.f32 v9, v19;
	v5 =	vsub.f32 v5, v24;
	vm5 =	vlt.s32 v6, $0x9  }
0x13e: {  	v3 =	vsub.f32 $1.000000000e+00, v3;
	v6 =	vnsel vm5, $0x9, v6  }
0x13f: {  	v7 =	vadd.f32 v7, v11;
	v5 =	vmul.f32 v5, v22;
	v6 =	vshll.u32 v6, $0x4  }
0x140: {  	v6 =	vor.u32 v2, v6  }
0x141: {  	v3 =	vmul.f32 v16, v3;
	v5 =	vadd.f32 v5, v7;
	_ =	sdelay $0x1  }
0x142: {  	v3 =	vadd.f32 v5, v3;
	_ =	sdelay $0x1  }
0x143: {  	[tilespmem:v6+s14+$0x0] =	vst.idx.add.f32.msk $0xffff, v3  }
0x144: {  	[tilespmem:v6+s15+$0x0] =	vst.idx.add.f32.msk $0xffff, v1  }
0x145: {  	v3 =	vld [tilespmem:s20+$0x100];
	_ =	sdelay $0x4  }
0x146: {  	v3 =	vsub.f32 $0.0e+00, v3;
	_ =	sdelay $0x1  }
0x147: {  	v3 =	vmul.f32 $1.442695020e+00, v3;
	_ =	sdelay $0x1  }
0x148: {  	(erf) = vpow2.f32 v3;
	_ =	sdelay $0x8  }
0x149: {  	v3 =	vpop (erf)  }
0x14a: {  	v3 =	vadd.f32 $1.000000000e+00, v3;
	_ =	sdelay $0x1  }
0x14b: {  	(erf) = vrcp.f32 v3;
	_ =	sdelay $0x4  }
0x14c: {  	v3 =	vld [tilespmem:s20+$0x5D00];
	_ =	sdelay $0x3  }
0x14d: {  	v25 =	vpop (erf)  }
0x14e: {  	v26 =	vmul.f32 $4.513049860e-05, v25;
	v27 =	vsub.f32 v25, v3  }
0x14f: {  	v28 =	vmul.f32 v25, v25  }
0x150: {  	v29 =	vmul.f32 $3.087543150e-05, v25;
	v5 =	vsub.f32 $3.969362880e-04, v26;
	v6 =	vand.u32 $0x7FFFFFFF, v27  }
0x151: {  	v30 =	vmul.f32 $2.327675930e-06, v25;
	v6 =	vmul.f32 $1.000000000e+01, v6  }
0x152: {  	v31 =	vmul.f32 v28, v28;
	v8 =	vsub.f32 $-5.197104070e-03, v29;
	v5 =	vmul.f32 v5, v28  }
0x153: {  	v32 =	vmul.f32 $5.000000000e-01, v25;
	v9 =	vsub.f32 $1.250002530e-01, v30;
	v6 =	vtrunc.f32 v6  }
0x154: {  	v33 =	vmul.f32 $7.231349170e-06, v31;
	v5 =	vadd.f32 v5, v8;
	v6 =	vcvt.f32.s32 v6  }
0x155: {  	v11 =	vsub.f32 $6.931471820e-01, v32  }
0x156: {  	v7 =	vmul.f32 v9, v28;
	v5 =	vsub.f32 v5, v33;
	vm6 =	vlt.s32 v6, $0x9  }
0x157: {  	v3 =	vsub.f32 $1.000000000e+00, v3;
	v6 =	vnsel vm6, $0x9, v6  }
0x158: {  	v7 =	vadd.f32 v7, v11;
	v5 =	vmul.f32 v5, v31;
	v6 =	vshll.u32 v6, $0x4  }
0x159: {  	v6 =	vor.u32 v2, v6  }
0x15a: {  	v3 =	vmul.f32 v25, v3;
	v5 =	vadd.f32 v5, v7;
	_ =	sdelay $0x1  }
0x15b: {  	v3 =	vadd.f32 v5, v3;
	_ =	sdelay $0x1  }
0x15c: {  	[tilespmem:v6+s14+$0x0] =	vst.idx.add.f32.msk $0xffff, v3  }
0x15d: {  	[tilespmem:v6+s15+$0x0] =	vst.idx.add.f32.msk $0xffff, v1  }
0x15e: {  	v3 =	vld [tilespmem:s20+$0x110];
	_ =	sdelay $0x4  }
0x15f: {  	v3 =	vsub.f32 $0.0e+00, v3;
	_ =	sdelay $0x1  }
0x160: {  	v3 =	vmul.f32 $1.442695020e+00, v3;
	_ =	sdelay $0x1  }
0x161: {  	(erf) = vpow2.f32 v3;
	_ =	sdelay $0x8  }
0x162: {  	v3 =	vpop (erf)  }
0x163: {  	v3 =	vadd.f32 $1.000000000e+00, v3;
	_ =	sdelay $0x1  }
0x164: {  	(erf) = vrcp.f32 v3;
	_ =	sdelay $0x4  }
0x165: {  	v3 =	vld [tilespmem:s20+$0x5D10];
	_ =	sdelay $0x3  }
0x166: {  	v34 =	vpop (erf)  }
0x167: {  	v35 =	vmul.f32 $4.513049860e-05, v34;
	v36 =	vsub.f32 v34, v3  }
0x168: {  	v37 =	vmul.f32 v34, v34  }
0x169: {  	v38 =	vmul.f32 $3.087543150e-05, v34;
	v5 =	vsub.f32 $3.969362880e-04, v35;
	v6 =	vand.u32 $0x7FFFFFFF, v36  }
0x16a: {  	v39 =	vmul.f32 $2.327675930e-06, v34;
	v6 =	vmul.f32 $1.000000000e+01, v6  }
0x16b: {  	v40 =	vmul.f32 v37, v37;
	v8 =	vsub.f32 $-5.197104070e-03, v38;
	v5 =	vmul.f32 v5, v37  }
0x16c: {  	v41 =	vmul.f32 $5.000000000e-01, v34;
	v9 =	vsub.f32 $1.250002530e-01, v39;
	v6 =	vtrunc.f32 v6  }
0x16d: {  	v42 =	vmul.f32 $7.231349170e-06, v40;
	v5 =	vadd.f32 v5, v8;
	v6 =	vcvt.f32.s32 v6  }
0x16e: {  	v11 =	vsub.f32 $6.931471820e-01, v41  }
0x16f: {  	v7 =	vmul.f32 v9, v37;
	v5 =	vsub.f32 v5, v42;
	vm7 =	vlt.s32 v6, $0x9  }
0x170: {  	v3 =	vsub.f32 $1.000000000e+00, v3;
	v6 =	vnsel vm7, $0x9, v6  }
0x171: {  	v7 =	vadd.f32 v7, v11;
	v5 =	vmul.f32 v5, v40;
	v6 =	vshll.u32 v6, $0x4  }
0x172: {  	v6 =	vor.u32 v2, v6  }
0x173: {  	v3 =	vmul.f32 v34, v3;
	v5 =	vadd.f32 v5, v7;
	_ =	sdelay $0x1  }
0x174: {  	v3 =	vadd.f32 v5, v3;
	_ =	sdelay $0x1  }
0x175: {  	[tilespmem:v6+s14+$0x0] =	vst.idx.add.f32.msk $0xffff, v3  }
0x176: {  	[tilespmem:v6+s15+$0x0] =	vst.idx.add.f32.msk $0xffff, v1  }
0x177: {  	v3 =	vld [tilespmem:s20+$0x120];
	_ =	sdelay $0x4  }
0x178: {  	v3 =	vsub.f32 $0.0e+00, v3;
	_ =	sdelay $0x1  }
0x179: {  	v3 =	vmul.f32 $1.442695020e+00, v3;
	_ =	sdelay $0x1  }
0x17a: {  	(erf) = vpow2.f32 v3;
	_ =	sdelay $0x8  }
0x17b: {  	v3 =	vpop (erf)  }
0x17c: {  	v3 =	vadd.f32 $1.000000000e+00, v3;
	_ =	sdelay $0x1  }
0x17d: {  	(erf) = vrcp.f32 v3;
	_ =	sdelay $0x4  }
0x17e: {  	v3 =	vld [tilespmem:s20+$0x5D20];
	_ =	sdelay $0x3  }
0x17f: {  	v43 =	vpop (erf)  }
0x180: {  	v44 =	vmul.f32 $4.513049860e-05, v43;
	v45 =	vsub.f32 v43, v3  }
0x181: {  	v46 =	vmul.f32 v43, v43  }
0x182: {  	v47 =	vmul.f32 $3.087543150e-05, v43;
	v5 =	vsub.f32 $3.969362880e-04, v44;
	v6 =	vand.u32 $0x7FFFFFFF, v45  }
0x183: {  	v48 =	vmul.f32 $2.327675930e-06, v43;
	v6 =	vmul.f32 $1.000000000e+01, v6  }
0x184: {  	v49 =	vmul.f32 v46, v46;
	v8 =	vsub.f32 $-5.197104070e-03, v47;
	v5 =	vmul.f32 v5, v46  }
0x185: {  	v50 =	vmul.f32 $5.000000000e-01, v43;
	v9 =	vsub.f32 $1.250002530e-01, v48;
	v6 =	vtrunc.f32 v6  }
0x186: {  	v51 =	vmul.f32 $7.231349170e-06, v49;
	v5 =	vadd.f32 v5, v8;
	v6 =	vcvt.f32.s32 v6  }
0x187: {  	v11 =	vsub.f32 $6.931471820e-01, v50  }
0x188: {  	v7 =	vmul.f32 v9, v46;
	v5 =	vsub.f32 v5, v51;
	vm8 =	vlt.s32 v6, $0x9  }
0x189: {  	v3 =	vsub.f32 $1.000000000e+00, v3;
	v6 =	vnsel vm8, $0x9, v6  }
0x18a: {  	v7 =	vadd.f32 v7, v11;
	v5 =	vmul.f32 v5, v49;
	v6 =	vshll.u32 v6, $0x4  }
0x18b: {  	v6 =	vor.u32 v2, v6  }
0x18c: {  	v3 =	vmul.f32 v43, v3;
	v5 =	vadd.f32 v5, v7;
	_ =	sdelay $0x1  }
0x18d: {  	v3 =	vadd.f32 v5, v3;
	_ =	sdelay $0x1  }
0x18e: {  	[tilespmem:v6+s14+$0x0] =	vst.idx.add.f32.msk $0xffff, v3  }
0x18f: {  	[tilespmem:v6+s15+$0x0] =	vst.idx.add.f32.msk $0xffff, v1  }
0x190: {  	v3 =	vld [tilespmem:s20+$0x130];
	_ =	sdelay $0x4  }
0x191: {  	v3 =	vsub.f32 $0.0e+00, v3;
	_ =	sdelay $0x1  }
0x192: {  	v3 =	vmul.f32 $1.442695020e+00, v3;
	_ =	sdelay $0x1  }
0x193: {  	(erf) = vpow2.f32 v3;
	_ =	sdelay $0x8  }
0x194: {  	v3 =	vpop (erf)  }
0x195: {  	v3 =	vadd.f32 $1.000000000e+00, v3;
	_ =	sdelay $0x1  }
0x196: {  	(erf) = vrcp.f32 v3;
	_ =	sdelay $0x4  }
0x197: {  	v3 =	vld [tilespmem:s20+$0x5D30];
	_ =	sdelay $0x3  }
0x198: {  	v52 =	vpop (erf)  }
0x199: {  	v53 =	vmul.f32 $4.513049860e-05, v52;
	v54 =	vsub.f32 v52, v3  }
0x19a: {  	v55 =	vmul.f32 v52, v52  }
0x19b: {  	v56 =	vmul.f32 $3.087543150e-05, v52;
	v5 =	vsub.f32 $3.969362880e-04, v53;
	v6 =	vand.u32 $0x7FFFFFFF, v54  }
0x19c: {  	v57 =	vmul.f32 $2.327675930e-06, v52;
	v6 =	vmul.f32 $1.000000000e+01, v6  }
0x19d: {  	v58 =	vmul.f32 v55, v55;
	v8 =	vsub.f32 $-5.197104070e-03, v56;
	v5 =	vmul.f32 v5, v55  }
0x19e: {  	v59 =	vmul.f32 $5.000000000e-01, v52;
	v9 =	vsub.f32 $1.250002530e-01, v57;
	v6 =	vtrunc.f32 v6  }
0x19f: {  	v60 =	vmul.f32 $7.231349170e-06, v58;
	v5 =	vadd.f32 v5, v8;
	v6 =	vcvt.f32.s32 v6  }
0x1a0: {  	v11 =	vsub.f32 $6.931471820e-01, v59  }
0x1a1: {  	v7 =	vmul.f32 v9, v55;
	v5 =	vsub.f32 v5, v60;
	vm9 =	vlt.s32 v6, $0x9  }
0x1a2: {  	v3 =	vsub.f32 $1.000000000e+00, v3;
	v6 =	vnsel vm9, $0x9, v6  }
0x1a3: {  	v7 =	vadd.f32 v7, v11;
	v5 =	vmul.f32 v5, v58;
	v6 =	vshll.u32 v6, $0x4  }
0x1a4: {  	v6 =	vor.u32 v2, v6  }
0x1a5: {  	v3 =	vmul.f32 v52, v3;
	v5 =	vadd.f32 v5, v7;
	_ =	sdelay $0x1  }
0x1a6: {  	v3 =	vadd.f32 v5, v3;
	_ =	sdelay $0x1  }
0x1a7: {  	[tilespmem:v6+s14+$0x0] =	vst.idx.add.f32.msk $0xffff, v3  }
0x1a8: {  	[tilespmem:v6+s15+$0x0] =	vst.idx.add.f32.msk $0xffff, v1  }
0x1a9: {  	v3 =	vld [tilespmem:s20+$0x140];
	_ =	sdelay $0x4  }
0x1aa: {  	v3 =	vsub.f32 $0.0e+00, v3;
	_ =	sdelay $0x1  }
0x1ab: {  	v3 =	vmul.f32 $1.442695020e+00, v3;
	_ =	sdelay $0x1  }
0x1ac: {  	(erf) = vpow2.f32 v3;
	_ =	sdelay $0x8  }
0x1ad: {  	v3 =	vpop (erf)  }
0x1ae: {  	v3 =	vadd.f32 $1.000000000e+00, v3;
	_ =	sdelay $0x1  }
0x1af: {  	(erf) = vrcp.f32 v3;
	_ =	sdelay $0x4  }
0x1b0: {  	v3 =	vld [tilespmem:s20+$0x5D40];
	_ =	sdelay $0x3  }
0x1b1: {  	v61 =	vpop (erf)  }
0x1b2: {  	v62 =	vmul.f32 $4.513049860e-05, v61;
	v63 =	vsub.f32 v61, v3  }
0x1b3: {  	v12 =	vmul.f32 v61, v61  }
0x1b4: {  	v13 =	vmul.f32 $3.087543150e-05, v61;
	v5 =	vsub.f32 $3.969362880e-04, v62;
	v6 =	vand.u32 $0x7FFFFFFF, v63  }
0x1b5: {  	v14 =	vmul.f32 $2.327675930e-06, v61;
	v6 =	vmul.f32 $1.000000000e+01, v6  }
0x1b6: {  	v15 =	vmul.f32 v12, v12;
	v8 =	vsub.f32 $-5.197104070e-03, v13;
	v5 =	vmul.f32 v5, v12  }
0x1b7: {  	v16 =	vmul.f32 $5.000000000e-01, v61;
	v9 =	vsub.f32 $1.250002530e-01, v14;
	v6 =	vtrunc.f32 v6  }
0x1b8: {  	v17 =	vmul.f32 $7.231349170e-06, v15;
	v5 =	vadd.f32 v5, v8;
	v6 =	vcvt.f32.s32 v6  }
0x1b9: {  	v11 =	vsub.f32 $6.931471820e-01, v16  }
0x1ba: {  	v7 =	vmul.f32 v9, v12;
	v5 =	vsub.f32 v5, v17;
	vm10 =	vlt.s32 v6, $0x9  }
0x1bb: {  	v3 =	vsub.f32 $1.000000000e+00, v3;
	v6 =	vnsel vm10, $0x9, v6  }
0x1bc: {  	v7 =	vadd.f32 v7, v11;
	v5 =	vmul.f32 v5, v15;
	v6 =	vshll.u32 v6, $0x4  }
0x1bd: {  	v6 =	vor.u32 v2, v6  }
0x1be: {  	v3 =	vmul.f32 v61, v3;
	v5 =	vadd.f32 v5, v7;
	_ =	sdelay $0x1  }
0x1bf: {  	v3 =	vadd.f32 v5, v3;
	_ =	sdelay $0x1  }
0x1c0: {  	[tilespmem:v6+s14+$0x0] =	vst.idx.add.f32.msk $0xffff, v3  }
0x1c1: {  	[tilespmem:v6+s15+$0x0] =	vst.idx.add.f32.msk $0xffff, v1  }
0x1c2: {  	v3 =	vld [tilespmem:s20+$0x180];
	_ =	sdelay $0x4  }
0x1c3: {  	v3 =	vsub.f32 $0.0e+00, v3;
	_ =	sdelay $0x1  }
0x1c4: {  	v3 =	vmul.f32 $1.442695020e+00, v3;
	_ =	sdelay $0x1  }
0x1c5: {  	(erf) = vpow2.f32 v3;
	_ =	sdelay $0x8  }
0x1c6: {  	v3 =	vpop (erf)  }
0x1c7: {  	v3 =	vadd.f32 $1.000000000e+00, v3;
	_ =	sdelay $0x1  }
0x1c8: {  	(erf) = vrcp.f32 v3;
	_ =	sdelay $0x4  }
0x1c9: {  	v3 =	vld [tilespmem:s20+$0x5D80];
	_ =	sdelay $0x3  }
0x1ca: {  	v18 =	vpop (erf)  }
0x1cb: {  	v19 =	vmul.f32 $4.513049860e-05, v18;
	v20 =	vsub.f32 v18, v3  }
0x1cc: {  	v21 =	vmul.f32 v18, v18  }
0x1cd: {  	v22 =	vmul.f32 $3.087543150e-05, v18;
	v5 =	vsub.f32 $3.969362880e-04, v19;
	v6 =	vand.u32 $0x7FFFFFFF, v20  }
0x1ce: {  	v23 =	vmul.f32 $2.327675930e-06, v18;
	v6 =	vmul.f32 $1.000000000e+01, v6  }
0x1cf: {  	v24 =	vmul.f32 v21, v21;
	v8 =	vsub.f32 $-5.197104070e-03, v22;
	v5 =	vmul.f32 v5, v21  }
0x1d0: {  	v25 =	vmul.f32 $5.000000000e-01, v18;
	v9 =	vsub.f32 $1.250002530e-01, v23;
	v6 =	vtrunc.f32 v6  }
0x1d1: {  	v26 =	vmul.f32 $7.231349170e-06, v24;
	v5 =	vadd.f32 v5, v8;
	v6 =	vcvt.f32.s32 v6  }
0x1d2: {  	v11 =	vsub.f32 $6.931471820e-01, v25  }
0x1d3: {  	v7 =	vmul.f32 v9, v21;
	v5 =	vsub.f32 v5, v26;
	vm11 =	vlt.s32 v6, $0x9  }
0x1d4: {  	v3 =	vsub.f32 $1.000000000e+00, v3;
	v6 =	vnsel vm11, $0x9, v6  }
0x1d5: {  	v7 =	vadd.f32 v7, v11;
	v5 =	vmul.f32 v5, v24;
	v6 =	vshll.u32 v6, $0x4  }
0x1d6: {  	v6 =	vor.u32 v2, v6  }
0x1d7: {  	v3 =	vmul.f32 v18, v3;
	v5 =	vadd.f32 v5, v7;
	_ =	sdelay $0x1  }
0x1d8: {  	v3 =	vadd.f32 v5, v3;
	_ =	sdelay $0x1  }
0x1d9: {  	[tilespmem:v6+s14+$0x0] =	vst.idx.add.f32.msk $0xffff, v3  }
0x1da: {  	[tilespmem:v6+s15+$0x0] =	vst.idx.add.f32.msk $0xffff, v1  }
0x1db: {  	v3 =	vld [tilespmem:s20+$0x190];
	_ =	sdelay $0x4  }
0x1dc: {  	v3 =	vsub.f32 $0.0e+00, v3;
	_ =	sdelay $0x1  }
0x1dd: {  	v3 =	vmul.f32 $1.442695020e+00, v3;
	_ =	sdelay $0x1  }
0x1de: {  	(erf) = vpow2.f32 v3;
	_ =	sdelay $0x8  }
0x1df: {  	v3 =	vpop (erf)  }
0x1e0: {  	v3 =	vadd.f32 $1.000000000e+00, v3;
	_ =	sdelay $0x1  }
0x1e1: {  	(erf) = vrcp.f32 v3;
	_ =	sdelay $0x4  }
0x1e2: {  	v3 =	vld [tilespmem:s20+$0x5D90];
	_ =	sdelay $0x3  }
0x1e3: {  	v27 =	vpop (erf)  }
0x1e4: {  	v28 =	vmul.f32 $4.513049860e-05, v27;
	v29 =	vsub.f32 v27, v3  }
0x1e5: {  	v30 =	vmul.f32 v27, v27  }
0x1e6: {  	v31 =	vmul.f32 $3.087543150e-05, v27;
	v5 =	vsub.f32 $3.969362880e-04, v28;
	v6 =	vand.u32 $0x7FFFFFFF, v29  }
0x1e7: {  	v32 =	vmul.f32 $2.327675930e-06, v27;
	v6 =	vmul.f32 $1.000000000e+01, v6  }
0x1e8: {  	v33 =	vmul.f32 v30, v30;
	v8 =	vsub.f32 $-5.197104070e-03, v31;
	v5 =	vmul.f32 v5, v30  }
0x1e9: {  	v34 =	vmul.f32 $5.000000000e-01, v27;
	v9 =	vsub.f32 $1.250002530e-01, v32;
	v6 =	vtrunc.f32 v6  }
0x1ea: {  	v35 =	vmul.f32 $7.231349170e-06, v33;
	v5 =	vadd.f32 v5, v8;
	v6 =	vcvt.f32.s32 v6  }
0x1eb: {  	v11 =	vsub.f32 $6.931471820e-01, v34  }
0x1ec: {  	v7 =	vmul.f32 v9, v30;
	v5 =	vsub.f32 v5, v35;
	vm12 =	vlt.s32 v6, $0x9  }
0x1ed: {  	v3 =	vsub.f32 $1.000000000e+00, v3;
	v6 =	vnsel vm12, $0x9, v6  }
0x1ee: {  	v7 =	vadd.f32 v7, v11;
	v5 =	vmul.f32 v5, v33;
	v6 =	vshll.u32 v6, $0x4  }
0x1ef: {  	v6 =	vor.u32 v2, v6  }
0x1f0: {  	v3 =	vmul.f32 v27, v3;
	v5 =	vadd.f32 v5, v7;
	_ =	sdelay $0x1  }
0x1f1: {  	v3 =	vadd.f32 v5, v3;
	_ =	sdelay $0x1  }
0x1f2: {  	[tilespmem:v6+s14+$0x0] =	vst.idx.add.f32.msk $0xffff, v3  }
0x1f3: {  	[tilespmem:v6+s15+$0x0] =	vst.idx.add.f32.msk $0xffff, v1  }
0x1f4: {  	v3 =	vld [tilespmem:s20+$0x1A0];
	_ =	sdelay $0x4  }
0x1f5: {  	v3 =	vsub.f32 $0.0e+00, v3;
	_ =	sdelay $0x1  }
0x1f6: {  	v3 =	vmul.f32 $1.442695020e+00, v3;
	_ =	sdelay $0x1  }
0x1f7: {  	(erf) = vpow2.f32 v3;
	_ =	sdelay $0x8  }
0x1f8: {  	v3 =	vpop (erf)  }
0x1f9: {  	v3 =	vadd.f32 $1.000000000e+00, v3;
	_ =	sdelay $0x1  }
0x1fa: {  	(erf) = vrcp.f32 v3;
	_ =	sdelay $0x4  }
0x1fb: {  	v3 =	vld [tilespmem:s20+$0x5DA0];
	_ =	sdelay $0x3  }
0x1fc: {  	v36 =	vpop (erf)  }
0x1fd: {  	v37 =	vmul.f32 $4.513049860e-05, v36;
	v38 =	vsub.f32 v36, v3  }
0x1fe: {  	v39 =	vmul.f32 v36, v36  }
0x1ff: {  	v40 =	vmul.f32 $3.087543150e-05, v36;
	v5 =	vsub.f32 $3.969362880e-04, v37;
	v6 =	vand.u32 $0x7FFFFFFF, v38  }
0x200: {  	v41 =	vmul.f32 $2.327675930e-06, v36;
	v6 =	vmul.f32 $1.000000000e+01, v6  }
0x201: {  	v42 =	vmul.f32 v39, v39;
	v8 =	vsub.f32 $-5.197104070e-03, v40;
	v5 =	vmul.f32 v5, v39  }
0x202: {  	v43 =	vmul.f32 $5.000000000e-01, v36;
	v9 =	vsub.f32 $1.250002530e-01, v41;
	v6 =	vtrunc.f32 v6  }
0x203: {  	v44 =	vmul.f32 $7.231349170e-06, v42;
	v5 =	vadd.f32 v5, v8;
	v6 =	vcvt.f32.s32 v6  }
0x204: {  	v11 =	vsub.f32 $6.931471820e-01, v43  }
0x205: {  	v7 =	vmul.f32 v9, v39;
	v5 =	vsub.f32 v5, v44;
	vm13 =	vlt.s32 v6, $0x9  }
0x206: {  	v3 =	vsub.f32 $1.000000000e+00, v3;
	v6 =	vnsel vm13, $0x9, v6  }
0x207: {  	v7 =	vadd.f32 v7, v11;
	v5 =	vmul.f32 v5, v42;
	v6 =	vshll.u32 v6, $0x4  }
0x208: {  	v6 =	vor.u32 v2, v6  }
0x209: {  	v3 =	vmul.f32 v36, v3;
	v5 =	vadd.f32 v5, v7;
	_ =	sdelay $0x1  }
0x20a: {  	v3 =	vadd.f32 v5, v3;
	_ =	sdelay $0x1  }
0x20b: {  	[tilespmem:v6+s14+$0x0] =	vst.idx.add.f32.msk $0xffff, v3  }
0x20c: {  	[tilespmem:v6+s15+$0x0] =	vst.idx.add.f32.msk $0xffff, v1  }
0x20d: {  	v3 =	vld [tilespmem:s20+$0x1B0];
	_ =	sdelay $0x4  }
0x20e: {  	v3 =	vsub.f32 $0.0e+00, v3;
	_ =	sdelay $0x1  }
0x20f: {  	v3 =	vmul.f32 $1.442695020e+00, v3;
	_ =	sdelay $0x1  }
0x210: {  	(erf) = vpow2.f32 v3;
	_ =	sdelay $0x8  }
0x211: {  	v3 =	vpop (erf)  }
0x212: {  	v3 =	vadd.f32 $1.000000000e+00, v3;
	_ =	sdelay $0x1  }
0x213: {  	(erf) = vrcp.f32 v3;
	_ =	sdelay $0x4  }
0x214: {  	v3 =	vld [tilespmem:s20+$0x5DB0];
	_ =	sdelay $0x3  }
0x215: {  	v45 =	vpop (erf)  }
0x216: {  	v46 =	vmul.f32 $4.513049860e-05, v45;
	v47 =	vsub.f32 v45, v3  }
0x217: {  	v48 =	vmul.f32 v45, v45  }
0x218: {  	v49 =	vmul.f32 $3.087543150e-05, v45;
	v5 =	vsub.f32 $3.969362880e-04, v46;
	v6 =	vand.u32 $0x7FFFFFFF, v47  }
0x219: {  	v50 =	vmul.f32 $2.327675930e-06, v45;
	v6 =	vmul.f32 $1.000000000e+01, v6  }
0x21a: {  	v51 =	vmul.f32 v48, v48;
	v8 =	vsub.f32 $-5.197104070e-03, v49;
	v5 =	vmul.f32 v5, v48  }
0x21b: {  	v52 =	vmul.f32 $5.000000000e-01, v45;
	v9 =	vsub.f32 $1.250002530e-01, v50;
	v6 =	vtrunc.f32 v6  }
0x21c: {  	v53 =	vmul.f32 $7.231349170e-06, v51;
	v5 =	vadd.f32 v5, v8;
	v6 =	vcvt.f32.s32 v6  }
0x21d: {  	v11 =	vsub.f32 $6.931471820e-01, v52  }
0x21e: {  	v7 =	vmul.f32 v9, v48;
	v5 =	vsub.f32 v5, v53;
	vm14 =	vlt.s32 v6, $0x9  }
0x21f: {  	v3 =	vsub.f32 $1.000000000e+00, v3;
	v6 =	vnsel vm14, $0x9, v6  }
0x220: {  	v7 =	vadd.f32 v7, v11;
	v5 =	vmul.f32 v5, v51;
	v6 =	vshll.u32 v6, $0x4  }
0x221: {  	v6 =	vor.u32 v2, v6  }
0x222: {  	v3 =	vmul.f32 v45, v3;
	v5 =	vadd.f32 v5, v7;
	_ =	sdelay $0x1  }
0x223: {  	v3 =	vadd.f32 v5, v3;
	_ =	sdelay $0x1  }
0x224: {  	[tilespmem:v6+s14+$0x0] =	vst.idx.add.f32.msk $0xffff, v3  }
0x225: {  	[tilespmem:v6+s15+$0x0] =	vst.idx.add.f32.msk $0xffff, v1  }
0x226: {  	v3 =	vld [tilespmem:s20+$0x1C0];
	_ =	sdelay $0x4  }
0x227: {  	v3 =	vsub.f32 $0.0e+00, v3;
	_ =	sdelay $0x1  }
0x228: {  	v3 =	vmul.f32 $1.442695020e+00, v3;
	_ =	sdelay $0x1  }
0x229: {  	(erf) = vpow2.f32 v3;
	_ =	sdelay $0x8  }
0x22a: {  	v3 =	vpop (erf)  }
0x22b: {  	v3 =	vadd.f32 $1.000000000e+00, v3;
	_ =	sdelay $0x1  }
0x22c: {  	(erf) = vrcp.f32 v3;
	_ =	sdelay $0x4  }
0x22d: {  	v3 =	vld [tilespmem:s20+$0x5DC0];
	_ =	sdelay $0x3  }
0x22e: {  	v54 =	vpop (erf)  }
0x22f: {  	v55 =	vmul.f32 $4.513049860e-05, v54;
	v56 =	vsub.f32 v54, v3  }
0x230: {  	v57 =	vmul.f32 v54, v54  }
0x231: {  	v58 =	vmul.f32 $3.087543150e-05, v54;
	v5 =	vsub.f32 $3.969362880e-04, v55;
	v6 =	vand.u32 $0x7FFFFFFF, v56  }
0x232: {  	v59 =	vmul.f32 $2.327675930e-06, v54;
	v6 =	vmul.f32 $1.000000000e+01, v6  }
0x233: {  	v60 =	vmul.f32 v57, v57;
	v8 =	vsub.f32 $-5.197104070e-03, v58;
	v5 =	vmul.f32 v5, v57  }
0x234: {  	v61 =	vmul.f32 $5.000000000e-01, v54;
	v9 =	vsub.f32 $1.250002530e-01, v59;
	v6 =	vtrunc.f32 v6  }
0x235: {  	v62 =	vmul.f32 $7.231349170e-06, v60;
	v5 =	vadd.f32 v5, v8;
	v6 =	vcvt.f32.s32 v6  }
0x236: {  	v63 =	vsub.f32 $6.931471820e-01, v61  }
0x237: {  	v7 =	vmul.f32 v9, v57;
	v5 =	vsub.f32 v5, v62;
	vm15 =	vlt.s32 v6, $0x9  }
0x238: {  	v3 =	vsub.f32 $1.000000000e+00, v3;
	v6 =	vnsel vm15, $0x9, v6  }
0x239: {  	v7 =	vadd.f32 v7, v63;
	v5 =	vmul.f32 v5, v60;
	v6 =	vshll.u32 v6, $0x4  }
0x23a: {  	v6 =	vor.u32 v2, v6  }
0x23b: {  	p1 =	sne.s32 s19, $0x16800;
	v3 =	vmul.f32 v54, v3;
	v5 =	vadd.f32 v5, v7  }
.Ltmp2:
0x23c: {  	_ = 	snop;
	(pc) =	sbr.rel @p1 .LBB2_3-.Ltmp2, $3  }
0x23d: {  	v3 =	vadd.f32 v5, v3;
	_ =	sdelay $0x1  }
0x23e: {  	[tilespmem:v6+s14+$0x0] =	vst.idx.add.f32.msk $0xffff, v3  }
0x23f: {  	s19 =	sadd.s32 $0x800, s19;
	[tilespmem:v6+s15+$0x0] =	vst.idx.add.f32.msk $0xffff, v1  }
0x240: {  	s18 =	sadd.s32 $0x1, s18  }
0x241: {  	p1 =	sne.s32 s18, $0x10  }
.Ltmp3:
0x242: {  	_ = 	snop;
	(pc) =	sbr.rel @p1 .LBB2_2-.Ltmp3, $1  }
0x243: {  	_ =	sdelay $0x3  }
.Ltmp4:
0x244: {  	(pc) =	sbr.rel @!p0 .LBB2_6-.Ltmp4, $2  }
0x245: {  	_ =	sdelay $0x2  }
0x246: {  	s18 =	simm.s32 $0x0  }
0x247: {  	[tilespmem:s18], [sflag:$0x1] =	stream.linear.gather [hbm4b:s8+s18], $0x2C00, $0x38;
	[tilespmem:$0xBE00] =	vst v63  }
0x248: {  	_ =	swait.ge [sflag:s12], $0x2C00  }
0x249: {  	[sflag:s12] =	ssyncset.done $0x0  }
0x24a: {  	[sflag:s12] =	ssyncadd.s32 $0xFFFFD400  }
0x24b: {  	[tilespmem:s13], [sflag:$0x1] =	stream.linear.gather [hbm4b:s9+s18], $0x2C00, $0x38;
	[tilespmem:$0xBE00] =	vst v63  }
0x24c: {  	_ =	swait.ge [sflag:s12], $0x2C00  }
0x24d: {  	[sflag:s12] =	ssyncset.done $0x0  }
0x24e: {  	[sflag:s12] =	ssyncadd.s32 $0xFFFFD400  }
.LBB2_9:
0x24f: {  	s19 =	sshra.s32 s18, $0x2  }
0x250: {  	v3 =	vld [tilespmem:s19+$0x0];
	_ =	sdelay $0x4  }
0x251: {  	v3 =	vsub.f32 $0.0e+00, v3;
	_ =	sdelay $0x1  }
0x252: {  	v3 =	vmul.f32 $1.442695020e+00, v3;
	_ =	sdelay $0x1  }
0x253: {  	(erf) = vpow2.f32 v3;
	_ =	sdelay $0x8  }
0x254: {  	v3 =	vpop (erf)  }
0x255: {  	v3 =	vadd.f32 $1.000000000e+00, v3;
	_ =	sdelay $0x1  }
0x256: {  	(erf) = vrcp.f32 v3;
	_ =	sdelay $0x4  }
0x257: {  	v3 =	vld [tilespmem:s19+$0x5C00];
	_ =	sdelay $0x3  }
0x258: {  	v4 =	vpop (erf)  }
0x259: {  	v5 =	vmul.f32 $4.513049860e-05, v4;
	v6 =	vsub.f32 v4, v3  }
0x25a: {  	v7 =	vmul.f32 v4, v4  }
0x25b: {  	v8 =	vmul.f32 $3.087543150e-05, v4;
	v5 =	vsub.f32 $3.969362880e-04, v5;
	v6 =	vand.u32 $0x7FFFFFFF, v6  }
0x25c: {  	v9 =	vmul.f32 $2.327675930e-06, v4;
	v6 =	vmul.f32 $1.000000000e+01, v6  }
0x25d: {  	v10 =	vmul.f32 v7, v7;
	v8 =	vsub.f32 $-5.197104070e-03, v8;
	v5 =	vmul.f32 v5, v7  }
0x25e: {  	v11 =	vmul.f32 $5.000000000e-01, v4;
	v9 =	vsub.f32 $1.250002530e-01, v9;
	v6 =	vtrunc.f32 v6  }
0x25f: {  	v47 =	vmul.f32 $7.231349170e-06, v10;
	v5 =	vadd.f32 v5, v8;
	v6 =	vcvt.f32.s32 v6  }
0x260: {  	v11 =	vsub.f32 $6.931471820e-01, v11  }
0x261: {  	v7 =	vmul.f32 v9, v7;
	v5 =	vsub.f32 v5, v47;
	vm0 =	vlt.s32 v6, $0x9  }
0x262: {  	v3 =	vsub.f32 $1.000000000e+00, v3;
	v6 =	vnsel vm0, $0x9, v6  }
0x263: {  	v7 =	vadd.f32 v7, v11;
	v5 =	vmul.f32 v5, v10;
	v6 =	vshll.u32 v6, $0x4  }
0x264: {  	v6 =	vor.u32 v2, v6  }
0x265: {  	v3 =	vmul.f32 v4, v3;
	v5 =	vadd.f32 v5, v7;
	_ =	sdelay $0x1  }
0x266: {  	v3 =	vadd.f32 v5, v3;
	_ =	sdelay $0x1  }
0x267: {  	[tilespmem:v6+s14+$0x0] =	vst.idx.add.f32.msk $0xffff, v3  }
0x268: {  	[tilespmem:v6+s15+$0x0] =	vst.idx.add.f32.msk $0xffff, v1  }
0x269: {  	v3 =	vld [tilespmem:s19+$0x10];
	_ =	sdelay $0x4  }
0x26a: {  	v3 =	vsub.f32 $0.0e+00, v3;
	_ =	sdelay $0x1  }
0x26b: {  	v3 =	vmul.f32 $1.442695020e+00, v3;
	_ =	sdelay $0x1  }
0x26c: {  	(erf) = vpow2.f32 v3;
	_ =	sdelay $0x8  }
0x26d: {  	v3 =	vpop (erf)  }
0x26e: {  	v3 =	vadd.f32 $1.000000000e+00, v3;
	_ =	sdelay $0x1  }
0x26f: {  	(erf) = vrcp.f32 v3;
	_ =	sdelay $0x4  }
0x270: {  	v3 =	vld [tilespmem:s19+$0x5C10];
	_ =	sdelay $0x3  }
0x271: {  	v48 =	vpop (erf)  }
0x272: {  	v49 =	vmul.f32 $4.513049860e-05, v48;
	v50 =	vsub.f32 v48, v3  }
0x273: {  	v51 =	vmul.f32 v48, v48  }
0x274: {  	v52 =	vmul.f32 $3.087543150e-05, v48;
	v5 =	vsub.f32 $3.969362880e-04, v49;
	v6 =	vand.u32 $0x7FFFFFFF, v50  }
0x275: {  	v53 =	vmul.f32 $2.327675930e-06, v48;
	v6 =	vmul.f32 $1.000000000e+01, v6  }
0x276: {  	v54 =	vmul.f32 v51, v51;
	v8 =	vsub.f32 $-5.197104070e-03, v52;
	v5 =	vmul.f32 v5, v51  }
0x277: {  	v55 =	vmul.f32 $5.000000000e-01, v48;
	v9 =	vsub.f32 $1.250002530e-01, v53;
	v6 =	vtrunc.f32 v6  }
0x278: {  	v56 =	vmul.f32 $7.231349170e-06, v54;
	v5 =	vadd.f32 v5, v8;
	v6 =	vcvt.f32.s32 v6  }
0x279: {  	v11 =	vsub.f32 $6.931471820e-01, v55  }
0x27a: {  	v7 =	vmul.f32 v9, v51;
	v5 =	vsub.f32 v5, v56;
	vm9 =	vlt.s32 v6, $0x9  }
0x27b: {  	v3 =	vsub.f32 $1.000000000e+00, v3;
	v6 =	vnsel vm9, $0x9, v6  }
0x27c: {  	v7 =	vadd.f32 v7, v11;
	v5 =	vmul.f32 v5, v54;
	v6 =	vshll.u32 v6, $0x4  }
0x27d: {  	v6 =	vor.u32 v2, v6  }
0x27e: {  	v3 =	vmul.f32 v48, v3;
	v5 =	vadd.f32 v5, v7;
	_ =	sdelay $0x1  }
0x27f: {  	v3 =	vadd.f32 v5, v3;
	_ =	sdelay $0x1  }
0x280: {  	[tilespmem:v6+s14+$0x0] =	vst.idx.add.f32.msk $0xffff, v3  }
0x281: {  	[tilespmem:v6+s15+$0x0] =	vst.idx.add.f32.msk $0xffff, v1  }
0x282: {  	v3 =	vld [tilespmem:s19+$0x20];
	_ =	sdelay $0x4  }
0x283: {  	v3 =	vsub.f32 $0.0e+00, v3;
	_ =	sdelay $0x1  }
0x284: {  	v3 =	vmul.f32 $1.442695020e+00, v3;
	_ =	sdelay $0x1  }
0x285: {  	(erf) = vpow2.f32 v3;
	_ =	sdelay $0x8  }
0x286: {  	v3 =	vpop (erf)  }
0x287: {  	v3 =	vadd.f32 $1.000000000e+00, v3;
	_ =	sdelay $0x1  }
0x288: {  	(erf) = vrcp.f32 v3;
	_ =	sdelay $0x4  }
0x289: {  	v3 =	vld [tilespmem:s19+$0x5C20];
	_ =	sdelay $0x3  }
0x28a: {  	v57 =	vpop (erf)  }
0x28b: {  	v58 =	vmul.f32 $4.513049860e-05, v57;
	v59 =	vsub.f32 v57, v3  }
0x28c: {  	v60 =	vmul.f32 v57, v57  }
0x28d: {  	v61 =	vmul.f32 $3.087543150e-05, v57;
	v5 =	vsub.f32 $3.969362880e-04, v58;
	v6 =	vand.u32 $0x7FFFFFFF, v59  }
0x28e: {  	v62 =	vmul.f32 $2.327675930e-06, v57;
	v6 =	vmul.f32 $1.000000000e+01, v6  }
0x28f: {  	v63 =	vmul.f32 v60, v60;
	v8 =	vsub.f32 $-5.197104070e-03, v61;
	v5 =	vmul.f32 v5, v60  }
0x290: {  	v12 =	vmul.f32 $5.000000000e-01, v57;
	v9 =	vsub.f32 $1.250002530e-01, v62;
	v6 =	vtrunc.f32 v6  }
0x291: {  	v13 =	vmul.f32 $7.231349170e-06, v63;
	v5 =	vadd.f32 v5, v8;
	v6 =	vcvt.f32.s32 v6  }
0x292: {  	v11 =	vsub.f32 $6.931471820e-01, v12  }
0x293: {  	v7 =	vmul.f32 v9, v60;
	v5 =	vsub.f32 v5, v13;
	vm10 =	vlt.s32 v6, $0x9  }
0x294: {  	v3 =	vsub.f32 $1.000000000e+00, v3;
	v6 =	vnsel vm10, $0x9, v6  }
0x295: {  	v7 =	vadd.f32 v7, v11;
	v5 =	vmul.f32 v5, v63;
	v6 =	vshll.u32 v6, $0x4  }
0x296: {  	v6 =	vor.u32 v2, v6  }
0x297: {  	v3 =	vmul.f32 v57, v3;
	v5 =	vadd.f32 v5, v7;
	_ =	sdelay $0x1  }
0x298: {  	v3 =	vadd.f32 v5, v3;
	_ =	sdelay $0x1  }
0x299: {  	[tilespmem:v6+s14+$0x0] =	vst.idx.add.f32.msk $0xffff, v3  }
0x29a: {  	[tilespmem:v6+s15+$0x0] =	vst.idx.add.f32.msk $0xffff, v1  }
0x29b: {  	v3 =	vld [tilespmem:s19+$0x30];
	_ =	sdelay $0x4  }
0x29c: {  	v3 =	vsub.f32 $0.0e+00, v3;
	_ =	sdelay $0x1  }
0x29d: {  	v3 =	vmul.f32 $1.442695020e+00, v3;
	_ =	sdelay $0x1  }
0x29e: {  	(erf) = vpow2.f32 v3;
	_ =	sdelay $0x8  }
0x29f: {  	v3 =	vpop (erf)  }
0x2a0: {  	v3 =	vadd.f32 $1.000000000e+00, v3;
	_ =	sdelay $0x1  }
0x2a1: {  	(erf) = vrcp.f32 v3;
	_ =	sdelay $0x4  }
0x2a2: {  	v3 =	vld [tilespmem:s19+$0x5C30];
	_ =	sdelay $0x3  }
0x2a3: {  	v14 =	vpop (erf)  }
0x2a4: {  	v15 =	vmul.f32 $4.513049860e-05, v14;
	v16 =	vsub.f32 v14, v3  }
0x2a5: {  	v17 =	vmul.f32 v14, v14  }
0x2a6: {  	v18 =	vmul.f32 $3.087543150e-05, v14;
	v5 =	vsub.f32 $3.969362880e-04, v15;
	v6 =	vand.u32 $0x7FFFFFFF, v16  }
0x2a7: {  	v19 =	vmul.f32 $2.327675930e-06, v14;
	v6 =	vmul.f32 $1.000000000e+01, v6  }
0x2a8: {  	v20 =	vmul.f32 v17, v17;
	v8 =	vsub.f32 $-5.197104070e-03, v18;
	v5 =	vmul.f32 v5, v17  }
0x2a9: {  	v21 =	vmul.f32 $5.000000000e-01, v14;
	v9 =	vsub.f32 $1.250002530e-01, v19;
	v6 =	vtrunc.f32 v6  }
0x2aa: {  	v22 =	vmul.f32 $7.231349170e-06, v20;
	v5 =	vadd.f32 v5, v8;
	v6 =	vcvt.f32.s32 v6  }
0x2ab: {  	v11 =	vsub.f32 $6.931471820e-01, v21  }
0x2ac: {  	v7 =	vmul.f32 v9, v17;
	v5 =	vsub.f32 v5, v22;
	vm11 =	vlt.s32 v6, $0x9  }
0x2ad: {  	v3 =	vsub.f32 $1.000000000e+00, v3;
	v6 =	vnsel vm11, $0x9, v6  }
0x2ae: {  	v7 =	vadd.f32 v7, v11;
	v5 =	vmul.f32 v5, v20;
	v6 =	vshll.u32 v6, $0x4  }
0x2af: {  	v6 =	vor.u32 v2, v6  }
0x2b0: {  	v3 =	vmul.f32 v14, v3;
	v5 =	vadd.f32 v5, v7;
	_ =	sdelay $0x1  }
0x2b1: {  	v3 =	vadd.f32 v5, v3;
	_ =	sdelay $0x1  }
0x2b2: {  	[tilespmem:v6+s14+$0x0] =	vst.idx.add.f32.msk $0xffff, v3  }
0x2b3: {  	[tilespmem:v6+s15+$0x0] =	vst.idx.add.f32.msk $0xffff, v1  }
0x2b4: {  	v3 =	vld [tilespmem:s19+$0x40];
	_ =	sdelay $0x4  }
0x2b5: {  	v3 =	vsub.f32 $0.0e+00, v3;
	_ =	sdelay $0x1  }
0x2b6: {  	v3 =	vmul.f32 $1.442695020e+00, v3;
	_ =	sdelay $0x1  }
0x2b7: {  	(erf) = vpow2.f32 v3;
	_ =	sdelay $0x8  }
0x2b8: {  	v3 =	vpop (erf)  }
0x2b9: {  	v3 =	vadd.f32 $1.000000000e+00, v3;
	_ =	sdelay $0x1  }
0x2ba: {  	(erf) = vrcp.f32 v3;
	_ =	sdelay $0x4  }
0x2bb: {  	v3 =	vld [tilespmem:s19+$0x5C40];
	_ =	sdelay $0x3  }
0x2bc: {  	v23 =	vpop (erf)  }
0x2bd: {  	v24 =	vmul.f32 $4.513049860e-05, v23;
	v25 =	vsub.f32 v23, v3  }
0x2be: {  	v26 =	vmul.f32 v23, v23  }
0x2bf: {  	v27 =	vmul.f32 $3.087543150e-05, v23;
	v5 =	vsub.f32 $3.969362880e-04, v24;
	v6 =	vand.u32 $0x7FFFFFFF, v25  }
0x2c0: {  	v28 =	vmul.f32 $2.327675930e-06, v23;
	v6 =	vmul.f32 $1.000000000e+01, v6  }
0x2c1: {  	v29 =	vmul.f32 v26, v26;
	v8 =	vsub.f32 $-5.197104070e-03, v27;
	v5 =	vmul.f32 v5, v26  }
0x2c2: {  	v30 =	vmul.f32 $5.000000000e-01, v23;
	v9 =	vsub.f32 $1.250002530e-01, v28;
	v6 =	vtrunc.f32 v6  }
0x2c3: {  	v31 =	vmul.f32 $7.231349170e-06, v29;
	v5 =	vadd.f32 v5, v8;
	v6 =	vcvt.f32.s32 v6  }
0x2c4: {  	v11 =	vsub.f32 $6.931471820e-01, v30  }
0x2c5: {  	v7 =	vmul.f32 v9, v26;
	v5 =	vsub.f32 v5, v31;
	vm12 =	vlt.s32 v6, $0x9  }
0x2c6: {  	v3 =	vsub.f32 $1.000000000e+00, v3;
	v6 =	vnsel vm12, $0x9, v6  }
0x2c7: {  	v7 =	vadd.f32 v7, v11;
	v5 =	vmul.f32 v5, v29;
	v6 =	vshll.u32 v6, $0x4  }
0x2c8: {  	v6 =	vor.u32 v2, v6  }
0x2c9: {  	v3 =	vmul.f32 v23, v3;
	v5 =	vadd.f32 v5, v7;
	_ =	sdelay $0x1  }
0x2ca: {  	v3 =	vadd.f32 v5, v3;
	_ =	sdelay $0x1  }
0x2cb: {  	[tilespmem:v6+s14+$0x0] =	vst.idx.add.f32.msk $0xffff, v3  }
0x2cc: {  	[tilespmem:v6+s15+$0x0] =	vst.idx.add.f32.msk $0xffff, v1  }
0x2cd: {  	v3 =	vld [tilespmem:s19+$0x80];
	_ =	sdelay $0x4  }
0x2ce: {  	v3 =	vsub.f32 $0.0e+00, v3;
	_ =	sdelay $0x1  }
0x2cf: {  	v3 =	vmul.f32 $1.442695020e+00, v3;
	_ =	sdelay $0x1  }
0x2d0: {  	(erf) = vpow2.f32 v3;
	_ =	sdelay $0x8  }
0x2d1: {  	v3 =	vpop (erf)  }
0x2d2: {  	v3 =	vadd.f32 $1.000000000e+00, v3;
	_ =	sdelay $0x1  }
0x2d3: {  	(erf) = vrcp.f32 v3;
	_ =	sdelay $0x4  }
0x2d4: {  	v3 =	vld [tilespmem:s19+$0x5C80];
	_ =	sdelay $0x3  }
0x2d5: {  	v32 =	vpop (erf)  }
0x2d6: {  	v33 =	vmul.f32 $4.513049860e-05, v32;
	v34 =	vsub.f32 v32, v3  }
0x2d7: {  	v35 =	vmul.f32 v32, v32  }
0x2d8: {  	v36 =	vmul.f32 $3.087543150e-05, v32;
	v5 =	vsub.f32 $3.969362880e-04, v33;
	v6 =	vand.u32 $0x7FFFFFFF, v34  }
0x2d9: {  	v37 =	vmul.f32 $2.327675930e-06, v32;
	v6 =	vmul.f32 $1.000000000e+01, v6  }
0x2da: {  	v38 =	vmul.f32 v35, v35;
	v8 =	vsub.f32 $-5.197104070e-03, v36;
	v5 =	vmul.f32 v5, v35  }
0x2db: {  	v39 =	vmul.f32 $5.000000000e-01, v32;
	v9 =	vsub.f32 $1.250002530e-01, v37;
	v6 =	vtrunc.f32 v6  }
0x2dc: {  	v40 =	vmul.f32 $7.231349170e-06, v38;
	v5 =	vadd.f32 v5, v8;
	v6 =	vcvt.f32.s32 v6  }
0x2dd: {  	v11 =	vsub.f32 $6.931471820e-01, v39  }
0x2de: {  	v7 =	vmul.f32 v9, v35;
	v5 =	vsub.f32 v5, v40;
	vm13 =	vlt.s32 v6, $0x9  }
0x2df: {  	v3 =	vsub.f32 $1.000000000e+00, v3;
	v6 =	vnsel vm13, $0x9, v6  }
0x2e0: {  	v7 =	vadd.f32 v7, v11;
	v5 =	vmul.f32 v5, v38;
	v6 =	vshll.u32 v6, $0x4  }
0x2e1: {  	v6 =	vor.u32 v2, v6  }
0x2e2: {  	v3 =	vmul.f32 v32, v3;
	v5 =	vadd.f32 v5, v7;
	_ =	sdelay $0x1  }
0x2e3: {  	v3 =	vadd.f32 v5, v3;
	_ =	sdelay $0x1  }
0x2e4: {  	[tilespmem:v6+s14+$0x0] =	vst.idx.add.f32.msk $0xffff, v3  }
0x2e5: {  	[tilespmem:v6+s15+$0x0] =	vst.idx.add.f32.msk $0xffff, v1  }
0x2e6: {  	v3 =	vld [tilespmem:s19+$0x90];
	_ =	sdelay $0x4  }
0x2e7: {  	v3 =	vsub.f32 $0.0e+00, v3;
	_ =	sdelay $0x1  }
0x2e8: {  	v3 =	vmul.f32 $1.442695020e+00, v3;
	_ =	sdelay $0x1  }
0x2e9: {  	(erf) = vpow2.f32 v3;
	_ =	sdelay $0x8  }
0x2ea: {  	v3 =	vpop (erf)  }
0x2eb: {  	v3 =	vadd.f32 $1.000000000e+00, v3;
	_ =	sdelay $0x1  }
0x2ec: {  	(erf) = vrcp.f32 v3;
	_ =	sdelay $0x4  }
0x2ed: {  	v3 =	vld [tilespmem:s19+$0x5C90];
	_ =	sdelay $0x3  }
0x2ee: {  	v41 =	vpop (erf)  }
0x2ef: {  	v42 =	vmul.f32 $4.513049860e-05, v41;
	v43 =	vsub.f32 v41, v3  }
0x2f0: {  	v44 =	vmul.f32 v41, v41  }
0x2f1: {  	v45 =	vmul.f32 $3.087543150e-05, v41;
	v5 =	vsub.f32 $3.969362880e-04, v42;
	v6 =	vand.u32 $0x7FFFFFFF, v43  }
0x2f2: {  	v46 =	vmul.f32 $2.327675930e-06, v41;
	v6 =	vmul.f32 $1.000000000e+01, v6  }
0x2f3: {  	v47 =	vmul.f32 v44, v44;
	v8 =	vsub.f32 $-5.197104070e-03, v45;
	v5 =	vmul.f32 v5, v44  }
0x2f4: {  	v48 =	vmul.f32 $5.000000000e-01, v41;
	v9 =	vsub.f32 $1.250002530e-01, v46;
	v6 =	vtrunc.f32 v6  }
0x2f5: {  	v49 =	vmul.f32 $7.231349170e-06, v47;
	v5 =	vadd.f32 v5, v8;
	v6 =	vcvt.f32.s32 v6  }
0x2f6: {  	v11 =	vsub.f32 $6.931471820e-01, v48  }
0x2f7: {  	v7 =	vmul.f32 v9, v44;
	v5 =	vsub.f32 v5, v49;
	vm14 =	vlt.s32 v6, $0x9  }
0x2f8: {  	v3 =	vsub.f32 $1.000000000e+00, v3;
	v6 =	vnsel vm14, $0x9, v6  }
0x2f9: {  	v7 =	vadd.f32 v7, v11;
	v5 =	vmul.f32 v5, v47;
	v6 =	vshll.u32 v6, $0x4  }
0x2fa: {  	v6 =	vor.u32 v2, v6  }
0x2fb: {  	v3 =	vmul.f32 v41, v3;
	v5 =	vadd.f32 v5, v7;
	_ =	sdelay $0x1  }
0x2fc: {  	v3 =	vadd.f32 v5, v3;
	_ =	sdelay $0x1  }
0x2fd: {  	[tilespmem:v6+s14+$0x0] =	vst.idx.add.f32.msk $0xffff, v3  }
0x2fe: {  	[tilespmem:v6+s15+$0x0] =	vst.idx.add.f32.msk $0xffff, v1  }
0x2ff: {  	v3 =	vld [tilespmem:s19+$0xA0];
	_ =	sdelay $0x4  }
0x300: {  	v3 =	vsub.f32 $0.0e+00, v3;
	_ =	sdelay $0x1  }
0x301: {  	v3 =	vmul.f32 $1.442695020e+00, v3;
	_ =	sdelay $0x1  }
0x302: {  	(erf) = vpow2.f32 v3;
	_ =	sdelay $0x8  }
0x303: {  	v3 =	vpop (erf)  }
0x304: {  	v3 =	vadd.f32 $1.000000000e+00, v3;
	_ =	sdelay $0x1  }
0x305: {  	(erf) = vrcp.f32 v3;
	_ =	sdelay $0x4  }
0x306: {  	v3 =	vld [tilespmem:s19+$0x5CA0];
	_ =	sdelay $0x3  }
0x307: {  	v50 =	vpop (erf)  }
0x308: {  	v51 =	vmul.f32 $4.513049860e-05, v50;
	v52 =	vsub.f32 v50, v3  }
0x309: {  	v53 =	vmul.f32 v50, v50  }
0x30a: {  	v54 =	vmul.f32 $3.087543150e-05, v50;
	v5 =	vsub.f32 $3.969362880e-04, v51;
	v6 =	vand.u32 $0x7FFFFFFF, v52  }
0x30b: {  	v55 =	vmul.f32 $2.327675930e-06, v50;
	v6 =	vmul.f32 $1.000000000e+01, v6  }
0x30c: {  	v56 =	vmul.f32 v53, v53;
	v8 =	vsub.f32 $-5.197104070e-03, v54;
	v5 =	vmul.f32 v5, v53  }
0x30d: {  	v57 =	vmul.f32 $5.000000000e-01, v50;
	v9 =	vsub.f32 $1.250002530e-01, v55;
	v6 =	vtrunc.f32 v6  }
0x30e: {  	v58 =	vmul.f32 $7.231349170e-06, v56;
	v5 =	vadd.f32 v5, v8;
	v6 =	vcvt.f32.s32 v6  }
0x30f: {  	v11 =	vsub.f32 $6.931471820e-01, v57  }
0x310: {  	v7 =	vmul.f32 v9, v53;
	v5 =	vsub.f32 v5, v58;
	vm15 =	vlt.s32 v6, $0x9  }
0x311: {  	v3 =	vsub.f32 $1.000000000e+00, v3;
	v6 =	vnsel vm15, $0x9, v6  }
0x312: {  	v7 =	vadd.f32 v7, v11;
	v5 =	vmul.f32 v5, v56;
	v6 =	vshll.u32 v6, $0x4  }
0x313: {  	v6 =	vor.u32 v2, v6  }
0x314: {  	v3 =	vmul.f32 v50, v3;
	v5 =	vadd.f32 v5, v7;
	_ =	sdelay $0x1  }
0x315: {  	v3 =	vadd.f32 v5, v3;
	_ =	sdelay $0x1  }
0x316: {  	[tilespmem:v6+s14+$0x0] =	vst.idx.add.f32.msk $0xffff, v3  }
0x317: {  	[tilespmem:v6+s15+$0x0] =	vst.idx.add.f32.msk $0xffff, v1  }
0x318: {  	v3 =	vld [tilespmem:s19+$0xB0];
	_ =	sdelay $0x4  }
0x319: {  	v3 =	vsub.f32 $0.0e+00, v3;
	_ =	sdelay $0x1  }
0x31a: {  	v3 =	vmul.f32 $1.442695020e+00, v3;
	_ =	sdelay $0x1  }
0x31b: {  	(erf) = vpow2.f32 v3;
	_ =	sdelay $0x8  }
0x31c: {  	v3 =	vpop (erf)  }
0x31d: {  	v3 =	vadd.f32 $1.000000000e+00, v3;
	_ =	sdelay $0x1  }
0x31e: {  	(erf) = vrcp.f32 v3;
	_ =	sdelay $0x4  }
0x31f: {  	v3 =	vld [tilespmem:s19+$0x5CB0];
	_ =	sdelay $0x3  }
0x320: {  	v59 =	vpop (erf)  }
0x321: {  	v60 =	vmul.f32 $4.513049860e-05, v59;
	v61 =	vsub.f32 v59, v3  }
0x322: {  	v62 =	vmul.f32 v59, v59  }
0x323: {  	v63 =	vmul.f32 $3.087543150e-05, v59;
	v5 =	vsub.f32 $3.969362880e-04, v60;
	v6 =	vand.u32 $0x7FFFFFFF, v61  }
0x324: {  	v12 =	vmul.f32 $2.327675930e-06, v59;
	v6 =	vmul.f32 $1.000000000e+01, v6  }
0x325: {  	v13 =	vmul.f32 v62, v62;
	v8 =	vsub.f32 $-5.197104070e-03, v63;
	v5 =	vmul.f32 v5, v62  }
0x326: {  	v14 =	vmul.f32 $5.000000000e-01, v59;
	v9 =	vsub.f32 $1.250002530e-01, v12;
	v6 =	vtrunc.f32 v6  }
0x327: {  	v15 =	vmul.f32 $7.231349170e-06, v13;
	v5 =	vadd.f32 v5, v8;
	v6 =	vcvt.f32.s32 v6  }
0x328: {  	v11 =	vsub.f32 $6.931471820e-01, v14  }
0x329: {  	v7 =	vmul.f32 v9, v62;
	v5 =	vsub.f32 v5, v15;
	vm4 =	vlt.s32 v6, $0x9  }
0x32a: {  	v3 =	vsub.f32 $1.000000000e+00, v3;
	v6 =	vnsel vm4, $0x9, v6  }
0x32b: {  	v7 =	vadd.f32 v7, v11;
	v5 =	vmul.f32 v5, v13;
	v6 =	vshll.u32 v6, $0x4  }
0x32c: {  	v6 =	vor.u32 v2, v6  }
0x32d: {  	v3 =	vmul.f32 v59, v3;
	v5 =	vadd.f32 v5, v7;
	_ =	sdelay $0x1  }
0x32e: {  	v3 =	vadd.f32 v5, v3;
	_ =	sdelay $0x1  }
0x32f: {  	[tilespmem:v6+s14+$0x0] =	vst.idx.add.f32.msk $0xffff, v3  }
0x330: {  	[tilespmem:v6+s15+$0x0] =	vst.idx.add.f32.msk $0xffff, v1  }
0x331: {  	v3 =	vld [tilespmem:s19+$0xC0];
	_ =	sdelay $0x4  }
0x332: {  	v3 =	vsub.f32 $0.0e+00, v3;
	_ =	sdelay $0x1  }
0x333: {  	v3 =	vmul.f32 $1.442695020e+00, v3;
	_ =	sdelay $0x1  }
0x334: {  	(erf) = vpow2.f32 v3;
	_ =	sdelay $0x8  }
0x335: {  	v3 =	vpop (erf)  }
0x336: {  	v3 =	vadd.f32 $1.000000000e+00, v3;
	_ =	sdelay $0x1  }
0x337: {  	(erf) = vrcp.f32 v3;
	_ =	sdelay $0x4  }
0x338: {  	v3 =	vld [tilespmem:s19+$0x5CC0];
	_ =	sdelay $0x3  }
0x339: {  	v16 =	vpop (erf)  }
0x33a: {  	v17 =	vmul.f32 $4.513049860e-05, v16;
	v18 =	vsub.f32 v16, v3  }
0x33b: {  	v19 =	vmul.f32 v16, v16  }
0x33c: {  	v20 =	vmul.f32 $3.087543150e-05, v16;
	v5 =	vsub.f32 $3.969362880e-04, v17;
	v6 =	vand.u32 $0x7FFFFFFF, v18  }
0x33d: {  	v21 =	vmul.f32 $2.327675930e-06, v16;
	v6 =	vmul.f32 $1.000000000e+01, v6  }
0x33e: {  	v22 =	vmul.f32 v19, v19;
	v8 =	vsub.f32 $-5.197104070e-03, v20;
	v5 =	vmul.f32 v5, v19  }
0x33f: {  	v23 =	vmul.f32 $5.000000000e-01, v16;
	v9 =	vsub.f32 $1.250002530e-01, v21;
	v6 =	vtrunc.f32 v6  }
0x340: {  	v24 =	vmul.f32 $7.231349170e-06, v22;
	v5 =	vadd.f32 v5, v8;
	v6 =	vcvt.f32.s32 v6  }
0x341: {  	v11 =	vsub.f32 $6.931471820e-01, v23  }
0x342: {  	v7 =	vmul.f32 v9, v19;
	v5 =	vsub.f32 v5, v24;
	vm5 =	vlt.s32 v6, $0x9  }
0x343: {  	v3 =	vsub.f32 $1.000000000e+00, v3;
	v6 =	vnsel vm5, $0x9, v6  }
0x344: {  	v7 =	vadd.f32 v7, v11;
	v5 =	vmul.f32 v5, v22;
	v6 =	vshll.u32 v6, $0x4  }
0x345: {  	v6 =	vor.u32 v2, v6  }
0x346: {  	v3 =	vmul.f32 v16, v3;
	v5 =	vadd.f32 v5, v7;
	_ =	sdelay $0x1  }
0x347: {  	v3 =	vadd.f32 v5, v3;
	_ =	sdelay $0x1  }
0x348: {  	[tilespmem:v6+s14+$0x0] =	vst.idx.add.f32.msk $0xffff, v3  }
0x349: {  	[tilespmem:v6+s15+$0x0] =	vst.idx.add.f32.msk $0xffff, v1  }
0x34a: {  	v3 =	vld [tilespmem:s19+$0x100];
	_ =	sdelay $0x4  }
0x34b: {  	v3 =	vsub.f32 $0.0e+00, v3;
	_ =	sdelay $0x1  }
0x34c: {  	v3 =	vmul.f32 $1.442695020e+00, v3;
	_ =	sdelay $0x1  }
0x34d: {  	(erf) = vpow2.f32 v3;
	_ =	sdelay $0x8  }
0x34e: {  	v3 =	vpop (erf)  }
0x34f: {  	v3 =	vadd.f32 $1.000000000e+00, v3;
	_ =	sdelay $0x1  }
0x350: {  	(erf) = vrcp.f32 v3;
	_ =	sdelay $0x4  }
0x351: {  	v3 =	vld [tilespmem:s19+$0x5D00];
	_ =	sdelay $0x3  }
0x352: {  	v25 =	vpop (erf)  }
0x353: {  	v26 =	vmul.f32 $4.513049860e-05, v25;
	v27 =	vsub.f32 v25, v3  }
0x354: {  	v28 =	vmul.f32 v25, v25  }
0x355: {  	v29 =	vmul.f32 $3.087543150e-05, v25;
	v5 =	vsub.f32 $3.969362880e-04, v26;
	v6 =	vand.u32 $0x7FFFFFFF, v27  }
0x356: {  	v30 =	vmul.f32 $2.327675930e-06, v25;
	v6 =	vmul.f32 $1.000000000e+01, v6  }
0x357: {  	v31 =	vmul.f32 v28, v28;
	v8 =	vsub.f32 $-5.197104070e-03, v29;
	v5 =	vmul.f32 v5, v28  }
0x358: {  	v32 =	vmul.f32 $5.000000000e-01, v25;
	v9 =	vsub.f32 $1.250002530e-01, v30;
	v6 =	vtrunc.f32 v6  }
0x359: {  	v33 =	vmul.f32 $7.231349170e-06, v31;
	v5 =	vadd.f32 v5, v8;
	v6 =	vcvt.f32.s32 v6  }
0x35a: {  	v11 =	vsub.f32 $6.931471820e-01, v32  }
0x35b: {  	v7 =	vmul.f32 v9, v28;
	v5 =	vsub.f32 v5, v33;
	vm6 =	vlt.s32 v6, $0x9  }
0x35c: {  	v3 =	vsub.f32 $1.000000000e+00, v3;
	v6 =	vnsel vm6, $0x9, v6  }
0x35d: {  	v7 =	vadd.f32 v7, v11;
	v5 =	vmul.f32 v5, v31;
	v6 =	vshll.u32 v6, $0x4  }
0x35e: {  	v6 =	vor.u32 v2, v6  }
0x35f: {  	v3 =	vmul.f32 v25, v3;
	v5 =	vadd.f32 v5, v7;
	_ =	sdelay $0x1  }
0x360: {  	v3 =	vadd.f32 v5, v3;
	_ =	sdelay $0x1  }
0x361: {  	[tilespmem:v6+s14+$0x0] =	vst.idx.add.f32.msk $0xffff, v3  }
0x362: {  	[tilespmem:v6+s15+$0x0] =	vst.idx.add.f32.msk $0xffff, v1  }
0x363: {  	v3 =	vld [tilespmem:s19+$0x110];
	_ =	sdelay $0x4  }
0x364: {  	v3 =	vsub.f32 $0.0e+00, v3;
	_ =	sdelay $0x1  }
0x365: {  	v3 =	vmul.f32 $1.442695020e+00, v3;
	_ =	sdelay $0x1  }
0x366: {  	(erf) = vpow2.f32 v3;
	_ =	sdelay $0x8  }
0x367: {  	v3 =	vpop (erf)  }
0x368: {  	v3 =	vadd.f32 $1.000000000e+00, v3;
	_ =	sdelay $0x1  }
0x369: {  	(erf) = vrcp.f32 v3;
	_ =	sdelay $0x4  }
0x36a: {  	v3 =	vld [tilespmem:s19+$0x5D10];
	_ =	sdelay $0x3  }
0x36b: {  	v34 =	vpop (erf)  }
0x36c: {  	v35 =	vmul.f32 $4.513049860e-05, v34;
	v36 =	vsub.f32 v34, v3  }
0x36d: {  	v37 =	vmul.f32 v34, v34  }
0x36e: {  	v38 =	vmul.f32 $3.087543150e-05, v34;
	v5 =	vsub.f32 $3.969362880e-04, v35;
	v6 =	vand.u32 $0x7FFFFFFF, v36  }
0x36f: {  	v39 =	vmul.f32 $2.327675930e-06, v34;
	v6 =	vmul.f32 $1.000000000e+01, v6  }
0x370: {  	v40 =	vmul.f32 v37, v37;
	v8 =	vsub.f32 $-5.197104070e-03, v38;
	v5 =	vmul.f32 v5, v37  }
0x371: {  	v41 =	vmul.f32 $5.000000000e-01, v34;
	v9 =	vsub.f32 $1.250002530e-01, v39;
	v6 =	vtrunc.f32 v6  }
0x372: {  	v42 =	vmul.f32 $7.231349170e-06, v40;
	v5 =	vadd.f32 v5, v8;
	v6 =	vcvt.f32.s32 v6  }
0x373: {  	v11 =	vsub.f32 $6.931471820e-01, v41  }
0x374: {  	v7 =	vmul.f32 v9, v37;
	v5 =	vsub.f32 v5, v42;
	vm7 =	vlt.s32 v6, $0x9  }
0x375: {  	v3 =	vsub.f32 $1.000000000e+00, v3;
	v6 =	vnsel vm7, $0x9, v6  }
0x376: {  	v7 =	vadd.f32 v7, v11;
	v5 =	vmul.f32 v5, v40;
	v6 =	vshll.u32 v6, $0x4  }
0x377: {  	v6 =	vor.u32 v2, v6  }
0x378: {  	v3 =	vmul.f32 v34, v3;
	v5 =	vadd.f32 v5, v7;
	_ =	sdelay $0x1  }
0x379: {  	v3 =	vadd.f32 v5, v3;
	_ =	sdelay $0x1  }
0x37a: {  	[tilespmem:v6+s14+$0x0] =	vst.idx.add.f32.msk $0xffff, v3  }
0x37b: {  	[tilespmem:v6+s15+$0x0] =	vst.idx.add.f32.msk $0xffff, v1  }
0x37c: {  	v3 =	vld [tilespmem:s19+$0x120];
	_ =	sdelay $0x4  }
0x37d: {  	v3 =	vsub.f32 $0.0e+00, v3;
	_ =	sdelay $0x1  }
0x37e: {  	v3 =	vmul.f32 $1.442695020e+00, v3;
	_ =	sdelay $0x1  }
0x37f: {  	(erf) = vpow2.f32 v3;
	_ =	sdelay $0x8  }
0x380: {  	v3 =	vpop (erf)  }
0x381: {  	v3 =	vadd.f32 $1.000000000e+00, v3;
	_ =	sdelay $0x1  }
0x382: {  	(erf) = vrcp.f32 v3;
	_ =	sdelay $0x4  }
0x383: {  	v3 =	vld [tilespmem:s19+$0x5D20];
	_ =	sdelay $0x3  }
0x384: {  	v43 =	vpop (erf)  }
0x385: {  	v44 =	vmul.f32 $4.513049860e-05, v43;
	v45 =	vsub.f32 v43, v3  }
0x386: {  	v46 =	vmul.f32 v43, v43  }
0x387: {  	v47 =	vmul.f32 $3.087543150e-05, v43;
	v5 =	vsub.f32 $3.969362880e-04, v44;
	v6 =	vand.u32 $0x7FFFFFFF, v45  }
0x388: {  	v48 =	vmul.f32 $2.327675930e-06, v43;
	v6 =	vmul.f32 $1.000000000e+01, v6  }
0x389: {  	v49 =	vmul.f32 v46, v46;
	v8 =	vsub.f32 $-5.197104070e-03, v47;
	v5 =	vmul.f32 v5, v46  }
0x38a: {  	v50 =	vmul.f32 $5.000000000e-01, v43;
	v9 =	vsub.f32 $1.250002530e-01, v48;
	v6 =	vtrunc.f32 v6  }
0x38b: {  	v51 =	vmul.f32 $7.231349170e-06, v49;
	v5 =	vadd.f32 v5, v8;
	v6 =	vcvt.f32.s32 v6  }
0x38c: {  	v11 =	vsub.f32 $6.931471820e-01, v50  }
0x38d: {  	v7 =	vmul.f32 v9, v46;
	v5 =	vsub.f32 v5, v51;
	vm8 =	vlt.s32 v6, $0x9  }
0x38e: {  	v3 =	vsub.f32 $1.000000000e+00, v3;
	v6 =	vnsel vm8, $0x9, v6  }
0x38f: {  	v7 =	vadd.f32 v7, v11;
	v5 =	vmul.f32 v5, v49;
	v6 =	vshll.u32 v6, $0x4  }
0x390: {  	v6 =	vor.u32 v2, v6  }
0x391: {  	v3 =	vmul.f32 v43, v3;
	v5 =	vadd.f32 v5, v7;
	_ =	sdelay $0x1  }
0x392: {  	v3 =	vadd.f32 v5, v3;
	_ =	sdelay $0x1  }
0x393: {  	[tilespmem:v6+s14+$0x0] =	vst.idx.add.f32.msk $0xffff, v3  }
0x394: {  	[tilespmem:v6+s15+$0x0] =	vst.idx.add.f32.msk $0xffff, v1  }
0x395: {  	v3 =	vld [tilespmem:s19+$0x130];
	_ =	sdelay $0x4  }
0x396: {  	v3 =	vsub.f32 $0.0e+00, v3;
	_ =	sdelay $0x1  }
0x397: {  	v3 =	vmul.f32 $1.442695020e+00, v3;
	_ =	sdelay $0x1  }
0x398: {  	(erf) = vpow2.f32 v3;
	_ =	sdelay $0x8  }
0x399: {  	v3 =	vpop (erf)  }
0x39a: {  	v3 =	vadd.f32 $1.000000000e+00, v3;
	_ =	sdelay $0x1  }
0x39b: {  	(erf) = vrcp.f32 v3;
	_ =	sdelay $0x4  }
0x39c: {  	v3 =	vld [tilespmem:s19+$0x5D30];
	_ =	sdelay $0x3  }
0x39d: {  	v52 =	vpop (erf)  }
0x39e: {  	v53 =	vmul.f32 $4.513049860e-05, v52;
	v54 =	vsub.f32 v52, v3  }
0x39f: {  	v55 =	vmul.f32 v52, v52  }
0x3a0: {  	v56 =	vmul.f32 $3.087543150e-05, v52;
	v5 =	vsub.f32 $3.969362880e-04, v53;
	v6 =	vand.u32 $0x7FFFFFFF, v54  }
0x3a1: {  	v57 =	vmul.f32 $2.327675930e-06, v52;
	v6 =	vmul.f32 $1.000000000e+01, v6  }
0x3a2: {  	v58 =	vmul.f32 v55, v55;
	v8 =	vsub.f32 $-5.197104070e-03, v56;
	v5 =	vmul.f32 v5, v55  }
0x3a3: {  	v59 =	vmul.f32 $5.000000000e-01, v52;
	v9 =	vsub.f32 $1.250002530e-01, v57;
	v6 =	vtrunc.f32 v6  }
0x3a4: {  	v60 =	vmul.f32 $7.231349170e-06, v58;
	v5 =	vadd.f32 v5, v8;
	v6 =	vcvt.f32.s32 v6  }
0x3a5: {  	v11 =	vsub.f32 $6.931471820e-01, v59  }
0x3a6: {  	v7 =	vmul.f32 v9, v55;
	v5 =	vsub.f32 v5, v60;
	vm9 =	vlt.s32 v6, $0x9  }
0x3a7: {  	v3 =	vsub.f32 $1.000000000e+00, v3;
	v6 =	vnsel vm9, $0x9, v6  }
0x3a8: {  	v7 =	vadd.f32 v7, v11;
	v5 =	vmul.f32 v5, v58;
	v6 =	vshll.u32 v6, $0x4  }
0x3a9: {  	v6 =	vor.u32 v2, v6  }
0x3aa: {  	v3 =	vmul.f32 v52, v3;
	v5 =	vadd.f32 v5, v7;
	_ =	sdelay $0x1  }
0x3ab: {  	v3 =	vadd.f32 v5, v3;
	_ =	sdelay $0x1  }
0x3ac: {  	[tilespmem:v6+s14+$0x0] =	vst.idx.add.f32.msk $0xffff, v3  }
0x3ad: {  	[tilespmem:v6+s15+$0x0] =	vst.idx.add.f32.msk $0xffff, v1  }
0x3ae: {  	v3 =	vld [tilespmem:s19+$0x140];
	_ =	sdelay $0x4  }
0x3af: {  	v3 =	vsub.f32 $0.0e+00, v3;
	_ =	sdelay $0x1  }
0x3b0: {  	v3 =	vmul.f32 $1.442695020e+00, v3;
	_ =	sdelay $0x1  }
0x3b1: {  	(erf) = vpow2.f32 v3;
	_ =	sdelay $0x8  }
0x3b2: {  	v3 =	vpop (erf)  }
0x3b3: {  	v3 =	vadd.f32 $1.000000000e+00, v3;
	_ =	sdelay $0x1  }
0x3b4: {  	(erf) = vrcp.f32 v3;
	_ =	sdelay $0x4  }
0x3b5: {  	v3 =	vld [tilespmem:s19+$0x5D40];
	_ =	sdelay $0x3  }
0x3b6: {  	v61 =	vpop (erf)  }
0x3b7: {  	v62 =	vmul.f32 $4.513049860e-05, v61;
	v63 =	vsub.f32 v61, v3  }
0x3b8: {  	v12 =	vmul.f32 v61, v61  }
0x3b9: {  	v13 =	vmul.f32 $3.087543150e-05, v61;
	v5 =	vsub.f32 $3.969362880e-04, v62;
	v6 =	vand.u32 $0x7FFFFFFF, v63  }
0x3ba: {  	v14 =	vmul.f32 $2.327675930e-06, v61;
	v6 =	vmul.f32 $1.000000000e+01, v6  }
0x3bb: {  	v15 =	vmul.f32 v12, v12;
	v8 =	vsub.f32 $-5.197104070e-03, v13;
	v5 =	vmul.f32 v5, v12  }
0x3bc: {  	v16 =	vmul.f32 $5.000000000e-01, v61;
	v9 =	vsub.f32 $1.250002530e-01, v14;
	v6 =	vtrunc.f32 v6  }
0x3bd: {  	v17 =	vmul.f32 $7.231349170e-06, v15;
	v5 =	vadd.f32 v5, v8;
	v6 =	vcvt.f32.s32 v6  }
0x3be: {  	v11 =	vsub.f32 $6.931471820e-01, v16  }
0x3bf: {  	v7 =	vmul.f32 v9, v12;
	v5 =	vsub.f32 v5, v17;
	vm10 =	vlt.s32 v6, $0x9  }
0x3c0: {  	v3 =	vsub.f32 $1.000000000e+00, v3;
	v6 =	vnsel vm10, $0x9, v6  }
0x3c1: {  	v7 =	vadd.f32 v7, v11;
	v5 =	vmul.f32 v5, v15;
	v6 =	vshll.u32 v6, $0x4  }
0x3c2: {  	v6 =	vor.u32 v2, v6  }
0x3c3: {  	v3 =	vmul.f32 v61, v3;
	v5 =	vadd.f32 v5, v7;
	_ =	sdelay $0x1  }
0x3c4: {  	v3 =	vadd.f32 v5, v3;
	_ =	sdelay $0x1  }
0x3c5: {  	[tilespmem:v6+s14+$0x0] =	vst.idx.add.f32.msk $0xffff, v3  }
0x3c6: {  	[tilespmem:v6+s15+$0x0] =	vst.idx.add.f32.msk $0xffff, v1  }
0x3c7: {  	v3 =	vld [tilespmem:s19+$0x180];
	_ =	sdelay $0x4  }
0x3c8: {  	v3 =	vsub.f32 $0.0e+00, v3;
	_ =	sdelay $0x1  }
0x3c9: {  	v3 =	vmul.f32 $1.442695020e+00, v3;
	_ =	sdelay $0x1  }
0x3ca: {  	(erf) = vpow2.f32 v3;
	_ =	sdelay $0x8  }
0x3cb: {  	v3 =	vpop (erf)  }
0x3cc: {  	v3 =	vadd.f32 $1.000000000e+00, v3;
	_ =	sdelay $0x1  }
0x3cd: {  	(erf) = vrcp.f32 v3;
	_ =	sdelay $0x4  }
0x3ce: {  	v3 =	vld [tilespmem:s19+$0x5D80];
	_ =	sdelay $0x3  }
0x3cf: {  	v18 =	vpop (erf)  }
0x3d0: {  	v19 =	vmul.f32 $4.513049860e-05, v18;
	v20 =	vsub.f32 v18, v3  }
0x3d1: {  	v21 =	vmul.f32 v18, v18  }
0x3d2: {  	v22 =	vmul.f32 $3.087543150e-05, v18;
	v5 =	vsub.f32 $3.969362880e-04, v19;
	v6 =	vand.u32 $0x7FFFFFFF, v20  }
0x3d3: {  	v23 =	vmul.f32 $2.327675930e-06, v18;
	v6 =	vmul.f32 $1.000000000e+01, v6  }
0x3d4: {  	v24 =	vmul.f32 v21, v21;
	v8 =	vsub.f32 $-5.197104070e-03, v22;
	v5 =	vmul.f32 v5, v21  }
0x3d5: {  	v25 =	vmul.f32 $5.000000000e-01, v18;
	v9 =	vsub.f32 $1.250002530e-01, v23;
	v6 =	vtrunc.f32 v6  }
0x3d6: {  	v26 =	vmul.f32 $7.231349170e-06, v24;
	v5 =	vadd.f32 v5, v8;
	v6 =	vcvt.f32.s32 v6  }
0x3d7: {  	v11 =	vsub.f32 $6.931471820e-01, v25  }
0x3d8: {  	v7 =	vmul.f32 v9, v21;
	v5 =	vsub.f32 v5, v26;
	vm11 =	vlt.s32 v6, $0x9  }
0x3d9: {  	v3 =	vsub.f32 $1.000000000e+00, v3;
	v6 =	vnsel vm11, $0x9, v6  }
0x3da: {  	v7 =	vadd.f32 v7, v11;
	v5 =	vmul.f32 v5, v24;
	v6 =	vshll.u32 v6, $0x4  }
0x3db: {  	v6 =	vor.u32 v2, v6  }
0x3dc: {  	v3 =	vmul.f32 v18, v3;
	v5 =	vadd.f32 v5, v7;
	_ =	sdelay $0x1  }
0x3dd: {  	v3 =	vadd.f32 v5, v3;
	_ =	sdelay $0x1  }
0x3de: {  	[tilespmem:v6+s14+$0x0] =	vst.idx.add.f32.msk $0xffff, v3  }
0x3df: {  	[tilespmem:v6+s15+$0x0] =	vst.idx.add.f32.msk $0xffff, v1  }
0x3e0: {  	v3 =	vld [tilespmem:s19+$0x190];
	_ =	sdelay $0x4  }
0x3e1: {  	v3 =	vsub.f32 $0.0e+00, v3;
	_ =	sdelay $0x1  }
0x3e2: {  	v3 =	vmul.f32 $1.442695020e+00, v3;
	_ =	sdelay $0x1  }
0x3e3: {  	(erf) = vpow2.f32 v3;
	_ =	sdelay $0x8  }
0x3e4: {  	v3 =	vpop (erf)  }
0x3e5: {  	v3 =	vadd.f32 $1.000000000e+00, v3;
	_ =	sdelay $0x1  }
0x3e6: {  	(erf) = vrcp.f32 v3;
	_ =	sdelay $0x4  }
0x3e7: {  	v3 =	vld [tilespmem:s19+$0x5D90];
	_ =	sdelay $0x3  }
0x3e8: {  	v27 =	vpop (erf)  }
0x3e9: {  	v28 =	vmul.f32 $4.513049860e-05, v27;
	v29 =	vsub.f32 v27, v3  }
0x3ea: {  	v30 =	vmul.f32 v27, v27  }
0x3eb: {  	v31 =	vmul.f32 $3.087543150e-05, v27;
	v5 =	vsub.f32 $3.969362880e-04, v28;
	v6 =	vand.u32 $0x7FFFFFFF, v29  }
0x3ec: {  	v32 =	vmul.f32 $2.327675930e-06, v27;
	v6 =	vmul.f32 $1.000000000e+01, v6  }
0x3ed: {  	v33 =	vmul.f32 v30, v30;
	v8 =	vsub.f32 $-5.197104070e-03, v31;
	v5 =	vmul.f32 v5, v30  }
0x3ee: {  	v34 =	vmul.f32 $5.000000000e-01, v27;
	v9 =	vsub.f32 $1.250002530e-01, v32;
	v6 =	vtrunc.f32 v6  }
0x3ef: {  	v35 =	vmul.f32 $7.231349170e-06, v33;
	v5 =	vadd.f32 v5, v8;
	v6 =	vcvt.f32.s32 v6  }
0x3f0: {  	v11 =	vsub.f32 $6.931471820e-01, v34  }
0x3f1: {  	v7 =	vmul.f32 v9, v30;
	v5 =	vsub.f32 v5, v35;
	vm12 =	vlt.s32 v6, $0x9  }
0x3f2: {  	v3 =	vsub.f32 $1.000000000e+00, v3;
	v6 =	vnsel vm12, $0x9, v6  }
0x3f3: {  	v7 =	vadd.f32 v7, v11;
	v5 =	vmul.f32 v5, v33;
	v6 =	vshll.u32 v6, $0x4  }
0x3f4: {  	v6 =	vor.u32 v2, v6  }
0x3f5: {  	v3 =	vmul.f32 v27, v3;
	v5 =	vadd.f32 v5, v7;
	_ =	sdelay $0x1  }
0x3f6: {  	v3 =	vadd.f32 v5, v3;
	_ =	sdelay $0x1  }
0x3f7: {  	[tilespmem:v6+s14+$0x0] =	vst.idx.add.f32.msk $0xffff, v3  }
0x3f8: {  	[tilespmem:v6+s15+$0x0] =	vst.idx.add.f32.msk $0xffff, v1  }
0x3f9: {  	v3 =	vld [tilespmem:s19+$0x1A0];
	_ =	sdelay $0x4  }
0x3fa: {  	v3 =	vsub.f32 $0.0e+00, v3;
	_ =	sdelay $0x1  }
0x3fb: {  	v3 =	vmul.f32 $1.442695020e+00, v3;
	_ =	sdelay $0x1  }
0x3fc: {  	(erf) = vpow2.f32 v3;
	_ =	sdelay $0x8  }
0x3fd: {  	v3 =	vpop (erf)  }
0x3fe: {  	v3 =	vadd.f32 $1.000000000e+00, v3;
	_ =	sdelay $0x1  }
0x3ff: {  	(erf) = vrcp.f32 v3;
	_ =	sdelay $0x4  }
0x400: {  	v3 =	vld [tilespmem:s19+$0x5DA0];
	_ =	sdelay $0x3  }
0x401: {  	v36 =	vpop (erf)  }
0x402: {  	v37 =	vmul.f32 $4.513049860e-05, v36;
	v38 =	vsub.f32 v36, v3  }
0x403: {  	v39 =	vmul.f32 v36, v36  }
0x404: {  	v40 =	vmul.f32 $3.087543150e-05, v36;
	v5 =	vsub.f32 $3.969362880e-04, v37;
	v6 =	vand.u32 $0x7FFFFFFF, v38  }
0x405: {  	v41 =	vmul.f32 $2.327675930e-06, v36;
	v6 =	vmul.f32 $1.000000000e+01, v6  }
0x406: {  	v42 =	vmul.f32 v39, v39;
	v8 =	vsub.f32 $-5.197104070e-03, v40;
	v5 =	vmul.f32 v5, v39  }
0x407: {  	v43 =	vmul.f32 $5.000000000e-01, v36;
	v9 =	vsub.f32 $1.250002530e-01, v41;
	v6 =	vtrunc.f32 v6  }
0x408: {  	v44 =	vmul.f32 $7.231349170e-06, v42;
	v5 =	vadd.f32 v5, v8;
	v6 =	vcvt.f32.s32 v6  }
0x409: {  	v11 =	vsub.f32 $6.931471820e-01, v43  }
0x40a: {  	v7 =	vmul.f32 v9, v39;
	v5 =	vsub.f32 v5, v44;
	vm13 =	vlt.s32 v6, $0x9  }
0x40b: {  	v3 =	vsub.f32 $1.000000000e+00, v3;
	v6 =	vnsel vm13, $0x9, v6  }
0x40c: {  	v7 =	vadd.f32 v7, v11;
	v5 =	vmul.f32 v5, v42;
	v6 =	vshll.u32 v6, $0x4  }
0x40d: {  	v6 =	vor.u32 v2, v6  }
0x40e: {  	v3 =	vmul.f32 v36, v3;
	v5 =	vadd.f32 v5, v7;
	_ =	sdelay $0x1  }
0x40f: {  	v3 =	vadd.f32 v5, v3;
	_ =	sdelay $0x1  }
0x410: {  	[tilespmem:v6+s14+$0x0] =	vst.idx.add.f32.msk $0xffff, v3  }
0x411: {  	[tilespmem:v6+s15+$0x0] =	vst.idx.add.f32.msk $0xffff, v1  }
0x412: {  	v3 =	vld [tilespmem:s19+$0x1B0];
	_ =	sdelay $0x4  }
0x413: {  	v3 =	vsub.f32 $0.0e+00, v3;
	_ =	sdelay $0x1  }
0x414: {  	v3 =	vmul.f32 $1.442695020e+00, v3;
	_ =	sdelay $0x1  }
0x415: {  	(erf) = vpow2.f32 v3;
	_ =	sdelay $0x8  }
0x416: {  	v3 =	vpop (erf)  }
0x417: {  	v3 =	vadd.f32 $1.000000000e+00, v3;
	_ =	sdelay $0x1  }
0x418: {  	(erf) = vrcp.f32 v3;
	_ =	sdelay $0x4  }
0x419: {  	v3 =	vld [tilespmem:s19+$0x5DB0];
	_ =	sdelay $0x3  }
0x41a: {  	v45 =	vpop (erf)  }
0x41b: {  	v46 =	vmul.f32 $4.513049860e-05, v45;
	v47 =	vsub.f32 v45, v3  }
0x41c: {  	v48 =	vmul.f32 v45, v45  }
0x41d: {  	v49 =	vmul.f32 $3.087543150e-05, v45;
	v5 =	vsub.f32 $3.969362880e-04, v46;
	v6 =	vand.u32 $0x7FFFFFFF, v47  }
0x41e: {  	v50 =	vmul.f32 $2.327675930e-06, v45;
	v6 =	vmul.f32 $1.000000000e+01, v6  }
0x41f: {  	v51 =	vmul.f32 v48, v48;
	v8 =	vsub.f32 $-5.197104070e-03, v49;
	v5 =	vmul.f32 v5, v48  }
0x420: {  	v52 =	vmul.f32 $5.000000000e-01, v45;
	v9 =	vsub.f32 $1.250002530e-01, v50;
	v6 =	vtrunc.f32 v6  }
0x421: {  	v53 =	vmul.f32 $7.231349170e-06, v51;
	v5 =	vadd.f32 v5, v8;
	v6 =	vcvt.f32.s32 v6  }
0x422: {  	v11 =	vsub.f32 $6.931471820e-01, v52  }
0x423: {  	v7 =	vmul.f32 v9, v48;
	v5 =	vsub.f32 v5, v53;
	vm14 =	vlt.s32 v6, $0x9  }
0x424: {  	v3 =	vsub.f32 $1.000000000e+00, v3;
	v6 =	vnsel vm14, $0x9, v6  }
0x425: {  	v7 =	vadd.f32 v7, v11;
	v5 =	vmul.f32 v5, v51;
	v6 =	vshll.u32 v6, $0x4  }
0x426: {  	v6 =	vor.u32 v2, v6  }
0x427: {  	v3 =	vmul.f32 v45, v3;
	v5 =	vadd.f32 v5, v7;
	_ =	sdelay $0x1  }
0x428: {  	v3 =	vadd.f32 v5, v3;
	_ =	sdelay $0x1  }
0x429: {  	[tilespmem:v6+s14+$0x0] =	vst.idx.add.f32.msk $0xffff, v3  }
0x42a: {  	[tilespmem:v6+s15+$0x0] =	vst.idx.add.f32.msk $0xffff, v1  }
0x42b: {  	v3 =	vld [tilespmem:s19+$0x1C0];
	_ =	sdelay $0x4  }
0x42c: {  	v3 =	vsub.f32 $0.0e+00, v3;
	_ =	sdelay $0x1  }
0x42d: {  	v3 =	vmul.f32 $1.442695020e+00, v3;
	_ =	sdelay $0x1  }
0x42e: {  	(erf) = vpow2.f32 v3;
	_ =	sdelay $0x8  }
0x42f: {  	v3 =	vpop (erf)  }
0x430: {  	v3 =	vadd.f32 $1.000000000e+00, v3;
	_ =	sdelay $0x1  }
0x431: {  	(erf) = vrcp.f32 v3;
	_ =	sdelay $0x4  }
0x432: {  	v3 =	vld [tilespmem:s19+$0x5DC0];
	_ =	sdelay $0x3  }
0x433: {  	v54 =	vpop (erf)  }
0x434: {  	v55 =	vmul.f32 $4.513049860e-05, v54;
	v56 =	vsub.f32 v54, v3  }
0x435: {  	v57 =	vmul.f32 v54, v54  }
0x436: {  	v58 =	vmul.f32 $3.087543150e-05, v54;
	v5 =	vsub.f32 $3.969362880e-04, v55;
	v6 =	vand.u32 $0x7FFFFFFF, v56  }
0x437: {  	v59 =	vmul.f32 $2.327675930e-06, v54;
	v6 =	vmul.f32 $1.000000000e+01, v6  }
0x438: {  	v60 =	vmul.f32 v57, v57;
	v8 =	vsub.f32 $-5.197104070e-03, v58;
	v5 =	vmul.f32 v5, v57  }
0x439: {  	v61 =	vmul.f32 $5.000000000e-01, v54;
	v9 =	vsub.f32 $1.250002530e-01, v59;
	v6 =	vtrunc.f32 v6  }
0x43a: {  	v62 =	vmul.f32 $7.231349170e-06, v60;
	v5 =	vadd.f32 v5, v8;
	v6 =	vcvt.f32.s32 v6  }
0x43b: {  	v63 =	vsub.f32 $6.931471820e-01, v61  }
0x43c: {  	v7 =	vmul.f32 v9, v57;
	v5 =	vsub.f32 v5, v62;
	vm15 =	vlt.s32 v6, $0x9  }
0x43d: {  	v3 =	vsub.f32 $1.000000000e+00, v3;
	v6 =	vnsel vm15, $0x9, v6  }
0x43e: {  	v7 =	vadd.f32 v7, v63;
	v5 =	vmul.f32 v5, v60;
	v6 =	vshll.u32 v6, $0x4  }
0x43f: {  	v6 =	vor.u32 v2, v6  }
0x440: {  	p1 =	sne.s32 s18, $0xA800;
	v3 =	vmul.f32 v54, v3;
	v5 =	vadd.f32 v5, v7  }
.Ltmp5:
0x441: {  	_ = 	snop;
	(pc) =	sbr.rel @p1 .LBB2_9-.Ltmp5, $3  }
0x442: {  	v3 =	vadd.f32 v5, v3;
	_ =	sdelay $0x1  }
0x443: {  	[tilespmem:v6+s14+$0x0] =	vst.idx.add.f32.msk $0xffff, v3  }
0x444: {  	s18 =	sadd.s32 $0x800, s18;
	[tilespmem:v6+s15+$0x0] =	vst.idx.add.f32.msk $0xffff, v1  }
.Ltmp6:
0x445: {  	_ = 	snop;
	(pc) =	sbr.rel .LBB2_10-.Ltmp6, $1  }
0x446: {  	_ =	sdelay $0x3  }
.LBB2_6:
0x447: {  	[tilespmem:s18], [sflag:$0x1] =	stream.linear.gather [hbm4b:s6+s18], $0x5C00, $0x38;
	[tilespmem:$0xBE00] =	vst v63  }
0x448: {  	_ =	swait.ge [sflag:s12], $0x5C00  }
0x449: {  	[sflag:s12] =	ssyncset.done $0x0  }
0x44a: {  	[sflag:s12] =	ssyncadd.s32 $0xFFFFA400  }
0x44b: {  	[tilespmem:s13], [sflag:$0x1] =	stream.linear.gather [hbm4b:s7+s18], $0x5C00, $0x38;
	[tilespmem:$0xBE00] =	vst v63  }
0x44c: {  	_ =	swait.ge [sflag:s12], $0x5C00  }
0x44d: {  	[sflag:s12] =	ssyncset.done $0x0  }
0x44e: {  	[sflag:s12] =	ssyncadd.s32 $0xFFFFA400  }
.LBB2_7:
0x44f: {  	s19 =	sshra.s32 s18, $0x2  }
0x450: {  	v3 =	vld [tilespmem:s19+$0x0];
	_ =	sdelay $0x4  }
0x451: {  	v3 =	vsub.f32 $0.0e+00, v3;
	_ =	sdelay $0x1  }
0x452: {  	v3 =	vmul.f32 $1.442695020e+00, v3;
	_ =	sdelay $0x1  }
0x453: {  	(erf) = vpow2.f32 v3;
	_ =	sdelay $0x8  }
0x454: {  	v3 =	vpop (erf)  }
0x455: {  	v3 =	vadd.f32 $1.000000000e+00, v3;
	_ =	sdelay $0x1  }
0x456: {  	(erf) = vrcp.f32 v3;
	_ =	sdelay $0x4  }
0x457: {  	v3 =	vld [tilespmem:s19+$0x5C00];
	_ =	sdelay $0x3  }
0x458: {  	v4 =	vpop (erf)  }
0x459: {  	v5 =	vmul.f32 $4.513049860e-05, v4;
	v6 =	vsub.f32 v4, v3  }
0x45a: {  	v7 =	vmul.f32 v4, v4  }
0x45b: {  	v8 =	vmul.f32 $3.087543150e-05, v4;
	v5 =	vsub.f32 $3.969362880e-04, v5;
	v6 =	vand.u32 $0x7FFFFFFF, v6  }
0x45c: {  	v9 =	vmul.f32 $2.327675930e-06, v4;
	v6 =	vmul.f32 $1.000000000e+01, v6  }
0x45d: {  	v10 =	vmul.f32 v7, v7;
	v8 =	vsub.f32 $-5.197104070e-03, v8;
	v5 =	vmul.f32 v5, v7  }
0x45e: {  	v11 =	vmul.f32 $5.000000000e-01, v4;
	v9 =	vsub.f32 $1.250002530e-01, v9;
	v6 =	vtrunc.f32 v6  }
0x45f: {  	v47 =	vmul.f32 $7.231349170e-06, v10;
	v5 =	vadd.f32 v5, v8;
	v6 =	vcvt.f32.s32 v6  }
0x460: {  	v11 =	vsub.f32 $6.931471820e-01, v11  }
0x461: {  	v7 =	vmul.f32 v9, v7;
	v5 =	vsub.f32 v5, v47;
	vm0 =	vlt.s32 v6, $0x9  }
0x462: {  	v3 =	vsub.f32 $1.000000000e+00, v3;
	v6 =	vnsel vm0, $0x9, v6  }
0x463: {  	v7 =	vadd.f32 v7, v11;
	v5 =	vmul.f32 v5, v10;
	v6 =	vshll.u32 v6, $0x4  }
0x464: {  	v6 =	vor.u32 v2, v6  }
0x465: {  	v3 =	vmul.f32 v4, v3;
	v5 =	vadd.f32 v5, v7;
	_ =	sdelay $0x1  }
0x466: {  	v3 =	vadd.f32 v5, v3;
	_ =	sdelay $0x1  }
0x467: {  	[tilespmem:v6+s14+$0x0] =	vst.idx.add.f32.msk $0xffff, v3  }
0x468: {  	[tilespmem:v6+s15+$0x0] =	vst.idx.add.f32.msk $0xffff, v1  }
0x469: {  	v3 =	vld [tilespmem:s19+$0x10];
	_ =	sdelay $0x4  }
0x46a: {  	v3 =	vsub.f32 $0.0e+00, v3;
	_ =	sdelay $0x1  }
0x46b: {  	v3 =	vmul.f32 $1.442695020e+00, v3;
	_ =	sdelay $0x1  }
0x46c: {  	(erf) = vpow2.f32 v3;
	_ =	sdelay $0x8  }
0x46d: {  	v3 =	vpop (erf)  }
0x46e: {  	v3 =	vadd.f32 $1.000000000e+00, v3;
	_ =	sdelay $0x1  }
0x46f: {  	(erf) = vrcp.f32 v3;
	_ =	sdelay $0x4  }
0x470: {  	v3 =	vld [tilespmem:s19+$0x5C10];
	_ =	sdelay $0x3  }
0x471: {  	v48 =	vpop (erf)  }
0x472: {  	v49 =	vmul.f32 $4.513049860e-05, v48;
	v50 =	vsub.f32 v48, v3  }
0x473: {  	v51 =	vmul.f32 v48, v48  }
0x474: {  	v52 =	vmul.f32 $3.087543150e-05, v48;
	v5 =	vsub.f32 $3.969362880e-04, v49;
	v6 =	vand.u32 $0x7FFFFFFF, v50  }
0x475: {  	v53 =	vmul.f32 $2.327675930e-06, v48;
	v6 =	vmul.f32 $1.000000000e+01, v6  }
0x476: {  	v54 =	vmul.f32 v51, v51;
	v8 =	vsub.f32 $-5.197104070e-03, v52;
	v5 =	vmul.f32 v5, v51  }
0x477: {  	v55 =	vmul.f32 $5.000000000e-01, v48;
	v9 =	vsub.f32 $1.250002530e-01, v53;
	v6 =	vtrunc.f32 v6  }
0x478: {  	v56 =	vmul.f32 $7.231349170e-06, v54;
	v5 =	vadd.f32 v5, v8;
	v6 =	vcvt.f32.s32 v6  }
0x479: {  	v11 =	vsub.f32 $6.931471820e-01, v55  }
0x47a: {  	v7 =	vmul.f32 v9, v51;
	v5 =	vsub.f32 v5, v56;
	vm9 =	vlt.s32 v6, $0x9  }
0x47b: {  	v3 =	vsub.f32 $1.000000000e+00, v3;
	v6 =	vnsel vm9, $0x9, v6  }
0x47c: {  	v7 =	vadd.f32 v7, v11;
	v5 =	vmul.f32 v5, v54;
	v6 =	vshll.u32 v6, $0x4  }
0x47d: {  	v6 =	vor.u32 v2, v6  }
0x47e: {  	v3 =	vmul.f32 v48, v3;
	v5 =	vadd.f32 v5, v7;
	_ =	sdelay $0x1  }
0x47f: {  	v3 =	vadd.f32 v5, v3;
	_ =	sdelay $0x1  }
0x480: {  	[tilespmem:v6+s14+$0x0] =	vst.idx.add.f32.msk $0xffff, v3  }
0x481: {  	[tilespmem:v6+s15+$0x0] =	vst.idx.add.f32.msk $0xffff, v1  }
0x482: {  	v3 =	vld [tilespmem:s19+$0x20];
	_ =	sdelay $0x4  }
0x483: {  	v3 =	vsub.f32 $0.0e+00, v3;
	_ =	sdelay $0x1  }
0x484: {  	v3 =	vmul.f32 $1.442695020e+00, v3;
	_ =	sdelay $0x1  }
0x485: {  	(erf) = vpow2.f32 v3;
	_ =	sdelay $0x8  }
0x486: {  	v3 =	vpop (erf)  }
0x487: {  	v3 =	vadd.f32 $1.000000000e+00, v3;
	_ =	sdelay $0x1  }
0x488: {  	(erf) = vrcp.f32 v3;
	_ =	sdelay $0x4  }
0x489: {  	v3 =	vld [tilespmem:s19+$0x5C20];
	_ =	sdelay $0x3  }
0x48a: {  	v57 =	vpop (erf)  }
0x48b: {  	v58 =	vmul.f32 $4.513049860e-05, v57;
	v59 =	vsub.f32 v57, v3  }
0x48c: {  	v60 =	vmul.f32 v57, v57  }
0x48d: {  	v61 =	vmul.f32 $3.087543150e-05, v57;
	v5 =	vsub.f32 $3.969362880e-04, v58;
	v6 =	vand.u32 $0x7FFFFFFF, v59  }
0x48e: {  	v62 =	vmul.f32 $2.327675930e-06, v57;
	v6 =	vmul.f32 $1.000000000e+01, v6  }
0x48f: {  	v63 =	vmul.f32 v60, v60;
	v8 =	vsub.f32 $-5.197104070e-03, v61;
	v5 =	vmul.f32 v5, v60  }
0x490: {  	v12 =	vmul.f32 $5.000000000e-01, v57;
	v9 =	vsub.f32 $1.250002530e-01, v62;
	v6 =	vtrunc.f32 v6  }
0x491: {  	v13 =	vmul.f32 $7.231349170e-06, v63;
	v5 =	vadd.f32 v5, v8;
	v6 =	vcvt.f32.s32 v6  }
0x492: {  	v11 =	vsub.f32 $6.931471820e-01, v12  }
0x493: {  	v7 =	vmul.f32 v9, v60;
	v5 =	vsub.f32 v5, v13;
	vm10 =	vlt.s32 v6, $0x9  }
0x494: {  	v3 =	vsub.f32 $1.000000000e+00, v3;
	v6 =	vnsel vm10, $0x9, v6  }
0x495: {  	v7 =	vadd.f32 v7, v11;
	v5 =	vmul.f32 v5, v63;
	v6 =	vshll.u32 v6, $0x4  }
0x496: {  	v6 =	vor.u32 v2, v6  }
0x497: {  	v3 =	vmul.f32 v57, v3;
	v5 =	vadd.f32 v5, v7;
	_ =	sdelay $0x1  }
0x498: {  	v3 =	vadd.f32 v5, v3;
	_ =	sdelay $0x1  }
0x499: {  	[tilespmem:v6+s14+$0x0] =	vst.idx.add.f32.msk $0xffff, v3  }
0x49a: {  	[tilespmem:v6+s15+$0x0] =	vst.idx.add.f32.msk $0xffff, v1  }
0x49b: {  	v3 =	vld [tilespmem:s19+$0x30];
	_ =	sdelay $0x4  }
0x49c: {  	v3 =	vsub.f32 $0.0e+00, v3;
	_ =	sdelay $0x1  }
0x49d: {  	v3 =	vmul.f32 $1.442695020e+00, v3;
	_ =	sdelay $0x1  }
0x49e: {  	(erf) = vpow2.f32 v3;
	_ =	sdelay $0x8  }
0x49f: {  	v3 =	vpop (erf)  }
0x4a0: {  	v3 =	vadd.f32 $1.000000000e+00, v3;
	_ =	sdelay $0x1  }
0x4a1: {  	(erf) = vrcp.f32 v3;
	_ =	sdelay $0x4  }
0x4a2: {  	v3 =	vld [tilespmem:s19+$0x5C30];
	_ =	sdelay $0x3  }
0x4a3: {  	v14 =	vpop (erf)  }
0x4a4: {  	v15 =	vmul.f32 $4.513049860e-05, v14;
	v16 =	vsub.f32 v14, v3  }
0x4a5: {  	v17 =	vmul.f32 v14, v14  }
0x4a6: {  	v18 =	vmul.f32 $3.087543150e-05, v14;
	v5 =	vsub.f32 $3.969362880e-04, v15;
	v6 =	vand.u32 $0x7FFFFFFF, v16  }
0x4a7: {  	v19 =	vmul.f32 $2.327675930e-06, v14;
	v6 =	vmul.f32 $1.000000000e+01, v6  }
0x4a8: {  	v20 =	vmul.f32 v17, v17;
	v8 =	vsub.f32 $-5.197104070e-03, v18;
	v5 =	vmul.f32 v5, v17  }
0x4a9: {  	v21 =	vmul.f32 $5.000000000e-01, v14;
	v9 =	vsub.f32 $1.250002530e-01, v19;
	v6 =	vtrunc.f32 v6  }
0x4aa: {  	v22 =	vmul.f32 $7.231349170e-06, v20;
	v5 =	vadd.f32 v5, v8;
	v6 =	vcvt.f32.s32 v6  }
0x4ab: {  	v11 =	vsub.f32 $6.931471820e-01, v21  }
0x4ac: {  	v7 =	vmul.f32 v9, v17;
	v5 =	vsub.f32 v5, v22;
	vm11 =	vlt.s32 v6, $0x9  }
0x4ad: {  	v3 =	vsub.f32 $1.000000000e+00, v3;
	v6 =	vnsel vm11, $0x9, v6  }
0x4ae: {  	v7 =	vadd.f32 v7, v11;
	v5 =	vmul.f32 v5, v20;
	v6 =	vshll.u32 v6, $0x4  }
0x4af: {  	v6 =	vor.u32 v2, v6  }
0x4b0: {  	v3 =	vmul.f32 v14, v3;
	v5 =	vadd.f32 v5, v7;
	_ =	sdelay $0x1  }
0x4b1: {  	v3 =	vadd.f32 v5, v3;
	_ =	sdelay $0x1  }
0x4b2: {  	[tilespmem:v6+s14+$0x0] =	vst.idx.add.f32.msk $0xffff, v3  }
0x4b3: {  	[tilespmem:v6+s15+$0x0] =	vst.idx.add.f32.msk $0xffff, v1  }
0x4b4: {  	v3 =	vld [tilespmem:s19+$0x40];
	_ =	sdelay $0x4  }
0x4b5: {  	v3 =	vsub.f32 $0.0e+00, v3;
	_ =	sdelay $0x1  }
0x4b6: {  	v3 =	vmul.f32 $1.442695020e+00, v3;
	_ =	sdelay $0x1  }
0x4b7: {  	(erf) = vpow2.f32 v3;
	_ =	sdelay $0x8  }
0x4b8: {  	v3 =	vpop (erf)  }
0x4b9: {  	v3 =	vadd.f32 $1.000000000e+00, v3;
	_ =	sdelay $0x1  }
0x4ba: {  	(erf) = vrcp.f32 v3;
	_ =	sdelay $0x4  }
0x4bb: {  	v3 =	vld [tilespmem:s19+$0x5C40];
	_ =	sdelay $0x3  }
0x4bc: {  	v23 =	vpop (erf)  }
0x4bd: {  	v24 =	vmul.f32 $4.513049860e-05, v23;
	v25 =	vsub.f32 v23, v3  }
0x4be: {  	v26 =	vmul.f32 v23, v23  }
0x4bf: {  	v27 =	vmul.f32 $3.087543150e-05, v23;
	v5 =	vsub.f32 $3.969362880e-04, v24;
	v6 =	vand.u32 $0x7FFFFFFF, v25  }
0x4c0: {  	v28 =	vmul.f32 $2.327675930e-06, v23;
	v6 =	vmul.f32 $1.000000000e+01, v6  }
0x4c1: {  	v29 =	vmul.f32 v26, v26;
	v8 =	vsub.f32 $-5.197104070e-03, v27;
	v5 =	vmul.f32 v5, v26  }
0x4c2: {  	v30 =	vmul.f32 $5.000000000e-01, v23;
	v9 =	vsub.f32 $1.250002530e-01, v28;
	v6 =	vtrunc.f32 v6  }
0x4c3: {  	v31 =	vmul.f32 $7.231349170e-06, v29;
	v5 =	vadd.f32 v5, v8;
	v6 =	vcvt.f32.s32 v6  }
0x4c4: {  	v11 =	vsub.f32 $6.931471820e-01, v30  }
0x4c5: {  	v7 =	vmul.f32 v9, v26;
	v5 =	vsub.f32 v5, v31;
	vm12 =	vlt.s32 v6, $0x9  }
0x4c6: {  	v3 =	vsub.f32 $1.000000000e+00, v3;
	v6 =	vnsel vm12, $0x9, v6  }
0x4c7: {  	v7 =	vadd.f32 v7, v11;
	v5 =	vmul.f32 v5, v29;
	v6 =	vshll.u32 v6, $0x4  }
0x4c8: {  	v6 =	vor.u32 v2, v6  }
0x4c9: {  	v3 =	vmul.f32 v23, v3;
	v5 =	vadd.f32 v5, v7;
	_ =	sdelay $0x1  }
0x4ca: {  	v3 =	vadd.f32 v5, v3;
	_ =	sdelay $0x1  }
0x4cb: {  	[tilespmem:v6+s14+$0x0] =	vst.idx.add.f32.msk $0xffff, v3  }
0x4cc: {  	[tilespmem:v6+s15+$0x0] =	vst.idx.add.f32.msk $0xffff, v1  }
0x4cd: {  	v3 =	vld [tilespmem:s19+$0x80];
	_ =	sdelay $0x4  }
0x4ce: {  	v3 =	vsub.f32 $0.0e+00, v3;
	_ =	sdelay $0x1  }
0x4cf: {  	v3 =	vmul.f32 $1.442695020e+00, v3;
	_ =	sdelay $0x1  }
0x4d0: {  	(erf) = vpow2.f32 v3;
	_ =	sdelay $0x8  }
0x4d1: {  	v3 =	vpop (erf)  }
0x4d2: {  	v3 =	vadd.f32 $1.000000000e+00, v3;
	_ =	sdelay $0x1  }
0x4d3: {  	(erf) = vrcp.f32 v3;
	_ =	sdelay $0x4  }
0x4d4: {  	v3 =	vld [tilespmem:s19+$0x5C80];
	_ =	sdelay $0x3  }
0x4d5: {  	v32 =	vpop (erf)  }
0x4d6: {  	v33 =	vmul.f32 $4.513049860e-05, v32;
	v34 =	vsub.f32 v32, v3  }
0x4d7: {  	v35 =	vmul.f32 v32, v32  }
0x4d8: {  	v36 =	vmul.f32 $3.087543150e-05, v32;
	v5 =	vsub.f32 $3.969362880e-04, v33;
	v6 =	vand.u32 $0x7FFFFFFF, v34  }
0x4d9: {  	v37 =	vmul.f32 $2.327675930e-06, v32;
	v6 =	vmul.f32 $1.000000000e+01, v6  }
0x4da: {  	v38 =	vmul.f32 v35, v35;
	v8 =	vsub.f32 $-5.197104070e-03, v36;
	v5 =	vmul.f32 v5, v35  }
0x4db: {  	v39 =	vmul.f32 $5.000000000e-01, v32;
	v9 =	vsub.f32 $1.250002530e-01, v37;
	v6 =	vtrunc.f32 v6  }
0x4dc: {  	v40 =	vmul.f32 $7.231349170e-06, v38;
	v5 =	vadd.f32 v5, v8;
	v6 =	vcvt.f32.s32 v6  }
0x4dd: {  	v11 =	vsub.f32 $6.931471820e-01, v39  }
0x4de: {  	v7 =	vmul.f32 v9, v35;
	v5 =	vsub.f32 v5, v40;
	vm13 =	vlt.s32 v6, $0x9  }
0x4df: {  	v3 =	vsub.f32 $1.000000000e+00, v3;
	v6 =	vnsel vm13, $0x9, v6  }
0x4e0: {  	v7 =	vadd.f32 v7, v11;
	v5 =	vmul.f32 v5, v38;
	v6 =	vshll.u32 v6, $0x4  }
0x4e1: {  	v6 =	vor.u32 v2, v6  }
0x4e2: {  	v3 =	vmul.f32 v32, v3;
	v5 =	vadd.f32 v5, v7;
	_ =	sdelay $0x1  }
0x4e3: {  	v3 =	vadd.f32 v5, v3;
	_ =	sdelay $0x1  }
0x4e4: {  	[tilespmem:v6+s14+$0x0] =	vst.idx.add.f32.msk $0xffff, v3  }
0x4e5: {  	[tilespmem:v6+s15+$0x0] =	vst.idx.add.f32.msk $0xffff, v1  }
0x4e6: {  	v3 =	vld [tilespmem:s19+$0x90];
	_ =	sdelay $0x4  }
0x4e7: {  	v3 =	vsub.f32 $0.0e+00, v3;
	_ =	sdelay $0x1  }
0x4e8: {  	v3 =	vmul.f32 $1.442695020e+00, v3;
	_ =	sdelay $0x1  }
0x4e9: {  	(erf) = vpow2.f32 v3;
	_ =	sdelay $0x8  }
0x4ea: {  	v3 =	vpop (erf)  }
0x4eb: {  	v3 =	vadd.f32 $1.000000000e+00, v3;
	_ =	sdelay $0x1  }
0x4ec: {  	(erf) = vrcp.f32 v3;
	_ =	sdelay $0x4  }
0x4ed: {  	v3 =	vld [tilespmem:s19+$0x5C90];
	_ =	sdelay $0x3  }
0x4ee: {  	v41 =	vpop (erf)  }
0x4ef: {  	v42 =	vmul.f32 $4.513049860e-05, v41;
	v43 =	vsub.f32 v41, v3  }
0x4f0: {  	v44 =	vmul.f32 v41, v41  }
0x4f1: {  	v45 =	vmul.f32 $3.087543150e-05, v41;
	v5 =	vsub.f32 $3.969362880e-04, v42;
	v6 =	vand.u32 $0x7FFFFFFF, v43  }
0x4f2: {  	v46 =	vmul.f32 $2.327675930e-06, v41;
	v6 =	vmul.f32 $1.000000000e+01, v6  }
0x4f3: {  	v47 =	vmul.f32 v44, v44;
	v8 =	vsub.f32 $-5.197104070e-03, v45;
	v5 =	vmul.f32 v5, v44  }
0x4f4: {  	v48 =	vmul.f32 $5.000000000e-01, v41;
	v9 =	vsub.f32 $1.250002530e-01, v46;
	v6 =	vtrunc.f32 v6  }
0x4f5: {  	v49 =	vmul.f32 $7.231349170e-06, v47;
	v5 =	vadd.f32 v5, v8;
	v6 =	vcvt.f32.s32 v6  }
0x4f6: {  	v11 =	vsub.f32 $6.931471820e-01, v48  }
0x4f7: {  	v7 =	vmul.f32 v9, v44;
	v5 =	vsub.f32 v5, v49;
	vm14 =	vlt.s32 v6, $0x9  }
0x4f8: {  	v3 =	vsub.f32 $1.000000000e+00, v3;
	v6 =	vnsel vm14, $0x9, v6  }
0x4f9: {  	v7 =	vadd.f32 v7, v11;
	v5 =	vmul.f32 v5, v47;
	v6 =	vshll.u32 v6, $0x4  }
0x4fa: {  	v6 =	vor.u32 v2, v6  }
0x4fb: {  	v3 =	vmul.f32 v41, v3;
	v5 =	vadd.f32 v5, v7;
	_ =	sdelay $0x1  }
0x4fc: {  	v3 =	vadd.f32 v5, v3;
	_ =	sdelay $0x1  }
0x4fd: {  	[tilespmem:v6+s14+$0x0] =	vst.idx.add.f32.msk $0xffff, v3  }
0x4fe: {  	[tilespmem:v6+s15+$0x0] =	vst.idx.add.f32.msk $0xffff, v1  }
0x4ff: {  	v3 =	vld [tilespmem:s19+$0xA0];
	_ =	sdelay $0x4  }
0x500: {  	v3 =	vsub.f32 $0.0e+00, v3;
	_ =	sdelay $0x1  }
0x501: {  	v3 =	vmul.f32 $1.442695020e+00, v3;
	_ =	sdelay $0x1  }
0x502: {  	(erf) = vpow2.f32 v3;
	_ =	sdelay $0x8  }
0x503: {  	v3 =	vpop (erf)  }
0x504: {  	v3 =	vadd.f32 $1.000000000e+00, v3;
	_ =	sdelay $0x1  }
0x505: {  	(erf) = vrcp.f32 v3;
	_ =	sdelay $0x4  }
0x506: {  	v3 =	vld [tilespmem:s19+$0x5CA0];
	_ =	sdelay $0x3  }
0x507: {  	v50 =	vpop (erf)  }
0x508: {  	v51 =	vmul.f32 $4.513049860e-05, v50;
	v52 =	vsub.f32 v50, v3  }
0x509: {  	v53 =	vmul.f32 v50, v50  }
0x50a: {  	v54 =	vmul.f32 $3.087543150e-05, v50;
	v5 =	vsub.f32 $3.969362880e-04, v51;
	v6 =	vand.u32 $0x7FFFFFFF, v52  }
0x50b: {  	v55 =	vmul.f32 $2.327675930e-06, v50;
	v6 =	vmul.f32 $1.000000000e+01, v6  }
0x50c: {  	v56 =	vmul.f32 v53, v53;
	v8 =	vsub.f32 $-5.197104070e-03, v54;
	v5 =	vmul.f32 v5, v53  }
0x50d: {  	v57 =	vmul.f32 $5.000000000e-01, v50;
	v9 =	vsub.f32 $1.250002530e-01, v55;
	v6 =	vtrunc.f32 v6  }
0x50e: {  	v58 =	vmul.f32 $7.231349170e-06, v56;
	v5 =	vadd.f32 v5, v8;
	v6 =	vcvt.f32.s32 v6  }
0x50f: {  	v11 =	vsub.f32 $6.931471820e-01, v57  }
0x510: {  	v7 =	vmul.f32 v9, v53;
	v5 =	vsub.f32 v5, v58;
	vm15 =	vlt.s32 v6, $0x9  }
0x511: {  	v3 =	vsub.f32 $1.000000000e+00, v3;
	v6 =	vnsel vm15, $0x9, v6  }
0x512: {  	v7 =	vadd.f32 v7, v11;
	v5 =	vmul.f32 v5, v56;
	v6 =	vshll.u32 v6, $0x4  }
0x513: {  	v6 =	vor.u32 v2, v6  }
0x514: {  	v3 =	vmul.f32 v50, v3;
	v5 =	vadd.f32 v5, v7;
	_ =	sdelay $0x1  }
0x515: {  	v3 =	vadd.f32 v5, v3;
	_ =	sdelay $0x1  }
0x516: {  	[tilespmem:v6+s14+$0x0] =	vst.idx.add.f32.msk $0xffff, v3  }
0x517: {  	[tilespmem:v6+s15+$0x0] =	vst.idx.add.f32.msk $0xffff, v1  }
0x518: {  	v3 =	vld [tilespmem:s19+$0xB0];
	_ =	sdelay $0x4  }
0x519: {  	v3 =	vsub.f32 $0.0e+00, v3;
	_ =	sdelay $0x1  }
0x51a: {  	v3 =	vmul.f32 $1.442695020e+00, v3;
	_ =	sdelay $0x1  }
0x51b: {  	(erf) = vpow2.f32 v3;
	_ =	sdelay $0x8  }
0x51c: {  	v3 =	vpop (erf)  }
0x51d: {  	v3 =	vadd.f32 $1.000000000e+00, v3;
	_ =	sdelay $0x1  }
0x51e: {  	(erf) = vrcp.f32 v3;
	_ =	sdelay $0x4  }
0x51f: {  	v3 =	vld [tilespmem:s19+$0x5CB0];
	_ =	sdelay $0x3  }
0x520: {  	v59 =	vpop (erf)  }
0x521: {  	v60 =	vmul.f32 $4.513049860e-05, v59;
	v61 =	vsub.f32 v59, v3  }
0x522: {  	v62 =	vmul.f32 v59, v59  }
0x523: {  	v63 =	vmul.f32 $3.087543150e-05, v59;
	v5 =	vsub.f32 $3.969362880e-04, v60;
	v6 =	vand.u32 $0x7FFFFFFF, v61  }
0x524: {  	v12 =	vmul.f32 $2.327675930e-06, v59;
	v6 =	vmul.f32 $1.000000000e+01, v6  }
0x525: {  	v13 =	vmul.f32 v62, v62;
	v8 =	vsub.f32 $-5.197104070e-03, v63;
	v5 =	vmul.f32 v5, v62  }
0x526: {  	v14 =	vmul.f32 $5.000000000e-01, v59;
	v9 =	vsub.f32 $1.250002530e-01, v12;
	v6 =	vtrunc.f32 v6  }
0x527: {  	v15 =	vmul.f32 $7.231349170e-06, v13;
	v5 =	vadd.f32 v5, v8;
	v6 =	vcvt.f32.s32 v6  }
0x528: {  	v11 =	vsub.f32 $6.931471820e-01, v14  }
0x529: {  	v7 =	vmul.f32 v9, v62;
	v5 =	vsub.f32 v5, v15;
	vm4 =	vlt.s32 v6, $0x9  }
0x52a: {  	v3 =	vsub.f32 $1.000000000e+00, v3;
	v6 =	vnsel vm4, $0x9, v6  }
0x52b: {  	v7 =	vadd.f32 v7, v11;
	v5 =	vmul.f32 v5, v13;
	v6 =	vshll.u32 v6, $0x4  }
0x52c: {  	v6 =	vor.u32 v2, v6  }
0x52d: {  	v3 =	vmul.f32 v59, v3;
	v5 =	vadd.f32 v5, v7;
	_ =	sdelay $0x1  }
0x52e: {  	v3 =	vadd.f32 v5, v3;
	_ =	sdelay $0x1  }
0x52f: {  	[tilespmem:v6+s14+$0x0] =	vst.idx.add.f32.msk $0xffff, v3  }
0x530: {  	[tilespmem:v6+s15+$0x0] =	vst.idx.add.f32.msk $0xffff, v1  }
0x531: {  	v3 =	vld [tilespmem:s19+$0xC0];
	_ =	sdelay $0x4  }
0x532: {  	v3 =	vsub.f32 $0.0e+00, v3;
	_ =	sdelay $0x1  }
0x533: {  	v3 =	vmul.f32 $1.442695020e+00, v3;
	_ =	sdelay $0x1  }
0x534: {  	(erf) = vpow2.f32 v3;
	_ =	sdelay $0x8  }
0x535: {  	v3 =	vpop (erf)  }
0x536: {  	v3 =	vadd.f32 $1.000000000e+00, v3;
	_ =	sdelay $0x1  }
0x537: {  	(erf) = vrcp.f32 v3;
	_ =	sdelay $0x4  }
0x538: {  	v3 =	vld [tilespmem:s19+$0x5CC0];
	_ =	sdelay $0x3  }
0x539: {  	v16 =	vpop (erf)  }
0x53a: {  	v17 =	vmul.f32 $4.513049860e-05, v16;
	v18 =	vsub.f32 v16, v3  }
0x53b: {  	v19 =	vmul.f32 v16, v16  }
0x53c: {  	v20 =	vmul.f32 $3.087543150e-05, v16;
	v5 =	vsub.f32 $3.969362880e-04, v17;
	v6 =	vand.u32 $0x7FFFFFFF, v18  }
0x53d: {  	v21 =	vmul.f32 $2.327675930e-06, v16;
	v6 =	vmul.f32 $1.000000000e+01, v6  }
0x53e: {  	v22 =	vmul.f32 v19, v19;
	v8 =	vsub.f32 $-5.197104070e-03, v20;
	v5 =	vmul.f32 v5, v19  }
0x53f: {  	v23 =	vmul.f32 $5.000000000e-01, v16;
	v9 =	vsub.f32 $1.250002530e-01, v21;
	v6 =	vtrunc.f32 v6  }
0x540: {  	v24 =	vmul.f32 $7.231349170e-06, v22;
	v5 =	vadd.f32 v5, v8;
	v6 =	vcvt.f32.s32 v6  }
0x541: {  	v11 =	vsub.f32 $6.931471820e-01, v23  }
0x542: {  	v7 =	vmul.f32 v9, v19;
	v5 =	vsub.f32 v5, v24;
	vm5 =	vlt.s32 v6, $0x9  }
0x543: {  	v3 =	vsub.f32 $1.000000000e+00, v3;
	v6 =	vnsel vm5, $0x9, v6  }
0x544: {  	v7 =	vadd.f32 v7, v11;
	v5 =	vmul.f32 v5, v22;
	v6 =	vshll.u32 v6, $0x4  }
0x545: {  	v6 =	vor.u32 v2, v6  }
0x546: {  	v3 =	vmul.f32 v16, v3;
	v5 =	vadd.f32 v5, v7;
	_ =	sdelay $0x1  }
0x547: {  	v3 =	vadd.f32 v5, v3;
	_ =	sdelay $0x1  }
0x548: {  	[tilespmem:v6+s14+$0x0] =	vst.idx.add.f32.msk $0xffff, v3  }
0x549: {  	[tilespmem:v6+s15+$0x0] =	vst.idx.add.f32.msk $0xffff, v1  }
0x54a: {  	v3 =	vld [tilespmem:s19+$0x100];
	_ =	sdelay $0x4  }
0x54b: {  	v3 =	vsub.f32 $0.0e+00, v3;
	_ =	sdelay $0x1  }
0x54c: {  	v3 =	vmul.f32 $1.442695020e+00, v3;
	_ =	sdelay $0x1  }
0x54d: {  	(erf) = vpow2.f32 v3;
	_ =	sdelay $0x8  }
0x54e: {  	v3 =	vpop (erf)  }
0x54f: {  	v3 =	vadd.f32 $1.000000000e+00, v3;
	_ =	sdelay $0x1  }
0x550: {  	(erf) = vrcp.f32 v3;
	_ =	sdelay $0x4  }
0x551: {  	v3 =	vld [tilespmem:s19+$0x5D00];
	_ =	sdelay $0x3  }
0x552: {  	v25 =	vpop (erf)  }
0x553: {  	v26 =	vmul.f32 $4.513049860e-05, v25;
	v27 =	vsub.f32 v25, v3  }
0x554: {  	v28 =	vmul.f32 v25, v25  }
0x555: {  	v29 =	vmul.f32 $3.087543150e-05, v25;
	v5 =	vsub.f32 $3.969362880e-04, v26;
	v6 =	vand.u32 $0x7FFFFFFF, v27  }
0x556: {  	v30 =	vmul.f32 $2.327675930e-06, v25;
	v6 =	vmul.f32 $1.000000000e+01, v6  }
0x557: {  	v31 =	vmul.f32 v28, v28;
	v8 =	vsub.f32 $-5.197104070e-03, v29;
	v5 =	vmul.f32 v5, v28  }
0x558: {  	v32 =	vmul.f32 $5.000000000e-01, v25;
	v9 =	vsub.f32 $1.250002530e-01, v30;
	v6 =	vtrunc.f32 v6  }
0x559: {  	v33 =	vmul.f32 $7.231349170e-06, v31;
	v5 =	vadd.f32 v5, v8;
	v6 =	vcvt.f32.s32 v6  }
0x55a: {  	v11 =	vsub.f32 $6.931471820e-01, v32  }
0x55b: {  	v7 =	vmul.f32 v9, v28;
	v5 =	vsub.f32 v5, v33;
	vm6 =	vlt.s32 v6, $0x9  }
0x55c: {  	v3 =	vsub.f32 $1.000000000e+00, v3;
	v6 =	vnsel vm6, $0x9, v6  }
0x55d: {  	v7 =	vadd.f32 v7, v11;
	v5 =	vmul.f32 v5, v31;
	v6 =	vshll.u32 v6, $0x4  }
0x55e: {  	v6 =	vor.u32 v2, v6  }
0x55f: {  	v3 =	vmul.f32 v25, v3;
	v5 =	vadd.f32 v5, v7;
	_ =	sdelay $0x1  }
0x560: {  	v3 =	vadd.f32 v5, v3;
	_ =	sdelay $0x1  }
0x561: {  	[tilespmem:v6+s14+$0x0] =	vst.idx.add.f32.msk $0xffff, v3  }
0x562: {  	[tilespmem:v6+s15+$0x0] =	vst.idx.add.f32.msk $0xffff, v1  }
0x563: {  	v3 =	vld [tilespmem:s19+$0x110];
	_ =	sdelay $0x4  }
0x564: {  	v3 =	vsub.f32 $0.0e+00, v3;
	_ =	sdelay $0x1  }
0x565: {  	v3 =	vmul.f32 $1.442695020e+00, v3;
	_ =	sdelay $0x1  }
0x566: {  	(erf) = vpow2.f32 v3;
	_ =	sdelay $0x8  }
0x567: {  	v3 =	vpop (erf)  }
0x568: {  	v3 =	vadd.f32 $1.000000000e+00, v3;
	_ =	sdelay $0x1  }
0x569: {  	(erf) = vrcp.f32 v3;
	_ =	sdelay $0x4  }
0x56a: {  	v3 =	vld [tilespmem:s19+$0x5D10];
	_ =	sdelay $0x3  }
0x56b: {  	v34 =	vpop (erf)  }
0x56c: {  	v35 =	vmul.f32 $4.513049860e-05, v34;
	v36 =	vsub.f32 v34, v3  }
0x56d: {  	v37 =	vmul.f32 v34, v34  }
0x56e: {  	v38 =	vmul.f32 $3.087543150e-05, v34;
	v5 =	vsub.f32 $3.969362880e-04, v35;
	v6 =	vand.u32 $0x7FFFFFFF, v36  }
0x56f: {  	v39 =	vmul.f32 $2.327675930e-06, v34;
	v6 =	vmul.f32 $1.000000000e+01, v6  }
0x570: {  	v40 =	vmul.f32 v37, v37;
	v8 =	vsub.f32 $-5.197104070e-03, v38;
	v5 =	vmul.f32 v5, v37  }
0x571: {  	v41 =	vmul.f32 $5.000000000e-01, v34;
	v9 =	vsub.f32 $1.250002530e-01, v39;
	v6 =	vtrunc.f32 v6  }
0x572: {  	v42 =	vmul.f32 $7.231349170e-06, v40;
	v5 =	vadd.f32 v5, v8;
	v6 =	vcvt.f32.s32 v6  }
0x573: {  	v11 =	vsub.f32 $6.931471820e-01, v41  }
0x574: {  	v7 =	vmul.f32 v9, v37;
	v5 =	vsub.f32 v5, v42;
	vm7 =	vlt.s32 v6, $0x9  }
0x575: {  	v3 =	vsub.f32 $1.000000000e+00, v3;
	v6 =	vnsel vm7, $0x9, v6  }
0x576: {  	v7 =	vadd.f32 v7, v11;
	v5 =	vmul.f32 v5, v40;
	v6 =	vshll.u32 v6, $0x4  }
0x577: {  	v6 =	vor.u32 v2, v6  }
0x578: {  	v3 =	vmul.f32 v34, v3;
	v5 =	vadd.f32 v5, v7;
	_ =	sdelay $0x1  }
0x579: {  	v3 =	vadd.f32 v5, v3;
	_ =	sdelay $0x1  }
0x57a: {  	[tilespmem:v6+s14+$0x0] =	vst.idx.add.f32.msk $0xffff, v3  }
0x57b: {  	[tilespmem:v6+s15+$0x0] =	vst.idx.add.f32.msk $0xffff, v1  }
0x57c: {  	v3 =	vld [tilespmem:s19+$0x120];
	_ =	sdelay $0x4  }
0x57d: {  	v3 =	vsub.f32 $0.0e+00, v3;
	_ =	sdelay $0x1  }
0x57e: {  	v3 =	vmul.f32 $1.442695020e+00, v3;
	_ =	sdelay $0x1  }
0x57f: {  	(erf) = vpow2.f32 v3;
	_ =	sdelay $0x8  }
0x580: {  	v3 =	vpop (erf)  }
0x581: {  	v3 =	vadd.f32 $1.000000000e+00, v3;
	_ =	sdelay $0x1  }
0x582: {  	(erf) = vrcp.f32 v3;
	_ =	sdelay $0x4  }
0x583: {  	v3 =	vld [tilespmem:s19+$0x5D20];
	_ =	sdelay $0x3  }
0x584: {  	v43 =	vpop (erf)  }
0x585: {  	v44 =	vmul.f32 $4.513049860e-05, v43;
	v45 =	vsub.f32 v43, v3  }
0x586: {  	v46 =	vmul.f32 v43, v43  }
0x587: {  	v47 =	vmul.f32 $3.087543150e-05, v43;
	v5 =	vsub.f32 $3.969362880e-04, v44;
	v6 =	vand.u32 $0x7FFFFFFF, v45  }
0x588: {  	v48 =	vmul.f32 $2.327675930e-06, v43;
	v6 =	vmul.f32 $1.000000000e+01, v6  }
0x589: {  	v49 =	vmul.f32 v46, v46;
	v8 =	vsub.f32 $-5.197104070e-03, v47;
	v5 =	vmul.f32 v5, v46  }
0x58a: {  	v50 =	vmul.f32 $5.000000000e-01, v43;
	v9 =	vsub.f32 $1.250002530e-01, v48;
	v6 =	vtrunc.f32 v6  }
0x58b: {  	v51 =	vmul.f32 $7.231349170e-06, v49;
	v5 =	vadd.f32 v5, v8;
	v6 =	vcvt.f32.s32 v6  }
0x58c: {  	v11 =	vsub.f32 $6.931471820e-01, v50  }
0x58d: {  	v7 =	vmul.f32 v9, v46;
	v5 =	vsub.f32 v5, v51;
	vm8 =	vlt.s32 v6, $0x9  }
0x58e: {  	v3 =	vsub.f32 $1.000000000e+00, v3;
	v6 =	vnsel vm8, $0x9, v6  }
0x58f: {  	v7 =	vadd.f32 v7, v11;
	v5 =	vmul.f32 v5, v49;
	v6 =	vshll.u32 v6, $0x4  }
0x590: {  	v6 =	vor.u32 v2, v6  }
0x591: {  	v3 =	vmul.f32 v43, v3;
	v5 =	vadd.f32 v5, v7;
	_ =	sdelay $0x1  }
0x592: {  	v3 =	vadd.f32 v5, v3;
	_ =	sdelay $0x1  }
0x593: {  	[tilespmem:v6+s14+$0x0] =	vst.idx.add.f32.msk $0xffff, v3  }
0x594: {  	[tilespmem:v6+s15+$0x0] =	vst.idx.add.f32.msk $0xffff, v1  }
0x595: {  	v3 =	vld [tilespmem:s19+$0x130];
	_ =	sdelay $0x4  }
0x596: {  	v3 =	vsub.f32 $0.0e+00, v3;
	_ =	sdelay $0x1  }
0x597: {  	v3 =	vmul.f32 $1.442695020e+00, v3;
	_ =	sdelay $0x1  }
0x598: {  	(erf) = vpow2.f32 v3;
	_ =	sdelay $0x8  }
0x599: {  	v3 =	vpop (erf)  }
0x59a: {  	v3 =	vadd.f32 $1.000000000e+00, v3;
	_ =	sdelay $0x1  }
0x59b: {  	(erf) = vrcp.f32 v3;
	_ =	sdelay $0x4  }
0x59c: {  	v3 =	vld [tilespmem:s19+$0x5D30];
	_ =	sdelay $0x3  }
0x59d: {  	v52 =	vpop (erf)  }
0x59e: {  	v53 =	vmul.f32 $4.513049860e-05, v52;
	v54 =	vsub.f32 v52, v3  }
0x59f: {  	v55 =	vmul.f32 v52, v52  }
0x5a0: {  	v56 =	vmul.f32 $3.087543150e-05, v52;
	v5 =	vsub.f32 $3.969362880e-04, v53;
	v6 =	vand.u32 $0x7FFFFFFF, v54  }
0x5a1: {  	v57 =	vmul.f32 $2.327675930e-06, v52;
	v6 =	vmul.f32 $1.000000000e+01, v6  }
0x5a2: {  	v58 =	vmul.f32 v55, v55;
	v8 =	vsub.f32 $-5.197104070e-03, v56;
	v5 =	vmul.f32 v5, v55  }
0x5a3: {  	v59 =	vmul.f32 $5.000000000e-01, v52;
	v9 =	vsub.f32 $1.250002530e-01, v57;
	v6 =	vtrunc.f32 v6  }
0x5a4: {  	v60 =	vmul.f32 $7.231349170e-06, v58;
	v5 =	vadd.f32 v5, v8;
	v6 =	vcvt.f32.s32 v6  }
0x5a5: {  	v11 =	vsub.f32 $6.931471820e-01, v59  }
0x5a6: {  	v7 =	vmul.f32 v9, v55;
	v5 =	vsub.f32 v5, v60;
	vm9 =	vlt.s32 v6, $0x9  }
0x5a7: {  	v3 =	vsub.f32 $1.000000000e+00, v3;
	v6 =	vnsel vm9, $0x9, v6  }
0x5a8: {  	v7 =	vadd.f32 v7, v11;
	v5 =	vmul.f32 v5, v58;
	v6 =	vshll.u32 v6, $0x4  }
0x5a9: {  	v6 =	vor.u32 v2, v6  }
0x5aa: {  	v3 =	vmul.f32 v52, v3;
	v5 =	vadd.f32 v5, v7;
	_ =	sdelay $0x1  }
0x5ab: {  	v3 =	vadd.f32 v5, v3;
	_ =	sdelay $0x1  }
0x5ac: {  	[tilespmem:v6+s14+$0x0] =	vst.idx.add.f32.msk $0xffff, v3  }
0x5ad: {  	[tilespmem:v6+s15+$0x0] =	vst.idx.add.f32.msk $0xffff, v1  }
0x5ae: {  	v3 =	vld [tilespmem:s19+$0x140];
	_ =	sdelay $0x4  }
0x5af: {  	v3 =	vsub.f32 $0.0e+00, v3;
	_ =	sdelay $0x1  }
0x5b0: {  	v3 =	vmul.f32 $1.442695020e+00, v3;
	_ =	sdelay $0x1  }
0x5b1: {  	(erf) = vpow2.f32 v3;
	_ =	sdelay $0x8  }
0x5b2: {  	v3 =	vpop (erf)  }
0x5b3: {  	v3 =	vadd.f32 $1.000000000e+00, v3;
	_ =	sdelay $0x1  }
0x5b4: {  	(erf) = vrcp.f32 v3;
	_ =	sdelay $0x4  }
0x5b5: {  	v3 =	vld [tilespmem:s19+$0x5D40];
	_ =	sdelay $0x3  }
0x5b6: {  	v61 =	vpop (erf)  }
0x5b7: {  	v62 =	vmul.f32 $4.513049860e-05, v61;
	v63 =	vsub.f32 v61, v3  }
0x5b8: {  	v12 =	vmul.f32 v61, v61  }
0x5b9: {  	v13 =	vmul.f32 $3.087543150e-05, v61;
	v5 =	vsub.f32 $3.969362880e-04, v62;
	v6 =	vand.u32 $0x7FFFFFFF, v63  }
0x5ba: {  	v14 =	vmul.f32 $2.327675930e-06, v61;
	v6 =	vmul.f32 $1.000000000e+01, v6  }
0x5bb: {  	v15 =	vmul.f32 v12, v12;
	v8 =	vsub.f32 $-5.197104070e-03, v13;
	v5 =	vmul.f32 v5, v12  }
0x5bc: {  	v16 =	vmul.f32 $5.000000000e-01, v61;
	v9 =	vsub.f32 $1.250002530e-01, v14;
	v6 =	vtrunc.f32 v6  }
0x5bd: {  	v17 =	vmul.f32 $7.231349170e-06, v15;
	v5 =	vadd.f32 v5, v8;
	v6 =	vcvt.f32.s32 v6  }
0x5be: {  	v11 =	vsub.f32 $6.931471820e-01, v16  }
0x5bf: {  	v7 =	vmul.f32 v9, v12;
	v5 =	vsub.f32 v5, v17;
	vm10 =	vlt.s32 v6, $0x9  }
0x5c0: {  	v3 =	vsub.f32 $1.000000000e+00, v3;
	v6 =	vnsel vm10, $0x9, v6  }
0x5c1: {  	v7 =	vadd.f32 v7, v11;
	v5 =	vmul.f32 v5, v15;
	v6 =	vshll.u32 v6, $0x4  }
0x5c2: {  	v6 =	vor.u32 v2, v6  }
0x5c3: {  	v3 =	vmul.f32 v61, v3;
	v5 =	vadd.f32 v5, v7;
	_ =	sdelay $0x1  }
0x5c4: {  	v3 =	vadd.f32 v5, v3;
	_ =	sdelay $0x1  }
0x5c5: {  	[tilespmem:v6+s14+$0x0] =	vst.idx.add.f32.msk $0xffff, v3  }
0x5c6: {  	[tilespmem:v6+s15+$0x0] =	vst.idx.add.f32.msk $0xffff, v1  }
0x5c7: {  	v3 =	vld [tilespmem:s19+$0x180];
	_ =	sdelay $0x4  }
0x5c8: {  	v3 =	vsub.f32 $0.0e+00, v3;
	_ =	sdelay $0x1  }
0x5c9: {  	v3 =	vmul.f32 $1.442695020e+00, v3;
	_ =	sdelay $0x1  }
0x5ca: {  	(erf) = vpow2.f32 v3;
	_ =	sdelay $0x8  }
0x5cb: {  	v3 =	vpop (erf)  }
0x5cc: {  	v3 =	vadd.f32 $1.000000000e+00, v3;
	_ =	sdelay $0x1  }
0x5cd: {  	(erf) = vrcp.f32 v3;
	_ =	sdelay $0x4  }
0x5ce: {  	v3 =	vld [tilespmem:s19+$0x5D80];
	_ =	sdelay $0x3  }
0x5cf: {  	v18 =	vpop (erf)  }
0x5d0: {  	v19 =	vmul.f32 $4.513049860e-05, v18;
	v20 =	vsub.f32 v18, v3  }
0x5d1: {  	v21 =	vmul.f32 v18, v18  }
0x5d2: {  	v22 =	vmul.f32 $3.087543150e-05, v18;
	v5 =	vsub.f32 $3.969362880e-04, v19;
	v6 =	vand.u32 $0x7FFFFFFF, v20  }
0x5d3: {  	v23 =	vmul.f32 $2.327675930e-06, v18;
	v6 =	vmul.f32 $1.000000000e+01, v6  }
0x5d4: {  	v24 =	vmul.f32 v21, v21;
	v8 =	vsub.f32 $-5.197104070e-03, v22;
	v5 =	vmul.f32 v5, v21  }
0x5d5: {  	v25 =	vmul.f32 $5.000000000e-01, v18;
	v9 =	vsub.f32 $1.250002530e-01, v23;
	v6 =	vtrunc.f32 v6  }
0x5d6: {  	v26 =	vmul.f32 $7.231349170e-06, v24;
	v5 =	vadd.f32 v5, v8;
	v6 =	vcvt.f32.s32 v6  }
0x5d7: {  	v11 =	vsub.f32 $6.931471820e-01, v25  }
0x5d8: {  	v7 =	vmul.f32 v9, v21;
	v5 =	vsub.f32 v5, v26;
	vm11 =	vlt.s32 v6, $0x9  }
0x5d9: {  	v3 =	vsub.f32 $1.000000000e+00, v3;
	v6 =	vnsel vm11, $0x9, v6  }
0x5da: {  	v7 =	vadd.f32 v7, v11;
	v5 =	vmul.f32 v5, v24;
	v6 =	vshll.u32 v6, $0x4  }
0x5db: {  	v6 =	vor.u32 v2, v6  }
0x5dc: {  	v3 =	vmul.f32 v18, v3;
	v5 =	vadd.f32 v5, v7;
	_ =	sdelay $0x1  }
0x5dd: {  	v3 =	vadd.f32 v5, v3;
	_ =	sdelay $0x1  }
0x5de: {  	[tilespmem:v6+s14+$0x0] =	vst.idx.add.f32.msk $0xffff, v3  }
0x5df: {  	[tilespmem:v6+s15+$0x0] =	vst.idx.add.f32.msk $0xffff, v1  }
0x5e0: {  	v3 =	vld [tilespmem:s19+$0x190];
	_ =	sdelay $0x4  }
0x5e1: {  	v3 =	vsub.f32 $0.0e+00, v3;
	_ =	sdelay $0x1  }
0x5e2: {  	v3 =	vmul.f32 $1.442695020e+00, v3;
	_ =	sdelay $0x1  }
0x5e3: {  	(erf) = vpow2.f32 v3;
	_ =	sdelay $0x8  }
0x5e4: {  	v3 =	vpop (erf)  }
0x5e5: {  	v3 =	vadd.f32 $1.000000000e+00, v3;
	_ =	sdelay $0x1  }
0x5e6: {  	(erf) = vrcp.f32 v3;
	_ =	sdelay $0x4  }
0x5e7: {  	v3 =	vld [tilespmem:s19+$0x5D90];
	_ =	sdelay $0x3  }
0x5e8: {  	v27 =	vpop (erf)  }
0x5e9: {  	v28 =	vmul.f32 $4.513049860e-05, v27;
	v29 =	vsub.f32 v27, v3  }
0x5ea: {  	v30 =	vmul.f32 v27, v27  }
0x5eb: {  	v31 =	vmul.f32 $3.087543150e-05, v27;
	v5 =	vsub.f32 $3.969362880e-04, v28;
	v6 =	vand.u32 $0x7FFFFFFF, v29  }
0x5ec: {  	v32 =	vmul.f32 $2.327675930e-06, v27;
	v6 =	vmul.f32 $1.000000000e+01, v6  }
0x5ed: {  	v33 =	vmul.f32 v30, v30;
	v8 =	vsub.f32 $-5.197104070e-03, v31;
	v5 =	vmul.f32 v5, v30  }
0x5ee: {  	v34 =	vmul.f32 $5.000000000e-01, v27;
	v9 =	vsub.f32 $1.250002530e-01, v32;
	v6 =	vtrunc.f32 v6  }
0x5ef: {  	v35 =	vmul.f32 $7.231349170e-06, v33;
	v5 =	vadd.f32 v5, v8;
	v6 =	vcvt.f32.s32 v6  }
0x5f0: {  	v11 =	vsub.f32 $6.931471820e-01, v34  }
0x5f1: {  	v7 =	vmul.f32 v9, v30;
	v5 =	vsub.f32 v5, v35;
	vm12 =	vlt.s32 v6, $0x9  }
0x5f2: {  	v3 =	vsub.f32 $1.000000000e+00, v3;
	v6 =	vnsel vm12, $0x9, v6  }
0x5f3: {  	v7 =	vadd.f32 v7, v11;
	v5 =	vmul.f32 v5, v33;
	v6 =	vshll.u32 v6, $0x4  }
0x5f4: {  	v6 =	vor.u32 v2, v6  }
0x5f5: {  	v3 =	vmul.f32 v27, v3;
	v5 =	vadd.f32 v5, v7;
	_ =	sdelay $0x1  }
0x5f6: {  	v3 =	vadd.f32 v5, v3;
	_ =	sdelay $0x1  }
0x5f7: {  	[tilespmem:v6+s14+$0x0] =	vst.idx.add.f32.msk $0xffff, v3  }
0x5f8: {  	[tilespmem:v6+s15+$0x0] =	vst.idx.add.f32.msk $0xffff, v1  }
0x5f9: {  	v3 =	vld [tilespmem:s19+$0x1A0];
	_ =	sdelay $0x4  }
0x5fa: {  	v3 =	vsub.f32 $0.0e+00, v3;
	_ =	sdelay $0x1  }
0x5fb: {  	v3 =	vmul.f32 $1.442695020e+00, v3;
	_ =	sdelay $0x1  }
0x5fc: {  	(erf) = vpow2.f32 v3;
	_ =	sdelay $0x8  }
0x5fd: {  	v3 =	vpop (erf)  }
0x5fe: {  	v3 =	vadd.f32 $1.000000000e+00, v3;
	_ =	sdelay $0x1  }
0x5ff: {  	(erf) = vrcp.f32 v3;
	_ =	sdelay $0x4  }
0x600: {  	v3 =	vld [tilespmem:s19+$0x5DA0];
	_ =	sdelay $0x3  }
0x601: {  	v36 =	vpop (erf)  }
0x602: {  	v37 =	vmul.f32 $4.513049860e-05, v36;
	v38 =	vsub.f32 v36, v3  }
0x603: {  	v39 =	vmul.f32 v36, v36  }
0x604: {  	v40 =	vmul.f32 $3.087543150e-05, v36;
	v5 =	vsub.f32 $3.969362880e-04, v37;
	v6 =	vand.u32 $0x7FFFFFFF, v38  }
0x605: {  	v41 =	vmul.f32 $2.327675930e-06, v36;
	v6 =	vmul.f32 $1.000000000e+01, v6  }
0x606: {  	v42 =	vmul.f32 v39, v39;
	v8 =	vsub.f32 $-5.197104070e-03, v40;
	v5 =	vmul.f32 v5, v39  }
0x607: {  	v43 =	vmul.f32 $5.000000000e-01, v36;
	v9 =	vsub.f32 $1.250002530e-01, v41;
	v6 =	vtrunc.f32 v6  }
0x608: {  	v44 =	vmul.f32 $7.231349170e-06, v42;
	v5 =	vadd.f32 v5, v8;
	v6 =	vcvt.f32.s32 v6  }
0x609: {  	v11 =	vsub.f32 $6.931471820e-01, v43  }
0x60a: {  	v7 =	vmul.f32 v9, v39;
	v5 =	vsub.f32 v5, v44;
	vm13 =	vlt.s32 v6, $0x9  }
0x60b: {  	v3 =	vsub.f32 $1.000000000e+00, v3;
	v6 =	vnsel vm13, $0x9, v6  }
0x60c: {  	v7 =	vadd.f32 v7, v11;
	v5 =	vmul.f32 v5, v42;
	v6 =	vshll.u32 v6, $0x4  }
0x60d: {  	v6 =	vor.u32 v2, v6  }
0x60e: {  	v3 =	vmul.f32 v36, v3;
	v5 =	vadd.f32 v5, v7;
	_ =	sdelay $0x1  }
0x60f: {  	v3 =	vadd.f32 v5, v3;
	_ =	sdelay $0x1  }
0x610: {  	[tilespmem:v6+s14+$0x0] =	vst.idx.add.f32.msk $0xffff, v3  }
0x611: {  	[tilespmem:v6+s15+$0x0] =	vst.idx.add.f32.msk $0xffff, v1  }
0x612: {  	v3 =	vld [tilespmem:s19+$0x1B0];
	_ =	sdelay $0x4  }
0x613: {  	v3 =	vsub.f32 $0.0e+00, v3;
	_ =	sdelay $0x1  }
0x614: {  	v3 =	vmul.f32 $1.442695020e+00, v3;
	_ =	sdelay $0x1  }
0x615: {  	(erf) = vpow2.f32 v3;
	_ =	sdelay $0x8  }
0x616: {  	v3 =	vpop (erf)  }
0x617: {  	v3 =	vadd.f32 $1.000000000e+00, v3;
	_ =	sdelay $0x1  }
0x618: {  	(erf) = vrcp.f32 v3;
	_ =	sdelay $0x4  }
0x619: {  	v3 =	vld [tilespmem:s19+$0x5DB0];
	_ =	sdelay $0x3  }
0x61a: {  	v45 =	vpop (erf)  }
0x61b: {  	v46 =	vmul.f32 $4.513049860e-05, v45;
	v47 =	vsub.f32 v45, v3  }
0x61c: {  	v48 =	vmul.f32 v45, v45  }
0x61d: {  	v49 =	vmul.f32 $3.087543150e-05, v45;
	v5 =	vsub.f32 $3.969362880e-04, v46;
	v6 =	vand.u32 $0x7FFFFFFF, v47  }
0x61e: {  	v50 =	vmul.f32 $2.327675930e-06, v45;
	v6 =	vmul.f32 $1.000000000e+01, v6  }
0x61f: {  	v51 =	vmul.f32 v48, v48;
	v8 =	vsub.f32 $-5.197104070e-03, v49;
	v5 =	vmul.f32 v5, v48  }
0x620: {  	v52 =	vmul.f32 $5.000000000e-01, v45;
	v9 =	vsub.f32 $1.250002530e-01, v50;
	v6 =	vtrunc.f32 v6  }
0x621: {  	v53 =	vmul.f32 $7.231349170e-06, v51;
	v5 =	vadd.f32 v5, v8;
	v6 =	vcvt.f32.s32 v6  }
0x622: {  	v11 =	vsub.f32 $6.931471820e-01, v52  }
0x623: {  	v7 =	vmul.f32 v9, v48;
	v5 =	vsub.f32 v5, v53;
	vm14 =	vlt.s32 v6, $0x9  }
0x624: {  	v3 =	vsub.f32 $1.000000000e+00, v3;
	v6 =	vnsel vm14, $0x9, v6  }
0x625: {  	v7 =	vadd.f32 v7, v11;
	v5 =	vmul.f32 v5, v51;
	v6 =	vshll.u32 v6, $0x4  }
0x626: {  	v6 =	vor.u32 v2, v6  }
0x627: {  	v3 =	vmul.f32 v45, v3;
	v5 =	vadd.f32 v5, v7;
	_ =	sdelay $0x1  }
0x628: {  	v3 =	vadd.f32 v5, v3;
	_ =	sdelay $0x1  }
0x629: {  	[tilespmem:v6+s14+$0x0] =	vst.idx.add.f32.msk $0xffff, v3  }
0x62a: {  	[tilespmem:v6+s15+$0x0] =	vst.idx.add.f32.msk $0xffff, v1  }
0x62b: {  	v3 =	vld [tilespmem:s19+$0x1C0];
	_ =	sdelay $0x4  }
0x62c: {  	v3 =	vsub.f32 $0.0e+00, v3;
	_ =	sdelay $0x1  }
0x62d: {  	v3 =	vmul.f32 $1.442695020e+00, v3;
	_ =	sdelay $0x1  }
0x62e: {  	(erf) = vpow2.f32 v3;
	_ =	sdelay $0x8  }
0x62f: {  	v3 =	vpop (erf)  }
0x630: {  	v3 =	vadd.f32 $1.000000000e+00, v3;
	_ =	sdelay $0x1  }
0x631: {  	(erf) = vrcp.f32 v3;
	_ =	sdelay $0x4  }
0x632: {  	v3 =	vld [tilespmem:s19+$0x5DC0];
	_ =	sdelay $0x3  }
0x633: {  	v54 =	vpop (erf)  }
0x634: {  	v55 =	vmul.f32 $4.513049860e-05, v54;
	v56 =	vsub.f32 v54, v3  }
0x635: {  	v57 =	vmul.f32 v54, v54  }
0x636: {  	v58 =	vmul.f32 $3.087543150e-05, v54;
	v5 =	vsub.f32 $3.969362880e-04, v55;
	v6 =	vand.u32 $0x7FFFFFFF, v56  }
0x637: {  	v59 =	vmul.f32 $2.327675930e-06, v54;
	v6 =	vmul.f32 $1.000000000e+01, v6  }
0x638: {  	v60 =	vmul.f32 v57, v57;
	v8 =	vsub.f32 $-5.197104070e-03, v58;
	v5 =	vmul.f32 v5, v57  }
0x639: {  	v61 =	vmul.f32 $5.000000000e-01, v54;
	v9 =	vsub.f32 $1.250002530e-01, v59;
	v6 =	vtrunc.f32 v6  }
0x63a: {  	v62 =	vmul.f32 $7.231349170e-06, v60;
	v5 =	vadd.f32 v5, v8;
	v6 =	vcvt.f32.s32 v6  }
0x63b: {  	v63 =	vsub.f32 $6.931471820e-01, v61  }
0x63c: {  	v7 =	vmul.f32 v9, v57;
	v5 =	vsub.f32 v5, v62;
	vm15 =	vlt.s32 v6, $0x9  }
0x63d: {  	v3 =	vsub.f32 $1.000000000e+00, v3;
	v6 =	vnsel vm15, $0x9, v6  }
0x63e: {  	v7 =	vadd.f32 v7, v63;
	v5 =	vmul.f32 v5, v60;
	v6 =	vshll.u32 v6, $0x4  }
0x63f: {  	v6 =	vor.u32 v2, v6  }
0x640: {  	p1 =	seq.s32 s18, $0x16800;
	v3 =	vmul.f32 v54, v3;
	v5 =	vadd.f32 v5, v7  }
.Ltmp7:
0x641: {  	_ = 	snop;
	(pc) =	sbr.rel @!p1 .LBB2_7-.Ltmp7, $3  }
0x642: {  	v3 =	vadd.f32 v5, v3;
	_ =	sdelay $0x1  }
0x643: {  	[tilespmem:v6+s14+$0x0] =	vst.idx.add.f32.msk $0xffff, v3  }
0x644: {  	s18 =	sadd.s32 $0x800, s18;
	[tilespmem:v6+s15+$0x0] =	vst.idx.add.f32.msk $0xffff, v1  }
.Ltmp8:
0x645: {  	_ = 	snop;
	(pc) =	sbr.rel .LBB2_10-.Ltmp8, $1  }
0x646: {  	_ =	sdelay $0x3  }
.LBB2_11:
0x647: {  	_ =	sfence.sel $0x180000  }
0x648: {  	[bflag:$0x0] =	sbarrier.arrive $0xFFFF  }
0x649: {  	p0 =	sne.s32 s0, $0x0;
	_ =	strace $0x90000047  }
0x64a: {  	s0 =	sadd.s32 @!p0 $0x100000, s1;
	[bflag:$0x2] =	sbarrier.arrive $0xFFFF  }
0x64b: {  	[sflag:s0] =	ssyncadd.tile.s32 @!p0 $0x1;
	_ =	shalt  }
.Lfunc_end2:
_tile_overlayer_lowered:
.L_overlay_start_2:
0x64c: {  	(tag) =	ssettag $0x2  }
0x64d: {  	s0 =	rddreg [dreg:$0x0];
	s2 =	stileid.u32  }
0x64e: {  	s1 =	rddreg [dreg:$0x1];
	p0 =	sne.s32 s2, $0x0  }
0x64f: {  	s3 =	rddreg [dreg:$0x2];
	[bflag:$0x3] =	sbarrier.arrive $0xFFFF;
	s2 =	simm.s32 @!p0 $0x1C01  }
0x650: {  	[timem:s3], [sflag:s2] =	dma.local @!p0 [hbm:s0], s1  }
0x651: {  	s0 =	simm.s32 @!p0 $0x1  }
0x652: {  	_ =	swait.ge @!p0 [sflag:s0], s1  }
0x653: {  	s1 =	ssub.s32 @!p0 $0x0, s1;
	[sflag:s0] =	ssyncset.done @!p0 $0x0  }
0x654: {  	[sflag:s0] =	ssyncadd.s32 @!p0 s1  }
0x655: {  	[bflag:$0x3] =	sbarrier.arrive $0xFFFF  }
0x656: {  	_ =	shalt  }

</sc_bundles>
